<compile_context>
chip_gen: v7x
topology: tpu7x:2x2x1
jax: 0.10.2.dev20260603
libtpu: 0.0.44.dev20260713+nightly
codegen_flags: <defaults>
</compile_context>

<pallas_src>
import jax
import jax.numpy as jnp
from jax import lax
from jax.experimental import pallas as pl
from jax.experimental.pallas import tpu as pltpu
from jax.experimental.pallas import tpu_sc as plsc

N_TOK = 2048
C_DIM = 1024
N_EXP = 8
F_DIM = 4096
TOPK = 2
TILE = 576
MAXT = 15
PROWS = MAXT * TILE
CH = 64


def _router_body(x_ref, w_ref, b_ref, pos_ref, wts_ref, meta_ref, bal_ref):
    f32 = jnp.float32
    xv = x_ref[...]
    logits = jnp.dot(xv, w_ref[...], preferred_element_type=f32) + b_ref[...]
    m = jnp.max(logits, axis=1, keepdims=True)
    ex = jnp.exp(logits - m)
    probs = ex / jnp.sum(ex, axis=1, keepdims=True)
    mean_p = jnp.sum(probs, axis=0, keepdims=True) * (1.0 / N_TOK)
    bal_ref[...] = jnp.sum(mean_p * mean_p, axis=1, keepdims=True)
    lane = lax.broadcasted_iota(jnp.int32, (N_TOK, N_EXP), 1)
    i1 = jnp.min(jnp.where(logits == m, lane, N_EXP), axis=1, keepdims=True)
    masked = jnp.where(lane == i1, -jnp.inf, logits)
    m2 = jnp.max(masked, axis=1, keepdims=True)
    i2 = jnp.min(jnp.where(masked == m2, lane, N_EXP), axis=1, keepdims=True)
    v1 = jnp.sum(jnp.where(lane == i1, probs, 0.0), axis=1, keepdims=True)
    v2 = jnp.sum(jnp.where(lane == i2, probs, 0.0), axis=1, keepdims=True)
    wts_ref[:, 0:1] = v1
    wts_ref[:, 1:2] = v2
    I1 = (lane == i1).astype(f32)
    I2 = (lane == i2).astype(f32)
    counts = jnp.sum(I1 + I2, axis=0, keepdims=True)
    nt = jnp.floor((counts + (TILE - 1)) * (1.0 / TILE))
    er = lax.broadcasted_iota(jnp.int32, (N_EXP, N_EXP), 0)
    ec = lax.broadcasted_iota(jnp.int32, (N_EXP, N_EXP), 1)
    strict = (er < ec).astype(f32)
    tiles_before = jnp.dot(nt, strict, preferred_element_type=f32)
    start = tiles_before * float(TILE)
    tiles_incl = tiles_before + nt
    ident = (er == ec).astype(f32)
    ti_col = jnp.sum(ident * tiles_incl, axis=1, keepdims=True)
    lane32 = lax.broadcasted_iota(jnp.int32, (1, 32), 1).astype(f32)
    te = jnp.sum((ti_col <= lane32).astype(f32), axis=0, keepdims=True)
    te = jnp.minimum(te, float(N_EXP - 1))
    used = tiles_incl[:, N_EXP - 1:N_EXP]
    meta_ref[...] = jnp.where(lane32 == 31.0, used, te).astype(jnp.int32)
    L = (lax.broadcasted_iota(jnp.int32, (128, 128), 0)
         >= lax.broadcasted_iota(jnp.int32, (128, 128), 1)).astype(f32)
    lane8 = lax.broadcasted_iota(jnp.int32, (128, N_EXP), 1)
    carry = jnp.zeros((1, N_EXP), f32)
    for blk in range(32):
        k, rb = divmod(blk, 16)
        r0 = rb * 128
        ei = (i1 if k == 0 else i2)[r0:r0 + 128, :]
        Ic = (lane8 == ei).astype(f32)
        incl = jnp.dot(L, Ic, preferred_element_type=f32)
        rank = carry + incl - Ic
        posb = jnp.sum(Ic * (start + rank), axis=1, keepdims=True)
        pos_ref[r0:r0 + 128, k:k + 1] = posb.astype(jnp.int32)
        carry = carry + incl[127:128, :]


def _router_call(x_flat, router_W, router_b):
    return pl.pallas_call(
        _router_body,
        out_shape=(
            jax.ShapeDtypeStruct((N_TOK, TOPK), jnp.int32),
            jax.ShapeDtypeStruct((N_TOK, TOPK), jnp.float32),
            jax.ShapeDtypeStruct((1, 32), jnp.int32),
            jax.ShapeDtypeStruct((1, 1), jnp.float32),
        ),
    )(x_flat, router_W, router_b.reshape(1, N_EXP))


SCH = 32


def _sc_scatter_body(x_hbm, pos_hbm, wsrc_hbm, xg_hbm, ws_hbm,
                     xb0, xb1, wb0, wb1, ib0, ib1, s0, s1, t0, t1):
    wid = lax.axis_index("s") * 2 + lax.axis_index("c")
    k = wid // 16
    base = (wid % 16) * 128
    xb = (xb0, xb1)
    wb = (wb0, wb1)
    ib = (ib0, ib1)
    xsem = (s0, s1)
    wsem = (t0, t1)
    pend = [None, None]
    for c in range(4):
        b = c % 2
        if pend[b] is not None:
            pend[b][0].wait()
            pend[b][1].wait()
        tb = base + c * SCH
        pltpu.sync_copy(pos_hbm.at[pl.ds(k * N_TOK + tb, SCH)], ib[b])
        pltpu.sync_copy(wsrc_hbm.at[pl.ds(k * N_TOK + tb, SCH)], wb[b])
        pltpu.sync_copy(x_hbm.at[pl.ds(tb, SCH)], xb[b])
        pend[b] = (pltpu.async_copy(xb[b], xg_hbm.at[ib[b]], xsem[b]),
                   pltpu.async_copy(wb[b], ws_hbm.at[ib[b]], wsem[b]))
    for b in range(2):
        pend[b][0].wait()
        pend[b][1].wait()


def _sc_scatter(x_flat, pos_flat, wsrc):
    mesh = plsc.VectorSubcoreMesh(core_axis_name="c", subcore_axis_name="s")
    fn = pl.kernel(
        _sc_scatter_body, mesh=mesh,
        out_type=(jax.ShapeDtypeStruct((PROWS, C_DIM), jnp.float32),
                  jax.ShapeDtypeStruct((PROWS, 128), jnp.float32)),
        scratch_types=[pltpu.VMEM((SCH, C_DIM), jnp.float32),
                       pltpu.VMEM((SCH, C_DIM), jnp.float32),
                       pltpu.VMEM((SCH, 128), jnp.float32),
                       pltpu.VMEM((SCH, 128), jnp.float32),
                       pltpu.VMEM((SCH,), jnp.int32),
                       pltpu.VMEM((SCH,), jnp.int32),
                       pltpu.SemaphoreType.DMA,
                       pltpu.SemaphoreType.DMA,
                       pltpu.SemaphoreType.DMA,
                       pltpu.SemaphoreType.DMA],
    )
    return fn(x_flat, pos_flat, wsrc)


def _ffn1_body(meta_ref, xg_ref, w1_ref, b1_ref, h_ref):
    t = pl.program_id(0)
    used = meta_ref[31]

    @pl.when(t < used)
    def _():
        h = jnp.dot(xg_ref[...].astype(jnp.bfloat16), w1_ref[0].astype(jnp.bfloat16),
                    preferred_element_type=jnp.float32) + b1_ref[0]
        h = 0.5 * h * (1.0 + lax.erf(h * 0.7071067811865476))
        h_ref[...] = h.astype(jnp.bfloat16)


def _ffn2_body(meta_ref, h_ref, w2_ref, b2_ref, ws_ref, out_ref):
    t = pl.program_id(0)
    used = meta_ref[31]

    @pl.when(t < used)
    def _():
        contrib = jnp.dot(h_ref[...], w2_ref[0].astype(jnp.bfloat16),
                          preferred_element_type=jnp.float32)
        out_ref[...] = (contrib + b2_ref[0]) * ws_ref[:, 0:1]


def _ffn_call(meta, xg, W1, b1, W2, b2, wS):
    def live_in(t, m):
        return jnp.where(t < m[31], t, 0)

    def live_out(t, m):
        return jnp.where(t < m[31], t, MAXT)

    grid_spec1 = pltpu.PrefetchScalarGridSpec(
        num_scalar_prefetch=1,
        grid=(MAXT,),
        in_specs=[
            pl.BlockSpec((TILE, C_DIM), lambda t, m: (live_in(t, m), 0)),
            pl.BlockSpec((1, C_DIM, F_DIM), lambda t, m: (m[t], 0, 0)),
            pl.BlockSpec((1, 1, F_DIM), lambda t, m: (m[t], 0, 0)),
        ],
        out_specs=pl.BlockSpec((TILE, F_DIM), lambda t, m: (live_out(t, m), 0)),
    )
    h = pl.pallas_call(
        _ffn1_body, grid_spec=grid_spec1,
        out_shape=jax.ShapeDtypeStruct((PROWS + TILE, F_DIM), jnp.bfloat16),
        compiler_params=pltpu.CompilerParams(vmem_limit_bytes=60 * 1024 * 1024),
    )(meta, xg, W1, b1)
    grid_spec2 = pltpu.PrefetchScalarGridSpec(
        num_scalar_prefetch=1,
        grid=(MAXT,),
        in_specs=[
            pl.BlockSpec((TILE, F_DIM), lambda t, m: (live_in(t, m), 0)),
            pl.BlockSpec((1, F_DIM, C_DIM), lambda t, m: (m[t], 0, 0)),
            pl.BlockSpec((1, 1, C_DIM), lambda t, m: (m[t], 0, 0)),
            pl.BlockSpec((TILE, 128), lambda t, m: (live_in(t, m), 0)),
        ],
        out_specs=pl.BlockSpec((TILE, C_DIM), lambda t, m: (live_out(t, m), 0)),
    )
    return pl.pallas_call(
        _ffn2_body, grid_spec=grid_spec2,
        out_shape=jax.ShapeDtypeStruct((PROWS + TILE, C_DIM), jnp.float32),
        compiler_params=pltpu.CompilerParams(vmem_limit_bytes=60 * 1024 * 1024),
    )(meta, h, W2, b2, wS)


GCH = 32


def _sc_gather_body(o_hbm, pos_hbm, out_hbm, r0, r1, idx0, idx1, sem0, sem1):
    wid = lax.axis_index("s") * 2 + lax.axis_index("c")
    tb = wid * CH
    for sub in range(CH // GCH):
        cb = tb + sub * GCH
        pltpu.sync_copy(pos_hbm.at[pl.ds(cb, GCH)], idx0)
        pltpu.sync_copy(pos_hbm.at[pl.ds(N_TOK + cb, GCH)], idx1)
        c0 = pltpu.async_copy(o_hbm.at[idx0], r0, sem0)
        c1 = pltpu.async_copy(o_hbm.at[idx1], r1, sem1)
        c0.wait()
        c1.wait()

        def row_add(j, _):
            for c in range(C_DIM // 16):
                sl = (j, pl.ds(c * 16, 16))
                r0[sl] = r0[sl] + r1[sl]
            return 0

        lax.fori_loop(0, GCH, row_add, 0)
        pltpu.sync_copy(r0, out_hbm.at[pl.ds(cb, GCH)])


def _sc_gather_add(o, pos_flat):
    mesh = plsc.VectorSubcoreMesh(core_axis_name="c", subcore_axis_name="s")
    fn = pl.kernel(
        _sc_gather_body, mesh=mesh,
        out_type=jax.ShapeDtypeStruct((N_TOK, C_DIM), jnp.float32),
        scratch_types=[pltpu.VMEM((GCH, C_DIM), jnp.float32),
                       pltpu.VMEM((GCH, C_DIM), jnp.float32),
                       pltpu.VMEM((GCH,), jnp.int32),
                       pltpu.VMEM((GCH,), jnp.int32),
                       pltpu.SemaphoreType.DMA,
                       pltpu.SemaphoreType.DMA],
    )
    return fn(o, pos_flat)


def kernel(x, router_W, router_b, W1, b1, W2, b2):
    B, T, C = x.shape
    x_flat = x.reshape(T, C)
    pos, wts, meta, bal = _router_call(x_flat, router_W, router_b)
    pos_flat = pos.T.reshape(TOPK * N_TOK)
    wsrc = jnp.broadcast_to(wts.T.reshape(TOPK * N_TOK, 1), (TOPK * N_TOK, 128))
    xg, wS = _sc_scatter(x_flat, pos_flat, wsrc)
    o = _ffn_call(meta.reshape(32), xg,
                  W1, b1.reshape(N_EXP, 1, F_DIM),
                  W2, b2.reshape(N_EXP, 1, C_DIM), wS)
    out = _sc_gather_add(o, pos_flat)
    return out.reshape(B, T, C), bal.reshape(())

# --- scband reference (transcript-rebuilt; emitter-appended) ---
"""Pipeline reference for scband-mo-elayer-10488310137505 (READ-ONLY COPY).

The authoritative reference and input builder live on the scoring server;
editing this copy changes nothing except your own understanding.
"""

import jax, jax.numpy as jnp
import numpy as np

N_EMBD = 1024
NUM_EXPERTS = 8
MULT = 4
TOP_K = 2


def setup_inputs(seed: int = 0) -> dict:
    key = jax.random.key(seed)
    ks = jax.random.split(key, 8)
    B, T, C = 1, 2048, N_EMBD
    E, F = NUM_EXPERTS, MULT * N_EMBD
    x = jax.random.normal(ks[0], (B, T, C), dtype=jnp.float32)
    # router (nn.Linear(C, E)) - kaiming-uniform-ish init
    router_W = jax.random.uniform(ks[1], (C, E), dtype=jnp.float32, minval=-1.0, maxval=1.0) / np.sqrt(C)
    router_b = jnp.zeros((E,), dtype=jnp.float32)
    # stacked expert FFN params
    W1 = jax.random.uniform(ks[2], (E, C, F), dtype=jnp.float32, minval=-1.0, maxval=1.0) / np.sqrt(C)
    b1 = jnp.zeros((E, F), dtype=jnp.float32)
    W2 = jax.random.uniform(ks[3], (E, F, C), dtype=jnp.float32, minval=-1.0, maxval=1.0) / np.sqrt(F)
    b2 = jnp.zeros((E, C), dtype=jnp.float32)
    return {"x": x, "router_W": router_W, "router_b": router_b,
            "W1": W1, "b1": b1, "W2": W2, "b2": b2}


def _gelu_exact(x):
    # torch nn.GELU default is exact (erf-based)
    return jax.nn.gelu(x, approximate=False)


def reference(x, router_W, router_b, W1, b1, W2, b2):
    B, T, C = x.shape
    E = router_W.shape[1]
    x_flat = x.reshape(-1, C)                      # (N, C)
    N = x_flat.shape[0]
    router_logits = x_flat @ router_W + router_b   # (N, E)
    router_probs = jax.nn.softmax(router_logits, axis=-1)
    topk_vals, topk_idx = jax.lax.top_k(router_probs, TOP_K)  # (N, 2)
    # per-token per-expert combine weight: sum over top-k slots that selected e
    onehot = jax.nn.one_hot(topk_idx, E, dtype=x.dtype)       # (N, 2, E)
    comb = (onehot * topk_vals[..., None]).sum(axis=1)        # (N, E)
    # run every expert on all tokens (weights are 0 for unselected -> same math
    # as the masked gather/scatter loop in the torch module)
    h = jnp.einsum('nc,ecf->enf', x_flat, W1) + b1[:, None, :]  # (E, N, F)
    h = _gelu_exact(h)
    o = jnp.einsum('enf,efc->enc', h, W2) + b2[:, None, :]      # (E, N, C)
    output = jnp.einsum('enc,ne->nc', o, comb)                  # (N, C)
    output = output.reshape(B, T, C)
    mean_probs = router_probs.mean(axis=0)
    balance_loss = (mean_probs * mean_probs).sum()
    return (output, balance_loss)

if __name__ == "__main__":
    import jax
    _d = setup_inputs()
    print(jax.jit(kernel)(*tuple(_d.values())))

</pallas_src>

<mosaic_0001>
#map = affine_map<(d0, d1) -> (0, 0)>
#map1 = affine_map<(d0, d1) -> (0)>
module attributes {stable_mosaic.version = 14 : i64} {
  func.func @_sc_gather_body(%arg0: i32, %arg1: i32, %arg2: memref<9216x1024xf32, #tpu.memory_space<hbm>>, %arg3: memref<4096xi32, #tpu.memory_space<hbm>>, %arg4: memref<2048x1024xf32, #tpu.memory_space<hbm>>, %arg5: memref<32x1024xf32, #tpu.memory_space<vmem>>, %arg6: memref<32x1024xf32, #tpu.memory_space<vmem>>, %arg7: memref<32xi32, #tpu.memory_space<vmem>>, %arg8: memref<32xi32, #tpu.memory_space<vmem>>, %arg9: memref<!tpu.dma_semaphore, #tpu.memory_space<semaphore_mem>>, %arg10: memref<!tpu.dma_semaphore, #tpu.memory_space<semaphore_mem>>) attributes {dimension_semantics = [#tpu.dimension_semantics<core_parallel>, #tpu.dimension_semantics<subcore_parallel>], iteration_bounds = array<i64: 2, 16>, scalar_prefetch = 0 : i64, scratch_operands = 6 : i64, tpu.core_type = #tpu.core_type<sc_vector_subcore>, window_params = [{transform_indices = #map}, {transform_indices = #map1}, {transform_indices = #map}]} {
    %mul3A = arith.constant 2 : i32
    %mul3A_0 = arith.muli %arg1, %mul3A : i32
    %add3A = arith.addi %mul3A_0, %arg0 : i32
    %mul3A_1 = arith.constant 64 : i32
    %mul3A_2 = arith.muli %add3A, %mul3A_1 : i32
    %add3A_3 = arith.constant 0 : i32
    %add3A_4 = arith.addi %mul3A_2, %add3A_3 : i32
    "tpu.region"() ({
      %run_scoped3A = tpu.sem_alloc : memref<!tpu.dma_semaphore, #tpu.memory_space<semaphore_mem>>
      %dma_start3A_46 = tpu.memref_slice %arg3[%add3A_4] : memref<4096xi32, #tpu.memory_space<hbm>> -> memref<32xi32, #tpu.memory_space<hbm>>
      %dma_start3A_47 = tpu.memref_slice %arg3[%add3A_4] : memref<4096xi32, #tpu.memory_space<hbm>> -> memref<32xi32, #tpu.memory_space<hbm>>
      tpu.enqueue_dma source(%dma_start3A_47 : memref<32xi32, #tpu.memory_space<hbm>>) target(%arg7 : memref<32xi32, #tpu.memory_space<vmem>>) target_semaphore(%run_scoped3A : memref<!tpu.dma_semaphore, #tpu.memory_space<semaphore_mem>>)
      %dma_wait3A_48 = tpu.memref_slice %arg3[%add3A_4] : memref<4096xi32, #tpu.memory_space<hbm>> -> memref<32xi32, #tpu.memory_space<hbm>>
      %dma_wait3A_49 = tpu.memref_slice %arg3[%add3A_4] : memref<4096xi32, #tpu.memory_space<hbm>> -> memref<32xi32, #tpu.memory_space<hbm>>
      tpu.wait_dma2 semaphore(%run_scoped3A : memref<!tpu.dma_semaphore, #tpu.memory_space<semaphore_mem>>) src(%dma_wait3A_49 : memref<32xi32, #tpu.memory_space<hbm>>) dst(%arg7 : memref<32xi32, #tpu.memory_space<vmem>>)
      tpu.yield
    }) : () -> ()
    %add3A_5 = arith.constant 2048 : i32
    %add3A_6 = arith.addi %add3A_5, %add3A_4 : i32
    "tpu.region"() ({
      %run_scoped3A = tpu.sem_alloc : memref<!tpu.dma_semaphore, #tpu.memory_space<semaphore_mem>>
      %dma_start3A_46 = tpu.memref_slice %arg3[%add3A_6] : memref<4096xi32, #tpu.memory_space<hbm>> -> memref<32xi32, #tpu.memory_space<hbm>>
      %dma_start3A_47 = tpu.memref_slice %arg3[%add3A_6] : memref<4096xi32, #tpu.memory_space<hbm>> -> memref<32xi32, #tpu.memory_space<hbm>>
      tpu.enqueue_dma source(%dma_start3A_47 : memref<32xi32, #tpu.memory_space<hbm>>) target(%arg8 : memref<32xi32, #tpu.memory_space<vmem>>) target_semaphore(%run_scoped3A : memref<!tpu.dma_semaphore, #tpu.memory_space<semaphore_mem>>)
      %dma_wait3A_48 = tpu.memref_slice %arg3[%add3A_6] : memref<4096xi32, #tpu.memory_space<hbm>> -> memref<32xi32, #tpu.memory_space<hbm>>
      %dma_wait3A_49 = tpu.memref_slice %arg3[%add3A_6] : memref<4096xi32, #tpu.memory_space<hbm>> -> memref<32xi32, #tpu.memory_space<hbm>>
      tpu.wait_dma2 semaphore(%run_scoped3A : memref<!tpu.dma_semaphore, #tpu.memory_space<semaphore_mem>>) src(%dma_wait3A_49 : memref<32xi32, #tpu.memory_space<hbm>>) dst(%arg8 : memref<32xi32, #tpu.memory_space<vmem>>)
      tpu.yield
    }) : () -> ()
    %dma_start3A = arith.constant 0 : i32
    %dma_start3A_7 = arith.constant 0 : i32
    %dma_start3A_8 = tpu.memref_slice %arg2[%dma_start3A, %dma_start3A_7] : memref<9216x1024xf32, #tpu.memory_space<hbm>> -> memref<9216x1024xf32, #tpu.memory_space<hbm>>
    tpu.enqueue_indirect_dma source(%dma_start3A_8 : memref<9216x1024xf32, #tpu.memory_space<hbm>>) target(%arg5 : memref<32x1024xf32, #tpu.memory_space<vmem>>) offsets(%arg7 : memref<32xi32, #tpu.memory_space<vmem>>) semaphore(%arg9 : memref<!tpu.dma_semaphore, #tpu.memory_space<semaphore_mem>>)
    %dma_start3A_9 = arith.constant 0 : i32
    %dma_start3A_10 = arith.constant 0 : i32
    %dma_start3A_11 = tpu.memref_slice %arg2[%dma_start3A_9, %dma_start3A_10] : memref<9216x1024xf32, #tpu.memory_space<hbm>> -> memref<9216x1024xf32, #tpu.memory_space<hbm>>
    tpu.enqueue_indirect_dma source(%dma_start3A_11 : memref<9216x1024xf32, #tpu.memory_space<hbm>>) target(%arg6 : memref<32x1024xf32, #tpu.memory_space<vmem>>) offsets(%arg8 : memref<32xi32, #tpu.memory_space<vmem>>) semaphore(%arg10 : memref<!tpu.dma_semaphore, #tpu.memory_space<semaphore_mem>>)
    %dma_wait3A = arith.constant 0 : i32
    %dma_wait3A_12 = arith.constant 0 : i32
    %dma_wait3A_13 = tpu.memref_slice %arg2[%dma_wait3A, %dma_wait3A_12] : memref<9216x1024xf32, #tpu.memory_space<hbm>> -> memref<9216x1024xf32, #tpu.memory_space<hbm>>
    tpu.wait_indirect_dma semaphore(%arg9 : memref<!tpu.dma_semaphore, #tpu.memory_space<semaphore_mem>>) src(%dma_wait3A_13 : memref<9216x1024xf32, #tpu.memory_space<hbm>>) dst(%arg5 : memref<32x1024xf32, #tpu.memory_space<vmem>>)
    %dma_wait3A_14 = arith.constant 0 : i32
    %dma_wait3A_15 = arith.constant 0 : i32
    %dma_wait3A_16 = tpu.memref_slice %arg2[%dma_wait3A_14, %dma_wait3A_15] : memref<9216x1024xf32, #tpu.memory_space<hbm>> -> memref<9216x1024xf32, #tpu.memory_space<hbm>>
    tpu.wait_indirect_dma semaphore(%arg10 : memref<!tpu.dma_semaphore, #tpu.memory_space<semaphore_mem>>) src(%dma_wait3A_16 : memref<9216x1024xf32, #tpu.memory_space<hbm>>) dst(%arg6 : memref<32x1024xf32, #tpu.memory_space<vmem>>)
    %scan3A = arith.constant 0 : i32
    %scan3A_17 = arith.constant 0 : i32
    %scan3A_18 = arith.constant 32 : i32
    %scan3A_19 = arith.addi %scan3A_17, %scan3A_18 : i32
    %scan3A_20 = arith.constant 1 : i32
    %scan3A_21 = scf.for %scan3A_46 = %scan3A_17 to %scan3A_19 step %scan3A_20 iter_args(%scan3A_47 = %scan3A) -> (i32)  : i32 {
      %get3A = arith.index_cast %scan3A_46 : i32 to index
      %get3A_48 = arith.constant 0 : index
      %get3A_49 = tpu.vector_load %arg5[%get3A, %get3A_48] {strides = array<i32>} : memref<32x1024xf32, #tpu.memory_space<vmem>>, vector<1x16xf32>,
      %get3A_50 = vector.shape_cast %get3A_49 : vector<1x16xf32> to vector<16xf32>
      %get3A_51 = arith.index_cast %scan3A_46 : i32 to index
      %get3A_52 = arith.constant 0 : index
      %get3A_53 = tpu.vector_load %arg6[%get3A_51, %get3A_52] {strides = array<i32>} : memref<32x1024xf32, #tpu.memory_space<vmem>>, vector<1x16xf32>,
      %get3A_54 = vector.shape_cast %get3A_53 : vector<1x16xf32> to vector<16xf32>
      %add3A_55 = arith.addf %get3A_50, %get3A_54 : vector<16xf32>
      %swap3A = arith.index_cast %scan3A_46 : i32 to index
      %swap3A_56 = arith.constant 0 : index
      %swap3A_57 = tpu.vector_load %arg5[%swap3A, %swap3A_56] {strides = array<i32>} : memref<32x1024xf32, #tpu.memory_space<vmem>>, vector<1x16xf32>,
      %swap3A_58 = vector.shape_cast %swap3A_57 : vector<1x16xf32> to vector<16xf32>
      %swap3A_59 = vector.shape_cast %add3A_55 : vector<16xf32> to vector<1x16xf32>
      tpu.vector_store %arg5[%swap3A, %swap3A_56], %swap3A_59 {strides = array<i32>} : memref<32x1024xf32, #tpu.memory_space<vmem>>, vector<1x16xf32>,
      %get3A_60 = arith.index_cast %scan3A_46 : i32 to index
      %get3A_61 = arith.constant 16 : index
      %get3A_62 = tpu.vector_load %arg5[%get3A_60, %get3A_61] {strides = array<i32>} : memref<32x1024xf32, #tpu.memory_space<vmem>>, vector<1x16xf32>,
      %get3A_63 = vector.shape_cast %get3A_62 : vector<1x16xf32> to vector<16xf32>
      %get3A_64 = arith.index_cast %scan3A_46 : i32 to index
      %get3A_65 = arith.constant 16 : index
      %get3A_66 = tpu.vector_load %arg6[%get3A_64, %get3A_65] {strides = array<i32>} : memref<32x1024xf32, #tpu.memory_space<vmem>>, vector<1x16xf32>,
      %get3A_67 = vector.shape_cast %get3A_66 : vector<1x16xf32> to vector<16xf32>
      %add3A_68 = arith.addf %get3A_63, %get3A_67 : vector<16xf32>
      %swap3A_69 = arith.index_cast %scan3A_46 : i32 to index
      %swap3A_70 = arith.constant 16 : index
      %swap3A_71 = tpu.vector_load %arg5[%swap3A_69, %swap3A_70] {strides = array<i32>} : memref<32x1024xf32, #tpu.memory_space<vmem>>, vector<1x16xf32>,
      %swap3A_72 = vector.shape_cast %swap3A_71 : vector<1x16xf32> to vector<16xf32>
      %swap3A_73 = vector.shape_cast %add3A_68 : vector<16xf32> to vector<1x16xf32>
      tpu.vector_store %arg5[%swap3A_69, %swap3A_70], %swap3A_73 {strides = array<i32>} : memref<32x1024xf32, #tpu.memory_space<vmem>>, vector<1x16xf32>,
      %get3A_74 = arith.index_cast %scan3A_46 : i32 to index
      %get3A_75 = arith.constant 32 : index
      %get3A_76 = tpu.vector_load %arg5[%get3A_74, %get3A_75] {strides = array<i32>} : memref<32x1024xf32, #tpu.memory_space<vmem>>, vector<1x16xf32>,
      %get3A_77 = vector.shape_cast %get3A_76 : vector<1x16xf32> to vector<16xf32>
      %get3A_78 = arith.index_cast %scan3A_46 : i32 to index
      %get3A_79 = arith.constant 32 : index
      %get3A_80 = tpu.vector_load %arg6[%get3A_78, %get3A_79] {strides = array<i32>} : memref<32x1024xf32, #tpu.memory_space<vmem>>, vector<1x16xf32>,
      %get3A_81 = vector.shape_cast %get3A_80 : vector<1x16xf32> to vector<16xf32>
      %add3A_82 = arith.addf %get3A_77, %get3A_81 : vector<16xf32>
      %swap3A_83 = arith.index_cast %scan3A_46 : i32 to index
      %swap3A_84 = arith.constant 32 : index
      %swap3A_85 = tpu.vector_load %arg5[%swap3A_83, %swap3A_84] {strides = array<i32>} : memref<32x1024xf32, #tpu.memory_space<vmem>>, vector<1x16xf32>,
      %swap3A_86 = vector.shape_cast %swap3A_85 : vector<1x16xf32> to vector<16xf32>
      %swap3A_87 = vector.shape_cast %add3A_82 : vector<16xf32> to vector<1x16xf32>
      tpu.vector_store %arg5[%swap3A_83, %swap3A_84], %swap3A_87 {strides = array<i32>} : memref<32x1024xf32, #tpu.memory_space<vmem>>, vector<1x16xf32>,
      %get3A_88 = arith.index_cast %scan3A_46 : i32 to index
      %get3A_89 = arith.constant 48 : index
      %get3A_90 = tpu.vector_load %arg5[%get3A_88, %get3A_89] {strides = array<i32>} : memref<32x1024xf32, #tpu.memory_space<vmem>>, vector<1x16xf32>,
      %get3A_91 = vector.shape_cast %get3A_90 : vector<1x16xf32> to vector<16xf32>
      %get3A_92 = arith.index_cast %scan3A_46 : i32 to index
      %get3A_93 = arith.constant 48 : index
      %get3A_94 = tpu.vector_load %arg6[%get3A_92, %get3A_93] {strides = array<i32>} : memref<32x1024xf32, #tpu.memory_space<vmem>>, vector<1x16xf32>,
      %get3A_95 = vector.shape_cast %get3A_94 : vector<1x16xf32> to vector<16xf32>
      %add3A_96 = arith.addf %get3A_91, %get3A_95 : vector<16xf32>
      %swap3A_97 = arith.index_cast %scan3A_46 : i32 to index
      %swap3A_98 = arith.constant 48 : index
      %swap3A_99 = tpu.vector_load %arg5[%swap3A_97, %swap3A_98] {strides = array<i32>} : memref<32x1024xf32, #tpu.memory_space<vmem>>, vector<1x16xf32>,
      %swap3A_100 = vector.shape_cast %swap3A_99 : vector<1x16xf32> to vector<16xf32>
      %swap3A_101 = vector.shape_cast %add3A_96 : vector<16xf32> to vector<1x16xf32>
      tpu.vector_store %arg5[%swap3A_97, %swap3A_98], %swap3A_101 {strides = array<i32>} : memref<32x1024xf32, #tpu.memory_space<vmem>>, vector<1x16xf32>,
      %get3A_102 = arith.index_cast %scan3A_46 : i32 to index
      %get3A_103 = arith.constant 64 : index
      %get3A_104 = tpu.vector_load %arg5[%get3A_102, %get3A_103] {strides = array<i32>} : memref<32x1024xf32, #tpu.memory_space<vmem>>, vector<1x16xf32>,
      %get3A_105 = vector.shape_cast %get3A_104 : vector<1x16xf32> to vector<16xf32>
      %get3A_106 = arith.index_cast %scan3A_46 : i32 to index
      %get3A_107 = arith.constant 64 : index
      %get3A_108 = tpu.vector_load %arg6[%get3A_106, %get3A_107] {strides = array<i32>} : memref<32x1024xf32, #tpu.memory_space<vmem>>, vector<1x16xf32>,
      %get3A_109 = vector.shape_cast %get3A_108 : vector<1x16xf32> to vector<16xf32>
      %add3A_110 = arith.addf %get3A_105, %get3A_109 : vector<16xf32>
      %swap3A_111 = arith.index_cast %scan3A_46 : i32 to index
      %swap3A_112 = arith.constant 64 : index
      %swap3A_113 = tpu.vector_load %arg5[%swap3A_111, %swap3A_112] {strides = array<i32>} : memref<32x1024xf32, #tpu.memory_space<vmem>>, vector<1x16xf32>,
      %swap3A_114 = vector.shape_cast %swap3A_113 : vector<1x16xf32> to vector<16xf32>
      %swap3A_115 = vector.shape_cast %add3A_110 : vector<16xf32> to vector<1x16xf32>
      tpu.vector_store %arg5[%swap3A_111, %swap3A_112], %swap3A_115 {strides = array<i32>} : memref<32x1024xf32, #tpu.memory_space<vmem>>, vector<1x16xf32>,
      %get3A_116 = arith.index_cast %scan3A_46 : i32 to index
      %get3A_117 = arith.constant 80 : index
      %get3A_118 = tpu.vector_load %arg5[%get3A_116, %get3A_117] {strides = array<i32>} : memref<32x1024xf32, #tpu.memory_space<vmem>>, vector<1x16xf32>,
      %get3A_119 = vector.shape_cast %get3A_118 : vector<1x16xf32> to vector<16xf32>
      %get3A_120 = arith.index_cast %scan3A_46 : i32 to index
      %get3A_121 = arith.constant 80 : index
      %get3A_122 = tpu.vector_load %arg6[%get3A_120, %get3A_121] {strides = array<i32>} : memref<32x1024xf32, #tpu.memory_space<vmem>>, vector<1x16xf32>,
      %get3A_123 = vector.shape_cast %get3A_122 : vector<1x16xf32> to vector<16xf32>
      %add3A_124 = arith.addf %get3A_119, %get3A_123 : vector<16xf32>
      %swap3A_125 = arith.index_cast %scan3A_46 : i32 to index
      %swap3A_126 = arith.constant 80 : index
      %swap3A_127 = tpu.vector_load %arg5[%swap3A_125, %swap3A_126] {strides = array<i32>} : memref<32x1024xf32, #tpu.memory_space<vmem>>, vector<1x16xf32>,
      %swap3A_128 = vector.shape_cast %swap3A_127 : vector<1x16xf32> to vector<16xf32>
      %swap3A_129 = vector.shape_cast %add3A_124 : vector<16xf32> to vector<1x16xf32>
      tpu.vector_store %arg5[%swap3A_125, %swap3A_126], %swap3A_129 {strides = array<i32>} : memref<32x1024xf32, #tpu.memory_space<vmem>>, vector<1x16xf32>,
      %get3A_130 = arith.index_cast %scan3A_46 : i32 to index
      %get3A_131 = arith.constant 96 : index
      %get3A_132 = tpu.vector_load %arg5[%get3A_130, %get3A_131] {strides = array<i32>} : memref<32x1024xf32, #tpu.memory_space<vmem>>, vector<1x16xf32>,
      %get3A_133 = vector.shape_cast %get3A_132 : vector<1x16xf32> to vector<16xf32>
      %get3A_134 = arith.index_cast %scan3A_46 : i32 to index
      %get3A_135 = arith.constant 96 : index
      %get3A_136 = tpu.vector_load %arg6[%get3A_134, %get3A_135] {strides = array<i32>} : memref<32x1024xf32, #tpu.memory_space<vmem>>, vector<1x16xf32>,
      %get3A_137 = vector.shape_cast %get3A_136 : vector<1x16xf32> to vector<16xf32>
      %add3A_138 = arith.addf %get3A_133, %get3A_137 : vector<16xf32>
      %swap3A_139 = arith.index_cast %scan3A_46 : i32 to index
      %swap3A_140 = arith.constant 96 : index
      %swap3A_141 = tpu.vector_load %arg5[%swap3A_139, %swap3A_140] {strides = array<i32>} : memref<32x1024xf32, #tpu.memory_space<vmem>>, vector<1x16xf32>,
      %swap3A_142 = vector.shape_cast %swap3A_141 : vector<1x16xf32> to vector<16xf32>
      %swap3A_143 = vector.shape_cast %add3A_138 : vector<16xf32> to vector<1x16xf32>
      tpu.vector_store %arg5[%swap3A_139, %swap3A_140], %swap3A_143 {strides = array<i32>} : memref<32x1024xf32, #tpu.memory_space<vmem>>, vector<1x16xf32>,
      %get3A_144 = arith.index_cast %scan3A_46 : i32 to index
      %get3A_145 = arith.constant 112 : index
      %get3A_146 = tpu.vector_load %arg5[%get3A_144, %get3A_145] {strides = array<i32>} : memref<32x1024xf32, #tpu.memory_space<vmem>>, vector<1x16xf32>,
      %get3A_147 = vector.shape_cast %get3A_146 : vector<1x16xf32> to vector<16xf32>
      %get3A_148 = arith.index_cast %scan3A_46 : i32 to index
      %get3A_149 = arith.constant 112 : index
      %get3A_150 = tpu.vector_load %arg6[%get3A_148, %get3A_149] {strides = array<i32>} : memref<32x1024xf32, #tpu.memory_space<vmem>>, vector<1x16xf32>,
      %get3A_151 = vector.shape_cast %get3A_150 : vector<1x16xf32> to vector<16xf32>
      %add3A_152 = arith.addf %get3A_147, %get3A_151 : vector<16xf32>
      %swap3A_153 = arith.index_cast %scan3A_46 : i32 to index
      %swap3A_154 = arith.constant 112 : index
      %swap3A_155 = tpu.vector_load %arg5[%swap3A_153, %swap3A_154] {strides = array<i32>} : memref<32x1024xf32, #tpu.memory_space<vmem>>, vector<1x16xf32>,
      %swap3A_156 = vector.shape_cast %swap3A_155 : vector<1x16xf32> to vector<16xf32>
      %swap3A_157 = vector.shape_cast %add3A_152 : vector<16xf32> to vector<1x16xf32>
      tpu.vector_store %arg5[%swap3A_153, %swap3A_154], %swap3A_157 {strides = array<i32>} : memref<32x1024xf32, #tpu.memory_space<vmem>>, vector<1x16xf32>,
      %get3A_158 = arith.index_cast %scan3A_46 : i32 to index
      %get3A_159 = arith.constant 128 : index
      %get3A_160 = tpu.vector_load %arg5[%get3A_158, %get3A_159] {strides = array<i32>} : memref<32x1024xf32, #tpu.memory_space<vmem>>, vector<1x16xf32>,
      %get3A_161 = vector.shape_cast %get3A_160 : vector<1x16xf32> to vector<16xf32>
      %get3A_162 = arith.index_cast %scan3A_46 : i32 to index
      %get3A_163 = arith.constant 128 : index
      %get3A_164 = tpu.vector_load %arg6[%get3A_162, %get3A_163] {strides = array<i32>} : memref<32x1024xf32, #tpu.memory_space<vmem>>, vector<1x16xf32>,
      %get3A_165 = vector.shape_cast %get3A_164 : vector<1x16xf32> to vector<16xf32>
      %add3A_166 = arith.addf %get3A_161, %get3A_165 : vector<16xf32>
      %swap3A_167 = arith.index_cast %scan3A_46 : i32 to index
      %swap3A_168 = arith.constant 128 : index
      %swap3A_169 = tpu.vector_load %arg5[%swap3A_167, %swap3A_168] {strides = array<i32>} : memref<32x1024xf32, #tpu.memory_space<vmem>>, vector<1x16xf32>,
      %swap3A_170 = vector.shape_cast %swap3A_169 : vector<1x16xf32> to vector<16xf32>
      %swap3A_171 = vector.shape_cast %add3A_166 : vector<16xf32> to vector<1x16xf32>
      tpu.vector_store %arg5[%swap3A_167, %swap3A_168], %swap3A_171 {strides = array<i32>} : memref<32x1024xf32, #tpu.memory_space<vmem>>, vector<1x16xf32>,
      %get3A_172 = arith.index_cast %scan3A_46 : i32 to index
      %get3A_173 = arith.constant 144 : index
      %get3A_174 = tpu.vector_load %arg5[%get3A_172, %get3A_173] {strides = array<i32>} : memref<32x1024xf32, #tpu.memory_space<vmem>>, vector<1x16xf32>,
      %get3A_175 = vector.shape_cast %get3A_174 : vector<1x16xf32> to vector<16xf32>
      %get3A_176 = arith.index_cast %scan3A_46 : i32 to index
      %get3A_177 = arith.constant 144 : index
      %get3A_178 = tpu.vector_load %arg6[%get3A_176, %get3A_177] {strides = array<i32>} : memref<32x1024xf32, #tpu.memory_space<vmem>>, vector<1x16xf32>,
      %get3A_179 = vector.shape_cast %get3A_178 : vector<1x16xf32> to vector<16xf32>
      %add3A_180 = arith.addf %get3A_175, %get3A_179 : vector<16xf32>
      %swap3A_181 = arith.index_cast %scan3A_46 : i32 to index
      %swap3A_182 = arith.constant 144 : index
      %swap3A_183 = tpu.vector_load %arg5[%swap3A_181, %swap3A_182] {strides = array<i32>} : memref<32x1024xf32, #tpu.memory_space<vmem>>, vector<1x16xf32>,
      %swap3A_184 = vector.shape_cast %swap3A_183 : vector<1x16xf32> to vector<16xf32>
      %swap3A_185 = vector.shape_cast %add3A_180 : vector<16xf32> to vector<1x16xf32>
      tpu.vector_store %arg5[%swap3A_181, %swap3A_182], %swap3A_185 {strides = array<i32>} : memref<32x1024xf32, #tpu.memory_space<vmem>>, vector<1x16xf32>,
      %get3A_186 = arith.index_cast %scan3A_46 : i32 to index
      %get3A_187 = arith.constant 160 : index
      %get3A_188 = tpu.vector_load %arg5[%get3A_186, %get3A_187] {strides = array<i32>} : memref<32x1024xf32, #tpu.memory_space<vmem>>, vector<1x16xf32>,
      %get3A_189 = vector.shape_cast %get3A_188 : vector<1x16xf32> to vector<16xf32>
      %get3A_190 = arith.index_cast %scan3A_46 : i32 to index
      %get3A_191 = arith.constant 160 : index
      %get3A_192 = tpu.vector_load %arg6[%get3A_190, %get3A_191] {strides = array<i32>} : memref<32x1024xf32, #tpu.memory_space<vmem>>, vector<1x16xf32>,
      %get3A_193 = vector.shape_cast %get3A_192 : vector<1x16xf32> to vector<16xf32>
      %add3A_194 = arith.addf %get3A_189, %get3A_193 : vector<16xf32>
      %swap3A_195 = arith.index_cast %scan3A_46 : i32 to index
      %swap3A_196 = arith.constant 160 : index
      %swap3A_197 = tpu.vector_load %arg5[%swap3A_195, %swap3A_196] {strides = array<i32>} : memref<32x1024xf32, #tpu.memory_space<vmem>>, vector<1x16xf32>,
      %swap3A_198 = vector.shape_cast %swap3A_197 : vector<1x16xf32> to vector<16xf32>
      %swap3A_199 = vector.shape_cast %add3A_194 : vector<16xf32> to vector<1x16xf32>
      tpu.vector_store %arg5[%swap3A_195, %swap3A_196], %swap3A_199 {strides = array<i32>} : memref<32x1024xf32, #tpu.memory_space<vmem>>, vector<1x16xf32>,
      %get3A_200 = arith.index_cast %scan3A_46 : i32 to index
      %get3A_201 = arith.constant 176 : index
      %get3A_202 = tpu.vector_load %arg5[%get3A_200, %get3A_201] {strides = array<i32>} : memref<32x1024xf32, #tpu.memory_space<vmem>>, vector<1x16xf32>,
      %get3A_203 = vector.shape_cast %get3A_202 : vector<1x16xf32> to vector<16xf32>
      %get3A_204 = arith.index_cast %scan3A_46 : i32 to index
      %get3A_205 = arith.constant 176 : index
      %get3A_206 = tpu.vector_load %arg6[%get3A_204, %get3A_205] {strides = array<i32>} : memref<32x1024xf32, #tpu.memory_space<vmem>>, vector<1x16xf32>,
      %get3A_207 = vector.shape_cast %get3A_206 : vector<1x16xf32> to vector<16xf32>
      %add3A_208 = arith.addf %get3A_203, %get3A_207 : vector<16xf32>
      %swap3A_209 = arith.index_cast %scan3A_46 : i32 to index
      %swap3A_210 = arith.constant 176 : index
      %swap3A_211 = tpu.vector_load %arg5[%swap3A_209, %swap3A_210] {strides = array<i32>} : memref<32x1024xf32, #tpu.memory_space<vmem>>, vector<1x16xf32>,
      %swap3A_212 = vector.shape_cast %swap3A_211 : vector<1x16xf32> to vector<16xf32>
      %swap3A_213 = vector.shape_cast %add3A_208 : vector<16xf32> to vector<1x16xf32>
      tpu.vector_store %arg5[%swap3A_209, %swap3A_210], %swap3A_213 {strides = array<i32>} : memref<32x1024xf32, #tpu.memory_space<vmem>>, vector<1x16xf32>,
      %get3A_214 = arith.index_cast %scan3A_46 : i32 to index
      %get3A_215 = arith.constant 192 : index
      %get3A_216 = tpu.vector_load %arg5[%get3A_214, %get3A_215] {strides = array<i32>} : memref<32x1024xf32, #tpu.memory_space<vmem>>, vector<1x16xf32>,
      %get3A_217 = vector.shape_cast %get3A_216 : vector<1x16xf32> to vector<16xf32>
      %get3A_218 = arith.index_cast %scan3A_46 : i32 to index
      %get3A_219 = arith.constant 192 : index
      %get3A_220 = tpu.vector_load %arg6[%get3A_218, %get3A_219] {strides = array<i32>} : memref<32x1024xf32, #tpu.memory_space<vmem>>, vector<1x16xf32>,
      %get3A_221 = vector.shape_cast %get3A_220 : vector<1x16xf32> to vector<16xf32>
      %add3A_222 = arith.addf %get3A_217, %get3A_221 : vector<16xf32>
      %swap3A_223 = arith.index_cast %scan3A_46 : i32 to index
      %swap3A_224 = arith.constant 192 : index
      %swap3A_225 = tpu.vector_load %arg5[%swap3A_223, %swap3A_224] {strides = array<i32>} : memref<32x1024xf32, #tpu.memory_space<vmem>>, vector<1x16xf32>,
      %swap3A_226 = vector.shape_cast %swap3A_225 : vector<1x16xf32> to vector<16xf32>
      %swap3A_227 = vector.shape_cast %add3A_222 : vector<16xf32> to vector<1x16xf32>
      tpu.vector_store %arg5[%swap3A_223, %swap3A_224], %swap3A_227 {strides = array<i32>} : memref<32x1024xf32, #tpu.memory_space<vmem>>, vector<1x16xf32>,
      %get3A_228 = arith.index_cast %scan3A_46 : i32 to index
      %get3A_229 = arith.constant 208 : index
      %get3A_230 = tpu.vector_load %arg5[%get3A_228, %get3A_229] {strides = array<i32>} : memref<32x1024xf32, #tpu.memory_space<vmem>>, vector<1x16xf32>,
      %get3A_231 = vector.shape_cast %get3A_230 : vector<1x16xf32> to vector<16xf32>
      %get3A_232 = arith.index_cast %scan3A_46 : i32 to index
      %get3A_233 = arith.constant 208 : index
      %get3A_234 = tpu.vector_load %arg6[%get3A_232, %get3A_233] {strides = array<i32>} : memref<32x1024xf32, #tpu.memory_space<vmem>>, vector<1x16xf32>,
      %get3A_235 = vector.shape_cast %get3A_234 : vector<1x16xf32> to vector<16xf32>
      %add3A_236 = arith.addf %get3A_231, %get3A_235 : vector<16xf32>
      %swap3A_237 = arith.index_cast %scan3A_46 : i32 to index
      %swap3A_238 = arith.constant 208 : index
      %swap3A_239 = tpu.vector_load %arg5[%swap3A_237, %swap3A_238] {strides = array<i32>} : memref<32x1024xf32, #tpu.memory_space<vmem>>, vector<1x16xf32>,
      %swap3A_240 = vector.shape_cast %swap3A_239 : vector<1x16xf32> to vector<16xf32>
      %swap3A_241 = vector.shape_cast %add3A_236 : vector<16xf32> to vector<1x16xf32>
      tpu.vector_store %arg5[%swap3A_237, %swap3A_238], %swap3A_241 {strides = array<i32>} : memref<32x1024xf32, #tpu.memory_space<vmem>>, vector<1x16xf32>,
      %get3A_242 = arith.index_cast %scan3A_46 : i32 to index
      %get3A_243 = arith.constant 224 : index
      %get3A_244 = tpu.vector_load %arg5[%get3A_242, %get3A_243] {strides = array<i32>} : memref<32x1024xf32, #tpu.memory_space<vmem>>, vector<1x16xf32>,
      %get3A_245 = vector.shape_cast %get3A_244 : vector<1x16xf32> to vector<16xf32>
      %get3A_246 = arith.index_cast %scan3A_46 : i32 to index
      %get3A_247 = arith.constant 224 : index
      %get3A_248 = tpu.vector_load %arg6[%get3A_246, %get3A_247] {strides = array<i32>} : memref<32x1024xf32, #tpu.memory_space<vmem>>, vector<1x16xf32>,
      %get3A_249 = vector.shape_cast %get3A_248 : vector<1x16xf32> to vector<16xf32>
      %add3A_250 = arith.addf %get3A_245, %get3A_249 : vector<16xf32>
      %swap3A_251 = arith.index_cast %scan3A_46 : i32 to index
      %swap3A_252 = arith.constant 224 : index
      %swap3A_253 = tpu.vector_load %arg5[%swap3A_251, %swap3A_252] {strides = array<i32>} : memref<32x1024xf32, #tpu.memory_space<vmem>>, vector<1x16xf32>,
      %swap3A_254 = vector.shape_cast %swap3A_253 : vector<1x16xf32> to vector<16xf32>
      %swap3A_255 = vector.shape_cast %add3A_250 : vector<16xf32> to vector<1x16xf32>
      tpu.vector_store %arg5[%swap3A_251, %swap3A_252], %swap3A_255 {strides = array<i32>} : memref<32x1024xf32, #tpu.memory_space<vmem>>, vector<1x16xf32>,
      %get3A_256 = arith.index_cast %scan3A_46 : i32 to index
      %get3A_257 = arith.constant 240 : index
      %get3A_258 = tpu.vector_load %arg5[%get3A_256, %get3A_257] {strides = array<i32>} : memref<32x1024xf32, #tpu.memory_space<vmem>>, vector<1x16xf32>,
      %get3A_259 = vector.shape_cast %get3A_258 : vector<1x16xf32> to vector<16xf32>
      %get3A_260 = arith.index_cast %scan3A_46 : i32 to index
      %get3A_261 = arith.constant 240 : index
      %get3A_262 = tpu.vector_load %arg6[%get3A_260, %get3A_261] {strides = array<i32>} : memref<32x1024xf32, #tpu.memory_space<vmem>>, vector<1x16xf32>,
      %get3A_263 = vector.shape_cast %get3A_262 : vector<1x16xf32> to vector<16xf32>
      %add3A_264 = arith.addf %get3A_259, %get3A_263 : vector<16xf32>
      %swap3A_265 = arith.index_cast %scan3A_46 : i32 to index
      %swap3A_266 = arith.constant 240 : index
      %swap3A_267 = tpu.vector_load %arg5[%swap3A_265, %swap3A_266] {strides = array<i32>} : memref<32x1024xf32, #tpu.memory_space<vmem>>, vector<1x16xf32>,
      %swap3A_268 = vector.shape_cast %swap3A_267 : vector<1x16xf32> to vector<16xf32>
      %swap3A_269 = vector.shape_cast %add3A_264 : vector<16xf32> to vector<1x16xf32>
      tpu.vector_store %arg5[%swap3A_265, %swap3A_266], %swap3A_269 {strides = array<i32>} : memref<32x1024xf32, #tpu.memory_space<vmem>>, vector<1x16xf32>,
      %get3A_270 = arith.index_cast %scan3A_46 : i32 to index
      %get3A_271 = arith.constant 256 : index
      %get3A_272 = tpu.vector_load %arg5[%get3A_270, %get3A_271] {strides = array<i32>} : memref<32x1024xf32, #tpu.memory_space<vmem>>, vector<1x16xf32>,
      %get3A_273 = vector.shape_cast %get3A_272 : vector<1x16xf32> to vector<16xf32>
      %get3A_274 = arith.index_cast %scan3A_46 : i32 to index
      %get3A_275 = arith.constant 256 : index
      %get3A_276 = tpu.vector_load %arg6[%get3A_274, %get3A_275] {strides = array<i32>} : memref<32x1024xf32, #tpu.memory_space<vmem>>, vector<1x16xf32>,
      %get3A_277 = vector.shape_cast %get3A_276 : vector<1x16xf32> to vector<16xf32>
      %add3A_278 = arith.addf %get3A_273, %get3A_277 : vector<16xf32>
      %swap3A_279 = arith.index_cast %scan3A_46 : i32 to index
      %swap3A_280 = arith.constant 256 : index
      %swap3A_281 = tpu.vector_load %arg5[%swap3A_279, %swap3A_280] {strides = array<i32>} : memref<32x1024xf32, #tpu.memory_space<vmem>>, vector<1x16xf32>,
      %swap3A_282 = vector.shape_cast %swap3A_281 : vector<1x16xf32> to vector<16xf32>
      %swap3A_283 = vector.shape_cast %add3A_278 : vector<16xf32> to vector<1x16xf32>
      tpu.vector_store %arg5[%swap3A_279, %swap3A_280], %swap3A_283 {strides = array<i32>} : memref<32x1024xf32, #tpu.memory_space<vmem>>, vector<1x16xf32>,
      %get3A_284 = arith.index_cast %scan3A_46 : i32 to index
      %get3A_285 = arith.constant 272 : index
      %get3A_286 = tpu.vector_load %arg5[%get3A_284, %get3A_285] {strides = array<i32>} : memref<32x1024xf32, #tpu.memory_space<vmem>>, vector<1x16xf32>,
      %get3A_287 = vector.shape_cast %get3A_286 : vector<1x16xf32> to vector<16xf32>
      %get3A_288 = arith.index_cast %scan3A_46 : i32 to index
      %get3A_289 = arith.constant 272 : index
      %get3A_290 = tpu.vector_load %arg6[%get3A_288, %get3A_289] {strides = array<i32>} : memref<32x1024xf32, #tpu.memory_space<vmem>>, vector<1x16xf32>,
      %get3A_291 = vector.shape_cast %get3A_290 : vector<1x16xf32> to vector<16xf32>
      %add3A_292 = arith.addf %get3A_287, %get3A_291 : vector<16xf32>
      %swap3A_293 = arith.index_cast %scan3A_46 : i32 to index
      %swap3A_294 = arith.constant 272 : index
      %swap3A_295 = tpu.vector_load %arg5[%swap3A_293, %swap3A_294] {strides = array<i32>} : memref<32x1024xf32, #tpu.memory_space<vmem>>, vector<1x16xf32>,
      %swap3A_296 = vector.shape_cast %swap3A_295 : vector<1x16xf32> to vector<16xf32>
      %swap3A_297 = vector.shape_cast %add3A_292 : vector<16xf32> to vector<1x16xf32>
      tpu.vector_store %arg5[%swap3A_293, %swap3A_294], %swap3A_297 {strides = array<i32>} : memref<32x1024xf32, #tpu.memory_space<vmem>>, vector<1x16xf32>,
      %get3A_298 = arith.index_cast %scan3A_46 : i32 to index
      %get3A_299 = arith.constant 288 : index
      %get3A_300 = tpu.vector_load %arg5[%get3A_298, %get3A_299] {strides = array<i32>} : memref<32x1024xf32, #tpu.memory_space<vmem>>, vector<1x16xf32>,
      %get3A_301 = vector.shape_cast %get3A_300 : vector<1x16xf32> to vector<16xf32>
      %get3A_302 = arith.index_cast %scan3A_46 : i32 to index
      %get3A_303 = arith.constant 288 : index
      %get3A_304 = tpu.vector_load %arg6[%get3A_302, %get3A_303] {strides = array<i32>} : memref<32x1024xf32, #tpu.memory_space<vmem>>, vector<1x16xf32>,
      %get3A_305 = vector.shape_cast %get3A_304 : vector<1x16xf32> to vector<16xf32>
      %add3A_306 = arith.addf %get3A_301, %get3A_305 : vector<16xf32>
      %swap3A_307 = arith.index_cast %scan3A_46 : i32 to index
      %swap3A_308 = arith.constant 288 : index
      %swap3A_309 = tpu.vector_load %arg5[%swap3A_307, %swap3A_308] {strides = array<i32>} : memref<32x1024xf32, #tpu.memory_space<vmem>>, vector<1x16xf32>,
      %swap3A_310 = vector.shape_cast %swap3A_309 : vector<1x16xf32> to vector<16xf32>
      %swap3A_311 = vector.shape_cast %add3A_306 : vector<16xf32> to vector<1x16xf32>
      tpu.vector_store %arg5[%swap3A_307, %swap3A_308], %swap3A_311 {strides = array<i32>} : memref<32x1024xf32, #tpu.memory_space<vmem>>, vector<1x16xf32>,
      %get3A_312 = arith.index_cast %scan3A_46 : i32 to index
      %get3A_313 = arith.constant 304 : index
      %get3A_314 = tpu.vector_load %arg5[%get3A_312, %get3A_313] {strides = array<i32>} : memref<32x1024xf32, #tpu.memory_space<vmem>>, vector<1x16xf32>,
      %get3A_315 = vector.shape_cast %get3A_314 : vector<1x16xf32> to vector<16xf32>
      %get3A_316 = arith.index_cast %scan3A_46 : i32 to index
      %get3A_317 = arith.constant 304 : index
      %get3A_318 = tpu.vector_load %arg6[%get3A_316, %get3A_317] {strides = array<i32>} : memref<32x1024xf32, #tpu.memory_space<vmem>>, vector<1x16xf32>,
      %get3A_319 = vector.shape_cast %get3A_318 : vector<1x16xf32> to vector<16xf32>
      %add3A_320 = arith.addf %get3A_315, %get3A_319 : vector<16xf32>
      %swap3A_321 = arith.index_cast %scan3A_46 : i32 to index
      %swap3A_322 = arith.constant 304 : index
      %swap3A_323 = tpu.vector_load %arg5[%swap3A_321, %swap3A_322] {strides = array<i32>} : memref<32x1024xf32, #tpu.memory_space<vmem>>, vector<1x16xf32>,
      %swap3A_324 = vector.shape_cast %swap3A_323 : vector<1x16xf32> to vector<16xf32>
      %swap3A_325 = vector.shape_cast %add3A_320 : vector<16xf32> to vector<1x16xf32>
      tpu.vector_store %arg5[%swap3A_321, %swap3A_322], %swap3A_325 {strides = array<i32>} : memref<32x1024xf32, #tpu.memory_space<vmem>>, vector<1x16xf32>,
      %get3A_326 = arith.index_cast %scan3A_46 : i32 to index
      %get3A_327 = arith.constant 320 : index
      %get3A_328 = tpu.vector_load %arg5[%get3A_326, %get3A_327] {strides = array<i32>} : memref<32x1024xf32, #tpu.memory_space<vmem>>, vector<1x16xf32>,
      %get3A_329 = vector.shape_cast %get3A_328 : vector<1x16xf32> to vector<16xf32>
      %get3A_330 = arith.index_cast %scan3A_46 : i32 to index
      %get3A_331 = arith.constant 320 : index
      %get3A_332 = tpu.vector_load %arg6[%get3A_330, %get3A_331] {strides = array<i32>} : memref<32x1024xf32, #tpu.memory_space<vmem>>, vector<1x16xf32>,
      %get3A_333 = vector.shape_cast %get3A_332 : vector<1x16xf32> to vector<16xf32>
      %add3A_334 = arith.addf %get3A_329, %get3A_333 : vector<16xf32>
      %swap3A_335 = arith.index_cast %scan3A_46 : i32 to index
      %swap3A_336 = arith.constant 320 : index
      %swap3A_337 = tpu.vector_load %arg5[%swap3A_335, %swap3A_336] {strides = array<i32>} : memref<32x1024xf32, #tpu.memory_space<vmem>>, vector<1x16xf32>,
      %swap3A_338 = vector.shape_cast %swap3A_337 : vector<1x16xf32> to vector<16xf32>
      %swap3A_339 = vector.shape_cast %add3A_334 : vector<16xf32> to vector<1x16xf32>
      tpu.vector_store %arg5[%swap3A_335, %swap3A_336], %swap3A_339 {strides = array<i32>} : memref<32x1024xf32, #tpu.memory_space<vmem>>, vector<1x16xf32>,
      %get3A_340 = arith.index_cast %scan3A_46 : i32 to index
      %get3A_341 = arith.constant 336 : index
      %get3A_342 = tpu.vector_load %arg5[%get3A_340, %get3A_341] {strides = array<i32>} : memref<32x1024xf32, #tpu.memory_space<vmem>>, vector<1x16xf32>,
      %get3A_343 = vector.shape_cast %get3A_342 : vector<1x16xf32> to vector<16xf32>
      %get3A_344 = arith.index_cast %scan3A_46 : i32 to index
      %get3A_345 = arith.constant 336 : index
      %get3A_346 = tpu.vector_load %arg6[%get3A_344, %get3A_345] {strides = array<i32>} : memref<32x1024xf32, #tpu.memory_space<vmem>>, vector<1x16xf32>,
      %get3A_347 = vector.shape_cast %get3A_346 : vector<1x16xf32> to vector<16xf32>
      %add3A_348 = arith.addf %get3A_343, %get3A_347 : vector<16xf32>
      %swap3A_349 = arith.index_cast %scan3A_46 : i32 to index
      %swap3A_350 = arith.constant 336 : index
      %swap3A_351 = tpu.vector_load %arg5[%swap3A_349, %swap3A_350] {strides = array<i32>} : memref<32x1024xf32, #tpu.memory_space<vmem>>, vector<1x16xf32>,
      %swap3A_352 = vector.shape_cast %swap3A_351 : vector<1x16xf32> to vector<16xf32>
      %swap3A_353 = vector.shape_cast %add3A_348 : vector<16xf32> to vector<1x16xf32>
      tpu.vector_store %arg5[%swap3A_349, %swap3A_350], %swap3A_353 {strides = array<i32>} : memref<32x1024xf32, #tpu.memory_space<vmem>>, vector<1x16xf32>,
      %get3A_354 = arith.index_cast %scan3A_46 : i32 to index
      %get3A_355 = arith.constant 352 : index
      %get3A_356 = tpu.vector_load %arg5[%get3A_354, %get3A_355] {strides = array<i32>} : memref<32x1024xf32, #tpu.memory_space<vmem>>, vector<1x16xf32>,
      %get3A_357 = vector.shape_cast %get3A_356 : vector<1x16xf32> to vector<16xf32>
      %get3A_358 = arith.index_cast %scan3A_46 : i32 to index
      %get3A_359 = arith.constant 352 : index
      %get3A_360 = tpu.vector_load %arg6[%get3A_358, %get3A_359] {strides = array<i32>} : memref<32x1024xf32, #tpu.memory_space<vmem>>, vector<1x16xf32>,
      %get3A_361 = vector.shape_cast %get3A_360 : vector<1x16xf32> to vector<16xf32>
      %add3A_362 = arith.addf %get3A_357, %get3A_361 : vector<16xf32>
      %swap3A_363 = arith.index_cast %scan3A_46 : i32 to index
      %swap3A_364 = arith.constant 352 : index
      %swap3A_365 = tpu.vector_load %arg5[%swap3A_363, %swap3A_364] {strides = array<i32>} : memref<32x1024xf32, #tpu.memory_space<vmem>>, vector<1x16xf32>,
      %swap3A_366 = vector.shape_cast %swap3A_365 : vector<1x16xf32> to vector<16xf32>
      %swap3A_367 = vector.shape_cast %add3A_362 : vector<16xf32> to vector<1x16xf32>
      tpu.vector_store %arg5[%swap3A_363, %swap3A_364], %swap3A_367 {strides = array<i32>} : memref<32x1024xf32, #tpu.memory_space<vmem>>, vector<1x16xf32>,
      %get3A_368 = arith.index_cast %scan3A_46 : i32 to index
      %get3A_369 = arith.constant 368 : index
      %get3A_370 = tpu.vector_load %arg5[%get3A_368, %get3A_369] {strides = array<i32>} : memref<32x1024xf32, #tpu.memory_space<vmem>>, vector<1x16xf32>,
      %get3A_371 = vector.shape_cast %get3A_370 : vector<1x16xf32> to vector<16xf32>
      %get3A_372 = arith.index_cast %scan3A_46 : i32 to index
      %get3A_373 = arith.constant 368 : index
      %get3A_374 = tpu.vector_load %arg6[%get3A_372, %get3A_373] {strides = array<i32>} : memref<32x1024xf32, #tpu.memory_space<vmem>>, vector<1x16xf32>,
      %get3A_375 = vector.shape_cast %get3A_374 : vector<1x16xf32> to vector<16xf32>
      %add3A_376 = arith.addf %get3A_371, %get3A_375 : vector<16xf32>
      %swap3A_377 = arith.index_cast %scan3A_46 : i32 to index
      %swap3A_378 = arith.constant 368 : index
      %swap3A_379 = tpu.vector_load %arg5[%swap3A_377, %swap3A_378] {strides = array<i32>} : memref<32x1024xf32, #tpu.memory_space<vmem>>, vector<1x16xf32>,
      %swap3A_380 = vector.shape_cast %swap3A_379 : vector<1x16xf32> to vector<16xf32>
      %swap3A_381 = vector.shape_cast %add3A_376 : vector<16xf32> to vector<1x16xf32>
      tpu.vector_store %arg5[%swap3A_377, %swap3A_378], %swap3A_381 {strides = array<i32>} : memref<32x1024xf32, #tpu.memory_space<vmem>>, vector<1x16xf32>,
      %get3A_382 = arith.index_cast %scan3A_46 : i32 to index
      %get3A_383 = arith.constant 384 : index
      %get3A_384 = tpu.vector_load %arg5[%get3A_382, %get3A_383] {strides = array<i32>} : memref<32x1024xf32, #tpu.memory_space<vmem>>, vector<1x16xf32>,
      %get3A_385 = vector.shape_cast %get3A_384 : vector<1x16xf32> to vector<16xf32>
      %get3A_386 = arith.index_cast %scan3A_46 : i32 to index
      %get3A_387 = arith.constant 384 : index
      %get3A_388 = tpu.vector_load %arg6[%get3A_386, %get3A_387] {strides = array<i32>} : memref<32x1024xf32, #tpu.memory_space<vmem>>, vector<1x16xf32>,
      %get3A_389 = vector.shape_cast %get3A_388 : vector<1x16xf32> to vector<16xf32>
      %add3A_390 = arith.addf %get3A_385, %get3A_389 : vector<16xf32>
      %swap3A_391 = arith.index_cast %scan3A_46 : i32 to index
      %swap3A_392 = arith.constant 384 : index
      %swap3A_393 = tpu.vector_load %arg5[%swap3A_391, %swap3A_392] {strides = array<i32>} : memref<32x1024xf32, #tpu.memory_space<vmem>>, vector<1x16xf32>,
      %swap3A_394 = vector.shape_cast %swap3A_393 : vector<1x16xf32> to vector<16xf32>
      %swap3A_395 = vector.shape_cast %add3A_390 : vector<16xf32> to vector<1x16xf32>
      tpu.vector_store %arg5[%swap3A_391, %swap3A_392], %swap3A_395 {strides = array<i32>} : memref<32x1024xf32, #tpu.memory_space<vmem>>, vector<1x16xf32>,
      %get3A_396 = arith.index_cast %scan3A_46 : i32 to index
      %get3A_397 = arith.constant 400 : index
      %get3A_398 = tpu.vector_load %arg5[%get3A_396, %get3A_397] {strides = array<i32>} : memref<32x1024xf32, #tpu.memory_space<vmem>>, vector<1x16xf32>,
      %get3A_399 = vector.shape_cast %get3A_398 : vector<1x16xf32> to vector<16xf32>
      %get3A_400 = arith.index_cast %scan3A_46 : i32 to index
      %get3A_401 = arith.constant 400 : index
      %get3A_402 = tpu.vector_load %arg6[%get3A_400, %get3A_401] {strides = array<i32>} : memref<32x1024xf32, #tpu.memory_space<vmem>>, vector<1x16xf32>,
      %get3A_403 = vector.shape_cast %get3A_402 : vector<1x16xf32> to vector<16xf32>
      %add3A_404 = arith.addf %get3A_399, %get3A_403 : vector<16xf32>
      %swap3A_405 = arith.index_cast %scan3A_46 : i32 to index
      %swap3A_406 = arith.constant 400 : index
      %swap3A_407 = tpu.vector_load %arg5[%swap3A_405, %swap3A_406] {strides = array<i32>} : memref<32x1024xf32, #tpu.memory_space<vmem>>, vector<1x16xf32>,
      %swap3A_408 = vector.shape_cast %swap3A_407 : vector<1x16xf32> to vector<16xf32>
      %swap3A_409 = vector.shape_cast %add3A_404 : vector<16xf32> to vector<1x16xf32>
      tpu.vector_store %arg5[%swap3A_405, %swap3A_406], %swap3A_409 {strides = array<i32>} : memref<32x1024xf32, #tpu.memory_space<vmem>>, vector<1x16xf32>,
      %get3A_410 = arith.index_cast %scan3A_46 : i32 to index
      %get3A_411 = arith.constant 416 : index
      %get3A_412 = tpu.vector_load %arg5[%get3A_410, %get3A_411] {strides = array<i32>} : memref<32x1024xf32, #tpu.memory_space<vmem>>, vector<1x16xf32>,
      %get3A_413 = vector.shape_cast %get3A_412 : vector<1x16xf32> to vector<16xf32>
      %get3A_414 = arith.index_cast %scan3A_46 : i32 to index
      %get3A_415 = arith.constant 416 : index
      %get3A_416 = tpu.vector_load %arg6[%get3A_414, %get3A_415] {strides = array<i32>} : memref<32x1024xf32, #tpu.memory_space<vmem>>, vector<1x16xf32>,
      %get3A_417 = vector.shape_cast %get3A_416 : vector<1x16xf32> to vector<16xf32>
      %add3A_418 = arith.addf %get3A_413, %get3A_417 : vector<16xf32>
      %swap3A_419 = arith.index_cast %scan3A_46 : i32 to index
      %swap3A_420 = arith.constant 416 : index
      %swap3A_421 = tpu.vector_load %arg5[%swap3A_419, %swap3A_420] {strides = array<i32>} : memref<32x1024xf32, #tpu.memory_space<vmem>>, vector<1x16xf32>,
      %swap3A_422 = vector.shape_cast %swap3A_421 : vector<1x16xf32> to vector<16xf32>
      %swap3A_423 = vector.shape_cast %add3A_418 : vector<16xf32> to vector<1x16xf32>
      tpu.vector_store %arg5[%swap3A_419, %swap3A_420], %swap3A_423 {strides = array<i32>} : memref<32x1024xf32, #tpu.memory_space<vmem>>, vector<1x16xf32>,
      %get3A_424 = arith.index_cast %scan3A_46 : i32 to index
      %get3A_425 = arith.constant 432 : index
      %get3A_426 = tpu.vector_load %arg5[%get3A_424, %get3A_425] {strides = array<i32>} : memref<32x1024xf32, #tpu.memory_space<vmem>>, vector<1x16xf32>,
      %get3A_427 = vector.shape_cast %get3A_426 : vector<1x16xf32> to vector<16xf32>
      %get3A_428 = arith.index_cast %scan3A_46 : i32 to index
      %get3A_429 = arith.constant 432 : index
      %get3A_430 = tpu.vector_load %arg6[%get3A_428, %get3A_429] {strides = array<i32>} : memref<32x1024xf32, #tpu.memory_space<vmem>>, vector<1x16xf32>,
      %get3A_431 = vector.shape_cast %get3A_430 : vector<1x16xf32> to vector<16xf32>
      %add3A_432 = arith.addf %get3A_427, %get3A_431 : vector<16xf32>
      %swap3A_433 = arith.index_cast %scan3A_46 : i32 to index
      %swap3A_434 = arith.constant 432 : index
      %swap3A_435 = tpu.vector_load %arg5[%swap3A_433, %swap3A_434] {strides = array<i32>} : memref<32x1024xf32, #tpu.memory_space<vmem>>, vector<1x16xf32>,
      %swap3A_436 = vector.shape_cast %swap3A_435 : vector<1x16xf32> to vector<16xf32>
      %swap3A_437 = vector.shape_cast %add3A_432 : vector<16xf32> to vector<1x16xf32>
      tpu.vector_store %arg5[%swap3A_433, %swap3A_434], %swap3A_437 {strides = array<i32>} : memref<32x1024xf32, #tpu.memory_space<vmem>>, vector<1x16xf32>,
      %get3A_438 = arith.index_cast %scan3A_46 : i32 to index
      %get3A_439 = arith.constant 448 : index
      %get3A_440 = tpu.vector_load %arg5[%get3A_438, %get3A_439] {strides = array<i32>} : memref<32x1024xf32, #tpu.memory_space<vmem>>, vector<1x16xf32>,
      %get3A_441 = vector.shape_cast %get3A_440 : vector<1x16xf32> to vector<16xf32>
      %get3A_442 = arith.index_cast %scan3A_46 : i32 to index
      %get3A_443 = arith.constant 448 : index
      %get3A_444 = tpu.vector_load %arg6[%get3A_442, %get3A_443] {strides = array<i32>} : memref<32x1024xf32, #tpu.memory_space<vmem>>, vector<1x16xf32>,
      %get3A_445 = vector.shape_cast %get3A_444 : vector<1x16xf32> to vector<16xf32>
      %add3A_446 = arith.addf %get3A_441, %get3A_445 : vector<16xf32>
      %swap3A_447 = arith.index_cast %scan3A_46 : i32 to index
      %swap3A_448 = arith.constant 448 : index
      %swap3A_449 = tpu.vector_load %arg5[%swap3A_447, %swap3A_448] {strides = array<i32>} : memref<32x1024xf32, #tpu.memory_space<vmem>>, vector<1x16xf32>,
      %swap3A_450 = vector.shape_cast %swap3A_449 : vector<1x16xf32> to vector<16xf32>
      %swap3A_451 = vector.shape_cast %add3A_446 : vector<16xf32> to vector<1x16xf32>
      tpu.vector_store %arg5[%swap3A_447, %swap3A_448], %swap3A_451 {strides = array<i32>} : memref<32x1024xf32, #tpu.memory_space<vmem>>, vector<1x16xf32>,
      %get3A_452 = arith.index_cast %scan3A_46 : i32 to index
      %get3A_453 = arith.constant 464 : index
      %get3A_454 = tpu.vector_load %arg5[%get3A_452, %get3A_453] {strides = array<i32>} : memref<32x1024xf32, #tpu.memory_space<vmem>>, vector<1x16xf32>,
      %get3A_455 = vector.shape_cast %get3A_454 : vector<1x16xf32> to vector<16xf32>
      %get3A_456 = arith.index_cast %scan3A_46 : i32 to index
      %get3A_457 = arith.constant 464 : index
      %get3A_458 = tpu.vector_load %arg6[%get3A_456, %get3A_457] {strides = array<i32>} : memref<32x1024xf32, #tpu.memory_space<vmem>>, vector<1x16xf32>,
      %get3A_459 = vector.shape_cast %get3A_458 : vector<1x16xf32> to vector<16xf32>
      %add3A_460 = arith.addf %get3A_455, %get3A_459 : vector<16xf32>
      %swap3A_461 = arith.index_cast %scan3A_46 : i32 to index
      %swap3A_462 = arith.constant 464 : index
      %swap3A_463 = tpu.vector_load %arg5[%swap3A_461, %swap3A_462] {strides = array<i32>} : memref<32x1024xf32, #tpu.memory_space<vmem>>, vector<1x16xf32>,
      %swap3A_464 = vector.shape_cast %swap3A_463 : vector<1x16xf32> to vector<16xf32>
      %swap3A_465 = vector.shape_cast %add3A_460 : vector<16xf32> to vector<1x16xf32>
      tpu.vector_store %arg5[%swap3A_461, %swap3A_462], %swap3A_465 {strides = array<i32>} : memref<32x1024xf32, #tpu.memory_space<vmem>>, vector<1x16xf32>,
      %get3A_466 = arith.index_cast %scan3A_46 : i32 to index
      %get3A_467 = arith.constant 480 : index
      %get3A_468 = tpu.vector_load %arg5[%get3A_466, %get3A_467] {strides = array<i32>} : memref<32x1024xf32, #tpu.memory_space<vmem>>, vector<1x16xf32>,
      %get3A_469 = vector.shape_cast %get3A_468 : vector<1x16xf32> to vector<16xf32>
      %get3A_470 = arith.index_cast %scan3A_46 : i32 to index
      %get3A_471 = arith.constant 480 : index
      %get3A_472 = tpu.vector_load %arg6[%get3A_470, %get3A_471] {strides = array<i32>} : memref<32x1024xf32, #tpu.memory_space<vmem>>, vector<1x16xf32>,
      %get3A_473 = vector.shape_cast %get3A_472 : vector<1x16xf32> to vector<16xf32>
      %add3A_474 = arith.addf %get3A_469, %get3A_473 : vector<16xf32>
      %swap3A_475 = arith.index_cast %scan3A_46 : i32 to index
      %swap3A_476 = arith.constant 480 : index
      %swap3A_477 = tpu.vector_load %arg5[%swap3A_475, %swap3A_476] {strides = array<i32>} : memref<32x1024xf32, #tpu.memory_space<vmem>>, vector<1x16xf32>,
      %swap3A_478 = vector.shape_cast %swap3A_477 : vector<1x16xf32> to vector<16xf32>
      %swap3A_479 = vector.shape_cast %add3A_474 : vector<16xf32> to vector<1x16xf32>
      tpu.vector_store %arg5[%swap3A_475, %swap3A_476], %swap3A_479 {strides = array<i32>} : memref<32x1024xf32, #tpu.memory_space<vmem>>, vector<1x16xf32>,
      %get3A_480 = arith.index_cast %scan3A_46 : i32 to index
      %get3A_481 = arith.constant 496 : index
      %get3A_482 = tpu.vector_load %arg5[%get3A_480, %get3A_481] {strides = array<i32>} : memref<32x1024xf32, #tpu.memory_space<vmem>>, vector<1x16xf32>,
      %get3A_483 = vector.shape_cast %get3A_482 : vector<1x16xf32> to vector<16xf32>
      %get3A_484 = arith.index_cast %scan3A_46 : i32 to index
      %get3A_485 = arith.constant 496 : index
      %get3A_486 = tpu.vector_load %arg6[%get3A_484, %get3A_485] {strides = array<i32>} : memref<32x1024xf32, #tpu.memory_space<vmem>>, vector<1x16xf32>,
      %get3A_487 = vector.shape_cast %get3A_486 : vector<1x16xf32> to vector<16xf32>
      %add3A_488 = arith.addf %get3A_483, %get3A_487 : vector<16xf32>
      %swap3A_489 = arith.index_cast %scan3A_46 : i32 to index
      %swap3A_490 = arith.constant 496 : index
      %swap3A_491 = tpu.vector_load %arg5[%swap3A_489, %swap3A_490] {strides = array<i32>} : memref<32x1024xf32, #tpu.memory_space<vmem>>, vector<1x16xf32>,
      %swap3A_492 = vector.shape_cast %swap3A_491 : vector<1x16xf32> to vector<16xf32>
      %swap3A_493 = vector.shape_cast %add3A_488 : vector<16xf32> to vector<1x16xf32>
      tpu.vector_store %arg5[%swap3A_489, %swap3A_490], %swap3A_493 {strides = array<i32>} : memref<32x1024xf32, #tpu.memory_space<vmem>>, vector<1x16xf32>,
      %get3A_494 = arith.index_cast %scan3A_46 : i32 to index
      %get3A_495 = arith.constant 512 : index
      %get3A_496 = tpu.vector_load %arg5[%get3A_494, %get3A_495] {strides = array<i32>} : memref<32x1024xf32, #tpu.memory_space<vmem>>, vector<1x16xf32>,
      %get3A_497 = vector.shape_cast %get3A_496 : vector<1x16xf32> to vector<16xf32>
      %get3A_498 = arith.index_cast %scan3A_46 : i32 to index
      %get3A_499 = arith.constant 512 : index
      %get3A_500 = tpu.vector_load %arg6[%get3A_498, %get3A_499] {strides = array<i32>} : memref<32x1024xf32, #tpu.memory_space<vmem>>, vector<1x16xf32>,
      %get3A_501 = vector.shape_cast %get3A_500 : vector<1x16xf32> to vector<16xf32>
      %add3A_502 = arith.addf %get3A_497, %get3A_501 : vector<16xf32>
      %swap3A_503 = arith.index_cast %scan3A_46 : i32 to index
      %swap3A_504 = arith.constant 512 : index
      %swap3A_505 = tpu.vector_load %arg5[%swap3A_503, %swap3A_504] {strides = array<i32>} : memref<32x1024xf32, #tpu.memory_space<vmem>>, vector<1x16xf32>,
      %swap3A_506 = vector.shape_cast %swap3A_505 : vector<1x16xf32> to vector<16xf32>
      %swap3A_507 = vector.shape_cast %add3A_502 : vector<16xf32> to vector<1x16xf32>
      tpu.vector_store %arg5[%swap3A_503, %swap3A_504], %swap3A_507 {strides = array<i32>} : memref<32x1024xf32, #tpu.memory_space<vmem>>, vector<1x16xf32>,
      %get3A_508 = arith.index_cast %scan3A_46 : i32 to index
      %get3A_509 = arith.constant 528 : index
      %get3A_510 = tpu.vector_load %arg5[%get3A_508, %get3A_509] {strides = array<i32>} : memref<32x1024xf32, #tpu.memory_space<vmem>>, vector<1x16xf32>,
      %get3A_511 = vector.shape_cast %get3A_510 : vector<1x16xf32> to vector<16xf32>
      %get3A_512 = arith.index_cast %scan3A_46 : i32 to index
      %get3A_513 = arith.constant 528 : index
      %get3A_514 = tpu.vector_load %arg6[%get3A_512, %get3A_513] {strides = array<i32>} : memref<32x1024xf32, #tpu.memory_space<vmem>>, vector<1x16xf32>,
      %get3A_515 = vector.shape_cast %get3A_514 : vector<1x16xf32> to vector<16xf32>
      %add3A_516 = arith.addf %get3A_511, %get3A_515 : vector<16xf32>
      %swap3A_517 = arith.index_cast %scan3A_46 : i32 to index
      %swap3A_518 = arith.constant 528 : index
      %swap3A_519 = tpu.vector_load %arg5[%swap3A_517, %swap3A_518] {strides = array<i32>} : memref<32x1024xf32, #tpu.memory_space<vmem>>, vector<1x16xf32>,
      %swap3A_520 = vector.shape_cast %swap3A_519 : vector<1x16xf32> to vector<16xf32>
      %swap3A_521 = vector.shape_cast %add3A_516 : vector<16xf32> to vector<1x16xf32>
      tpu.vector_store %arg5[%swap3A_517, %swap3A_518], %swap3A_521 {strides = array<i32>} : memref<32x1024xf32, #tpu.memory_space<vmem>>, vector<1x16xf32>,
      %get3A_522 = arith.index_cast %scan3A_46 : i32 to index
      %get3A_523 = arith.constant 544 : index
      %get3A_524 = tpu.vector_load %arg5[%get3A_522, %get3A_523] {strides = array<i32>} : memref<32x1024xf32, #tpu.memory_space<vmem>>, vector<1x16xf32>,
      %get3A_525 = vector.shape_cast %get3A_524 : vector<1x16xf32> to vector<16xf32>
      %get3A_526 = arith.index_cast %scan3A_46 : i32 to index
      %get3A_527 = arith.constant 544 : index
      %get3A_528 = tpu.vector_load %arg6[%get3A_526, %get3A_527] {strides = array<i32>} : memref<32x1024xf32, #tpu.memory_space<vmem>>, vector<1x16xf32>,
      %get3A_529 = vector.shape_cast %get3A_528 : vector<1x16xf32> to vector<16xf32>
      %add3A_530 = arith.addf %get3A_525, %get3A_529 : vector<16xf32>
      %swap3A_531 = arith.index_cast %scan3A_46 : i32 to index
      %swap3A_532 = arith.constant 544 : index
      %swap3A_533 = tpu.vector_load %arg5[%swap3A_531, %swap3A_532] {strides = array<i32>} : memref<32x1024xf32, #tpu.memory_space<vmem>>, vector<1x16xf32>,
      %swap3A_534 = vector.shape_cast %swap3A_533 : vector<1x16xf32> to vector<16xf32>
      %swap3A_535 = vector.shape_cast %add3A_530 : vector<16xf32> to vector<1x16xf32>
      tpu.vector_store %arg5[%swap3A_531, %swap3A_532], %swap3A_535 {strides = array<i32>} : memref<32x1024xf32, #tpu.memory_space<vmem>>, vector<1x16xf32>,
      %get3A_536 = arith.index_cast %scan3A_46 : i32 to index
      %get3A_537 = arith.constant 560 : index
      %get3A_538 = tpu.vector_load %arg5[%get3A_536, %get3A_537] {strides = array<i32>} : memref<32x1024xf32, #tpu.memory_space<vmem>>, vector<1x16xf32>,
      %get3A_539 = vector.shape_cast %get3A_538 : vector<1x16xf32> to vector<16xf32>
      %get3A_540 = arith.index_cast %scan3A_46 : i32 to index
      %get3A_541 = arith.constant 560 : index
      %get3A_542 = tpu.vector_load %arg6[%get3A_540, %get3A_541] {strides = array<i32>} : memref<32x1024xf32, #tpu.memory_space<vmem>>, vector<1x16xf32>,
      %get3A_543 = vector.shape_cast %get3A_542 : vector<1x16xf32> to vector<16xf32>
      %add3A_544 = arith.addf %get3A_539, %get3A_543 : vector<16xf32>
      %swap3A_545 = arith.index_cast %scan3A_46 : i32 to index
      %swap3A_546 = arith.constant 560 : index
      %swap3A_547 = tpu.vector_load %arg5[%swap3A_545, %swap3A_546] {strides = array<i32>} : memref<32x1024xf32, #tpu.memory_space<vmem>>, vector<1x16xf32>,
      %swap3A_548 = vector.shape_cast %swap3A_547 : vector<1x16xf32> to vector<16xf32>
      %swap3A_549 = vector.shape_cast %add3A_544 : vector<16xf32> to vector<1x16xf32>
      tpu.vector_store %arg5[%swap3A_545, %swap3A_546], %swap3A_549 {strides = array<i32>} : memref<32x1024xf32, #tpu.memory_space<vmem>>, vector<1x16xf32>,
      %get3A_550 = arith.index_cast %scan3A_46 : i32 to index
      %get3A_551 = arith.constant 576 : index
      %get3A_552 = tpu.vector_load %arg5[%get3A_550, %get3A_551] {strides = array<i32>} : memref<32x1024xf32, #tpu.memory_space<vmem>>, vector<1x16xf32>,
      %get3A_553 = vector.shape_cast %get3A_552 : vector<1x16xf32> to vector<16xf32>
      %get3A_554 = arith.index_cast %scan3A_46 : i32 to index
      %get3A_555 = arith.constant 576 : index
      %get3A_556 = tpu.vector_load %arg6[%get3A_554, %get3A_555] {strides = array<i32>} : memref<32x1024xf32, #tpu.memory_space<vmem>>, vector<1x16xf32>,
      %get3A_557 = vector.shape_cast %get3A_556 : vector<1x16xf32> to vector<16xf32>
      %add3A_558 = arith.addf %get3A_553, %get3A_557 : vector<16xf32>
      %swap3A_559 = arith.index_cast %scan3A_46 : i32 to index
      %swap3A_560 = arith.constant 576 : index
      %swap3A_561 = tpu.vector_load %arg5[%swap3A_559, %swap3A_560] {strides = array<i32>} : memref<32x1024xf32, #tpu.memory_space<vmem>>, vector<1x16xf32>,
      %swap3A_562 = vector.shape_cast %swap3A_561 : vector<1x16xf32> to vector<16xf32>
      %swap3A_563 = vector.shape_cast %add3A_558 : vector<16xf32> to vector<1x16xf32>
      tpu.vector_store %arg5[%swap3A_559, %swap3A_560], %swap3A_563 {strides = array<i32>} : memref<32x1024xf32, #tpu.memory_space<vmem>>, vector<1x16xf32>,
      %get3A_564 = arith.index_cast %scan3A_46 : i32 to index
      %get3A_565 = arith.constant 592 : index
      %get3A_566 = tpu.vector_load %arg5[%get3A_564, %get3A_565] {strides = array<i32>} : memref<32x1024xf32, #tpu.memory_space<vmem>>, vector<1x16xf32>,
      %get3A_567 = vector.shape_cast %get3A_566 : vector<1x16xf32> to vector<16xf32>
      %get3A_568 = arith.index_cast %scan3A_46 : i32 to index
      %get3A_569 = arith.constant 592 : index
      %get3A_570 = tpu.vector_load %arg6[%get3A_568, %get3A_569] {strides = array<i32>} : memref<32x1024xf32, #tpu.memory_space<vmem>>, vector<1x16xf32>,
      %get3A_571 = vector.shape_cast %get3A_570 : vector<1x16xf32> to vector<16xf32>
      %add3A_572 = arith.addf %get3A_567, %get3A_571 : vector<16xf32>
      %swap3A_573 = arith.index_cast %scan3A_46 : i32 to index
      %swap3A_574 = arith.constant 592 : index
      %swap3A_575 = tpu.vector_load %arg5[%swap3A_573, %swap3A_574] {strides = array<i32>} : memref<32x1024xf32, #tpu.memory_space<vmem>>, vector<1x16xf32>,
      %swap3A_576 = vector.shape_cast %swap3A_575 : vector<1x16xf32> to vector<16xf32>
      %swap3A_577 = vector.shape_cast %add3A_572 : vector<16xf32> to vector<1x16xf32>
      tpu.vector_store %arg5[%swap3A_573, %swap3A_574], %swap3A_577 {strides = array<i32>} : memref<32x1024xf32, #tpu.memory_space<vmem>>, vector<1x16xf32>,
      %get3A_578 = arith.index_cast %scan3A_46 : i32 to index
      %get3A_579 = arith.constant 608 : index
      %get3A_580 = tpu.vector_load %arg5[%get3A_578, %get3A_579] {strides = array<i32>} : memref<32x1024xf32, #tpu.memory_space<vmem>>, vector<1x16xf32>,
      %get3A_581 = vector.shape_cast %get3A_580 : vector<1x16xf32> to vector<16xf32>
      %get3A_582 = arith.index_cast %scan3A_46 : i32 to index
      %get3A_583 = arith.constant 608 : index
      %get3A_584 = tpu.vector_load %arg6[%get3A_582, %get3A_583] {strides = array<i32>} : memref<32x1024xf32, #tpu.memory_space<vmem>>, vector<1x16xf32>,
      %get3A_585 = vector.shape_cast %get3A_584 : vector<1x16xf32> to vector<16xf32>
      %add3A_586 = arith.addf %get3A_581, %get3A_585 : vector<16xf32>
      %swap3A_587 = arith.index_cast %scan3A_46 : i32 to index
      %swap3A_588 = arith.constant 608 : index
      %swap3A_589 = tpu.vector_load %arg5[%swap3A_587, %swap3A_588] {strides = array<i32>} : memref<32x1024xf32, #tpu.memory_space<vmem>>, vector<1x16xf32>,
      %swap3A_590 = vector.shape_cast %swap3A_589 : vector<1x16xf32> to vector<16xf32>
      %swap3A_591 = vector.shape_cast %add3A_586 : vector<16xf32> to vector<1x16xf32>
      tpu.vector_store %arg5[%swap3A_587, %swap3A_588], %swap3A_591 {strides = array<i32>} : memref<32x1024xf32, #tpu.memory_space<vmem>>, vector<1x16xf32>,
      %get3A_592 = arith.index_cast %scan3A_46 : i32 to index
      %get3A_593 = arith.constant 624 : index
      %get3A_594 = tpu.vector_load %arg5[%get3A_592, %get3A_593] {strides = array<i32>} : memref<32x1024xf32, #tpu.memory_space<vmem>>, vector<1x16xf32>,
      %get3A_595 = vector.shape_cast %get3A_594 : vector<1x16xf32> to vector<16xf32>
      %get3A_596 = arith.index_cast %scan3A_46 : i32 to index
      %get3A_597 = arith.constant 624 : index
      %get3A_598 = tpu.vector_load %arg6[%get3A_596, %get3A_597] {strides = array<i32>} : memref<32x1024xf32, #tpu.memory_space<vmem>>, vector<1x16xf32>,
      %get3A_599 = vector.shape_cast %get3A_598 : vector<1x16xf32> to vector<16xf32>
      %add3A_600 = arith.addf %get3A_595, %get3A_599 : vector<16xf32>
      %swap3A_601 = arith.index_cast %scan3A_46 : i32 to index
      %swap3A_602 = arith.constant 624 : index
      %swap3A_603 = tpu.vector_load %arg5[%swap3A_601, %swap3A_602] {strides = array<i32>} : memref<32x1024xf32, #tpu.memory_space<vmem>>, vector<1x16xf32>,
      %swap3A_604 = vector.shape_cast %swap3A_603 : vector<1x16xf32> to vector<16xf32>
      %swap3A_605 = vector.shape_cast %add3A_600 : vector<16xf32> to vector<1x16xf32>
      tpu.vector_store %arg5[%swap3A_601, %swap3A_602], %swap3A_605 {strides = array<i32>} : memref<32x1024xf32, #tpu.memory_space<vmem>>, vector<1x16xf32>,
      %get3A_606 = arith.index_cast %scan3A_46 : i32 to index
      %get3A_607 = arith.constant 640 : index
      %get3A_608 = tpu.vector_load %arg5[%get3A_606, %get3A_607] {strides = array<i32>} : memref<32x1024xf32, #tpu.memory_space<vmem>>, vector<1x16xf32>,
      %get3A_609 = vector.shape_cast %get3A_608 : vector<1x16xf32> to vector<16xf32>
      %get3A_610 = arith.index_cast %scan3A_46 : i32 to index
      %get3A_611 = arith.constant 640 : index
      %get3A_612 = tpu.vector_load %arg6[%get3A_610, %get3A_611] {strides = array<i32>} : memref<32x1024xf32, #tpu.memory_space<vmem>>, vector<1x16xf32>,
      %get3A_613 = vector.shape_cast %get3A_612 : vector<1x16xf32> to vector<16xf32>
      %add3A_614 = arith.addf %get3A_609, %get3A_613 : vector<16xf32>
      %swap3A_615 = arith.index_cast %scan3A_46 : i32 to index
      %swap3A_616 = arith.constant 640 : index
      %swap3A_617 = tpu.vector_load %arg5[%swap3A_615, %swap3A_616] {strides = array<i32>} : memref<32x1024xf32, #tpu.memory_space<vmem>>, vector<1x16xf32>,
      %swap3A_618 = vector.shape_cast %swap3A_617 : vector<1x16xf32> to vector<16xf32>
      %swap3A_619 = vector.shape_cast %add3A_614 : vector<16xf32> to vector<1x16xf32>
      tpu.vector_store %arg5[%swap3A_615, %swap3A_616], %swap3A_619 {strides = array<i32>} : memref<32x1024xf32, #tpu.memory_space<vmem>>, vector<1x16xf32>,
      %get3A_620 = arith.index_cast %scan3A_46 : i32 to index
      %get3A_621 = arith.constant 656 : index
      %get3A_622 = tpu.vector_load %arg5[%get3A_620, %get3A_621] {strides = array<i32>} : memref<32x1024xf32, #tpu.memory_space<vmem>>, vector<1x16xf32>,
      %get3A_623 = vector.shape_cast %get3A_622 : vector<1x16xf32> to vector<16xf32>
      %get3A_624 = arith.index_cast %scan3A_46 : i32 to index
      %get3A_625 = arith.constant 656 : index
      %get3A_626 = tpu.vector_load %arg6[%get3A_624, %get3A_625] {strides = array<i32>} : memref<32x1024xf32, #tpu.memory_space<vmem>>, vector<1x16xf32>,
      %get3A_627 = vector.shape_cast %get3A_626 : vector<1x16xf32> to vector<16xf32>
      %add3A_628 = arith.addf %get3A_623, %get3A_627 : vector<16xf32>
      %swap3A_629 = arith.index_cast %scan3A_46 : i32 to index
      %swap3A_630 = arith.constant 656 : index
      %swap3A_631 = tpu.vector_load %arg5[%swap3A_629, %swap3A_630] {strides = array<i32>} : memref<32x1024xf32, #tpu.memory_space<vmem>>, vector<1x16xf32>,
      %swap3A_632 = vector.shape_cast %swap3A_631 : vector<1x16xf32> to vector<16xf32>
      %swap3A_633 = vector.shape_cast %add3A_628 : vector<16xf32> to vector<1x16xf32>
      tpu.vector_store %arg5[%swap3A_629, %swap3A_630], %swap3A_633 {strides = array<i32>} : memref<32x1024xf32, #tpu.memory_space<vmem>>, vector<1x16xf32>,
      %get3A_634 = arith.index_cast %scan3A_46 : i32 to index
      %get3A_635 = arith.constant 672 : index
      %get3A_636 = tpu.vector_load %arg5[%get3A_634, %get3A_635] {strides = array<i32>} : memref<32x1024xf32, #tpu.memory_space<vmem>>, vector<1x16xf32>,
      %get3A_637 = vector.shape_cast %get3A_636 : vector<1x16xf32> to vector<16xf32>
      %get3A_638 = arith.index_cast %scan3A_46 : i32 to index
      %get3A_639 = arith.constant 672 : index
      %get3A_640 = tpu.vector_load %arg6[%get3A_638, %get3A_639] {strides = array<i32>} : memref<32x1024xf32, #tpu.memory_space<vmem>>, vector<1x16xf32>,
      %get3A_641 = vector.shape_cast %get3A_640 : vector<1x16xf32> to vector<16xf32>
      %add3A_642 = arith.addf %get3A_637, %get3A_641 : vector<16xf32>
      %swap3A_643 = arith.index_cast %scan3A_46 : i32 to index
      %swap3A_644 = arith.constant 672 : index
      %swap3A_645 = tpu.vector_load %arg5[%swap3A_643, %swap3A_644] {strides = array<i32>} : memref<32x1024xf32, #tpu.memory_space<vmem>>, vector<1x16xf32>,
      %swap3A_646 = vector.shape_cast %swap3A_645 : vector<1x16xf32> to vector<16xf32>
      %swap3A_647 = vector.shape_cast %add3A_642 : vector<16xf32> to vector<1x16xf32>
      tpu.vector_store %arg5[%swap3A_643, %swap3A_644], %swap3A_647 {strides = array<i32>} : memref<32x1024xf32, #tpu.memory_space<vmem>>, vector<1x16xf32>,
      %get3A_648 = arith.index_cast %scan3A_46 : i32 to index
      %get3A_649 = arith.constant 688 : index
      %get3A_650 = tpu.vector_load %arg5[%get3A_648, %get3A_649] {strides = array<i32>} : memref<32x1024xf32, #tpu.memory_space<vmem>>, vector<1x16xf32>,
      %get3A_651 = vector.shape_cast %get3A_650 : vector<1x16xf32> to vector<16xf32>
      %get3A_652 = arith.index_cast %scan3A_46 : i32 to index
      %get3A_653 = arith.constant 688 : index
      %get3A_654 = tpu.vector_load %arg6[%get3A_652, %get3A_653] {strides = array<i32>} : memref<32x1024xf32, #tpu.memory_space<vmem>>, vector<1x16xf32>,
      %get3A_655 = vector.shape_cast %get3A_654 : vector<1x16xf32> to vector<16xf32>
      %add3A_656 = arith.addf %get3A_651, %get3A_655 : vector<16xf32>
      %swap3A_657 = arith.index_cast %scan3A_46 : i32 to index
      %swap3A_658 = arith.constant 688 : index
      %swap3A_659 = tpu.vector_load %arg5[%swap3A_657, %swap3A_658] {strides = array<i32>} : memref<32x1024xf32, #tpu.memory_space<vmem>>, vector<1x16xf32>,
      %swap3A_660 = vector.shape_cast %swap3A_659 : vector<1x16xf32> to vector<16xf32>
      %swap3A_661 = vector.shape_cast %add3A_656 : vector<16xf32> to vector<1x16xf32>
      tpu.vector_store %arg5[%swap3A_657, %swap3A_658], %swap3A_661 {strides = array<i32>} : memref<32x1024xf32, #tpu.memory_space<vmem>>, vector<1x16xf32>,
      %get3A_662 = arith.index_cast %scan3A_46 : i32 to index
      %get3A_663 = arith.constant 704 : index
      %get3A_664 = tpu.vector_load %arg5[%get3A_662, %get3A_663] {strides = array<i32>} : memref<32x1024xf32, #tpu.memory_space<vmem>>, vector<1x16xf32>,
      %get3A_665 = vector.shape_cast %get3A_664 : vector<1x16xf32> to vector<16xf32>
      %get3A_666 = arith.index_cast %scan3A_46 : i32 to index
      %get3A_667 = arith.constant 704 : index
      %get3A_668 = tpu.vector_load %arg6[%get3A_666, %get3A_667] {strides = array<i32>} : memref<32x1024xf32, #tpu.memory_space<vmem>>, vector<1x16xf32>,
      %get3A_669 = vector.shape_cast %get3A_668 : vector<1x16xf32> to vector<16xf32>
      %add3A_670 = arith.addf %get3A_665, %get3A_669 : vector<16xf32>
      %swap3A_671 = arith.index_cast %scan3A_46 : i32 to index
      %swap3A_672 = arith.constant 704 : index
      %swap3A_673 = tpu.vector_load %arg5[%swap3A_671, %swap3A_672] {strides = array<i32>} : memref<32x1024xf32, #tpu.memory_space<vmem>>, vector<1x16xf32>,
      %swap3A_674 = vector.shape_cast %swap3A_673 : vector<1x16xf32> to vector<16xf32>
      %swap3A_675 = vector.shape_cast %add3A_670 : vector<16xf32> to vector<1x16xf32>
      tpu.vector_store %arg5[%swap3A_671, %swap3A_672], %swap3A_675 {strides = array<i32>} : memref<32x1024xf32, #tpu.memory_space<vmem>>, vector<1x16xf32>,
      %get3A_676 = arith.index_cast %scan3A_46 : i32 to index
      %get3A_677 = arith.constant 720 : index
      %get3A_678 = tpu.vector_load %arg5[%get3A_676, %get3A_677] {strides = array<i32>} : memref<32x1024xf32, #tpu.memory_space<vmem>>, vector<1x16xf32>,
      %get3A_679 = vector.shape_cast %get3A_678 : vector<1x16xf32> to vector<16xf32>
      %get3A_680 = arith.index_cast %scan3A_46 : i32 to index
      %get3A_681 = arith.constant 720 : index
      %get3A_682 = tpu.vector_load %arg6[%get3A_680, %get3A_681] {strides = array<i32>} : memref<32x1024xf32, #tpu.memory_space<vmem>>, vector<1x16xf32>,
      %get3A_683 = vector.shape_cast %get3A_682 : vector<1x16xf32> to vector<16xf32>
      %add3A_684 = arith.addf %get3A_679, %get3A_683 : vector<16xf32>
      %swap3A_685 = arith.index_cast %scan3A_46 : i32 to index
      %swap3A_686 = arith.constant 720 : index
      %swap3A_687 = tpu.vector_load %arg5[%swap3A_685, %swap3A_686] {strides = array<i32>} : memref<32x1024xf32, #tpu.memory_space<vmem>>, vector<1x16xf32>,
      %swap3A_688 = vector.shape_cast %swap3A_687 : vector<1x16xf32> to vector<16xf32>
      %swap3A_689 = vector.shape_cast %add3A_684 : vector<16xf32> to vector<1x16xf32>
      tpu.vector_store %arg5[%swap3A_685, %swap3A_686], %swap3A_689 {strides = array<i32>} : memref<32x1024xf32, #tpu.memory_space<vmem>>, vector<1x16xf32>,
      %get3A_690 = arith.index_cast %scan3A_46 : i32 to index
      %get3A_691 = arith.constant 736 : index
      %get3A_692 = tpu.vector_load %arg5[%get3A_690, %get3A_691] {strides = array<i32>} : memref<32x1024xf32, #tpu.memory_space<vmem>>, vector<1x16xf32>,
      %get3A_693 = vector.shape_cast %get3A_692 : vector<1x16xf32> to vector<16xf32>
      %get3A_694 = arith.index_cast %scan3A_46 : i32 to index
      %get3A_695 = arith.constant 736 : index
      %get3A_696 = tpu.vector_load %arg6[%get3A_694, %get3A_695] {strides = array<i32>} : memref<32x1024xf32, #tpu.memory_space<vmem>>, vector<1x16xf32>,
      %get3A_697 = vector.shape_cast %get3A_696 : vector<1x16xf32> to vector<16xf32>
      %add3A_698 = arith.addf %get3A_693, %get3A_697 : vector<16xf32>
      %swap3A_699 = arith.index_cast %scan3A_46 : i32 to index
      %swap3A_700 = arith.constant 736 : index
      %swap3A_701 = tpu.vector_load %arg5[%swap3A_699, %swap3A_700] {strides = array<i32>} : memref<32x1024xf32, #tpu.memory_space<vmem>>, vector<1x16xf32>,
      %swap3A_702 = vector.shape_cast %swap3A_701 : vector<1x16xf32> to vector<16xf32>
      %swap3A_703 = vector.shape_cast %add3A_698 : vector<16xf32> to vector<1x16xf32>
      tpu.vector_store %arg5[%swap3A_699, %swap3A_700], %swap3A_703 {strides = array<i32>} : memref<32x1024xf32, #tpu.memory_space<vmem>>, vector<1x16xf32>,
      %get3A_704 = arith.index_cast %scan3A_46 : i32 to index
      %get3A_705 = arith.constant 752 : index
      %get3A_706 = tpu.vector_load %arg5[%get3A_704, %get3A_705] {strides = array<i32>} : memref<32x1024xf32, #tpu.memory_space<vmem>>, vector<1x16xf32>,
      %get3A_707 = vector.shape_cast %get3A_706 : vector<1x16xf32> to vector<16xf32>
      %get3A_708 = arith.index_cast %scan3A_46 : i32 to index
      %get3A_709 = arith.constant 752 : index
      %get3A_710 = tpu.vector_load %arg6[%get3A_708, %get3A_709] {strides = array<i32>} : memref<32x1024xf32, #tpu.memory_space<vmem>>, vector<1x16xf32>,
      %get3A_711 = vector.shape_cast %get3A_710 : vector<1x16xf32> to vector<16xf32>
      %add3A_712 = arith.addf %get3A_707, %get3A_711 : vector<16xf32>
      %swap3A_713 = arith.index_cast %scan3A_46 : i32 to index
      %swap3A_714 = arith.constant 752 : index
      %swap3A_715 = tpu.vector_load %arg5[%swap3A_713, %swap3A_714] {strides = array<i32>} : memref<32x1024xf32, #tpu.memory_space<vmem>>, vector<1x16xf32>,
      %swap3A_716 = vector.shape_cast %swap3A_715 : vector<1x16xf32> to vector<16xf32>
      %swap3A_717 = vector.shape_cast %add3A_712 : vector<16xf32> to vector<1x16xf32>
      tpu.vector_store %arg5[%swap3A_713, %swap3A_714], %swap3A_717 {strides = array<i32>} : memref<32x1024xf32, #tpu.memory_space<vmem>>, vector<1x16xf32>,
      %get3A_718 = arith.index_cast %scan3A_46 : i32 to index
      %get3A_719 = arith.constant 768 : index
      %get3A_720 = tpu.vector_load %arg5[%get3A_718, %get3A_719] {strides = array<i32>} : memref<32x1024xf32, #tpu.memory_space<vmem>>, vector<1x16xf32>,
      %get3A_721 = vector.shape_cast %get3A_720 : vector<1x16xf32> to vector<16xf32>
      %get3A_722 = arith.index_cast %scan3A_46 : i32 to index
      %get3A_723 = arith.constant 768 : index
      %get3A_724 = tpu.vector_load %arg6[%get3A_722, %get3A_723] {strides = array<i32>} : memref<32x1024xf32, #tpu.memory_space<vmem>>, vector<1x16xf32>,
      %get3A_725 = vector.shape_cast %get3A_724 : vector<1x16xf32> to vector<16xf32>
      %add3A_726 = arith.addf %get3A_721, %get3A_725 : vector<16xf32>
      %swap3A_727 = arith.index_cast %scan3A_46 : i32 to index
      %swap3A_728 = arith.constant 768 : index
      %swap3A_729 = tpu.vector_load %arg5[%swap3A_727, %swap3A_728] {strides = array<i32>} : memref<32x1024xf32, #tpu.memory_space<vmem>>, vector<1x16xf32>,
      %swap3A_730 = vector.shape_cast %swap3A_729 : vector<1x16xf32> to vector<16xf32>
      %swap3A_731 = vector.shape_cast %add3A_726 : vector<16xf32> to vector<1x16xf32>
      tpu.vector_store %arg5[%swap3A_727, %swap3A_728], %swap3A_731 {strides = array<i32>} : memref<32x1024xf32, #tpu.memory_space<vmem>>, vector<1x16xf32>,
      %get3A_732 = arith.index_cast %scan3A_46 : i32 to index
      %get3A_733 = arith.constant 784 : index
      %get3A_734 = tpu.vector_load %arg5[%get3A_732, %get3A_733] {strides = array<i32>} : memref<32x1024xf32, #tpu.memory_space<vmem>>, vector<1x16xf32>,
      %get3A_735 = vector.shape_cast %get3A_734 : vector<1x16xf32> to vector<16xf32>
      %get3A_736 = arith.index_cast %scan3A_46 : i32 to index
      %get3A_737 = arith.constant 784 : index
      %get3A_738 = tpu.vector_load %arg6[%get3A_736, %get3A_737] {strides = array<i32>} : memref<32x1024xf32, #tpu.memory_space<vmem>>, vector<1x16xf32>,
      %get3A_739 = vector.shape_cast %get3A_738 : vector<1x16xf32> to vector<16xf32>
      %add3A_740 = arith.addf %get3A_735, %get3A_739 : vector<16xf32>
      %swap3A_741 = arith.index_cast %scan3A_46 : i32 to index
      %swap3A_742 = arith.constant 784 : index
      %swap3A_743 = tpu.vector_load %arg5[%swap3A_741, %swap3A_742] {strides = array<i32>} : memref<32x1024xf32, #tpu.memory_space<vmem>>, vector<1x16xf32>,
      %swap3A_744 = vector.shape_cast %swap3A_743 : vector<1x16xf32> to vector<16xf32>
      %swap3A_745 = vector.shape_cast %add3A_740 : vector<16xf32> to vector<1x16xf32>
      tpu.vector_store %arg5[%swap3A_741, %swap3A_742], %swap3A_745 {strides = array<i32>} : memref<32x1024xf32, #tpu.memory_space<vmem>>, vector<1x16xf32>,
      %get3A_746 = arith.index_cast %scan3A_46 : i32 to index
      %get3A_747 = arith.constant 800 : index
      %get3A_748 = tpu.vector_load %arg5[%get3A_746, %get3A_747] {strides = array<i32>} : memref<32x1024xf32, #tpu.memory_space<vmem>>, vector<1x16xf32>,
      %get3A_749 = vector.shape_cast %get3A_748 : vector<1x16xf32> to vector<16xf32>
      %get3A_750 = arith.index_cast %scan3A_46 : i32 to index
      %get3A_751 = arith.constant 800 : index
      %get3A_752 = tpu.vector_load %arg6[%get3A_750, %get3A_751] {strides = array<i32>} : memref<32x1024xf32, #tpu.memory_space<vmem>>, vector<1x16xf32>,
      %get3A_753 = vector.shape_cast %get3A_752 : vector<1x16xf32> to vector<16xf32>
      %add3A_754 = arith.addf %get3A_749, %get3A_753 : vector<16xf32>
      %swap3A_755 = arith.index_cast %scan3A_46 : i32 to index
      %swap3A_756 = arith.constant 800 : index
      %swap3A_757 = tpu.vector_load %arg5[%swap3A_755, %swap3A_756] {strides = array<i32>} : memref<32x1024xf32, #tpu.memory_space<vmem>>, vector<1x16xf32>,
      %swap3A_758 = vector.shape_cast %swap3A_757 : vector<1x16xf32> to vector<16xf32>
      %swap3A_759 = vector.shape_cast %add3A_754 : vector<16xf32> to vector<1x16xf32>
      tpu.vector_store %arg5[%swap3A_755, %swap3A_756], %swap3A_759 {strides = array<i32>} : memref<32x1024xf32, #tpu.memory_space<vmem>>, vector<1x16xf32>,
      %get3A_760 = arith.index_cast %scan3A_46 : i32 to index
      %get3A_761 = arith.constant 816 : index
      %get3A_762 = tpu.vector_load %arg5[%get3A_760, %get3A_761] {strides = array<i32>} : memref<32x1024xf32, #tpu.memory_space<vmem>>, vector<1x16xf32>,
      %get3A_763 = vector.shape_cast %get3A_762 : vector<1x16xf32> to vector<16xf32>
      %get3A_764 = arith.index_cast %scan3A_46 : i32 to index
      %get3A_765 = arith.constant 816 : index
      %get3A_766 = tpu.vector_load %arg6[%get3A_764, %get3A_765] {strides = array<i32>} : memref<32x1024xf32, #tpu.memory_space<vmem>>, vector<1x16xf32>,
      %get3A_767 = vector.shape_cast %get3A_766 : vector<1x16xf32> to vector<16xf32>
      %add3A_768 = arith.addf %get3A_763, %get3A_767 : vector<16xf32>
      %swap3A_769 = arith.index_cast %scan3A_46 : i32 to index
      %swap3A_770 = arith.constant 816 : index
      %swap3A_771 = tpu.vector_load %arg5[%swap3A_769, %swap3A_770] {strides = array<i32>} : memref<32x1024xf32, #tpu.memory_space<vmem>>, vector<1x16xf32>,
      %swap3A_772 = vector.shape_cast %swap3A_771 : vector<1x16xf32> to vector<16xf32>
      %swap3A_773 = vector.shape_cast %add3A_768 : vector<16xf32> to vector<1x16xf32>
      tpu.vector_store %arg5[%swap3A_769, %swap3A_770], %swap3A_773 {strides = array<i32>} : memref<32x1024xf32, #tpu.memory_space<vmem>>, vector<1x16xf32>,
      %get3A_774 = arith.index_cast %scan3A_46 : i32 to index
      %get3A_775 = arith.constant 832 : index
      %get3A_776 = tpu.vector_load %arg5[%get3A_774, %get3A_775] {strides = array<i32>} : memref<32x1024xf32, #tpu.memory_space<vmem>>, vector<1x16xf32>,
      %get3A_777 = vector.shape_cast %get3A_776 : vector<1x16xf32> to vector<16xf32>
      %get3A_778 = arith.index_cast %scan3A_46 : i32 to index
      %get3A_779 = arith.constant 832 : index
      %get3A_780 = tpu.vector_load %arg6[%get3A_778, %get3A_779] {strides = array<i32>} : memref<32x1024xf32, #tpu.memory_space<vmem>>, vector<1x16xf32>,
      %get3A_781 = vector.shape_cast %get3A_780 : vector<1x16xf32> to vector<16xf32>
      %add3A_782 = arith.addf %get3A_777, %get3A_781 : vector<16xf32>
      %swap3A_783 = arith.index_cast %scan3A_46 : i32 to index
      %swap3A_784 = arith.constant 832 : index
      %swap3A_785 = tpu.vector_load %arg5[%swap3A_783, %swap3A_784] {strides = array<i32>} : memref<32x1024xf32, #tpu.memory_space<vmem>>, vector<1x16xf32>,
      %swap3A_786 = vector.shape_cast %swap3A_785 : vector<1x16xf32> to vector<16xf32>
      %swap3A_787 = vector.shape_cast %add3A_782 : vector<16xf32> to vector<1x16xf32>
      tpu.vector_store %arg5[%swap3A_783, %swap3A_784], %swap3A_787 {strides = array<i32>} : memref<32x1024xf32, #tpu.memory_space<vmem>>, vector<1x16xf32>,
      %get3A_788 = arith.index_cast %scan3A_46 : i32 to index
      %get3A_789 = arith.constant 848 : index
      %get3A_790 = tpu.vector_load %arg5[%get3A_788, %get3A_789] {strides = array<i32>} : memref<32x1024xf32, #tpu.memory_space<vmem>>, vector<1x16xf32>,
      %get3A_791 = vector.shape_cast %get3A_790 : vector<1x16xf32> to vector<16xf32>
      %get3A_792 = arith.index_cast %scan3A_46 : i32 to index
      %get3A_793 = arith.constant 848 : index
      %get3A_794 = tpu.vector_load %arg6[%get3A_792, %get3A_793] {strides = array<i32>} : memref<32x1024xf32, #tpu.memory_space<vmem>>, vector<1x16xf32>,
      %get3A_795 = vector.shape_cast %get3A_794 : vector<1x16xf32> to vector<16xf32>
      %add3A_796 = arith.addf %get3A_791, %get3A_795 : vector<16xf32>
      %swap3A_797 = arith.index_cast %scan3A_46 : i32 to index
      %swap3A_798 = arith.constant 848 : index
      %swap3A_799 = tpu.vector_load %arg5[%swap3A_797, %swap3A_798] {strides = array<i32>} : memref<32x1024xf32, #tpu.memory_space<vmem>>, vector<1x16xf32>,
      %swap3A_800 = vector.shape_cast %swap3A_799 : vector<1x16xf32> to vector<16xf32>
      %swap3A_801 = vector.shape_cast %add3A_796 : vector<16xf32> to vector<1x16xf32>
      tpu.vector_store %arg5[%swap3A_797, %swap3A_798], %swap3A_801 {strides = array<i32>} : memref<32x1024xf32, #tpu.memory_space<vmem>>, vector<1x16xf32>,
      %get3A_802 = arith.index_cast %scan3A_46 : i32 to index
      %get3A_803 = arith.constant 864 : index
      %get3A_804 = tpu.vector_load %arg5[%get3A_802, %get3A_803] {strides = array<i32>} : memref<32x1024xf32, #tpu.memory_space<vmem>>, vector<1x16xf32>,
      %get3A_805 = vector.shape_cast %get3A_804 : vector<1x16xf32> to vector<16xf32>
      %get3A_806 = arith.index_cast %scan3A_46 : i32 to index
      %get3A_807 = arith.constant 864 : index
      %get3A_808 = tpu.vector_load %arg6[%get3A_806, %get3A_807] {strides = array<i32>} : memref<32x1024xf32, #tpu.memory_space<vmem>>, vector<1x16xf32>,
      %get3A_809 = vector.shape_cast %get3A_808 : vector<1x16xf32> to vector<16xf32>
      %add3A_810 = arith.addf %get3A_805, %get3A_809 : vector<16xf32>
      %swap3A_811 = arith.index_cast %scan3A_46 : i32 to index
      %swap3A_812 = arith.constant 864 : index
      %swap3A_813 = tpu.vector_load %arg5[%swap3A_811, %swap3A_812] {strides = array<i32>} : memref<32x1024xf32, #tpu.memory_space<vmem>>, vector<1x16xf32>,
      %swap3A_814 = vector.shape_cast %swap3A_813 : vector<1x16xf32> to vector<16xf32>
      %swap3A_815 = vector.shape_cast %add3A_810 : vector<16xf32> to vector<1x16xf32>
      tpu.vector_store %arg5[%swap3A_811, %swap3A_812], %swap3A_815 {strides = array<i32>} : memref<32x1024xf32, #tpu.memory_space<vmem>>, vector<1x16xf32>,
      %get3A_816 = arith.index_cast %scan3A_46 : i32 to index
      %get3A_817 = arith.constant 880 : index
      %get3A_818 = tpu.vector_load %arg5[%get3A_816, %get3A_817] {strides = array<i32>} : memref<32x1024xf32, #tpu.memory_space<vmem>>, vector<1x16xf32>,
      %get3A_819 = vector.shape_cast %get3A_818 : vector<1x16xf32> to vector<16xf32>
      %get3A_820 = arith.index_cast %scan3A_46 : i32 to index
      %get3A_821 = arith.constant 880 : index
      %get3A_822 = tpu.vector_load %arg6[%get3A_820, %get3A_821] {strides = array<i32>} : memref<32x1024xf32, #tpu.memory_space<vmem>>, vector<1x16xf32>,
      %get3A_823 = vector.shape_cast %get3A_822 : vector<1x16xf32> to vector<16xf32>
      %add3A_824 = arith.addf %get3A_819, %get3A_823 : vector<16xf32>
      %swap3A_825 = arith.index_cast %scan3A_46 : i32 to index
      %swap3A_826 = arith.constant 880 : index
      %swap3A_827 = tpu.vector_load %arg5[%swap3A_825, %swap3A_826] {strides = array<i32>} : memref<32x1024xf32, #tpu.memory_space<vmem>>, vector<1x16xf32>,
      %swap3A_828 = vector.shape_cast %swap3A_827 : vector<1x16xf32> to vector<16xf32>
      %swap3A_829 = vector.shape_cast %add3A_824 : vector<16xf32> to vector<1x16xf32>
      tpu.vector_store %arg5[%swap3A_825, %swap3A_826], %swap3A_829 {strides = array<i32>} : memref<32x1024xf32, #tpu.memory_space<vmem>>, vector<1x16xf32>,
      %get3A_830 = arith.index_cast %scan3A_46 : i32 to index
      %get3A_831 = arith.constant 896 : index
      %get3A_832 = tpu.vector_load %arg5[%get3A_830, %get3A_831] {strides = array<i32>} : memref<32x1024xf32, #tpu.memory_space<vmem>>, vector<1x16xf32>,
      %get3A_833 = vector.shape_cast %get3A_832 : vector<1x16xf32> to vector<16xf32>
      %get3A_834 = arith.index_cast %scan3A_46 : i32 to index
      %get3A_835 = arith.constant 896 : index
      %get3A_836 = tpu.vector_load %arg6[%get3A_834, %get3A_835] {strides = array<i32>} : memref<32x1024xf32, #tpu.memory_space<vmem>>, vector<1x16xf32>,
      %get3A_837 = vector.shape_cast %get3A_836 : vector<1x16xf32> to vector<16xf32>
      %add3A_838 = arith.addf %get3A_833, %get3A_837 : vector<16xf32>
      %swap3A_839 = arith.index_cast %scan3A_46 : i32 to index
      %swap3A_840 = arith.constant 896 : index
      %swap3A_841 = tpu.vector_load %arg5[%swap3A_839, %swap3A_840] {strides = array<i32>} : memref<32x1024xf32, #tpu.memory_space<vmem>>, vector<1x16xf32>,
      %swap3A_842 = vector.shape_cast %swap3A_841 : vector<1x16xf32> to vector<16xf32>
      %swap3A_843 = vector.shape_cast %add3A_838 : vector<16xf32> to vector<1x16xf32>
      tpu.vector_store %arg5[%swap3A_839, %swap3A_840], %swap3A_843 {strides = array<i32>} : memref<32x1024xf32, #tpu.memory_space<vmem>>, vector<1x16xf32>,
      %get3A_844 = arith.index_cast %scan3A_46 : i32 to index
      %get3A_845 = arith.constant 912 : index
      %get3A_846 = tpu.vector_load %arg5[%get3A_844, %get3A_845] {strides = array<i32>} : memref<32x1024xf32, #tpu.memory_space<vmem>>, vector<1x16xf32>,
      %get3A_847 = vector.shape_cast %get3A_846 : vector<1x16xf32> to vector<16xf32>
      %get3A_848 = arith.index_cast %scan3A_46 : i32 to index
      %get3A_849 = arith.constant 912 : index
      %get3A_850 = tpu.vector_load %arg6[%get3A_848, %get3A_849] {strides = array<i32>} : memref<32x1024xf32, #tpu.memory_space<vmem>>, vector<1x16xf32>,
      %get3A_851 = vector.shape_cast %get3A_850 : vector<1x16xf32> to vector<16xf32>
      %add3A_852 = arith.addf %get3A_847, %get3A_851 : vector<16xf32>
      %swap3A_853 = arith.index_cast %scan3A_46 : i32 to index
      %swap3A_854 = arith.constant 912 : index
      %swap3A_855 = tpu.vector_load %arg5[%swap3A_853, %swap3A_854] {strides = array<i32>} : memref<32x1024xf32, #tpu.memory_space<vmem>>, vector<1x16xf32>,
      %swap3A_856 = vector.shape_cast %swap3A_855 : vector<1x16xf32> to vector<16xf32>
      %swap3A_857 = vector.shape_cast %add3A_852 : vector<16xf32> to vector<1x16xf32>
      tpu.vector_store %arg5[%swap3A_853, %swap3A_854], %swap3A_857 {strides = array<i32>} : memref<32x1024xf32, #tpu.memory_space<vmem>>, vector<1x16xf32>,
      %get3A_858 = arith.index_cast %scan3A_46 : i32 to index
      %get3A_859 = arith.constant 928 : index
      %get3A_860 = tpu.vector_load %arg5[%get3A_858, %get3A_859] {strides = array<i32>} : memref<32x1024xf32, #tpu.memory_space<vmem>>, vector<1x16xf32>,
      %get3A_861 = vector.shape_cast %get3A_860 : vector<1x16xf32> to vector<16xf32>
      %get3A_862 = arith.index_cast %scan3A_46 : i32 to index
      %get3A_863 = arith.constant 928 : index
      %get3A_864 = tpu.vector_load %arg6[%get3A_862, %get3A_863] {strides = array<i32>} : memref<32x1024xf32, #tpu.memory_space<vmem>>, vector<1x16xf32>,
      %get3A_865 = vector.shape_cast %get3A_864 : vector<1x16xf32> to vector<16xf32>
      %add3A_866 = arith.addf %get3A_861, %get3A_865 : vector<16xf32>
      %swap3A_867 = arith.index_cast %scan3A_46 : i32 to index
      %swap3A_868 = arith.constant 928 : index
      %swap3A_869 = tpu.vector_load %arg5[%swap3A_867, %swap3A_868] {strides = array<i32>} : memref<32x1024xf32, #tpu.memory_space<vmem>>, vector<1x16xf32>,
      %swap3A_870 = vector.shape_cast %swap3A_869 : vector<1x16xf32> to vector<16xf32>
      %swap3A_871 = vector.shape_cast %add3A_866 : vector<16xf32> to vector<1x16xf32>
      tpu.vector_store %arg5[%swap3A_867, %swap3A_868], %swap3A_871 {strides = array<i32>} : memref<32x1024xf32, #tpu.memory_space<vmem>>, vector<1x16xf32>,
      %get3A_872 = arith.index_cast %scan3A_46 : i32 to index
      %get3A_873 = arith.constant 944 : index
      %get3A_874 = tpu.vector_load %arg5[%get3A_872, %get3A_873] {strides = array<i32>} : memref<32x1024xf32, #tpu.memory_space<vmem>>, vector<1x16xf32>,
      %get3A_875 = vector.shape_cast %get3A_874 : vector<1x16xf32> to vector<16xf32>
      %get3A_876 = arith.index_cast %scan3A_46 : i32 to index
      %get3A_877 = arith.constant 944 : index
      %get3A_878 = tpu.vector_load %arg6[%get3A_876, %get3A_877] {strides = array<i32>} : memref<32x1024xf32, #tpu.memory_space<vmem>>, vector<1x16xf32>,
      %get3A_879 = vector.shape_cast %get3A_878 : vector<1x16xf32> to vector<16xf32>
      %add3A_880 = arith.addf %get3A_875, %get3A_879 : vector<16xf32>
      %swap3A_881 = arith.index_cast %scan3A_46 : i32 to index
      %swap3A_882 = arith.constant 944 : index
      %swap3A_883 = tpu.vector_load %arg5[%swap3A_881, %swap3A_882] {strides = array<i32>} : memref<32x1024xf32, #tpu.memory_space<vmem>>, vector<1x16xf32>,
      %swap3A_884 = vector.shape_cast %swap3A_883 : vector<1x16xf32> to vector<16xf32>
      %swap3A_885 = vector.shape_cast %add3A_880 : vector<16xf32> to vector<1x16xf32>
      tpu.vector_store %arg5[%swap3A_881, %swap3A_882], %swap3A_885 {strides = array<i32>} : memref<32x1024xf32, #tpu.memory_space<vmem>>, vector<1x16xf32>,
      %get3A_886 = arith.index_cast %scan3A_46 : i32 to index
      %get3A_887 = arith.constant 960 : index
      %get3A_888 = tpu.vector_load %arg5[%get3A_886, %get3A_887] {strides = array<i32>} : memref<32x1024xf32, #tpu.memory_space<vmem>>, vector<1x16xf32>,
      %get3A_889 = vector.shape_cast %get3A_888 : vector<1x16xf32> to vector<16xf32>
      %get3A_890 = arith.index_cast %scan3A_46 : i32 to index
      %get3A_891 = arith.constant 960 : index
      %get3A_892 = tpu.vector_load %arg6[%get3A_890, %get3A_891] {strides = array<i32>} : memref<32x1024xf32, #tpu.memory_space<vmem>>, vector<1x16xf32>,
      %get3A_893 = vector.shape_cast %get3A_892 : vector<1x16xf32> to vector<16xf32>
      %add3A_894 = arith.addf %get3A_889, %get3A_893 : vector<16xf32>
      %swap3A_895 = arith.index_cast %scan3A_46 : i32 to index
      %swap3A_896 = arith.constant 960 : index
      %swap3A_897 = tpu.vector_load %arg5[%swap3A_895, %swap3A_896] {strides = array<i32>} : memref<32x1024xf32, #tpu.memory_space<vmem>>, vector<1x16xf32>,
      %swap3A_898 = vector.shape_cast %swap3A_897 : vector<1x16xf32> to vector<16xf32>
      %swap3A_899 = vector.shape_cast %add3A_894 : vector<16xf32> to vector<1x16xf32>
      tpu.vector_store %arg5[%swap3A_895, %swap3A_896], %swap3A_899 {strides = array<i32>} : memref<32x1024xf32, #tpu.memory_space<vmem>>, vector<1x16xf32>,
      %get3A_900 = arith.index_cast %scan3A_46 : i32 to index
      %get3A_901 = arith.constant 976 : index
      %get3A_902 = tpu.vector_load %arg5[%get3A_900, %get3A_901] {strides = array<i32>} : memref<32x1024xf32, #tpu.memory_space<vmem>>, vector<1x16xf32>,
      %get3A_903 = vector.shape_cast %get3A_902 : vector<1x16xf32> to vector<16xf32>
      %get3A_904 = arith.index_cast %scan3A_46 : i32 to index
      %get3A_905 = arith.constant 976 : index
      %get3A_906 = tpu.vector_load %arg6[%get3A_904, %get3A_905] {strides = array<i32>} : memref<32x1024xf32, #tpu.memory_space<vmem>>, vector<1x16xf32>,
      %get3A_907 = vector.shape_cast %get3A_906 : vector<1x16xf32> to vector<16xf32>
      %add3A_908 = arith.addf %get3A_903, %get3A_907 : vector<16xf32>
      %swap3A_909 = arith.index_cast %scan3A_46 : i32 to index
      %swap3A_910 = arith.constant 976 : index
      %swap3A_911 = tpu.vector_load %arg5[%swap3A_909, %swap3A_910] {strides = array<i32>} : memref<32x1024xf32, #tpu.memory_space<vmem>>, vector<1x16xf32>,
      %swap3A_912 = vector.shape_cast %swap3A_911 : vector<1x16xf32> to vector<16xf32>
      %swap3A_913 = vector.shape_cast %add3A_908 : vector<16xf32> to vector<1x16xf32>
      tpu.vector_store %arg5[%swap3A_909, %swap3A_910], %swap3A_913 {strides = array<i32>} : memref<32x1024xf32, #tpu.memory_space<vmem>>, vector<1x16xf32>,
      %get3A_914 = arith.index_cast %scan3A_46 : i32 to index
      %get3A_915 = arith.constant 992 : index
      %get3A_916 = tpu.vector_load %arg5[%get3A_914, %get3A_915] {strides = array<i32>} : memref<32x1024xf32, #tpu.memory_space<vmem>>, vector<1x16xf32>,
      %get3A_917 = vector.shape_cast %get3A_916 : vector<1x16xf32> to vector<16xf32>
      %get3A_918 = arith.index_cast %scan3A_46 : i32 to index
      %get3A_919 = arith.constant 992 : index
      %get3A_920 = tpu.vector_load %arg6[%get3A_918, %get3A_919] {strides = array<i32>} : memref<32x1024xf32, #tpu.memory_space<vmem>>, vector<1x16xf32>,
      %get3A_921 = vector.shape_cast %get3A_920 : vector<1x16xf32> to vector<16xf32>
      %add3A_922 = arith.addf %get3A_917, %get3A_921 : vector<16xf32>
      %swap3A_923 = arith.index_cast %scan3A_46 : i32 to index
      %swap3A_924 = arith.constant 992 : index
      %swap3A_925 = tpu.vector_load %arg5[%swap3A_923, %swap3A_924] {strides = array<i32>} : memref<32x1024xf32, #tpu.memory_space<vmem>>, vector<1x16xf32>,
      %swap3A_926 = vector.shape_cast %swap3A_925 : vector<1x16xf32> to vector<16xf32>
      %swap3A_927 = vector.shape_cast %add3A_922 : vector<16xf32> to vector<1x16xf32>
      tpu.vector_store %arg5[%swap3A_923, %swap3A_924], %swap3A_927 {strides = array<i32>} : memref<32x1024xf32, #tpu.memory_space<vmem>>, vector<1x16xf32>,
      %get3A_928 = arith.index_cast %scan3A_46 : i32 to index
      %get3A_929 = arith.constant 1008 : index
      %get3A_930 = tpu.vector_load %arg5[%get3A_928, %get3A_929] {strides = array<i32>} : memref<32x1024xf32, #tpu.memory_space<vmem>>, vector<1x16xf32>,
      %get3A_931 = vector.shape_cast %get3A_930 : vector<1x16xf32> to vector<16xf32>
      %get3A_932 = arith.index_cast %scan3A_46 : i32 to index
      %get3A_933 = arith.constant 1008 : index
      %get3A_934 = tpu.vector_load %arg6[%get3A_932, %get3A_933] {strides = array<i32>} : memref<32x1024xf32, #tpu.memory_space<vmem>>, vector<1x16xf32>,
      %get3A_935 = vector.shape_cast %get3A_934 : vector<1x16xf32> to vector<16xf32>
      %add3A_936 = arith.addf %get3A_931, %get3A_935 : vector<16xf32>
      %swap3A_937 = arith.index_cast %scan3A_46 : i32 to index
      %swap3A_938 = arith.constant 1008 : index
      %swap3A_939 = tpu.vector_load %arg5[%swap3A_937, %swap3A_938] {strides = array<i32>} : memref<32x1024xf32, #tpu.memory_space<vmem>>, vector<1x16xf32>,
      %swap3A_940 = vector.shape_cast %swap3A_939 : vector<1x16xf32> to vector<16xf32>
      %swap3A_941 = vector.shape_cast %add3A_936 : vector<16xf32> to vector<1x16xf32>
      tpu.vector_store %arg5[%swap3A_937, %swap3A_938], %swap3A_941 {strides = array<i32>} : memref<32x1024xf32, #tpu.memory_space<vmem>>, vector<1x16xf32>,
      %scan3A_942 = arith.constant 0 : i32
      scf.yield %scan3A_942 : i32
    }
    %scan3A_22 = arith.constant 32 : i32
    "tpu.region"() ({
      %run_scoped3A = tpu.sem_alloc : memref<!tpu.dma_semaphore, #tpu.memory_space<semaphore_mem>>
      %dma_start3A_46 = arith.constant 0 : i32
      %dma_start3A_47 = tpu.memref_slice %arg4[%add3A_4, %dma_start3A_46] : memref<2048x1024xf32, #tpu.memory_space<hbm>> -> memref<32x1024xf32, #tpu.memory_space<hbm>>
      %dma_start3A_48 = arith.constant 0 : i32
      %dma_start3A_49 = tpu.memref_slice %arg4[%add3A_4, %dma_start3A_48] : memref<2048x1024xf32, #tpu.memory_space<hbm>> -> memref<32x1024xf32, #tpu.memory_space<hbm>>
      tpu.enqueue_dma source(%arg5 : memref<32x1024xf32, #tpu.memory_space<vmem>>) target(%dma_start3A_49 : memref<32x1024xf32, #tpu.memory_space<hbm>>) target_semaphore(%run_scoped3A : memref<!tpu.dma_semaphore, #tpu.memory_space<semaphore_mem>>)
      %dma_wait3A_50 = arith.constant 0 : i32
      %dma_wait3A_51 = tpu.memref_slice %arg4[%add3A_4, %dma_wait3A_50] : memref<2048x1024xf32, #tpu.memory_space<hbm>> -> memref<32x1024xf32, #tpu.memory_space<hbm>>
      %dma_wait3A_52 = arith.constant 0 : i32
      %dma_wait3A_53 = tpu.memref_slice %arg4[%add3A_4, %dma_wait3A_52] : memref<2048x1024xf32, #tpu.memory_space<hbm>> -> memref<32x1024xf32, #tpu.memory_space<hbm>>
      tpu.wait_dma2 semaphore(%run_scoped3A : memref<!tpu.dma_semaphore, #tpu.memory_space<semaphore_mem>>) src(%arg5 : memref<32x1024xf32, #tpu.memory_space<vmem>>) dst(%dma_wait3A_53 : memref<32x1024xf32, #tpu.memory_space<hbm>>)
      tpu.yield
    }) : () -> ()
    %add3A_23 = arith.constant 32 : i32
    %add3A_24 = arith.addi %mul3A_2, %add3A_23 : i32
    "tpu.region"() ({
      %run_scoped3A = tpu.sem_alloc : memref<!tpu.dma_semaphore, #tpu.memory_space<semaphore_mem>>
      %dma_start3A_46 = tpu.memref_slice %arg3[%add3A_24] : memref<4096xi32, #tpu.memory_space<hbm>> -> memref<32xi32, #tpu.memory_space<hbm>>
      %dma_start3A_47 = tpu.memref_slice %arg3[%add3A_24] : memref<4096xi32, #tpu.memory_space<hbm>> -> memref<32xi32, #tpu.memory_space<hbm>>
      tpu.enqueue_dma source(%dma_start3A_47 : memref<32xi32, #tpu.memory_space<hbm>>) target(%arg7 : memref<32xi32, #tpu.memory_space<vmem>>) target_semaphore(%run_scoped3A : memref<!tpu.dma_semaphore, #tpu.memory_space<semaphore_mem>>)
      %dma_wait3A_48 = tpu.memref_slice %arg3[%add3A_24] : memref<4096xi32, #tpu.memory_space<hbm>> -> memref<32xi32, #tpu.memory_space<hbm>>
      %dma_wait3A_49 = tpu.memref_slice %arg3[%add3A_24] : memref<4096xi32, #tpu.memory_space<hbm>> -> memref<32xi32, #tpu.memory_space<hbm>>
      tpu.wait_dma2 semaphore(%run_scoped3A : memref<!tpu.dma_semaphore, #tpu.memory_space<semaphore_mem>>) src(%dma_wait3A_49 : memref<32xi32, #tpu.memory_space<hbm>>) dst(%arg7 : memref<32xi32, #tpu.memory_space<vmem>>)
      tpu.yield
    }) : () -> ()
    %add3A_25 = arith.constant 2048 : i32
    %add3A_26 = arith.addi %add3A_25, %add3A_24 : i32
    "tpu.region"() ({
      %run_scoped3A = tpu.sem_alloc : memref<!tpu.dma_semaphore, #tpu.memory_space<semaphore_mem>>
      %dma_start3A_46 = tpu.memref_slice %arg3[%add3A_26] : memref<4096xi32, #tpu.memory_space<hbm>> -> memref<32xi32, #tpu.memory_space<hbm>>
      %dma_start3A_47 = tpu.memref_slice %arg3[%add3A_26] : memref<4096xi32, #tpu.memory_space<hbm>> -> memref<32xi32, #tpu.memory_space<hbm>>
      tpu.enqueue_dma source(%dma_start3A_47 : memref<32xi32, #tpu.memory_space<hbm>>) target(%arg8 : memref<32xi32, #tpu.memory_space<vmem>>) target_semaphore(%run_scoped3A : memref<!tpu.dma_semaphore, #tpu.memory_space<semaphore_mem>>)
      %dma_wait3A_48 = tpu.memref_slice %arg3[%add3A_26] : memref<4096xi32, #tpu.memory_space<hbm>> -> memref<32xi32, #tpu.memory_space<hbm>>
      %dma_wait3A_49 = tpu.memref_slice %arg3[%add3A_26] : memref<4096xi32, #tpu.memory_space<hbm>> -> memref<32xi32, #tpu.memory_space<hbm>>
      tpu.wait_dma2 semaphore(%run_scoped3A : memref<!tpu.dma_semaphore, #tpu.memory_space<semaphore_mem>>) src(%dma_wait3A_49 : memref<32xi32, #tpu.memory_space<hbm>>) dst(%arg8 : memref<32xi32, #tpu.memory_space<vmem>>)
      tpu.yield
    }) : () -> ()
    %dma_start3A_27 = arith.constant 0 : i32
    %dma_start3A_28 = arith.constant 0 : i32
    %dma_start3A_29 = tpu.memref_slice %arg2[%dma_start3A_27, %dma_start3A_28] : memref<9216x1024xf32, #tpu.memory_space<hbm>> -> memref<9216x1024xf32, #tpu.memory_space<hbm>>
    tpu.enqueue_indirect_dma source(%dma_start3A_29 : memref<9216x1024xf32, #tpu.memory_space<hbm>>) target(%arg5 : memref<32x1024xf32, #tpu.memory_space<vmem>>) offsets(%arg7 : memref<32xi32, #tpu.memory_space<vmem>>) semaphore(%arg9 : memref<!tpu.dma_semaphore, #tpu.memory_space<semaphore_mem>>)
    %dma_start3A_30 = arith.constant 0 : i32
    %dma_start3A_31 = arith.constant 0 : i32
    %dma_start3A_32 = tpu.memref_slice %arg2[%dma_start3A_30, %dma_start3A_31] : memref<9216x1024xf32, #tpu.memory_space<hbm>> -> memref<9216x1024xf32, #tpu.memory_space<hbm>>
    tpu.enqueue_indirect_dma source(%dma_start3A_32 : memref<9216x1024xf32, #tpu.memory_space<hbm>>) target(%arg6 : memref<32x1024xf32, #tpu.memory_space<vmem>>) offsets(%arg8 : memref<32xi32, #tpu.memory_space<vmem>>) semaphore(%arg10 : memref<!tpu.dma_semaphore, #tpu.memory_space<semaphore_mem>>)
    %dma_wait3A_33 = arith.constant 0 : i32
    %dma_wait3A_34 = arith.constant 0 : i32
    %dma_wait3A_35 = tpu.memref_slice %arg2[%dma_wait3A_33, %dma_wait3A_34] : memref<9216x1024xf32, #tpu.memory_space<hbm>> -> memref<9216x1024xf32, #tpu.memory_space<hbm>>
    tpu.wait_indirect_dma semaphore(%arg9 : memref<!tpu.dma_semaphore, #tpu.memory_space<semaphore_mem>>) src(%dma_wait3A_35 : memref<9216x1024xf32, #tpu.memory_space<hbm>>) dst(%arg5 : memref<32x1024xf32, #tpu.memory_space<vmem>>)
    %dma_wait3A_36 = arith.constant 0 : i32
    %dma_wait3A_37 = arith.constant 0 : i32
    %dma_wait3A_38 = tpu.memref_slice %arg2[%dma_wait3A_36, %dma_wait3A_37] : memref<9216x1024xf32, #tpu.memory_space<hbm>> -> memref<9216x1024xf32, #tpu.memory_space<hbm>>
    tpu.wait_indirect_dma semaphore(%arg10 : memref<!tpu.dma_semaphore, #tpu.memory_space<semaphore_mem>>) src(%dma_wait3A_38 : memref<9216x1024xf32, #tpu.memory_space<hbm>>) dst(%arg6 : memref<32x1024xf32, #tpu.memory_space<vmem>>)
    %scan3A_39 = arith.constant 0 : i32
    %scan3A_40 = arith.constant 0 : i32
    %scan3A_41 = arith.constant 32 : i32
    %scan3A_42 = arith.addi %scan3A_40, %scan3A_41 : i32
    %scan3A_43 = arith.constant 1 : i32
    %scan3A_44 = scf.for %scan3A_46 = %scan3A_40 to %scan3A_42 step %scan3A_43 iter_args(%scan3A_47 = %scan3A_39) -> (i32)  : i32 {
      %get3A = arith.index_cast %scan3A_46 : i32 to index
      %get3A_48 = arith.constant 0 : index
      %get3A_49 = tpu.vector_load %arg5[%get3A, %get3A_48] {strides = array<i32>} : memref<32x1024xf32, #tpu.memory_space<vmem>>, vector<1x16xf32>,
      %get3A_50 = vector.shape_cast %get3A_49 : vector<1x16xf32> to vector<16xf32>
      %get3A_51 = arith.index_cast %scan3A_46 : i32 to index
      %get3A_52 = arith.constant 0 : index
      %get3A_53 = tpu.vector_load %arg6[%get3A_51, %get3A_52] {strides = array<i32>} : memref<32x1024xf32, #tpu.memory_space<vmem>>, vector<1x16xf32>,
      %get3A_54 = vector.shape_cast %get3A_53 : vector<1x16xf32> to vector<16xf32>
      %add3A_55 = arith.addf %get3A_50, %get3A_54 : vector<16xf32>
      %swap3A = arith.index_cast %scan3A_46 : i32 to index
      %swap3A_56 = arith.constant 0 : index
      %swap3A_57 = tpu.vector_load %arg5[%swap3A, %swap3A_56] {strides = array<i32>} : memref<32x1024xf32, #tpu.memory_space<vmem>>, vector<1x16xf32>,
      %swap3A_58 = vector.shape_cast %swap3A_57 : vector<1x16xf32> to vector<16xf32>
      %swap3A_59 = vector.shape_cast %add3A_55 : vector<16xf32> to vector<1x16xf32>
      tpu.vector_store %arg5[%swap3A, %swap3A_56], %swap3A_59 {strides = array<i32>} : memref<32x1024xf32, #tpu.memory_space<vmem>>, vector<1x16xf32>,
      %get3A_60 = arith.index_cast %scan3A_46 : i32 to index
      %get3A_61 = arith.constant 16 : index
      %get3A_62 = tpu.vector_load %arg5[%get3A_60, %get3A_61] {strides = array<i32>} : memref<32x1024xf32, #tpu.memory_space<vmem>>, vector<1x16xf32>,
      %get3A_63 = vector.shape_cast %get3A_62 : vector<1x16xf32> to vector<16xf32>
      %get3A_64 = arith.index_cast %scan3A_46 : i32 to index
      %get3A_65 = arith.constant 16 : index
      %get3A_66 = tpu.vector_load %arg6[%get3A_64, %get3A_65] {strides = array<i32>} : memref<32x1024xf32, #tpu.memory_space<vmem>>, vector<1x16xf32>,
      %get3A_67 = vector.shape_cast %get3A_66 : vector<1x16xf32> to vector<16xf32>
      %add3A_68 = arith.addf %get3A_63, %get3A_67 : vector<16xf32>
      %swap3A_69 = arith.index_cast %scan3A_46 : i32 to index
      %swap3A_70 = arith.constant 16 : index
      %swap3A_71 = tpu.vector_load %arg5[%swap3A_69, %swap3A_70] {strides = array<i32>} : memref<32x1024xf32, #tpu.memory_space<vmem>>, vector<1x16xf32>,
      %swap3A_72 = vector.shape_cast %swap3A_71 : vector<1x16xf32> to vector<16xf32>
      %swap3A_73 = vector.shape_cast %add3A_68 : vector<16xf32> to vector<1x16xf32>
      tpu.vector_store %arg5[%swap3A_69, %swap3A_70], %swap3A_73 {strides = array<i32>} : memref<32x1024xf32, #tpu.memory_space<vmem>>, vector<1x16xf32>,
      %get3A_74 = arith.index_cast %scan3A_46 : i32 to index
      %get3A_75 = arith.constant 32 : index
      %get3A_76 = tpu.vector_load %arg5[%get3A_74, %get3A_75] {strides = array<i32>} : memref<32x1024xf32, #tpu.memory_space<vmem>>, vector<1x16xf32>,
      %get3A_77 = vector.shape_cast %get3A_76 : vector<1x16xf32> to vector<16xf32>
      %get3A_78 = arith.index_cast %scan3A_46 : i32 to index
      %get3A_79 = arith.constant 32 : index
      %get3A_80 = tpu.vector_load %arg6[%get3A_78, %get3A_79] {strides = array<i32>} : memref<32x1024xf32, #tpu.memory_space<vmem>>, vector<1x16xf32>,
      %get3A_81 = vector.shape_cast %get3A_80 : vector<1x16xf32> to vector<16xf32>
      %add3A_82 = arith.addf %get3A_77, %get3A_81 : vector<16xf32>
      %swap3A_83 = arith.index_cast %scan3A_46 : i32 to index
      %swap3A_84 = arith.constant 32 : index
      %swap3A_85 = tpu.vector_load %arg5[%swap3A_83, %swap3A_84] {strides = array<i32>} : memref<32x1024xf32, #tpu.memory_space<vmem>>, vector<1x16xf32>,
      %swap3A_86 = vector.shape_cast %swap3A_85 : vector<1x16xf32> to vector<16xf32>
      %swap3A_87 = vector.shape_cast %add3A_82 : vector<16xf32> to vector<1x16xf32>
      tpu.vector_store %arg5[%swap3A_83, %swap3A_84], %swap3A_87 {strides = array<i32>} : memref<32x1024xf32, #tpu.memory_space<vmem>>, vector<1x16xf32>,
      %get3A_88 = arith.index_cast %scan3A_46 : i32 to index
      %get3A_89 = arith.constant 48 : index
      %get3A_90 = tpu.vector_load %arg5[%get3A_88, %get3A_89] {strides = array<i32>} : memref<32x1024xf32, #tpu.memory_space<vmem>>, vector<1x16xf32>,
      %get3A_91 = vector.shape_cast %get3A_90 : vector<1x16xf32> to vector<16xf32>
      %get3A_92 = arith.index_cast %scan3A_46 : i32 to index
      %get3A_93 = arith.constant 48 : index
      %get3A_94 = tpu.vector_load %arg6[%get3A_92, %get3A_93] {strides = array<i32>} : memref<32x1024xf32, #tpu.memory_space<vmem>>, vector<1x16xf32>,
      %get3A_95 = vector.shape_cast %get3A_94 : vector<1x16xf32> to vector<16xf32>
      %add3A_96 = arith.addf %get3A_91, %get3A_95 : vector<16xf32>
      %swap3A_97 = arith.index_cast %scan3A_46 : i32 to index
      %swap3A_98 = arith.constant 48 : index
      %swap3A_99 = tpu.vector_load %arg5[%swap3A_97, %swap3A_98] {strides = array<i32>} : memref<32x1024xf32, #tpu.memory_space<vmem>>, vector<1x16xf32>,
      %swap3A_100 = vector.shape_cast %swap3A_99 : vector<1x16xf32> to vector<16xf32>
      %swap3A_101 = vector.shape_cast %add3A_96 : vector<16xf32> to vector<1x16xf32>
      tpu.vector_store %arg5[%swap3A_97, %swap3A_98], %swap3A_101 {strides = array<i32>} : memref<32x1024xf32, #tpu.memory_space<vmem>>, vector<1x16xf32>,
      %get3A_102 = arith.index_cast %scan3A_46 : i32 to index
      %get3A_103 = arith.constant 64 : index
      %get3A_104 = tpu.vector_load %arg5[%get3A_102, %get3A_103] {strides = array<i32>} : memref<32x1024xf32, #tpu.memory_space<vmem>>, vector<1x16xf32>,
      %get3A_105 = vector.shape_cast %get3A_104 : vector<1x16xf32> to vector<16xf32>
      %get3A_106 = arith.index_cast %scan3A_46 : i32 to index
      %get3A_107 = arith.constant 64 : index
      %get3A_108 = tpu.vector_load %arg6[%get3A_106, %get3A_107] {strides = array<i32>} : memref<32x1024xf32, #tpu.memory_space<vmem>>, vector<1x16xf32>,
      %get3A_109 = vector.shape_cast %get3A_108 : vector<1x16xf32> to vector<16xf32>
      %add3A_110 = arith.addf %get3A_105, %get3A_109 : vector<16xf32>
      %swap3A_111 = arith.index_cast %scan3A_46 : i32 to index
      %swap3A_112 = arith.constant 64 : index
      %swap3A_113 = tpu.vector_load %arg5[%swap3A_111, %swap3A_112] {strides = array<i32>} : memref<32x1024xf32, #tpu.memory_space<vmem>>, vector<1x16xf32>,
      %swap3A_114 = vector.shape_cast %swap3A_113 : vector<1x16xf32> to vector<16xf32>
      %swap3A_115 = vector.shape_cast %add3A_110 : vector<16xf32> to vector<1x16xf32>
      tpu.vector_store %arg5[%swap3A_111, %swap3A_112], %swap3A_115 {strides = array<i32>} : memref<32x1024xf32, #tpu.memory_space<vmem>>, vector<1x16xf32>,
      %get3A_116 = arith.index_cast %scan3A_46 : i32 to index
      %get3A_117 = arith.constant 80 : index
      %get3A_118 = tpu.vector_load %arg5[%get3A_116, %get3A_117] {strides = array<i32>} : memref<32x1024xf32, #tpu.memory_space<vmem>>, vector<1x16xf32>,
      %get3A_119 = vector.shape_cast %get3A_118 : vector<1x16xf32> to vector<16xf32>
      %get3A_120 = arith.index_cast %scan3A_46 : i32 to index
      %get3A_121 = arith.constant 80 : index
      %get3A_122 = tpu.vector_load %arg6[%get3A_120, %get3A_121] {strides = array<i32>} : memref<32x1024xf32, #tpu.memory_space<vmem>>, vector<1x16xf32>,
      %get3A_123 = vector.shape_cast %get3A_122 : vector<1x16xf32> to vector<16xf32>
      %add3A_124 = arith.addf %get3A_119, %get3A_123 : vector<16xf32>
      %swap3A_125 = arith.index_cast %scan3A_46 : i32 to index
      %swap3A_126 = arith.constant 80 : index
      %swap3A_127 = tpu.vector_load %arg5[%swap3A_125, %swap3A_126] {strides = array<i32>} : memref<32x1024xf32, #tpu.memory_space<vmem>>, vector<1x16xf32>,
      %swap3A_128 = vector.shape_cast %swap3A_127 : vector<1x16xf32> to vector<16xf32>
      %swap3A_129 = vector.shape_cast %add3A_124 : vector<16xf32> to vector<1x16xf32>
      tpu.vector_store %arg5[%swap3A_125, %swap3A_126], %swap3A_129 {strides = array<i32>} : memref<32x1024xf32, #tpu.memory_space<vmem>>, vector<1x16xf32>,
      %get3A_130 = arith.index_cast %scan3A_46 : i32 to index
      %get3A_131 = arith.constant 96 : index
      %get3A_132 = tpu.vector_load %arg5[%get3A_130, %get3A_131] {strides = array<i32>} : memref<32x1024xf32, #tpu.memory_space<vmem>>, vector<1x16xf32>,
      %get3A_133 = vector.shape_cast %get3A_132 : vector<1x16xf32> to vector<16xf32>
      %get3A_134 = arith.index_cast %scan3A_46 : i32 to index
      %get3A_135 = arith.constant 96 : index
      %get3A_136 = tpu.vector_load %arg6[%get3A_134, %get3A_135] {strides = array<i32>} : memref<32x1024xf32, #tpu.memory_space<vmem>>, vector<1x16xf32>,
      %get3A_137 = vector.shape_cast %get3A_136 : vector<1x16xf32> to vector<16xf32>
      %add3A_138 = arith.addf %get3A_133, %get3A_137 : vector<16xf32>
      %swap3A_139 = arith.index_cast %scan3A_46 : i32 to index
      %swap3A_140 = arith.constant 96 : index
      %swap3A_141 = tpu.vector_load %arg5[%swap3A_139, %swap3A_140] {strides = array<i32>} : memref<32x1024xf32, #tpu.memory_space<vmem>>, vector<1x16xf32>,
      %swap3A_142 = vector.shape_cast %swap3A_141 : vector<1x16xf32> to vector<16xf32>
      %swap3A_143 = vector.shape_cast %add3A_138 : vector<16xf32> to vector<1x16xf32>
      tpu.vector_store %arg5[%swap3A_139, %swap3A_140], %swap3A_143 {strides = array<i32>} : memref<32x1024xf32, #tpu.memory_space<vmem>>, vector<1x16xf32>,
      %get3A_144 = arith.index_cast %scan3A_46 : i32 to index
      %get3A_145 = arith.constant 112 : index
      %get3A_146 = tpu.vector_load %arg5[%get3A_144, %get3A_145] {strides = array<i32>} : memref<32x1024xf32, #tpu.memory_space<vmem>>, vector<1x16xf32>,
      %get3A_147 = vector.shape_cast %get3A_146 : vector<1x16xf32> to vector<16xf32>
      %get3A_148 = arith.index_cast %scan3A_46 : i32 to index
      %get3A_149 = arith.constant 112 : index
      %get3A_150 = tpu.vector_load %arg6[%get3A_148, %get3A_149] {strides = array<i32>} : memref<32x1024xf32, #tpu.memory_space<vmem>>, vector<1x16xf32>,
      %get3A_151 = vector.shape_cast %get3A_150 : vector<1x16xf32> to vector<16xf32>
      %add3A_152 = arith.addf %get3A_147, %get3A_151 : vector<16xf32>
      %swap3A_153 = arith.index_cast %scan3A_46 : i32 to index
      %swap3A_154 = arith.constant 112 : index
      %swap3A_155 = tpu.vector_load %arg5[%swap3A_153, %swap3A_154] {strides = array<i32>} : memref<32x1024xf32, #tpu.memory_space<vmem>>, vector<1x16xf32>,
      %swap3A_156 = vector.shape_cast %swap3A_155 : vector<1x16xf32> to vector<16xf32>
      %swap3A_157 = vector.shape_cast %add3A_152 : vector<16xf32> to vector<1x16xf32>
      tpu.vector_store %arg5[%swap3A_153, %swap3A_154], %swap3A_157 {strides = array<i32>} : memref<32x1024xf32, #tpu.memory_space<vmem>>, vector<1x16xf32>,
      %get3A_158 = arith.index_cast %scan3A_46 : i32 to index
      %get3A_159 = arith.constant 128 : index
      %get3A_160 = tpu.vector_load %arg5[%get3A_158, %get3A_159] {strides = array<i32>} : memref<32x1024xf32, #tpu.memory_space<vmem>>, vector<1x16xf32>,
      %get3A_161 = vector.shape_cast %get3A_160 : vector<1x16xf32> to vector<16xf32>
      %get3A_162 = arith.index_cast %scan3A_46 : i32 to index
      %get3A_163 = arith.constant 128 : index
      %get3A_164 = tpu.vector_load %arg6[%get3A_162, %get3A_163] {strides = array<i32>} : memref<32x1024xf32, #tpu.memory_space<vmem>>, vector<1x16xf32>,
      %get3A_165 = vector.shape_cast %get3A_164 : vector<1x16xf32> to vector<16xf32>
      %add3A_166 = arith.addf %get3A_161, %get3A_165 : vector<16xf32>
      %swap3A_167 = arith.index_cast %scan3A_46 : i32 to index
      %swap3A_168 = arith.constant 128 : index
      %swap3A_169 = tpu.vector_load %arg5[%swap3A_167, %swap3A_168] {strides = array<i32>} : memref<32x1024xf32, #tpu.memory_space<vmem>>, vector<1x16xf32>,
      %swap3A_170 = vector.shape_cast %swap3A_169 : vector<1x16xf32> to vector<16xf32>
      %swap3A_171 = vector.shape_cast %add3A_166 : vector<16xf32> to vector<1x16xf32>
      tpu.vector_store %arg5[%swap3A_167, %swap3A_168], %swap3A_171 {strides = array<i32>} : memref<32x1024xf32, #tpu.memory_space<vmem>>, vector<1x16xf32>,
      %get3A_172 = arith.index_cast %scan3A_46 : i32 to index
      %get3A_173 = arith.constant 144 : index
      %get3A_174 = tpu.vector_load %arg5[%get3A_172, %get3A_173] {strides = array<i32>} : memref<32x1024xf32, #tpu.memory_space<vmem>>, vector<1x16xf32>,
      %get3A_175 = vector.shape_cast %get3A_174 : vector<1x16xf32> to vector<16xf32>
      %get3A_176 = arith.index_cast %scan3A_46 : i32 to index
      %get3A_177 = arith.constant 144 : index
      %get3A_178 = tpu.vector_load %arg6[%get3A_176, %get3A_177] {strides = array<i32>} : memref<32x1024xf32, #tpu.memory_space<vmem>>, vector<1x16xf32>,
      %get3A_179 = vector.shape_cast %get3A_178 : vector<1x16xf32> to vector<16xf32>
      %add3A_180 = arith.addf %get3A_175, %get3A_179 : vector<16xf32>
      %swap3A_181 = arith.index_cast %scan3A_46 : i32 to index
      %swap3A_182 = arith.constant 144 : index
      %swap3A_183 = tpu.vector_load %arg5[%swap3A_181, %swap3A_182] {strides = array<i32>} : memref<32x1024xf32, #tpu.memory_space<vmem>>, vector<1x16xf32>,
      %swap3A_184 = vector.shape_cast %swap3A_183 : vector<1x16xf32> to vector<16xf32>
      %swap3A_185 = vector.shape_cast %add3A_180 : vector<16xf32> to vector<1x16xf32>
      tpu.vector_store %arg5[%swap3A_181, %swap3A_182], %swap3A_185 {strides = array<i32>} : memref<32x1024xf32, #tpu.memory_space<vmem>>, vector<1x16xf32>,
      %get3A_186 = arith.index_cast %scan3A_46 : i32 to index
      %get3A_187 = arith.constant 160 : index
      %get3A_188 = tpu.vector_load %arg5[%get3A_186, %get3A_187] {strides = array<i32>} : memref<32x1024xf32, #tpu.memory_space<vmem>>, vector<1x16xf32>,
      %get3A_189 = vector.shape_cast %get3A_188 : vector<1x16xf32> to vector<16xf32>
      %get3A_190 = arith.index_cast %scan3A_46 : i32 to index
      %get3A_191 = arith.constant 160 : index
      %get3A_192 = tpu.vector_load %arg6[%get3A_190, %get3A_191] {strides = array<i32>} : memref<32x1024xf32, #tpu.memory_space<vmem>>, vector<1x16xf32>,
      %get3A_193 = vector.shape_cast %get3A_192 : vector<1x16xf32> to vector<16xf32>
      %add3A_194 = arith.addf %get3A_189, %get3A_193 : vector<16xf32>
      %swap3A_195 = arith.index_cast %scan3A_46 : i32 to index
      %swap3A_196 = arith.constant 160 : index
      %swap3A_197 = tpu.vector_load %arg5[%swap3A_195, %swap3A_196] {strides = array<i32>} : memref<32x1024xf32, #tpu.memory_space<vmem>>, vector<1x16xf32>,
      %swap3A_198 = vector.shape_cast %swap3A_197 : vector<1x16xf32> to vector<16xf32>
      %swap3A_199 = vector.shape_cast %add3A_194 : vector<16xf32> to vector<1x16xf32>
      tpu.vector_store %arg5[%swap3A_195, %swap3A_196], %swap3A_199 {strides = array<i32>} : memref<32x1024xf32, #tpu.memory_space<vmem>>, vector<1x16xf32>,
      %get3A_200 = arith.index_cast %scan3A_46 : i32 to index
      %get3A_201 = arith.constant 176 : index
      %get3A_202 = tpu.vector_load %arg5[%get3A_200, %get3A_201] {strides = array<i32>} : memref<32x1024xf32, #tpu.memory_space<vmem>>, vector<1x16xf32>,
      %get3A_203 = vector.shape_cast %get3A_202 : vector<1x16xf32> to vector<16xf32>
      %get3A_204 = arith.index_cast %scan3A_46 : i32 to index
      %get3A_205 = arith.constant 176 : index
      %get3A_206 = tpu.vector_load %arg6[%get3A_204, %get3A_205] {strides = array<i32>} : memref<32x1024xf32, #tpu.memory_space<vmem>>, vector<1x16xf32>,
      %get3A_207 = vector.shape_cast %get3A_206 : vector<1x16xf32> to vector<16xf32>
      %add3A_208 = arith.addf %get3A_203, %get3A_207 : vector<16xf32>
      %swap3A_209 = arith.index_cast %scan3A_46 : i32 to index
      %swap3A_210 = arith.constant 176 : index
      %swap3A_211 = tpu.vector_load %arg5[%swap3A_209, %swap3A_210] {strides = array<i32>} : memref<32x1024xf32, #tpu.memory_space<vmem>>, vector<1x16xf32>,
      %swap3A_212 = vector.shape_cast %swap3A_211 : vector<1x16xf32> to vector<16xf32>
      %swap3A_213 = vector.shape_cast %add3A_208 : vector<16xf32> to vector<1x16xf32>
      tpu.vector_store %arg5[%swap3A_209, %swap3A_210], %swap3A_213 {strides = array<i32>} : memref<32x1024xf32, #tpu.memory_space<vmem>>, vector<1x16xf32>,
      %get3A_214 = arith.index_cast %scan3A_46 : i32 to index
      %get3A_215 = arith.constant 192 : index
      %get3A_216 = tpu.vector_load %arg5[%get3A_214, %get3A_215] {strides = array<i32>} : memref<32x1024xf32, #tpu.memory_space<vmem>>, vector<1x16xf32>,
      %get3A_217 = vector.shape_cast %get3A_216 : vector<1x16xf32> to vector<16xf32>
      %get3A_218 = arith.index_cast %scan3A_46 : i32 to index
      %get3A_219 = arith.constant 192 : index
      %get3A_220 = tpu.vector_load %arg6[%get3A_218, %get3A_219] {strides = array<i32>} : memref<32x1024xf32, #tpu.memory_space<vmem>>, vector<1x16xf32>,
      %get3A_221 = vector.shape_cast %get3A_220 : vector<1x16xf32> to vector<16xf32>
      %add3A_222 = arith.addf %get3A_217, %get3A_221 : vector<16xf32>
      %swap3A_223 = arith.index_cast %scan3A_46 : i32 to index
      %swap3A_224 = arith.constant 192 : index
      %swap3A_225 = tpu.vector_load %arg5[%swap3A_223, %swap3A_224] {strides = array<i32>} : memref<32x1024xf32, #tpu.memory_space<vmem>>, vector<1x16xf32>,
      %swap3A_226 = vector.shape_cast %swap3A_225 : vector<1x16xf32> to vector<16xf32>
      %swap3A_227 = vector.shape_cast %add3A_222 : vector<16xf32> to vector<1x16xf32>
      tpu.vector_store %arg5[%swap3A_223, %swap3A_224], %swap3A_227 {strides = array<i32>} : memref<32x1024xf32, #tpu.memory_space<vmem>>, vector<1x16xf32>,
      %get3A_228 = arith.index_cast %scan3A_46 : i32 to index
      %get3A_229 = arith.constant 208 : index
      %get3A_230 = tpu.vector_load %arg5[%get3A_228, %get3A_229] {strides = array<i32>} : memref<32x1024xf32, #tpu.memory_space<vmem>>, vector<1x16xf32>,
      %get3A_231 = vector.shape_cast %get3A_230 : vector<1x16xf32> to vector<16xf32>
      %get3A_232 = arith.index_cast %scan3A_46 : i32 to index
      %get3A_233 = arith.constant 208 : index
      %get3A_234 = tpu.vector_load %arg6[%get3A_232, %get3A_233] {strides = array<i32>} : memref<32x1024xf32, #tpu.memory_space<vmem>>, vector<1x16xf32>,
      %get3A_235 = vector.shape_cast %get3A_234 : vector<1x16xf32> to vector<16xf32>
      %add3A_236 = arith.addf %get3A_231, %get3A_235 : vector<16xf32>
      %swap3A_237 = arith.index_cast %scan3A_46 : i32 to index
      %swap3A_238 = arith.constant 208 : index
      %swap3A_239 = tpu.vector_load %arg5[%swap3A_237, %swap3A_238] {strides = array<i32>} : memref<32x1024xf32, #tpu.memory_space<vmem>>, vector<1x16xf32>,
      %swap3A_240 = vector.shape_cast %swap3A_239 : vector<1x16xf32> to vector<16xf32>
      %swap3A_241 = vector.shape_cast %add3A_236 : vector<16xf32> to vector<1x16xf32>
      tpu.vector_store %arg5[%swap3A_237, %swap3A_238], %swap3A_241 {strides = array<i32>} : memref<32x1024xf32, #tpu.memory_space<vmem>>, vector<1x16xf32>,
      %get3A_242 = arith.index_cast %scan3A_46 : i32 to index
      %get3A_243 = arith.constant 224 : index
      %get3A_244 = tpu.vector_load %arg5[%get3A_242, %get3A_243] {strides = array<i32>} : memref<32x1024xf32, #tpu.memory_space<vmem>>, vector<1x16xf32>,
      %get3A_245 = vector.shape_cast %get3A_244 : vector<1x16xf32> to vector<16xf32>
      %get3A_246 = arith.index_cast %scan3A_46 : i32 to index
      %get3A_247 = arith.constant 224 : index
      %get3A_248 = tpu.vector_load %arg6[%get3A_246, %get3A_247] {strides = array<i32>} : memref<32x1024xf32, #tpu.memory_space<vmem>>, vector<1x16xf32>,
      %get3A_249 = vector.shape_cast %get3A_248 : vector<1x16xf32> to vector<16xf32>
      %add3A_250 = arith.addf %get3A_245, %get3A_249 : vector<16xf32>
      %swap3A_251 = arith.index_cast %scan3A_46 : i32 to index
      %swap3A_252 = arith.constant 224 : index
      %swap3A_253 = tpu.vector_load %arg5[%swap3A_251, %swap3A_252] {strides = array<i32>} : memref<32x1024xf32, #tpu.memory_space<vmem>>, vector<1x16xf32>,
      %swap3A_254 = vector.shape_cast %swap3A_253 : vector<1x16xf32> to vector<16xf32>
      %swap3A_255 = vector.shape_cast %add3A_250 : vector<16xf32> to vector<1x16xf32>
      tpu.vector_store %arg5[%swap3A_251, %swap3A_252], %swap3A_255 {strides = array<i32>} : memref<32x1024xf32, #tpu.memory_space<vmem>>, vector<1x16xf32>,
      %get3A_256 = arith.index_cast %scan3A_46 : i32 to index
      %get3A_257 = arith.constant 240 : index
      %get3A_258 = tpu.vector_load %arg5[%get3A_256, %get3A_257] {strides = array<i32>} : memref<32x1024xf32, #tpu.memory_space<vmem>>, vector<1x16xf32>,
      %get3A_259 = vector.shape_cast %get3A_258 : vector<1x16xf32> to vector<16xf32>
      %get3A_260 = arith.index_cast %scan3A_46 : i32 to index
      %get3A_261 = arith.constant 240 : index
      %get3A_262 = tpu.vector_load %arg6[%get3A_260, %get3A_261] {strides = array<i32>} : memref<32x1024xf32, #tpu.memory_space<vmem>>, vector<1x16xf32>,
      %get3A_263 = vector.shape_cast %get3A_262 : vector<1x16xf32> to vector<16xf32>
      %add3A_264 = arith.addf %get3A_259, %get3A_263 : vector<16xf32>
      %swap3A_265 = arith.index_cast %scan3A_46 : i32 to index
      %swap3A_266 = arith.constant 240 : index
      %swap3A_267 = tpu.vector_load %arg5[%swap3A_265, %swap3A_266] {strides = array<i32>} : memref<32x1024xf32, #tpu.memory_space<vmem>>, vector<1x16xf32>,
      %swap3A_268 = vector.shape_cast %swap3A_267 : vector<1x16xf32> to vector<16xf32>
      %swap3A_269 = vector.shape_cast %add3A_264 : vector<16xf32> to vector<1x16xf32>
      tpu.vector_store %arg5[%swap3A_265, %swap3A_266], %swap3A_269 {strides = array<i32>} : memref<32x1024xf32, #tpu.memory_space<vmem>>, vector<1x16xf32>,
      %get3A_270 = arith.index_cast %scan3A_46 : i32 to index
      %get3A_271 = arith.constant 256 : index
      %get3A_272 = tpu.vector_load %arg5[%get3A_270, %get3A_271] {strides = array<i32>} : memref<32x1024xf32, #tpu.memory_space<vmem>>, vector<1x16xf32>,
      %get3A_273 = vector.shape_cast %get3A_272 : vector<1x16xf32> to vector<16xf32>
      %get3A_274 = arith.index_cast %scan3A_46 : i32 to index
      %get3A_275 = arith.constant 256 : index
      %get3A_276 = tpu.vector_load %arg6[%get3A_274, %get3A_275] {strides = array<i32>} : memref<32x1024xf32, #tpu.memory_space<vmem>>, vector<1x16xf32>,
      %get3A_277 = vector.shape_cast %get3A_276 : vector<1x16xf32> to vector<16xf32>
      %add3A_278 = arith.addf %get3A_273, %get3A_277 : vector<16xf32>
      %swap3A_279 = arith.index_cast %scan3A_46 : i32 to index
      %swap3A_280 = arith.constant 256 : index
      %swap3A_281 = tpu.vector_load %arg5[%swap3A_279, %swap3A_280] {strides = array<i32>} : memref<32x1024xf32, #tpu.memory_space<vmem>>, vector<1x16xf32>,
      %swap3A_282 = vector.shape_cast %swap3A_281 : vector<1x16xf32> to vector<16xf32>
      %swap3A_283 = vector.shape_cast %add3A_278 : vector<16xf32> to vector<1x16xf32>
      tpu.vector_store %arg5[%swap3A_279, %swap3A_280], %swap3A_283 {strides = array<i32>} : memref<32x1024xf32, #tpu.memory_space<vmem>>, vector<1x16xf32>,
      %get3A_284 = arith.index_cast %scan3A_46 : i32 to index
      %get3A_285 = arith.constant 272 : index
      %get3A_286 = tpu.vector_load %arg5[%get3A_284, %get3A_285] {strides = array<i32>} : memref<32x1024xf32, #tpu.memory_space<vmem>>, vector<1x16xf32>,
      %get3A_287 = vector.shape_cast %get3A_286 : vector<1x16xf32> to vector<16xf32>
      %get3A_288 = arith.index_cast %scan3A_46 : i32 to index
      %get3A_289 = arith.constant 272 : index
      %get3A_290 = tpu.vector_load %arg6[%get3A_288, %get3A_289] {strides = array<i32>} : memref<32x1024xf32, #tpu.memory_space<vmem>>, vector<1x16xf32>,
      %get3A_291 = vector.shape_cast %get3A_290 : vector<1x16xf32> to vector<16xf32>
      %add3A_292 = arith.addf %get3A_287, %get3A_291 : vector<16xf32>
      %swap3A_293 = arith.index_cast %scan3A_46 : i32 to index
      %swap3A_294 = arith.constant 272 : index
      %swap3A_295 = tpu.vector_load %arg5[%swap3A_293, %swap3A_294] {strides = array<i32>} : memref<32x1024xf32, #tpu.memory_space<vmem>>, vector<1x16xf32>,
      %swap3A_296 = vector.shape_cast %swap3A_295 : vector<1x16xf32> to vector<16xf32>
      %swap3A_297 = vector.shape_cast %add3A_292 : vector<16xf32> to vector<1x16xf32>
      tpu.vector_store %arg5[%swap3A_293, %swap3A_294], %swap3A_297 {strides = array<i32>} : memref<32x1024xf32, #tpu.memory_space<vmem>>, vector<1x16xf32>,
      %get3A_298 = arith.index_cast %scan3A_46 : i32 to index
      %get3A_299 = arith.constant 288 : index
      %get3A_300 = tpu.vector_load %arg5[%get3A_298, %get3A_299] {strides = array<i32>} : memref<32x1024xf32, #tpu.memory_space<vmem>>, vector<1x16xf32>,
      %get3A_301 = vector.shape_cast %get3A_300 : vector<1x16xf32> to vector<16xf32>
      %get3A_302 = arith.index_cast %scan3A_46 : i32 to index
      %get3A_303 = arith.constant 288 : index
      %get3A_304 = tpu.vector_load %arg6[%get3A_302, %get3A_303] {strides = array<i32>} : memref<32x1024xf32, #tpu.memory_space<vmem>>, vector<1x16xf32>,
      %get3A_305 = vector.shape_cast %get3A_304 : vector<1x16xf32> to vector<16xf32>
      %add3A_306 = arith.addf %get3A_301, %get3A_305 : vector<16xf32>
      %swap3A_307 = arith.index_cast %scan3A_46 : i32 to index
      %swap3A_308 = arith.constant 288 : index
      %swap3A_309 = tpu.vector_load %arg5[%swap3A_307, %swap3A_308] {strides = array<i32>} : memref<32x1024xf32, #tpu.memory_space<vmem>>, vector<1x16xf32>,
      %swap3A_310 = vector.shape_cast %swap3A_309 : vector<1x16xf32> to vector<16xf32>
      %swap3A_311 = vector.shape_cast %add3A_306 : vector<16xf32> to vector<1x16xf32>
      tpu.vector_store %arg5[%swap3A_307, %swap3A_308], %swap3A_311 {strides = array<i32>} : memref<32x1024xf32, #tpu.memory_space<vmem>>, vector<1x16xf32>,
      %get3A_312 = arith.index_cast %scan3A_46 : i32 to index
      %get3A_313 = arith.constant 304 : index
      %get3A_314 = tpu.vector_load %arg5[%get3A_312, %get3A_313] {strides = array<i32>} : memref<32x1024xf32, #tpu.memory_space<vmem>>, vector<1x16xf32>,
      %get3A_315 = vector.shape_cast %get3A_314 : vector<1x16xf32> to vector<16xf32>
      %get3A_316 = arith.index_cast %scan3A_46 : i32 to index
      %get3A_317 = arith.constant 304 : index
      %get3A_318 = tpu.vector_load %arg6[%get3A_316, %get3A_317] {strides = array<i32>} : memref<32x1024xf32, #tpu.memory_space<vmem>>, vector<1x16xf32>,
      %get3A_319 = vector.shape_cast %get3A_318 : vector<1x16xf32> to vector<16xf32>
      %add3A_320 = arith.addf %get3A_315, %get3A_319 : vector<16xf32>
      %swap3A_321 = arith.index_cast %scan3A_46 : i32 to index
      %swap3A_322 = arith.constant 304 : index
      %swap3A_323 = tpu.vector_load %arg5[%swap3A_321, %swap3A_322] {strides = array<i32>} : memref<32x1024xf32, #tpu.memory_space<vmem>>, vector<1x16xf32>,
      %swap3A_324 = vector.shape_cast %swap3A_323 : vector<1x16xf32> to vector<16xf32>
      %swap3A_325 = vector.shape_cast %add3A_320 : vector<16xf32> to vector<1x16xf32>
      tpu.vector_store %arg5[%swap3A_321, %swap3A_322], %swap3A_325 {strides = array<i32>} : memref<32x1024xf32, #tpu.memory_space<vmem>>, vector<1x16xf32>,
      %get3A_326 = arith.index_cast %scan3A_46 : i32 to index
      %get3A_327 = arith.constant 320 : index
      %get3A_328 = tpu.vector_load %arg5[%get3A_326, %get3A_327] {strides = array<i32>} : memref<32x1024xf32, #tpu.memory_space<vmem>>, vector<1x16xf32>,
      %get3A_329 = vector.shape_cast %get3A_328 : vector<1x16xf32> to vector<16xf32>
      %get3A_330 = arith.index_cast %scan3A_46 : i32 to index
      %get3A_331 = arith.constant 320 : index
      %get3A_332 = tpu.vector_load %arg6[%get3A_330, %get3A_331] {strides = array<i32>} : memref<32x1024xf32, #tpu.memory_space<vmem>>, vector<1x16xf32>,
      %get3A_333 = vector.shape_cast %get3A_332 : vector<1x16xf32> to vector<16xf32>
      %add3A_334 = arith.addf %get3A_329, %get3A_333 : vector<16xf32>
      %swap3A_335 = arith.index_cast %scan3A_46 : i32 to index
      %swap3A_336 = arith.constant 320 : index
      %swap3A_337 = tpu.vector_load %arg5[%swap3A_335, %swap3A_336] {strides = array<i32>} : memref<32x1024xf32, #tpu.memory_space<vmem>>, vector<1x16xf32>,
      %swap3A_338 = vector.shape_cast %swap3A_337 : vector<1x16xf32> to vector<16xf32>
      %swap3A_339 = vector.shape_cast %add3A_334 : vector<16xf32> to vector<1x16xf32>
      tpu.vector_store %arg5[%swap3A_335, %swap3A_336], %swap3A_339 {strides = array<i32>} : memref<32x1024xf32, #tpu.memory_space<vmem>>, vector<1x16xf32>,
      %get3A_340 = arith.index_cast %scan3A_46 : i32 to index
      %get3A_341 = arith.constant 336 : index
      %get3A_342 = tpu.vector_load %arg5[%get3A_340, %get3A_341] {strides = array<i32>} : memref<32x1024xf32, #tpu.memory_space<vmem>>, vector<1x16xf32>,
      %get3A_343 = vector.shape_cast %get3A_342 : vector<1x16xf32> to vector<16xf32>
      %get3A_344 = arith.index_cast %scan3A_46 : i32 to index
      %get3A_345 = arith.constant 336 : index
      %get3A_346 = tpu.vector_load %arg6[%get3A_344, %get3A_345] {strides = array<i32>} : memref<32x1024xf32, #tpu.memory_space<vmem>>, vector<1x16xf32>,
      %get3A_347 = vector.shape_cast %get3A_346 : vector<1x16xf32> to vector<16xf32>
      %add3A_348 = arith.addf %get3A_343, %get3A_347 : vector<16xf32>
      %swap3A_349 = arith.index_cast %scan3A_46 : i32 to index
      %swap3A_350 = arith.constant 336 : index
      %swap3A_351 = tpu.vector_load %arg5[%swap3A_349, %swap3A_350] {strides = array<i32>} : memref<32x1024xf32, #tpu.memory_space<vmem>>, vector<1x16xf32>,
      %swap3A_352 = vector.shape_cast %swap3A_351 : vector<1x16xf32> to vector<16xf32>
      %swap3A_353 = vector.shape_cast %add3A_348 : vector<16xf32> to vector<1x16xf32>
      tpu.vector_store %arg5[%swap3A_349, %swap3A_350], %swap3A_353 {strides = array<i32>} : memref<32x1024xf32, #tpu.memory_space<vmem>>, vector<1x16xf32>,
      %get3A_354 = arith.index_cast %scan3A_46 : i32 to index
      %get3A_355 = arith.constant 352 : index
      %get3A_356 = tpu.vector_load %arg5[%get3A_354, %get3A_355] {strides = array<i32>} : memref<32x1024xf32, #tpu.memory_space<vmem>>, vector<1x16xf32>,
      %get3A_357 = vector.shape_cast %get3A_356 : vector<1x16xf32> to vector<16xf32>
      %get3A_358 = arith.index_cast %scan3A_46 : i32 to index
      %get3A_359 = arith.constant 352 : index
      %get3A_360 = tpu.vector_load %arg6[%get3A_358, %get3A_359] {strides = array<i32>} : memref<32x1024xf32, #tpu.memory_space<vmem>>, vector<1x16xf32>,
      %get3A_361 = vector.shape_cast %get3A_360 : vector<1x16xf32> to vector<16xf32>
      %add3A_362 = arith.addf %get3A_357, %get3A_361 : vector<16xf32>
      %swap3A_363 = arith.index_cast %scan3A_46 : i32 to index
      %swap3A_364 = arith.constant 352 : index
      %swap3A_365 = tpu.vector_load %arg5[%swap3A_363, %swap3A_364] {strides = array<i32>} : memref<32x1024xf32, #tpu.memory_space<vmem>>, vector<1x16xf32>,
      %swap3A_366 = vector.shape_cast %swap3A_365 : vector<1x16xf32> to vector<16xf32>
      %swap3A_367 = vector.shape_cast %add3A_362 : vector<16xf32> to vector<1x16xf32>
      tpu.vector_store %arg5[%swap3A_363, %swap3A_364], %swap3A_367 {strides = array<i32>} : memref<32x1024xf32, #tpu.memory_space<vmem>>, vector<1x16xf32>,
      %get3A_368 = arith.index_cast %scan3A_46 : i32 to index
      %get3A_369 = arith.constant 368 : index
      %get3A_370 = tpu.vector_load %arg5[%get3A_368, %get3A_369] {strides = array<i32>} : memref<32x1024xf32, #tpu.memory_space<vmem>>, vector<1x16xf32>,
      %get3A_371 = vector.shape_cast %get3A_370 : vector<1x16xf32> to vector<16xf32>
      %get3A_372 = arith.index_cast %scan3A_46 : i32 to index
      %get3A_373 = arith.constant 368 : index
      %get3A_374 = tpu.vector_load %arg6[%get3A_372, %get3A_373] {strides = array<i32>} : memref<32x1024xf32, #tpu.memory_space<vmem>>, vector<1x16xf32>,
      %get3A_375 = vector.shape_cast %get3A_374 : vector<1x16xf32> to vector<16xf32>
      %add3A_376 = arith.addf %get3A_371, %get3A_375 : vector<16xf32>
      %swap3A_377 = arith.index_cast %scan3A_46 : i32 to index
      %swap3A_378 = arith.constant 368 : index
      %swap3A_379 = tpu.vector_load %arg5[%swap3A_377, %swap3A_378] {strides = array<i32>} : memref<32x1024xf32, #tpu.memory_space<vmem>>, vector<1x16xf32>,
      %swap3A_380 = vector.shape_cast %swap3A_379 : vector<1x16xf32> to vector<16xf32>
      %swap3A_381 = vector.shape_cast %add3A_376 : vector<16xf32> to vector<1x16xf32>
      tpu.vector_store %arg5[%swap3A_377, %swap3A_378], %swap3A_381 {strides = array<i32>} : memref<32x1024xf32, #tpu.memory_space<vmem>>, vector<1x16xf32>,
      %get3A_382 = arith.index_cast %scan3A_46 : i32 to index
      %get3A_383 = arith.constant 384 : index
      %get3A_384 = tpu.vector_load %arg5[%get3A_382, %get3A_383] {strides = array<i32>} : memref<32x1024xf32, #tpu.memory_space<vmem>>, vector<1x16xf32>,
      %get3A_385 = vector.shape_cast %get3A_384 : vector<1x16xf32> to vector<16xf32>
      %get3A_386 = arith.index_cast %scan3A_46 : i32 to index
      %get3A_387 = arith.constant 384 : index
      %get3A_388 = tpu.vector_load %arg6[%get3A_386, %get3A_387] {strides = array<i32>} : memref<32x1024xf32, #tpu.memory_space<vmem>>, vector<1x16xf32>,
      %get3A_389 = vector.shape_cast %get3A_388 : vector<1x16xf32> to vector<16xf32>
      %add3A_390 = arith.addf %get3A_385, %get3A_389 : vector<16xf32>
      %swap3A_391 = arith.index_cast %scan3A_46 : i32 to index
      %swap3A_392 = arith.constant 384 : index
      %swap3A_393 = tpu.vector_load %arg5[%swap3A_391, %swap3A_392] {strides = array<i32>} : memref<32x1024xf32, #tpu.memory_space<vmem>>, vector<1x16xf32>,
      %swap3A_394 = vector.shape_cast %swap3A_393 : vector<1x16xf32> to vector<16xf32>
      %swap3A_395 = vector.shape_cast %add3A_390 : vector<16xf32> to vector<1x16xf32>
      tpu.vector_store %arg5[%swap3A_391, %swap3A_392], %swap3A_395 {strides = array<i32>} : memref<32x1024xf32, #tpu.memory_space<vmem>>, vector<1x16xf32>,
      %get3A_396 = arith.index_cast %scan3A_46 : i32 to index
      %get3A_397 = arith.constant 400 : index
      %get3A_398 = tpu.vector_load %arg5[%get3A_396, %get3A_397] {strides = array<i32>} : memref<32x1024xf32, #tpu.memory_space<vmem>>, vector<1x16xf32>,
      %get3A_399 = vector.shape_cast %get3A_398 : vector<1x16xf32> to vector<16xf32>
      %get3A_400 = arith.index_cast %scan3A_46 : i32 to index
      %get3A_401 = arith.constant 400 : index
      %get3A_402 = tpu.vector_load %arg6[%get3A_400, %get3A_401] {strides = array<i32>} : memref<32x1024xf32, #tpu.memory_space<vmem>>, vector<1x16xf32>,
      %get3A_403 = vector.shape_cast %get3A_402 : vector<1x16xf32> to vector<16xf32>
      %add3A_404 = arith.addf %get3A_399, %get3A_403 : vector<16xf32>
      %swap3A_405 = arith.index_cast %scan3A_46 : i32 to index
      %swap3A_406 = arith.constant 400 : index
      %swap3A_407 = tpu.vector_load %arg5[%swap3A_405, %swap3A_406] {strides = array<i32>} : memref<32x1024xf32, #tpu.memory_space<vmem>>, vector<1x16xf32>,
      %swap3A_408 = vector.shape_cast %swap3A_407 : vector<1x16xf32> to vector<16xf32>
      %swap3A_409 = vector.shape_cast %add3A_404 : vector<16xf32> to vector<1x16xf32>
      tpu.vector_store %arg5[%swap3A_405, %swap3A_406], %swap3A_409 {strides = array<i32>} : memref<32x1024xf32, #tpu.memory_space<vmem>>, vector<1x16xf32>,
      %get3A_410 = arith.index_cast %scan3A_46 : i32 to index
      %get3A_411 = arith.constant 416 : index
      %get3A_412 = tpu.vector_load %arg5[%get3A_410, %get3A_411] {strides = array<i32>} : memref<32x1024xf32, #tpu.memory_space<vmem>>, vector<1x16xf32>,
      %get3A_413 = vector.shape_cast %get3A_412 : vector<1x16xf32> to vector<16xf32>
      %get3A_414 = arith.index_cast %scan3A_46 : i32 to index
      %get3A_415 = arith.constant 416 : index
      %get3A_416 = tpu.vector_load %arg6[%get3A_414, %get3A_415] {strides = array<i32>} : memref<32x1024xf32, #tpu.memory_space<vmem>>, vector<1x16xf32>,
      %get3A_417 = vector.shape_cast %get3A_416 : vector<1x16xf32> to vector<16xf32>
      %add3A_418 = arith.addf %get3A_413, %get3A_417 : vector<16xf32>
      %swap3A_419 = arith.index_cast %scan3A_46 : i32 to index
      %swap3A_420 = arith.constant 416 : index
      %swap3A_421 = tpu.vector_load %arg5[%swap3A_419, %swap3A_420] {strides = array<i32>} : memref<32x1024xf32, #tpu.memory_space<vmem>>, vector<1x16xf32>,
      %swap3A_422 = vector.shape_cast %swap3A_421 : vector<1x16xf32> to vector<16xf32>
      %swap3A_423 = vector.shape_cast %add3A_418 : vector<16xf32> to vector<1x16xf32>
      tpu.vector_store %arg5[%swap3A_419, %swap3A_420], %swap3A_423 {strides = array<i32>} : memref<32x1024xf32, #tpu.memory_space<vmem>>, vector<1x16xf32>,
      %get3A_424 = arith.index_cast %scan3A_46 : i32 to index
      %get3A_425 = arith.constant 432 : index
      %get3A_426 = tpu.vector_load %arg5[%get3A_424, %get3A_425] {strides = array<i32>} : memref<32x1024xf32, #tpu.memory_space<vmem>>, vector<1x16xf32>,
      %get3A_427 = vector.shape_cast %get3A_426 : vector<1x16xf32> to vector<16xf32>
      %get3A_428 = arith.index_cast %scan3A_46 : i32 to index
      %get3A_429 = arith.constant 432 : index
      %get3A_430 = tpu.vector_load %arg6[%get3A_428, %get3A_429] {strides = array<i32>} : memref<32x1024xf32, #tpu.memory_space<vmem>>, vector<1x16xf32>,
      %get3A_431 = vector.shape_cast %get3A_430 : vector<1x16xf32> to vector<16xf32>
      %add3A_432 = arith.addf %get3A_427, %get3A_431 : vector<16xf32>
      %swap3A_433 = arith.index_cast %scan3A_46 : i32 to index
      %swap3A_434 = arith.constant 432 : index
      %swap3A_435 = tpu.vector_load %arg5[%swap3A_433, %swap3A_434] {strides = array<i32>} : memref<32x1024xf32, #tpu.memory_space<vmem>>, vector<1x16xf32>,
      %swap3A_436 = vector.shape_cast %swap3A_435 : vector<1x16xf32> to vector<16xf32>
      %swap3A_437 = vector.shape_cast %add3A_432 : vector<16xf32> to vector<1x16xf32>
      tpu.vector_store %arg5[%swap3A_433, %swap3A_434], %swap3A_437 {strides = array<i32>} : memref<32x1024xf32, #tpu.memory_space<vmem>>, vector<1x16xf32>,
      %get3A_438 = arith.index_cast %scan3A_46 : i32 to index
      %get3A_439 = arith.constant 448 : index
      %get3A_440 = tpu.vector_load %arg5[%get3A_438, %get3A_439] {strides = array<i32>} : memref<32x1024xf32, #tpu.memory_space<vmem>>, vector<1x16xf32>,
      %get3A_441 = vector.shape_cast %get3A_440 : vector<1x16xf32> to vector<16xf32>
      %get3A_442 = arith.index_cast %scan3A_46 : i32 to index
      %get3A_443 = arith.constant 448 : index
      %get3A_444 = tpu.vector_load %arg6[%get3A_442, %get3A_443] {strides = array<i32>} : memref<32x1024xf32, #tpu.memory_space<vmem>>, vector<1x16xf32>,
      %get3A_445 = vector.shape_cast %get3A_444 : vector<1x16xf32> to vector<16xf32>
      %add3A_446 = arith.addf %get3A_441, %get3A_445 : vector<16xf32>
      %swap3A_447 = arith.index_cast %scan3A_46 : i32 to index
      %swap3A_448 = arith.constant 448 : index
      %swap3A_449 = tpu.vector_load %arg5[%swap3A_447, %swap3A_448] {strides = array<i32>} : memref<32x1024xf32, #tpu.memory_space<vmem>>, vector<1x16xf32>,
      %swap3A_450 = vector.shape_cast %swap3A_449 : vector<1x16xf32> to vector<16xf32>
      %swap3A_451 = vector.shape_cast %add3A_446 : vector<16xf32> to vector<1x16xf32>
      tpu.vector_store %arg5[%swap3A_447, %swap3A_448], %swap3A_451 {strides = array<i32>} : memref<32x1024xf32, #tpu.memory_space<vmem>>, vector<1x16xf32>,
      %get3A_452 = arith.index_cast %scan3A_46 : i32 to index
      %get3A_453 = arith.constant 464 : index
      %get3A_454 = tpu.vector_load %arg5[%get3A_452, %get3A_453] {strides = array<i32>} : memref<32x1024xf32, #tpu.memory_space<vmem>>, vector<1x16xf32>,
      %get3A_455 = vector.shape_cast %get3A_454 : vector<1x16xf32> to vector<16xf32>
      %get3A_456 = arith.index_cast %scan3A_46 : i32 to index
      %get3A_457 = arith.constant 464 : index
      %get3A_458 = tpu.vector_load %arg6[%get3A_456, %get3A_457] {strides = array<i32>} : memref<32x1024xf32, #tpu.memory_space<vmem>>, vector<1x16xf32>,
      %get3A_459 = vector.shape_cast %get3A_458 : vector<1x16xf32> to vector<16xf32>
      %add3A_460 = arith.addf %get3A_455, %get3A_459 : vector<16xf32>
      %swap3A_461 = arith.index_cast %scan3A_46 : i32 to index
      %swap3A_462 = arith.constant 464 : index
      %swap3A_463 = tpu.vector_load %arg5[%swap3A_461, %swap3A_462] {strides = array<i32>} : memref<32x1024xf32, #tpu.memory_space<vmem>>, vector<1x16xf32>,
      %swap3A_464 = vector.shape_cast %swap3A_463 : vector<1x16xf32> to vector<16xf32>
      %swap3A_465 = vector.shape_cast %add3A_460 : vector<16xf32> to vector<1x16xf32>
      tpu.vector_store %arg5[%swap3A_461, %swap3A_462], %swap3A_465 {strides = array<i32>} : memref<32x1024xf32, #tpu.memory_space<vmem>>, vector<1x16xf32>,
      %get3A_466 = arith.index_cast %scan3A_46 : i32 to index
      %get3A_467 = arith.constant 480 : index
      %get3A_468 = tpu.vector_load %arg5[%get3A_466, %get3A_467] {strides = array<i32>} : memref<32x1024xf32, #tpu.memory_space<vmem>>, vector<1x16xf32>,
      %get3A_469 = vector.shape_cast %get3A_468 : vector<1x16xf32> to vector<16xf32>
      %get3A_470 = arith.index_cast %scan3A_46 : i32 to index
      %get3A_471 = arith.constant 480 : index
      %get3A_472 = tpu.vector_load %arg6[%get3A_470, %get3A_471] {strides = array<i32>} : memref<32x1024xf32, #tpu.memory_space<vmem>>, vector<1x16xf32>,
      %get3A_473 = vector.shape_cast %get3A_472 : vector<1x16xf32> to vector<16xf32>
      %add3A_474 = arith.addf %get3A_469, %get3A_473 : vector<16xf32>
      %swap3A_475 = arith.index_cast %scan3A_46 : i32 to index
      %swap3A_476 = arith.constant 480 : index
      %swap3A_477 = tpu.vector_load %arg5[%swap3A_475, %swap3A_476] {strides = array<i32>} : memref<32x1024xf32, #tpu.memory_space<vmem>>, vector<1x16xf32>,
      %swap3A_478 = vector.shape_cast %swap3A_477 : vector<1x16xf32> to vector<16xf32>
      %swap3A_479 = vector.shape_cast %add3A_474 : vector<16xf32> to vector<1x16xf32>
      tpu.vector_store %arg5[%swap3A_475, %swap3A_476], %swap3A_479 {strides = array<i32>} : memref<32x1024xf32, #tpu.memory_space<vmem>>, vector<1x16xf32>,
      %get3A_480 = arith.index_cast %scan3A_46 : i32 to index
      %get3A_481 = arith.constant 496 : index
      %get3A_482 = tpu.vector_load %arg5[%get3A_480, %get3A_481] {strides = array<i32>} : memref<32x1024xf32, #tpu.memory_space<vmem>>, vector<1x16xf32>,
      %get3A_483 = vector.shape_cast %get3A_482 : vector<1x16xf32> to vector<16xf32>
      %get3A_484 = arith.index_cast %scan3A_46 : i32 to index
      %get3A_485 = arith.constant 496 : index
      %get3A_486 = tpu.vector_load %arg6[%get3A_484, %get3A_485] {strides = array<i32>} : memref<32x1024xf32, #tpu.memory_space<vmem>>, vector<1x16xf32>,
      %get3A_487 = vector.shape_cast %get3A_486 : vector<1x16xf32> to vector<16xf32>
      %add3A_488 = arith.addf %get3A_483, %get3A_487 : vector<16xf32>
      %swap3A_489 = arith.index_cast %scan3A_46 : i32 to index
      %swap3A_490 = arith.constant 496 : index
      %swap3A_491 = tpu.vector_load %arg5[%swap3A_489, %swap3A_490] {strides = array<i32>} : memref<32x1024xf32, #tpu.memory_space<vmem>>, vector<1x16xf32>,
      %swap3A_492 = vector.shape_cast %swap3A_491 : vector<1x16xf32> to vector<16xf32>
      %swap3A_493 = vector.shape_cast %add3A_488 : vector<16xf32> to vector<1x16xf32>
      tpu.vector_store %arg5[%swap3A_489, %swap3A_490], %swap3A_493 {strides = array<i32>} : memref<32x1024xf32, #tpu.memory_space<vmem>>, vector<1x16xf32>,
      %get3A_494 = arith.index_cast %scan3A_46 : i32 to index
      %get3A_495 = arith.constant 512 : index
      %get3A_496 = tpu.vector_load %arg5[%get3A_494, %get3A_495] {strides = array<i32>} : memref<32x1024xf32, #tpu.memory_space<vmem>>, vector<1x16xf32>,
      %get3A_497 = vector.shape_cast %get3A_496 : vector<1x16xf32> to vector<16xf32>
      %get3A_498 = arith.index_cast %scan3A_46 : i32 to index
      %get3A_499 = arith.constant 512 : index
      %get3A_500 = tpu.vector_load %arg6[%get3A_498, %get3A_499] {strides = array<i32>} : memref<32x1024xf32, #tpu.memory_space<vmem>>, vector<1x16xf32>,
      %get3A_501 = vector.shape_cast %get3A_500 : vector<1x16xf32> to vector<16xf32>
      %add3A_502 = arith.addf %get3A_497, %get3A_501 : vector<16xf32>
      %swap3A_503 = arith.index_cast %scan3A_46 : i32 to index
      %swap3A_504 = arith.constant 512 : index
      %swap3A_505 = tpu.vector_load %arg5[%swap3A_503, %swap3A_504] {strides = array<i32>} : memref<32x1024xf32, #tpu.memory_space<vmem>>, vector<1x16xf32>,
      %swap3A_506 = vector.shape_cast %swap3A_505 : vector<1x16xf32> to vector<16xf32>
      %swap3A_507 = vector.shape_cast %add3A_502 : vector<16xf32> to vector<1x16xf32>
      tpu.vector_store %arg5[%swap3A_503, %swap3A_504], %swap3A_507 {strides = array<i32>} : memref<32x1024xf32, #tpu.memory_space<vmem>>, vector<1x16xf32>,
      %get3A_508 = arith.index_cast %scan3A_46 : i32 to index
      %get3A_509 = arith.constant 528 : index
      %get3A_510 = tpu.vector_load %arg5[%get3A_508, %get3A_509] {strides = array<i32>} : memref<32x1024xf32, #tpu.memory_space<vmem>>, vector<1x16xf32>,
      %get3A_511 = vector.shape_cast %get3A_510 : vector<1x16xf32> to vector<16xf32>
      %get3A_512 = arith.index_cast %scan3A_46 : i32 to index
      %get3A_513 = arith.constant 528 : index
      %get3A_514 = tpu.vector_load %arg6[%get3A_512, %get3A_513] {strides = array<i32>} : memref<32x1024xf32, #tpu.memory_space<vmem>>, vector<1x16xf32>,
      %get3A_515 = vector.shape_cast %get3A_514 : vector<1x16xf32> to vector<16xf32>
      %add3A_516 = arith.addf %get3A_511, %get3A_515 : vector<16xf32>
      %swap3A_517 = arith.index_cast %scan3A_46 : i32 to index
      %swap3A_518 = arith.constant 528 : index
      %swap3A_519 = tpu.vector_load %arg5[%swap3A_517, %swap3A_518] {strides = array<i32>} : memref<32x1024xf32, #tpu.memory_space<vmem>>, vector<1x16xf32>,
      %swap3A_520 = vector.shape_cast %swap3A_519 : vector<1x16xf32> to vector<16xf32>
      %swap3A_521 = vector.shape_cast %add3A_516 : vector<16xf32> to vector<1x16xf32>
      tpu.vector_store %arg5[%swap3A_517, %swap3A_518], %swap3A_521 {strides = array<i32>} : memref<32x1024xf32, #tpu.memory_space<vmem>>, vector<1x16xf32>,
      %get3A_522 = arith.index_cast %scan3A_46 : i32 to index
      %get3A_523 = arith.constant 544 : index
      %get3A_524 = tpu.vector_load %arg5[%get3A_522, %get3A_523] {strides = array<i32>} : memref<32x1024xf32, #tpu.memory_space<vmem>>, vector<1x16xf32>,
      %get3A_525 = vector.shape_cast %get3A_524 : vector<1x16xf32> to vector<16xf32>
      %get3A_526 = arith.index_cast %scan3A_46 : i32 to index
      %get3A_527 = arith.constant 544 : index
      %get3A_528 = tpu.vector_load %arg6[%get3A_526, %get3A_527] {strides = array<i32>} : memref<32x1024xf32, #tpu.memory_space<vmem>>, vector<1x16xf32>,
      %get3A_529 = vector.shape_cast %get3A_528 : vector<1x16xf32> to vector<16xf32>
      %add3A_530 = arith.addf %get3A_525, %get3A_529 : vector<16xf32>
      %swap3A_531 = arith.index_cast %scan3A_46 : i32 to index
      %swap3A_532 = arith.constant 544 : index
      %swap3A_533 = tpu.vector_load %arg5[%swap3A_531, %swap3A_532] {strides = array<i32>} : memref<32x1024xf32, #tpu.memory_space<vmem>>, vector<1x16xf32>,
      %swap3A_534 = vector.shape_cast %swap3A_533 : vector<1x16xf32> to vector<16xf32>
      %swap3A_535 = vector.shape_cast %add3A_530 : vector<16xf32> to vector<1x16xf32>
      tpu.vector_store %arg5[%swap3A_531, %swap3A_532], %swap3A_535 {strides = array<i32>} : memref<32x1024xf32, #tpu.memory_space<vmem>>, vector<1x16xf32>,
      %get3A_536 = arith.index_cast %scan3A_46 : i32 to index
      %get3A_537 = arith.constant 560 : index
      %get3A_538 = tpu.vector_load %arg5[%get3A_536, %get3A_537] {strides = array<i32>} : memref<32x1024xf32, #tpu.memory_space<vmem>>, vector<1x16xf32>,
      %get3A_539 = vector.shape_cast %get3A_538 : vector<1x16xf32> to vector<16xf32>
      %get3A_540 = arith.index_cast %scan3A_46 : i32 to index
      %get3A_541 = arith.constant 560 : index
      %get3A_542 = tpu.vector_load %arg6[%get3A_540, %get3A_541] {strides = array<i32>} : memref<32x1024xf32, #tpu.memory_space<vmem>>, vector<1x16xf32>,
      %get3A_543 = vector.shape_cast %get3A_542 : vector<1x16xf32> to vector<16xf32>
      %add3A_544 = arith.addf %get3A_539, %get3A_543 : vector<16xf32>
      %swap3A_545 = arith.index_cast %scan3A_46 : i32 to index
      %swap3A_546 = arith.constant 560 : index
      %swap3A_547 = tpu.vector_load %arg5[%swap3A_545, %swap3A_546] {strides = array<i32>} : memref<32x1024xf32, #tpu.memory_space<vmem>>, vector<1x16xf32>,
      %swap3A_548 = vector.shape_cast %swap3A_547 : vector<1x16xf32> to vector<16xf32>
      %swap3A_549 = vector.shape_cast %add3A_544 : vector<16xf32> to vector<1x16xf32>
      tpu.vector_store %arg5[%swap3A_545, %swap3A_546], %swap3A_549 {strides = array<i32>} : memref<32x1024xf32, #tpu.memory_space<vmem>>, vector<1x16xf32>,
      %get3A_550 = arith.index_cast %scan3A_46 : i32 to index
      %get3A_551 = arith.constant 576 : index
      %get3A_552 = tpu.vector_load %arg5[%get3A_550, %get3A_551] {strides = array<i32>} : memref<32x1024xf32, #tpu.memory_space<vmem>>, vector<1x16xf32>,
      %get3A_553 = vector.shape_cast %get3A_552 : vector<1x16xf32> to vector<16xf32>
      %get3A_554 = arith.index_cast %scan3A_46 : i32 to index
      %get3A_555 = arith.constant 576 : index
      %get3A_556 = tpu.vector_load %arg6[%get3A_554, %get3A_555] {strides = array<i32>} : memref<32x1024xf32, #tpu.memory_space<vmem>>, vector<1x16xf32>,
      %get3A_557 = vector.shape_cast %get3A_556 : vector<1x16xf32> to vector<16xf32>
      %add3A_558 = arith.addf %get3A_553, %get3A_557 : vector<16xf32>
      %swap3A_559 = arith.index_cast %scan3A_46 : i32 to index
      %swap3A_560 = arith.constant 576 : index
      %swap3A_561 = tpu.vector_load %arg5[%swap3A_559, %swap3A_560] {strides = array<i32>} : memref<32x1024xf32, #tpu.memory_space<vmem>>, vector<1x16xf32>,
      %swap3A_562 = vector.shape_cast %swap3A_561 : vector<1x16xf32> to vector<16xf32>
      %swap3A_563 = vector.shape_cast %add3A_558 : vector<16xf32> to vector<1x16xf32>
      tpu.vector_store %arg5[%swap3A_559, %swap3A_560], %swap3A_563 {strides = array<i32>} : memref<32x1024xf32, #tpu.memory_space<vmem>>, vector<1x16xf32>,
      %get3A_564 = arith.index_cast %scan3A_46 : i32 to index
      %get3A_565 = arith.constant 592 : index
      %get3A_566 = tpu.vector_load %arg5[%get3A_564, %get3A_565] {strides = array<i32>} : memref<32x1024xf32, #tpu.memory_space<vmem>>, vector<1x16xf32>,
      %get3A_567 = vector.shape_cast %get3A_566 : vector<1x16xf32> to vector<16xf32>
      %get3A_568 = arith.index_cast %scan3A_46 : i32 to index
      %get3A_569 = arith.constant 592 : index
      %get3A_570 = tpu.vector_load %arg6[%get3A_568, %get3A_569] {strides = array<i32>} : memref<32x1024xf32, #tpu.memory_space<vmem>>, vector<1x16xf32>,
      %get3A_571 = vector.shape_cast %get3A_570 : vector<1x16xf32> to vector<16xf32>
      %add3A_572 = arith.addf %get3A_567, %get3A_571 : vector<16xf32>
      %swap3A_573 = arith.index_cast %scan3A_46 : i32 to index
      %swap3A_574 = arith.constant 592 : index
      %swap3A_575 = tpu.vector_load %arg5[%swap3A_573, %swap3A_574] {strides = array<i32>} : memref<32x1024xf32, #tpu.memory_space<vmem>>, vector<1x16xf32>,
      %swap3A_576 = vector.shape_cast %swap3A_575 : vector<1x16xf32> to vector<16xf32>
      %swap3A_577 = vector.shape_cast %add3A_572 : vector<16xf32> to vector<1x16xf32>
      tpu.vector_store %arg5[%swap3A_573, %swap3A_574], %swap3A_577 {strides = array<i32>} : memref<32x1024xf32, #tpu.memory_space<vmem>>, vector<1x16xf32>,
      %get3A_578 = arith.index_cast %scan3A_46 : i32 to index
      %get3A_579 = arith.constant 608 : index
      %get3A_580 = tpu.vector_load %arg5[%get3A_578, %get3A_579] {strides = array<i32>} : memref<32x1024xf32, #tpu.memory_space<vmem>>, vector<1x16xf32>,
      %get3A_581 = vector.shape_cast %get3A_580 : vector<1x16xf32> to vector<16xf32>
      %get3A_582 = arith.index_cast %scan3A_46 : i32 to index
      %get3A_583 = arith.constant 608 : index
      %get3A_584 = tpu.vector_load %arg6[%get3A_582, %get3A_583] {strides = array<i32>} : memref<32x1024xf32, #tpu.memory_space<vmem>>, vector<1x16xf32>,
      %get3A_585 = vector.shape_cast %get3A_584 : vector<1x16xf32> to vector<16xf32>
      %add3A_586 = arith.addf %get3A_581, %get3A_585 : vector<16xf32>
      %swap3A_587 = arith.index_cast %scan3A_46 : i32 to index
      %swap3A_588 = arith.constant 608 : index
      %swap3A_589 = tpu.vector_load %arg5[%swap3A_587, %swap3A_588] {strides = array<i32>} : memref<32x1024xf32, #tpu.memory_space<vmem>>, vector<1x16xf32>,
      %swap3A_590 = vector.shape_cast %swap3A_589 : vector<1x16xf32> to vector<16xf32>
      %swap3A_591 = vector.shape_cast %add3A_586 : vector<16xf32> to vector<1x16xf32>
      tpu.vector_store %arg5[%swap3A_587, %swap3A_588], %swap3A_591 {strides = array<i32>} : memref<32x1024xf32, #tpu.memory_space<vmem>>, vector<1x16xf32>,
      %get3A_592 = arith.index_cast %scan3A_46 : i32 to index
      %get3A_593 = arith.constant 624 : index
      %get3A_594 = tpu.vector_load %arg5[%get3A_592, %get3A_593] {strides = array<i32>} : memref<32x1024xf32, #tpu.memory_space<vmem>>, vector<1x16xf32>,
      %get3A_595 = vector.shape_cast %get3A_594 : vector<1x16xf32> to vector<16xf32>
      %get3A_596 = arith.index_cast %scan3A_46 : i32 to index
      %get3A_597 = arith.constant 624 : index
      %get3A_598 = tpu.vector_load %arg6[%get3A_596, %get3A_597] {strides = array<i32>} : memref<32x1024xf32, #tpu.memory_space<vmem>>, vector<1x16xf32>,
      %get3A_599 = vector.shape_cast %get3A_598 : vector<1x16xf32> to vector<16xf32>
      %add3A_600 = arith.addf %get3A_595, %get3A_599 : vector<16xf32>
      %swap3A_601 = arith.index_cast %scan3A_46 : i32 to index
      %swap3A_602 = arith.constant 624 : index
      %swap3A_603 = tpu.vector_load %arg5[%swap3A_601, %swap3A_602] {strides = array<i32>} : memref<32x1024xf32, #tpu.memory_space<vmem>>, vector<1x16xf32>,
      %swap3A_604 = vector.shape_cast %swap3A_603 : vector<1x16xf32> to vector<16xf32>
      %swap3A_605 = vector.shape_cast %add3A_600 : vector<16xf32> to vector<1x16xf32>
      tpu.vector_store %arg5[%swap3A_601, %swap3A_602], %swap3A_605 {strides = array<i32>} : memref<32x1024xf32, #tpu.memory_space<vmem>>, vector<1x16xf32>,
      %get3A_606 = arith.index_cast %scan3A_46 : i32 to index
      %get3A_607 = arith.constant 640 : index
      %get3A_608 = tpu.vector_load %arg5[%get3A_606, %get3A_607] {strides = array<i32>} : memref<32x1024xf32, #tpu.memory_space<vmem>>, vector<1x16xf32>,
      %get3A_609 = vector.shape_cast %get3A_608 : vector<1x16xf32> to vector<16xf32>
      %get3A_610 = arith.index_cast %scan3A_46 : i32 to index
      %get3A_611 = arith.constant 640 : index
      %get3A_612 = tpu.vector_load %arg6[%get3A_610, %get3A_611] {strides = array<i32>} : memref<32x1024xf32, #tpu.memory_space<vmem>>, vector<1x16xf32>,
      %get3A_613 = vector.shape_cast %get3A_612 : vector<1x16xf32> to vector<16xf32>
      %add3A_614 = arith.addf %get3A_609, %get3A_613 : vector<16xf32>
      %swap3A_615 = arith.index_cast %scan3A_46 : i32 to index
      %swap3A_616 = arith.constant 640 : index
      %swap3A_617 = tpu.vector_load %arg5[%swap3A_615, %swap3A_616] {strides = array<i32>} : memref<32x1024xf32, #tpu.memory_space<vmem>>, vector<1x16xf32>,
      %swap3A_618 = vector.shape_cast %swap3A_617 : vector<1x16xf32> to vector<16xf32>
      %swap3A_619 = vector.shape_cast %add3A_614 : vector<16xf32> to vector<1x16xf32>
      tpu.vector_store %arg5[%swap3A_615, %swap3A_616], %swap3A_619 {strides = array<i32>} : memref<32x1024xf32, #tpu.memory_space<vmem>>, vector<1x16xf32>,
      %get3A_620 = arith.index_cast %scan3A_46 : i32 to index
      %get3A_621 = arith.constant 656 : index
      %get3A_622 = tpu.vector_load %arg5[%get3A_620, %get3A_621] {strides = array<i32>} : memref<32x1024xf32, #tpu.memory_space<vmem>>, vector<1x16xf32>,
      %get3A_623 = vector.shape_cast %get3A_622 : vector<1x16xf32> to vector<16xf32>
      %get3A_624 = arith.index_cast %scan3A_46 : i32 to index
      %get3A_625 = arith.constant 656 : index
      %get3A_626 = tpu.vector_load %arg6[%get3A_624, %get3A_625] {strides = array<i32>} : memref<32x1024xf32, #tpu.memory_space<vmem>>, vector<1x16xf32>,
      %get3A_627 = vector.shape_cast %get3A_626 : vector<1x16xf32> to vector<16xf32>
      %add3A_628 = arith.addf %get3A_623, %get3A_627 : vector<16xf32>
      %swap3A_629 = arith.index_cast %scan3A_46 : i32 to index
      %swap3A_630 = arith.constant 656 : index
      %swap3A_631 = tpu.vector_load %arg5[%swap3A_629, %swap3A_630] {strides = array<i32>} : memref<32x1024xf32, #tpu.memory_space<vmem>>, vector<1x16xf32>,
      %swap3A_632 = vector.shape_cast %swap3A_631 : vector<1x16xf32> to vector<16xf32>
      %swap3A_633 = vector.shape_cast %add3A_628 : vector<16xf32> to vector<1x16xf32>
      tpu.vector_store %arg5[%swap3A_629, %swap3A_630], %swap3A_633 {strides = array<i32>} : memref<32x1024xf32, #tpu.memory_space<vmem>>, vector<1x16xf32>,
      %get3A_634 = arith.index_cast %scan3A_46 : i32 to index
      %get3A_635 = arith.constant 672 : index
      %get3A_636 = tpu.vector_load %arg5[%get3A_634, %get3A_635] {strides = array<i32>} : memref<32x1024xf32, #tpu.memory_space<vmem>>, vector<1x16xf32>,
      %get3A_637 = vector.shape_cast %get3A_636 : vector<1x16xf32> to vector<16xf32>
      %get3A_638 = arith.index_cast %scan3A_46 : i32 to index
      %get3A_639 = arith.constant 672 : index
      %get3A_640 = tpu.vector_load %arg6[%get3A_638, %get3A_639] {strides = array<i32>} : memref<32x1024xf32, #tpu.memory_space<vmem>>, vector<1x16xf32>,
      %get3A_641 = vector.shape_cast %get3A_640 : vector<1x16xf32> to vector<16xf32>
      %add3A_642 = arith.addf %get3A_637, %get3A_641 : vector<16xf32>
      %swap3A_643 = arith.index_cast %scan3A_46 : i32 to index
      %swap3A_644 = arith.constant 672 : index
      %swap3A_645 = tpu.vector_load %arg5[%swap3A_643, %swap3A_644] {strides = array<i32>} : memref<32x1024xf32, #tpu.memory_space<vmem>>, vector<1x16xf32>,
      %swap3A_646 = vector.shape_cast %swap3A_645 : vector<1x16xf32> to vector<16xf32>
      %swap3A_647 = vector.shape_cast %add3A_642 : vector<16xf32> to vector<1x16xf32>
      tpu.vector_store %arg5[%swap3A_643, %swap3A_644], %swap3A_647 {strides = array<i32>} : memref<32x1024xf32, #tpu.memory_space<vmem>>, vector<1x16xf32>,
      %get3A_648 = arith.index_cast %scan3A_46 : i32 to index
      %get3A_649 = arith.constant 688 : index
      %get3A_650 = tpu.vector_load %arg5[%get3A_648, %get3A_649] {strides = array<i32>} : memref<32x1024xf32, #tpu.memory_space<vmem>>, vector<1x16xf32>,
      %get3A_651 = vector.shape_cast %get3A_650 : vector<1x16xf32> to vector<16xf32>
      %get3A_652 = arith.index_cast %scan3A_46 : i32 to index
      %get3A_653 = arith.constant 688 : index
      %get3A_654 = tpu.vector_load %arg6[%get3A_652, %get3A_653] {strides = array<i32>} : memref<32x1024xf32, #tpu.memory_space<vmem>>, vector<1x16xf32>,
      %get3A_655 = vector.shape_cast %get3A_654 : vector<1x16xf32> to vector<16xf32>
      %add3A_656 = arith.addf %get3A_651, %get3A_655 : vector<16xf32>
      %swap3A_657 = arith.index_cast %scan3A_46 : i32 to index
      %swap3A_658 = arith.constant 688 : index
      %swap3A_659 = tpu.vector_load %arg5[%swap3A_657, %swap3A_658] {strides = array<i32>} : memref<32x1024xf32, #tpu.memory_space<vmem>>, vector<1x16xf32>,
      %swap3A_660 = vector.shape_cast %swap3A_659 : vector<1x16xf32> to vector<16xf32>
      %swap3A_661 = vector.shape_cast %add3A_656 : vector<16xf32> to vector<1x16xf32>
      tpu.vector_store %arg5[%swap3A_657, %swap3A_658], %swap3A_661 {strides = array<i32>} : memref<32x1024xf32, #tpu.memory_space<vmem>>, vector<1x16xf32>,
      %get3A_662 = arith.index_cast %scan3A_46 : i32 to index
      %get3A_663 = arith.constant 704 : index
      %get3A_664 = tpu.vector_load %arg5[%get3A_662, %get3A_663] {strides = array<i32>} : memref<32x1024xf32, #tpu.memory_space<vmem>>, vector<1x16xf32>,
      %get3A_665 = vector.shape_cast %get3A_664 : vector<1x16xf32> to vector<16xf32>
      %get3A_666 = arith.index_cast %scan3A_46 : i32 to index
      %get3A_667 = arith.constant 704 : index
      %get3A_668 = tpu.vector_load %arg6[%get3A_666, %get3A_667] {strides = array<i32>} : memref<32x1024xf32, #tpu.memory_space<vmem>>, vector<1x16xf32>,
      %get3A_669 = vector.shape_cast %get3A_668 : vector<1x16xf32> to vector<16xf32>
      %add3A_670 = arith.addf %get3A_665, %get3A_669 : vector<16xf32>
      %swap3A_671 = arith.index_cast %scan3A_46 : i32 to index
      %swap3A_672 = arith.constant 704 : index
      %swap3A_673 = tpu.vector_load %arg5[%swap3A_671, %swap3A_672] {strides = array<i32>} : memref<32x1024xf32, #tpu.memory_space<vmem>>, vector<1x16xf32>,
      %swap3A_674 = vector.shape_cast %swap3A_673 : vector<1x16xf32> to vector<16xf32>
      %swap3A_675 = vector.shape_cast %add3A_670 : vector<16xf32> to vector<1x16xf32>
      tpu.vector_store %arg5[%swap3A_671, %swap3A_672], %swap3A_675 {strides = array<i32>} : memref<32x1024xf32, #tpu.memory_space<vmem>>, vector<1x16xf32>,
      %get3A_676 = arith.index_cast %scan3A_46 : i32 to index
      %get3A_677 = arith.constant 720 : index
      %get3A_678 = tpu.vector_load %arg5[%get3A_676, %get3A_677] {strides = array<i32>} : memref<32x1024xf32, #tpu.memory_space<vmem>>, vector<1x16xf32>,
      %get3A_679 = vector.shape_cast %get3A_678 : vector<1x16xf32> to vector<16xf32>
      %get3A_680 = arith.index_cast %scan3A_46 : i32 to index
      %get3A_681 = arith.constant 720 : index
      %get3A_682 = tpu.vector_load %arg6[%get3A_680, %get3A_681] {strides = array<i32>} : memref<32x1024xf32, #tpu.memory_space<vmem>>, vector<1x16xf32>,
      %get3A_683 = vector.shape_cast %get3A_682 : vector<1x16xf32> to vector<16xf32>
      %add3A_684 = arith.addf %get3A_679, %get3A_683 : vector<16xf32>
      %swap3A_685 = arith.index_cast %scan3A_46 : i32 to index
      %swap3A_686 = arith.constant 720 : index
      %swap3A_687 = tpu.vector_load %arg5[%swap3A_685, %swap3A_686] {strides = array<i32>} : memref<32x1024xf32, #tpu.memory_space<vmem>>, vector<1x16xf32>,
      %swap3A_688 = vector.shape_cast %swap3A_687 : vector<1x16xf32> to vector<16xf32>
      %swap3A_689 = vector.shape_cast %add3A_684 : vector<16xf32> to vector<1x16xf32>
      tpu.vector_store %arg5[%swap3A_685, %swap3A_686], %swap3A_689 {strides = array<i32>} : memref<32x1024xf32, #tpu.memory_space<vmem>>, vector<1x16xf32>,
      %get3A_690 = arith.index_cast %scan3A_46 : i32 to index
      %get3A_691 = arith.constant 736 : index
      %get3A_692 = tpu.vector_load %arg5[%get3A_690, %get3A_691] {strides = array<i32>} : memref<32x1024xf32, #tpu.memory_space<vmem>>, vector<1x16xf32>,
      %get3A_693 = vector.shape_cast %get3A_692 : vector<1x16xf32> to vector<16xf32>
      %get3A_694 = arith.index_cast %scan3A_46 : i32 to index
      %get3A_695 = arith.constant 736 : index
      %get3A_696 = tpu.vector_load %arg6[%get3A_694, %get3A_695] {strides = array<i32>} : memref<32x1024xf32, #tpu.memory_space<vmem>>, vector<1x16xf32>,
      %get3A_697 = vector.shape_cast %get3A_696 : vector<1x16xf32> to vector<16xf32>
      %add3A_698 = arith.addf %get3A_693, %get3A_697 : vector<16xf32>
      %swap3A_699 = arith.index_cast %scan3A_46 : i32 to index
      %swap3A_700 = arith.constant 736 : index
      %swap3A_701 = tpu.vector_load %arg5[%swap3A_699, %swap3A_700] {strides = array<i32>} : memref<32x1024xf32, #tpu.memory_space<vmem>>, vector<1x16xf32>,
      %swap3A_702 = vector.shape_cast %swap3A_701 : vector<1x16xf32> to vector<16xf32>
      %swap3A_703 = vector.shape_cast %add3A_698 : vector<16xf32> to vector<1x16xf32>
      tpu.vector_store %arg5[%swap3A_699, %swap3A_700], %swap3A_703 {strides = array<i32>} : memref<32x1024xf32, #tpu.memory_space<vmem>>, vector<1x16xf32>,
      %get3A_704 = arith.index_cast %scan3A_46 : i32 to index
      %get3A_705 = arith.constant 752 : index
      %get3A_706 = tpu.vector_load %arg5[%get3A_704, %get3A_705] {strides = array<i32>} : memref<32x1024xf32, #tpu.memory_space<vmem>>, vector<1x16xf32>,
      %get3A_707 = vector.shape_cast %get3A_706 : vector<1x16xf32> to vector<16xf32>
      %get3A_708 = arith.index_cast %scan3A_46 : i32 to index
      %get3A_709 = arith.constant 752 : index
      %get3A_710 = tpu.vector_load %arg6[%get3A_708, %get3A_709] {strides = array<i32>} : memref<32x1024xf32, #tpu.memory_space<vmem>>, vector<1x16xf32>,
      %get3A_711 = vector.shape_cast %get3A_710 : vector<1x16xf32> to vector<16xf32>
      %add3A_712 = arith.addf %get3A_707, %get3A_711 : vector<16xf32>
      %swap3A_713 = arith.index_cast %scan3A_46 : i32 to index
      %swap3A_714 = arith.constant 752 : index
      %swap3A_715 = tpu.vector_load %arg5[%swap3A_713, %swap3A_714] {strides = array<i32>} : memref<32x1024xf32, #tpu.memory_space<vmem>>, vector<1x16xf32>,
      %swap3A_716 = vector.shape_cast %swap3A_715 : vector<1x16xf32> to vector<16xf32>
      %swap3A_717 = vector.shape_cast %add3A_712 : vector<16xf32> to vector<1x16xf32>
      tpu.vector_store %arg5[%swap3A_713, %swap3A_714], %swap3A_717 {strides = array<i32>} : memref<32x1024xf32, #tpu.memory_space<vmem>>, vector<1x16xf32>,
      %get3A_718 = arith.index_cast %scan3A_46 : i32 to index
      %get3A_719 = arith.constant 768 : index
      %get3A_720 = tpu.vector_load %arg5[%get3A_718, %get3A_719] {strides = array<i32>} : memref<32x1024xf32, #tpu.memory_space<vmem>>, vector<1x16xf32>,
      %get3A_721 = vector.shape_cast %get3A_720 : vector<1x16xf32> to vector<16xf32>
      %get3A_722 = arith.index_cast %scan3A_46 : i32 to index
      %get3A_723 = arith.constant 768 : index
      %get3A_724 = tpu.vector_load %arg6[%get3A_722, %get3A_723] {strides = array<i32>} : memref<32x1024xf32, #tpu.memory_space<vmem>>, vector<1x16xf32>,
      %get3A_725 = vector.shape_cast %get3A_724 : vector<1x16xf32> to vector<16xf32>
      %add3A_726 = arith.addf %get3A_721, %get3A_725 : vector<16xf32>
      %swap3A_727 = arith.index_cast %scan3A_46 : i32 to index
      %swap3A_728 = arith.constant 768 : index
      %swap3A_729 = tpu.vector_load %arg5[%swap3A_727, %swap3A_728] {strides = array<i32>} : memref<32x1024xf32, #tpu.memory_space<vmem>>, vector<1x16xf32>,
      %swap3A_730 = vector.shape_cast %swap3A_729 : vector<1x16xf32> to vector<16xf32>
      %swap3A_731 = vector.shape_cast %add3A_726 : vector<16xf32> to vector<1x16xf32>
      tpu.vector_store %arg5[%swap3A_727, %swap3A_728], %swap3A_731 {strides = array<i32>} : memref<32x1024xf32, #tpu.memory_space<vmem>>, vector<1x16xf32>,
      %get3A_732 = arith.index_cast %scan3A_46 : i32 to index
      %get3A_733 = arith.constant 784 : index
      %get3A_734 = tpu.vector_load %arg5[%get3A_732, %get3A_733] {strides = array<i32>} : memref<32x1024xf32, #tpu.memory_space<vmem>>, vector<1x16xf32>,
      %get3A_735 = vector.shape_cast %get3A_734 : vector<1x16xf32> to vector<16xf32>
      %get3A_736 = arith.index_cast %scan3A_46 : i32 to index
      %get3A_737 = arith.constant 784 : index
      %get3A_738 = tpu.vector_load %arg6[%get3A_736, %get3A_737] {strides = array<i32>} : memref<32x1024xf32, #tpu.memory_space<vmem>>, vector<1x16xf32>,
      %get3A_739 = vector.shape_cast %get3A_738 : vector<1x16xf32> to vector<16xf32>
      %add3A_740 = arith.addf %get3A_735, %get3A_739 : vector<16xf32>
      %swap3A_741 = arith.index_cast %scan3A_46 : i32 to index
      %swap3A_742 = arith.constant 784 : index
      %swap3A_743 = tpu.vector_load %arg5[%swap3A_741, %swap3A_742] {strides = array<i32>} : memref<32x1024xf32, #tpu.memory_space<vmem>>, vector<1x16xf32>,
      %swap3A_744 = vector.shape_cast %swap3A_743 : vector<1x16xf32> to vector<16xf32>
      %swap3A_745 = vector.shape_cast %add3A_740 : vector<16xf32> to vector<1x16xf32>
      tpu.vector_store %arg5[%swap3A_741, %swap3A_742], %swap3A_745 {strides = array<i32>} : memref<32x1024xf32, #tpu.memory_space<vmem>>, vector<1x16xf32>,
      %get3A_746 = arith.index_cast %scan3A_46 : i32 to index
      %get3A_747 = arith.constant 800 : index
      %get3A_748 = tpu.vector_load %arg5[%get3A_746, %get3A_747] {strides = array<i32>} : memref<32x1024xf32, #tpu.memory_space<vmem>>, vector<1x16xf32>,
      %get3A_749 = vector.shape_cast %get3A_748 : vector<1x16xf32> to vector<16xf32>
      %get3A_750 = arith.index_cast %scan3A_46 : i32 to index
      %get3A_751 = arith.constant 800 : index
      %get3A_752 = tpu.vector_load %arg6[%get3A_750, %get3A_751] {strides = array<i32>} : memref<32x1024xf32, #tpu.memory_space<vmem>>, vector<1x16xf32>,
      %get3A_753 = vector.shape_cast %get3A_752 : vector<1x16xf32> to vector<16xf32>
      %add3A_754 = arith.addf %get3A_749, %get3A_753 : vector<16xf32>
      %swap3A_755 = arith.index_cast %scan3A_46 : i32 to index
      %swap3A_756 = arith.constant 800 : index
      %swap3A_757 = tpu.vector_load %arg5[%swap3A_755, %swap3A_756] {strides = array<i32>} : memref<32x1024xf32, #tpu.memory_space<vmem>>, vector<1x16xf32>,
      %swap3A_758 = vector.shape_cast %swap3A_757 : vector<1x16xf32> to vector<16xf32>
      %swap3A_759 = vector.shape_cast %add3A_754 : vector<16xf32> to vector<1x16xf32>
      tpu.vector_store %arg5[%swap3A_755, %swap3A_756], %swap3A_759 {strides = array<i32>} : memref<32x1024xf32, #tpu.memory_space<vmem>>, vector<1x16xf32>,
      %get3A_760 = arith.index_cast %scan3A_46 : i32 to index
      %get3A_761 = arith.constant 816 : index
      %get3A_762 = tpu.vector_load %arg5[%get3A_760, %get3A_761] {strides = array<i32>} : memref<32x1024xf32, #tpu.memory_space<vmem>>, vector<1x16xf32>,
      %get3A_763 = vector.shape_cast %get3A_762 : vector<1x16xf32> to vector<16xf32>
      %get3A_764 = arith.index_cast %scan3A_46 : i32 to index
      %get3A_765 = arith.constant 816 : index
      %get3A_766 = tpu.vector_load %arg6[%get3A_764, %get3A_765] {strides = array<i32>} : memref<32x1024xf32, #tpu.memory_space<vmem>>, vector<1x16xf32>,
      %get3A_767 = vector.shape_cast %get3A_766 : vector<1x16xf32> to vector<16xf32>
      %add3A_768 = arith.addf %get3A_763, %get3A_767 : vector<16xf32>
      %swap3A_769 = arith.index_cast %scan3A_46 : i32 to index
      %swap3A_770 = arith.constant 816 : index
      %swap3A_771 = tpu.vector_load %arg5[%swap3A_769, %swap3A_770] {strides = array<i32>} : memref<32x1024xf32, #tpu.memory_space<vmem>>, vector<1x16xf32>,
      %swap3A_772 = vector.shape_cast %swap3A_771 : vector<1x16xf32> to vector<16xf32>
      %swap3A_773 = vector.shape_cast %add3A_768 : vector<16xf32> to vector<1x16xf32>
      tpu.vector_store %arg5[%swap3A_769, %swap3A_770], %swap3A_773 {strides = array<i32>} : memref<32x1024xf32, #tpu.memory_space<vmem>>, vector<1x16xf32>,
      %get3A_774 = arith.index_cast %scan3A_46 : i32 to index
      %get3A_775 = arith.constant 832 : index
      %get3A_776 = tpu.vector_load %arg5[%get3A_774, %get3A_775] {strides = array<i32>} : memref<32x1024xf32, #tpu.memory_space<vmem>>, vector<1x16xf32>,
      %get3A_777 = vector.shape_cast %get3A_776 : vector<1x16xf32> to vector<16xf32>
      %get3A_778 = arith.index_cast %scan3A_46 : i32 to index
      %get3A_779 = arith.constant 832 : index
      %get3A_780 = tpu.vector_load %arg6[%get3A_778, %get3A_779] {strides = array<i32>} : memref<32x1024xf32, #tpu.memory_space<vmem>>, vector<1x16xf32>,
      %get3A_781 = vector.shape_cast %get3A_780 : vector<1x16xf32> to vector<16xf32>
      %add3A_782 = arith.addf %get3A_777, %get3A_781 : vector<16xf32>
      %swap3A_783 = arith.index_cast %scan3A_46 : i32 to index
      %swap3A_784 = arith.constant 832 : index
      %swap3A_785 = tpu.vector_load %arg5[%swap3A_783, %swap3A_784] {strides = array<i32>} : memref<32x1024xf32, #tpu.memory_space<vmem>>, vector<1x16xf32>,
      %swap3A_786 = vector.shape_cast %swap3A_785 : vector<1x16xf32> to vector<16xf32>
      %swap3A_787 = vector.shape_cast %add3A_782 : vector<16xf32> to vector<1x16xf32>
      tpu.vector_store %arg5[%swap3A_783, %swap3A_784], %swap3A_787 {strides = array<i32>} : memref<32x1024xf32, #tpu.memory_space<vmem>>, vector<1x16xf32>,
      %get3A_788 = arith.index_cast %scan3A_46 : i32 to index
      %get3A_789 = arith.constant 848 : index
      %get3A_790 = tpu.vector_load %arg5[%get3A_788, %get3A_789] {strides = array<i32>} : memref<32x1024xf32, #tpu.memory_space<vmem>>, vector<1x16xf32>,
      %get3A_791 = vector.shape_cast %get3A_790 : vector<1x16xf32> to vector<16xf32>
      %get3A_792 = arith.index_cast %scan3A_46 : i32 to index
      %get3A_793 = arith.constant 848 : index
      %get3A_794 = tpu.vector_load %arg6[%get3A_792, %get3A_793] {strides = array<i32>} : memref<32x1024xf32, #tpu.memory_space<vmem>>, vector<1x16xf32>,
      %get3A_795 = vector.shape_cast %get3A_794 : vector<1x16xf32> to vector<16xf32>
      %add3A_796 = arith.addf %get3A_791, %get3A_795 : vector<16xf32>
      %swap3A_797 = arith.index_cast %scan3A_46 : i32 to index
      %swap3A_798 = arith.constant 848 : index
      %swap3A_799 = tpu.vector_load %arg5[%swap3A_797, %swap3A_798] {strides = array<i32>} : memref<32x1024xf32, #tpu.memory_space<vmem>>, vector<1x16xf32>,
      %swap3A_800 = vector.shape_cast %swap3A_799 : vector<1x16xf32> to vector<16xf32>
      %swap3A_801 = vector.shape_cast %add3A_796 : vector<16xf32> to vector<1x16xf32>
      tpu.vector_store %arg5[%swap3A_797, %swap3A_798], %swap3A_801 {strides = array<i32>} : memref<32x1024xf32, #tpu.memory_space<vmem>>, vector<1x16xf32>,
      %get3A_802 = arith.index_cast %scan3A_46 : i32 to index
      %get3A_803 = arith.constant 864 : index
      %get3A_804 = tpu.vector_load %arg5[%get3A_802, %get3A_803] {strides = array<i32>} : memref<32x1024xf32, #tpu.memory_space<vmem>>, vector<1x16xf32>,
      %get3A_805 = vector.shape_cast %get3A_804 : vector<1x16xf32> to vector<16xf32>
      %get3A_806 = arith.index_cast %scan3A_46 : i32 to index
      %get3A_807 = arith.constant 864 : index
      %get3A_808 = tpu.vector_load %arg6[%get3A_806, %get3A_807] {strides = array<i32>} : memref<32x1024xf32, #tpu.memory_space<vmem>>, vector<1x16xf32>,
      %get3A_809 = vector.shape_cast %get3A_808 : vector<1x16xf32> to vector<16xf32>
      %add3A_810 = arith.addf %get3A_805, %get3A_809 : vector<16xf32>
      %swap3A_811 = arith.index_cast %scan3A_46 : i32 to index
      %swap3A_812 = arith.constant 864 : index
      %swap3A_813 = tpu.vector_load %arg5[%swap3A_811, %swap3A_812] {strides = array<i32>} : memref<32x1024xf32, #tpu.memory_space<vmem>>, vector<1x16xf32>,
      %swap3A_814 = vector.shape_cast %swap3A_813 : vector<1x16xf32> to vector<16xf32>
      %swap3A_815 = vector.shape_cast %add3A_810 : vector<16xf32> to vector<1x16xf32>
      tpu.vector_store %arg5[%swap3A_811, %swap3A_812], %swap3A_815 {strides = array<i32>} : memref<32x1024xf32, #tpu.memory_space<vmem>>, vector<1x16xf32>,
      %get3A_816 = arith.index_cast %scan3A_46 : i32 to index
      %get3A_817 = arith.constant 880 : index
      %get3A_818 = tpu.vector_load %arg5[%get3A_816, %get3A_817] {strides = array<i32>} : memref<32x1024xf32, #tpu.memory_space<vmem>>, vector<1x16xf32>,
      %get3A_819 = vector.shape_cast %get3A_818 : vector<1x16xf32> to vector<16xf32>
      %get3A_820 = arith.index_cast %scan3A_46 : i32 to index
      %get3A_821 = arith.constant 880 : index
      %get3A_822 = tpu.vector_load %arg6[%get3A_820, %get3A_821] {strides = array<i32>} : memref<32x1024xf32, #tpu.memory_space<vmem>>, vector<1x16xf32>,
      %get3A_823 = vector.shape_cast %get3A_822 : vector<1x16xf32> to vector<16xf32>
      %add3A_824 = arith.addf %get3A_819, %get3A_823 : vector<16xf32>
      %swap3A_825 = arith.index_cast %scan3A_46 : i32 to index
      %swap3A_826 = arith.constant 880 : index
      %swap3A_827 = tpu.vector_load %arg5[%swap3A_825, %swap3A_826] {strides = array<i32>} : memref<32x1024xf32, #tpu.memory_space<vmem>>, vector<1x16xf32>,
      %swap3A_828 = vector.shape_cast %swap3A_827 : vector<1x16xf32> to vector<16xf32>
      %swap3A_829 = vector.shape_cast %add3A_824 : vector<16xf32> to vector<1x16xf32>
      tpu.vector_store %arg5[%swap3A_825, %swap3A_826], %swap3A_829 {strides = array<i32>} : memref<32x1024xf32, #tpu.memory_space<vmem>>, vector<1x16xf32>,
      %get3A_830 = arith.index_cast %scan3A_46 : i32 to index
      %get3A_831 = arith.constant 896 : index
      %get3A_832 = tpu.vector_load %arg5[%get3A_830, %get3A_831] {strides = array<i32>} : memref<32x1024xf32, #tpu.memory_space<vmem>>, vector<1x16xf32>,
      %get3A_833 = vector.shape_cast %get3A_832 : vector<1x16xf32> to vector<16xf32>
      %get3A_834 = arith.index_cast %scan3A_46 : i32 to index
      %get3A_835 = arith.constant 896 : index
      %get3A_836 = tpu.vector_load %arg6[%get3A_834, %get3A_835] {strides = array<i32>} : memref<32x1024xf32, #tpu.memory_space<vmem>>, vector<1x16xf32>,
      %get3A_837 = vector.shape_cast %get3A_836 : vector<1x16xf32> to vector<16xf32>
      %add3A_838 = arith.addf %get3A_833, %get3A_837 : vector<16xf32>
      %swap3A_839 = arith.index_cast %scan3A_46 : i32 to index
      %swap3A_840 = arith.constant 896 : index
      %swap3A_841 = tpu.vector_load %arg5[%swap3A_839, %swap3A_840] {strides = array<i32>} : memref<32x1024xf32, #tpu.memory_space<vmem>>, vector<1x16xf32>,
      %swap3A_842 = vector.shape_cast %swap3A_841 : vector<1x16xf32> to vector<16xf32>
      %swap3A_843 = vector.shape_cast %add3A_838 : vector<16xf32> to vector<1x16xf32>
      tpu.vector_store %arg5[%swap3A_839, %swap3A_840], %swap3A_843 {strides = array<i32>} : memref<32x1024xf32, #tpu.memory_space<vmem>>, vector<1x16xf32>,
      %get3A_844 = arith.index_cast %scan3A_46 : i32 to index
      %get3A_845 = arith.constant 912 : index
      %get3A_846 = tpu.vector_load %arg5[%get3A_844, %get3A_845] {strides = array<i32>} : memref<32x1024xf32, #tpu.memory_space<vmem>>, vector<1x16xf32>,
      %get3A_847 = vector.shape_cast %get3A_846 : vector<1x16xf32> to vector<16xf32>
      %get3A_848 = arith.index_cast %scan3A_46 : i32 to index
      %get3A_849 = arith.constant 912 : index
      %get3A_850 = tpu.vector_load %arg6[%get3A_848, %get3A_849] {strides = array<i32>} : memref<32x1024xf32, #tpu.memory_space<vmem>>, vector<1x16xf32>,
      %get3A_851 = vector.shape_cast %get3A_850 : vector<1x16xf32> to vector<16xf32>
      %add3A_852 = arith.addf %get3A_847, %get3A_851 : vector<16xf32>
      %swap3A_853 = arith.index_cast %scan3A_46 : i32 to index
      %swap3A_854 = arith.constant 912 : index
      %swap3A_855 = tpu.vector_load %arg5[%swap3A_853, %swap3A_854] {strides = array<i32>} : memref<32x1024xf32, #tpu.memory_space<vmem>>, vector<1x16xf32>,
      %swap3A_856 = vector.shape_cast %swap3A_855 : vector<1x16xf32> to vector<16xf32>
      %swap3A_857 = vector.shape_cast %add3A_852 : vector<16xf32> to vector<1x16xf32>
      tpu.vector_store %arg5[%swap3A_853, %swap3A_854], %swap3A_857 {strides = array<i32>} : memref<32x1024xf32, #tpu.memory_space<vmem>>, vector<1x16xf32>,
      %get3A_858 = arith.index_cast %scan3A_46 : i32 to index
      %get3A_859 = arith.constant 928 : index
      %get3A_860 = tpu.vector_load %arg5[%get3A_858, %get3A_859] {strides = array<i32>} : memref<32x1024xf32, #tpu.memory_space<vmem>>, vector<1x16xf32>,
      %get3A_861 = vector.shape_cast %get3A_860 : vector<1x16xf32> to vector<16xf32>
      %get3A_862 = arith.index_cast %scan3A_46 : i32 to index
      %get3A_863 = arith.constant 928 : index
      %get3A_864 = tpu.vector_load %arg6[%get3A_862, %get3A_863] {strides = array<i32>} : memref<32x1024xf32, #tpu.memory_space<vmem>>, vector<1x16xf32>,
      %get3A_865 = vector.shape_cast %get3A_864 : vector<1x16xf32> to vector<16xf32>
      %add3A_866 = arith.addf %get3A_861, %get3A_865 : vector<16xf32>
      %swap3A_867 = arith.index_cast %scan3A_46 : i32 to index
      %swap3A_868 = arith.constant 928 : index
      %swap3A_869 = tpu.vector_load %arg5[%swap3A_867, %swap3A_868] {strides = array<i32>} : memref<32x1024xf32, #tpu.memory_space<vmem>>, vector<1x16xf32>,
      %swap3A_870 = vector.shape_cast %swap3A_869 : vector<1x16xf32> to vector<16xf32>
      %swap3A_871 = vector.shape_cast %add3A_866 : vector<16xf32> to vector<1x16xf32>
      tpu.vector_store %arg5[%swap3A_867, %swap3A_868], %swap3A_871 {strides = array<i32>} : memref<32x1024xf32, #tpu.memory_space<vmem>>, vector<1x16xf32>,
      %get3A_872 = arith.index_cast %scan3A_46 : i32 to index
      %get3A_873 = arith.constant 944 : index
      %get3A_874 = tpu.vector_load %arg5[%get3A_872, %get3A_873] {strides = array<i32>} : memref<32x1024xf32, #tpu.memory_space<vmem>>, vector<1x16xf32>,
      %get3A_875 = vector.shape_cast %get3A_874 : vector<1x16xf32> to vector<16xf32>
      %get3A_876 = arith.index_cast %scan3A_46 : i32 to index
      %get3A_877 = arith.constant 944 : index
      %get3A_878 = tpu.vector_load %arg6[%get3A_876, %get3A_877] {strides = array<i32>} : memref<32x1024xf32, #tpu.memory_space<vmem>>, vector<1x16xf32>,
      %get3A_879 = vector.shape_cast %get3A_878 : vector<1x16xf32> to vector<16xf32>
      %add3A_880 = arith.addf %get3A_875, %get3A_879 : vector<16xf32>
      %swap3A_881 = arith.index_cast %scan3A_46 : i32 to index
      %swap3A_882 = arith.constant 944 : index
      %swap3A_883 = tpu.vector_load %arg5[%swap3A_881, %swap3A_882] {strides = array<i32>} : memref<32x1024xf32, #tpu.memory_space<vmem>>, vector<1x16xf32>,
      %swap3A_884 = vector.shape_cast %swap3A_883 : vector<1x16xf32> to vector<16xf32>
      %swap3A_885 = vector.shape_cast %add3A_880 : vector<16xf32> to vector<1x16xf32>
      tpu.vector_store %arg5[%swap3A_881, %swap3A_882], %swap3A_885 {strides = array<i32>} : memref<32x1024xf32, #tpu.memory_space<vmem>>, vector<1x16xf32>,
      %get3A_886 = arith.index_cast %scan3A_46 : i32 to index
      %get3A_887 = arith.constant 960 : index
      %get3A_888 = tpu.vector_load %arg5[%get3A_886, %get3A_887] {strides = array<i32>} : memref<32x1024xf32, #tpu.memory_space<vmem>>, vector<1x16xf32>,
      %get3A_889 = vector.shape_cast %get3A_888 : vector<1x16xf32> to vector<16xf32>
      %get3A_890 = arith.index_cast %scan3A_46 : i32 to index
      %get3A_891 = arith.constant 960 : index
      %get3A_892 = tpu.vector_load %arg6[%get3A_890, %get3A_891] {strides = array<i32>} : memref<32x1024xf32, #tpu.memory_space<vmem>>, vector<1x16xf32>,
      %get3A_893 = vector.shape_cast %get3A_892 : vector<1x16xf32> to vector<16xf32>
      %add3A_894 = arith.addf %get3A_889, %get3A_893 : vector<16xf32>
      %swap3A_895 = arith.index_cast %scan3A_46 : i32 to index
      %swap3A_896 = arith.constant 960 : index
      %swap3A_897 = tpu.vector_load %arg5[%swap3A_895, %swap3A_896] {strides = array<i32>} : memref<32x1024xf32, #tpu.memory_space<vmem>>, vector<1x16xf32>,
      %swap3A_898 = vector.shape_cast %swap3A_897 : vector<1x16xf32> to vector<16xf32>
      %swap3A_899 = vector.shape_cast %add3A_894 : vector<16xf32> to vector<1x16xf32>
      tpu.vector_store %arg5[%swap3A_895, %swap3A_896], %swap3A_899 {strides = array<i32>} : memref<32x1024xf32, #tpu.memory_space<vmem>>, vector<1x16xf32>,
      %get3A_900 = arith.index_cast %scan3A_46 : i32 to index
      %get3A_901 = arith.constant 976 : index
      %get3A_902 = tpu.vector_load %arg5[%get3A_900, %get3A_901] {strides = array<i32>} : memref<32x1024xf32, #tpu.memory_space<vmem>>, vector<1x16xf32>,
      %get3A_903 = vector.shape_cast %get3A_902 : vector<1x16xf32> to vector<16xf32>
      %get3A_904 = arith.index_cast %scan3A_46 : i32 to index
      %get3A_905 = arith.constant 976 : index
      %get3A_906 = tpu.vector_load %arg6[%get3A_904, %get3A_905] {strides = array<i32>} : memref<32x1024xf32, #tpu.memory_space<vmem>>, vector<1x16xf32>,
      %get3A_907 = vector.shape_cast %get3A_906 : vector<1x16xf32> to vector<16xf32>
      %add3A_908 = arith.addf %get3A_903, %get3A_907 : vector<16xf32>
      %swap3A_909 = arith.index_cast %scan3A_46 : i32 to index
      %swap3A_910 = arith.constant 976 : index
      %swap3A_911 = tpu.vector_load %arg5[%swap3A_909, %swap3A_910] {strides = array<i32>} : memref<32x1024xf32, #tpu.memory_space<vmem>>, vector<1x16xf32>,
      %swap3A_912 = vector.shape_cast %swap3A_911 : vector<1x16xf32> to vector<16xf32>
      %swap3A_913 = vector.shape_cast %add3A_908 : vector<16xf32> to vector<1x16xf32>
      tpu.vector_store %arg5[%swap3A_909, %swap3A_910], %swap3A_913 {strides = array<i32>} : memref<32x1024xf32, #tpu.memory_space<vmem>>, vector<1x16xf32>,
      %get3A_914 = arith.index_cast %scan3A_46 : i32 to index
      %get3A_915 = arith.constant 992 : index
      %get3A_916 = tpu.vector_load %arg5[%get3A_914, %get3A_915] {strides = array<i32>} : memref<32x1024xf32, #tpu.memory_space<vmem>>, vector<1x16xf32>,
      %get3A_917 = vector.shape_cast %get3A_916 : vector<1x16xf32> to vector<16xf32>
      %get3A_918 = arith.index_cast %scan3A_46 : i32 to index
      %get3A_919 = arith.constant 992 : index
      %get3A_920 = tpu.vector_load %arg6[%get3A_918, %get3A_919] {strides = array<i32>} : memref<32x1024xf32, #tpu.memory_space<vmem>>, vector<1x16xf32>,
      %get3A_921 = vector.shape_cast %get3A_920 : vector<1x16xf32> to vector<16xf32>
      %add3A_922 = arith.addf %get3A_917, %get3A_921 : vector<16xf32>
      %swap3A_923 = arith.index_cast %scan3A_46 : i32 to index
      %swap3A_924 = arith.constant 992 : index
      %swap3A_925 = tpu.vector_load %arg5[%swap3A_923, %swap3A_924] {strides = array<i32>} : memref<32x1024xf32, #tpu.memory_space<vmem>>, vector<1x16xf32>,
      %swap3A_926 = vector.shape_cast %swap3A_925 : vector<1x16xf32> to vector<16xf32>
      %swap3A_927 = vector.shape_cast %add3A_922 : vector<16xf32> to vector<1x16xf32>
      tpu.vector_store %arg5[%swap3A_923, %swap3A_924], %swap3A_927 {strides = array<i32>} : memref<32x1024xf32, #tpu.memory_space<vmem>>, vector<1x16xf32>,
      %get3A_928 = arith.index_cast %scan3A_46 : i32 to index
      %get3A_929 = arith.constant 1008 : index
      %get3A_930 = tpu.vector_load %arg5[%get3A_928, %get3A_929] {strides = array<i32>} : memref<32x1024xf32, #tpu.memory_space<vmem>>, vector<1x16xf32>,
      %get3A_931 = vector.shape_cast %get3A_930 : vector<1x16xf32> to vector<16xf32>
      %get3A_932 = arith.index_cast %scan3A_46 : i32 to index
      %get3A_933 = arith.constant 1008 : index
      %get3A_934 = tpu.vector_load %arg6[%get3A_932, %get3A_933] {strides = array<i32>} : memref<32x1024xf32, #tpu.memory_space<vmem>>, vector<1x16xf32>,
      %get3A_935 = vector.shape_cast %get3A_934 : vector<1x16xf32> to vector<16xf32>
      %add3A_936 = arith.addf %get3A_931, %get3A_935 : vector<16xf32>
      %swap3A_937 = arith.index_cast %scan3A_46 : i32 to index
      %swap3A_938 = arith.constant 1008 : index
      %swap3A_939 = tpu.vector_load %arg5[%swap3A_937, %swap3A_938] {strides = array<i32>} : memref<32x1024xf32, #tpu.memory_space<vmem>>, vector<1x16xf32>,
      %swap3A_940 = vector.shape_cast %swap3A_939 : vector<1x16xf32> to vector<16xf32>
      %swap3A_941 = vector.shape_cast %add3A_936 : vector<16xf32> to vector<1x16xf32>
      tpu.vector_store %arg5[%swap3A_937, %swap3A_938], %swap3A_941 {strides = array<i32>} : memref<32x1024xf32, #tpu.memory_space<vmem>>, vector<1x16xf32>,
      %scan3A_942 = arith.constant 0 : i32
      scf.yield %scan3A_942 : i32
    }
    %scan3A_45 = arith.constant 32 : i32
    "tpu.region"() ({
      %run_scoped3A = tpu.sem_alloc : memref<!tpu.dma_semaphore, #tpu.memory_space<semaphore_mem>>
      %dma_start3A_46 = arith.constant 0 : i32
      %dma_start3A_47 = tpu.memref_slice %arg4[%add3A_24, %dma_start3A_46] : memref<2048x1024xf32, #tpu.memory_space<hbm>> -> memref<32x1024xf32, #tpu.memory_space<hbm>>
      %dma_start3A_48 = arith.constant 0 : i32
      %dma_start3A_49 = tpu.memref_slice %arg4[%add3A_24, %dma_start3A_48] : memref<2048x1024xf32, #tpu.memory_space<hbm>> -> memref<32x1024xf32, #tpu.memory_space<hbm>>
      tpu.enqueue_dma source(%arg5 : memref<32x1024xf32, #tpu.memory_space<vmem>>) target(%dma_start3A_49 : memref<32x1024xf32, #tpu.memory_space<hbm>>) target_semaphore(%run_scoped3A : memref<!tpu.dma_semaphore, #tpu.memory_space<semaphore_mem>>)
      %dma_wait3A_50 = arith.constant 0 : i32
      %dma_wait3A_51 = tpu.memref_slice %arg4[%add3A_24, %dma_wait3A_50] : memref<2048x1024xf32, #tpu.memory_space<hbm>> -> memref<32x1024xf32, #tpu.memory_space<hbm>>
      %dma_wait3A_52 = arith.constant 0 : i32
      %dma_wait3A_53 = tpu.memref_slice %arg4[%add3A_24, %dma_wait3A_52] : memref<2048x1024xf32, #tpu.memory_space<hbm>> -> memref<32x1024xf32, #tpu.memory_space<hbm>>
      tpu.wait_dma2 semaphore(%run_scoped3A : memref<!tpu.dma_semaphore, #tpu.memory_space<semaphore_mem>>) src(%arg5 : memref<32x1024xf32, #tpu.memory_space<vmem>>) dst(%dma_wait3A_53 : memref<32x1024xf32, #tpu.memory_space<hbm>>)
      tpu.yield
    }) : () -> ()
    return
  }
}

#map = affine_map<(d0, d1) -> (0, 0)>
#map1 = affine_map<(d0, d1) -> (0)>
module attributes {stable_mosaic.version = 14 : i64} {
  func.func @_sc_scatter_body(%arg0: i32, %arg1: i32, %arg2: memref<2048x1024xf32, #tpu.memory_space<hbm>>, %arg3: memref<4096xi32, #tpu.memory_space<hbm>>, %arg4: memref<4096x128xf32, #tpu.memory_space<hbm>>, %arg5: memref<8640x1024xf32, #tpu.memory_space<hbm>>, %arg6: memref<8640x128xf32, #tpu.memory_space<hbm>>, %arg7: memref<32x1024xf32, #tpu.memory_space<vmem>>, %arg8: memref<32x1024xf32, #tpu.memory_space<vmem>>, %arg9: memref<32x128xf32, #tpu.memory_space<vmem>>, %arg10: memref<32x128xf32, #tpu.memory_space<vmem>>, %arg11: memref<32xi32, #tpu.memory_space<vmem>>, %arg12: memref<32xi32, #tpu.memory_space<vmem>>, %arg13: memref<!tpu.dma_semaphore, #tpu.memory_space<semaphore_mem>>, %arg14: memref<!tpu.dma_semaphore, #tpu.memory_space<semaphore_mem>>, %arg15: memref<!tpu.dma_semaphore, #tpu.memory_space<semaphore_mem>>, %arg16: memref<!tpu.dma_semaphore, #tpu.memory_space<semaphore_mem>>) attributes {dimension_semantics = [#tpu.dimension_semantics<core_parallel>, #tpu.dimension_semantics<subcore_parallel>], iteration_bounds = array<i64: 2, 16>, scalar_prefetch = 0 : i64, scratch_operands = 10 : i64, tpu.core_type = #tpu.core_type<sc_vector_subcore>, window_params = [{transform_indices = #map}, {transform_indices = #map1}, {transform_indices = #map}, {transform_indices = #map}, {transform_indices = #map}]} {
    %mul3A = arith.constant 2 : i32
    %mul3A_0 = arith.muli %arg1, %mul3A : i32
    %add3A = arith.addi %mul3A_0, %arg0 : i32
    %jit3A = arith.constant 16 : i32
    %div3A = arith.divsi %add3A, %jit3A : i32
    %sign3A = arith.constant 0 : i32
    %sign3A_1 = arith.cmpi sgt, %add3A, %sign3A : i32
    %sign3A_2 = arith.extui %sign3A_1 : i1 to i32
    %sign3A_3 = arith.constant 0 : i32
    %sign3A_4 = arith.cmpi slt, %add3A, %sign3A_3 : i32
    %sign3A_5 = arith.extui %sign3A_4 : i1 to i32
    %sign3A_6 = arith.subi %sign3A_2, %sign3A_5 : i32
    %sign3A_7 = arith.constant 0 : i32
    %sign3A_8 = arith.cmpi sgt, %jit3A, %sign3A_7 : i32
    %sign3A_9 = arith.extui %sign3A_8 : i1 to i32
    %sign3A_10 = arith.constant 0 : i32
    %sign3A_11 = arith.cmpi slt, %jit3A, %sign3A_10 : i32
    %sign3A_12 = arith.extui %sign3A_11 : i1 to i32
    %sign3A_13 = arith.subi %sign3A_9, %sign3A_12 : i32
    %ne3A = arith.cmpi ne, %sign3A_6, %sign3A_13 : i32
    %rem3A = arith.remsi %add3A, %jit3A : i32
    %ne3A_14 = arith.constant 0 : i32
    %ne3A_15 = arith.cmpi ne, %rem3A, %ne3A_14 : i32
    %and3A = arith.andi %ne3A, %ne3A_15 : i1
    %sub3A = arith.constant 1 : i32
    %sub3A_16 = arith.subi %div3A, %sub3A : i32
    %select_n3A = arith.select %and3A, %sub3A_16, %div3A : i32
    %jit3A_17 = arith.constant 16 : i32
    %eq3A = arith.constant 0 : i32
    %eq3A_18 = arith.cmpi eq, %jit3A_17, %eq3A : i32
    %jit3A_19 = arith.constant 1 : i32
    %select_n3A_20 = arith.select %eq3A_18, %jit3A_19, %jit3A_17 : i32
    %rem3A_21 = arith.remsi %add3A, %select_n3A_20 : i32
    %ne3A_22 = arith.constant 0 : i32
    %ne3A_23 = arith.cmpi ne, %rem3A_21, %ne3A_22 : i32
    %lt3A = arith.constant 0 : i32
    %lt3A_24 = arith.cmpi slt, %rem3A_21, %lt3A : i32
    %lt3A_25 = arith.constant 0 : i32
    %lt3A_26 = arith.cmpi slt, %select_n3A_20, %lt3A_25 : i32
    %ne3A_27 = arith.xori %lt3A_24, %lt3A_26 : i1
    %and3A_28 = arith.andi %ne3A_27, %ne3A_23 : i1
    %add3A_29 = arith.addi %rem3A_21, %select_n3A_20 : i32
    %select_n3A_30 = arith.select %and3A_28, %add3A_29, %rem3A_21 : i32
    %mul3A_31 = arith.constant 128 : i32
    %mul3A_32 = arith.muli %select_n3A_30, %mul3A_31 : i32
    %add3A_33 = arith.constant 0 : i32
    %add3A_34 = arith.addi %mul3A_32, %add3A_33 : i32
    %mul3A_35 = arith.constant 2048 : i32
    %mul3A_36 = arith.muli %select_n3A, %mul3A_35 : i32
    %add3A_37 = arith.addi %mul3A_36, %add3A_34 : i32
    "tpu.region"() ({
      %run_scoped3A = tpu.sem_alloc : memref<!tpu.dma_semaphore, #tpu.memory_space<semaphore_mem>>
      %dma_start3A_111 = tpu.memref_slice %arg3[%add3A_37] : memref<4096xi32, #tpu.memory_space<hbm>> -> memref<32xi32, #tpu.memory_space<hbm>>
      %dma_start3A_112 = tpu.memref_slice %arg3[%add3A_37] : memref<4096xi32, #tpu.memory_space<hbm>> -> memref<32xi32, #tpu.memory_space<hbm>>
      tpu.enqueue_dma source(%dma_start3A_112 : memref<32xi32, #tpu.memory_space<hbm>>) target(%arg11 : memref<32xi32, #tpu.memory_space<vmem>>) target_semaphore(%run_scoped3A : memref<!tpu.dma_semaphore, #tpu.memory_space<semaphore_mem>>)
      %dma_wait3A_113 = tpu.memref_slice %arg3[%add3A_37] : memref<4096xi32, #tpu.memory_space<hbm>> -> memref<32xi32, #tpu.memory_space<hbm>>
      %dma_wait3A_114 = tpu.memref_slice %arg3[%add3A_37] : memref<4096xi32, #tpu.memory_space<hbm>> -> memref<32xi32, #tpu.memory_space<hbm>>
      tpu.wait_dma2 semaphore(%run_scoped3A : memref<!tpu.dma_semaphore, #tpu.memory_space<semaphore_mem>>) src(%dma_wait3A_114 : memref<32xi32, #tpu.memory_space<hbm>>) dst(%arg11 : memref<32xi32, #tpu.memory_space<vmem>>)
      tpu.yield
    }) : () -> ()
    %mul3A_38 = arith.constant 2048 : i32
    %mul3A_39 = arith.muli %select_n3A, %mul3A_38 : i32
    %add3A_40 = arith.addi %mul3A_39, %add3A_34 : i32
    "tpu.region"() ({
      %run_scoped3A = tpu.sem_alloc : memref<!tpu.dma_semaphore, #tpu.memory_space<semaphore_mem>>
      %dma_start3A_111 = arith.constant 0 : i32
      %dma_start3A_112 = tpu.memref_slice %arg4[%add3A_40, %dma_start3A_111] : memref<4096x128xf32, #tpu.memory_space<hbm>> -> memref<32x128xf32, #tpu.memory_space<hbm>>
      %dma_start3A_113 = arith.constant 0 : i32
      %dma_start3A_114 = tpu.memref_slice %arg4[%add3A_40, %dma_start3A_113] : memref<4096x128xf32, #tpu.memory_space<hbm>> -> memref<32x128xf32, #tpu.memory_space<hbm>>
      tpu.enqueue_dma source(%dma_start3A_114 : memref<32x128xf32, #tpu.memory_space<hbm>>) target(%arg9 : memref<32x128xf32, #tpu.memory_space<vmem>>) target_semaphore(%run_scoped3A : memref<!tpu.dma_semaphore, #tpu.memory_space<semaphore_mem>>)
      %dma_wait3A_115 = arith.constant 0 : i32
      %dma_wait3A_116 = tpu.memref_slice %arg4[%add3A_40, %dma_wait3A_115] : memref<4096x128xf32, #tpu.memory_space<hbm>> -> memref<32x128xf32, #tpu.memory_space<hbm>>
      %dma_wait3A_117 = arith.constant 0 : i32
      %dma_wait3A_118 = tpu.memref_slice %arg4[%add3A_40, %dma_wait3A_117] : memref<4096x128xf32, #tpu.memory_space<hbm>> -> memref<32x128xf32, #tpu.memory_space<hbm>>
      tpu.wait_dma2 semaphore(%run_scoped3A : memref<!tpu.dma_semaphore, #tpu.memory_space<semaphore_mem>>) src(%dma_wait3A_118 : memref<32x128xf32, #tpu.memory_space<hbm>>) dst(%arg9 : memref<32x128xf32, #tpu.memory_space<vmem>>)
      tpu.yield
    }) : () -> ()
    "tpu.region"() ({
      %run_scoped3A = tpu.sem_alloc : memref<!tpu.dma_semaphore, #tpu.memory_space<semaphore_mem>>
      %dma_start3A_111 = arith.constant 0 : i32
      %dma_start3A_112 = tpu.memref_slice %arg2[%add3A_34, %dma_start3A_111] : memref<2048x1024xf32, #tpu.memory_space<hbm>> -> memref<32x1024xf32, #tpu.memory_space<hbm>>
      %dma_start3A_113 = arith.constant 0 : i32
      %dma_start3A_114 = tpu.memref_slice %arg2[%add3A_34, %dma_start3A_113] : memref<2048x1024xf32, #tpu.memory_space<hbm>> -> memref<32x1024xf32, #tpu.memory_space<hbm>>
      tpu.enqueue_dma source(%dma_start3A_114 : memref<32x1024xf32, #tpu.memory_space<hbm>>) target(%arg7 : memref<32x1024xf32, #tpu.memory_space<vmem>>) target_semaphore(%run_scoped3A : memref<!tpu.dma_semaphore, #tpu.memory_space<semaphore_mem>>)
      %dma_wait3A_115 = arith.constant 0 : i32
      %dma_wait3A_116 = tpu.memref_slice %arg2[%add3A_34, %dma_wait3A_115] : memref<2048x1024xf32, #tpu.memory_space<hbm>> -> memref<32x1024xf32, #tpu.memory_space<hbm>>
      %dma_wait3A_117 = arith.constant 0 : i32
      %dma_wait3A_118 = tpu.memref_slice %arg2[%add3A_34, %dma_wait3A_117] : memref<2048x1024xf32, #tpu.memory_space<hbm>> -> memref<32x1024xf32, #tpu.memory_space<hbm>>
      tpu.wait_dma2 semaphore(%run_scoped3A : memref<!tpu.dma_semaphore, #tpu.memory_space<semaphore_mem>>) src(%dma_wait3A_118 : memref<32x1024xf32, #tpu.memory_space<hbm>>) dst(%arg7 : memref<32x1024xf32, #tpu.memory_space<vmem>>)
      tpu.yield
    }) : () -> ()
    %dma_start3A = arith.constant 0 : i32
    %dma_start3A_41 = arith.constant 0 : i32
    %dma_start3A_42 = tpu.memref_slice %arg5[%dma_start3A, %dma_start3A_41] : memref<8640x1024xf32, #tpu.memory_space<hbm>> -> memref<8640x1024xf32, #tpu.memory_space<hbm>>
    tpu.enqueue_indirect_dma source(%arg7 : memref<32x1024xf32, #tpu.memory_space<vmem>>) target(%dma_start3A_42 : memref<8640x1024xf32, #tpu.memory_space<hbm>>) offsets(%arg11 : memref<32xi32, #tpu.memory_space<vmem>>) semaphore(%arg13 : memref<!tpu.dma_semaphore, #tpu.memory_space<semaphore_mem>>)
    %dma_start3A_43 = arith.constant 0 : i32
    %dma_start3A_44 = arith.constant 0 : i32
    %dma_start3A_45 = tpu.memref_slice %arg6[%dma_start3A_43, %dma_start3A_44] : memref<8640x128xf32, #tpu.memory_space<hbm>> -> memref<8640x128xf32, #tpu.memory_space<hbm>>
    tpu.enqueue_indirect_dma source(%arg9 : memref<32x128xf32, #tpu.memory_space<vmem>>) target(%dma_start3A_45 : memref<8640x128xf32, #tpu.memory_space<hbm>>) offsets(%arg11 : memref<32xi32, #tpu.memory_space<vmem>>) semaphore(%arg15 : memref<!tpu.dma_semaphore, #tpu.memory_space<semaphore_mem>>)
    %add3A_46 = arith.constant 32 : i32
    %add3A_47 = arith.addi %mul3A_32, %add3A_46 : i32
    %mul3A_48 = arith.constant 2048 : i32
    %mul3A_49 = arith.muli %select_n3A, %mul3A_48 : i32
    %add3A_50 = arith.addi %mul3A_49, %add3A_47 : i32
    "tpu.region"() ({
      %run_scoped3A = tpu.sem_alloc : memref<!tpu.dma_semaphore, #tpu.memory_space<semaphore_mem>>
      %dma_start3A_111 = tpu.memref_slice %arg3[%add3A_50] : memref<4096xi32, #tpu.memory_space<hbm>> -> memref<32xi32, #tpu.memory_space<hbm>>
      %dma_start3A_112 = tpu.memref_slice %arg3[%add3A_50] : memref<4096xi32, #tpu.memory_space<hbm>> -> memref<32xi32, #tpu.memory_space<hbm>>
      tpu.enqueue_dma source(%dma_start3A_112 : memref<32xi32, #tpu.memory_space<hbm>>) target(%arg12 : memref<32xi32, #tpu.memory_space<vmem>>) target_semaphore(%run_scoped3A : memref<!tpu.dma_semaphore, #tpu.memory_space<semaphore_mem>>)
      %dma_wait3A_113 = tpu.memref_slice %arg3[%add3A_50] : memref<4096xi32, #tpu.memory_space<hbm>> -> memref<32xi32, #tpu.memory_space<hbm>>
      %dma_wait3A_114 = tpu.memref_slice %arg3[%add3A_50] : memref<4096xi32, #tpu.memory_space<hbm>> -> memref<32xi32, #tpu.memory_space<hbm>>
      tpu.wait_dma2 semaphore(%run_scoped3A : memref<!tpu.dma_semaphore, #tpu.memory_space<semaphore_mem>>) src(%dma_wait3A_114 : memref<32xi32, #tpu.memory_space<hbm>>) dst(%arg12 : memref<32xi32, #tpu.memory_space<vmem>>)
      tpu.yield
    }) : () -> ()
    %mul3A_51 = arith.constant 2048 : i32
    %mul3A_52 = arith.muli %select_n3A, %mul3A_51 : i32
    %add3A_53 = arith.addi %mul3A_52, %add3A_47 : i32
    "tpu.region"() ({
      %run_scoped3A = tpu.sem_alloc : memref<!tpu.dma_semaphore, #tpu.memory_space<semaphore_mem>>
      %dma_start3A_111 = arith.constant 0 : i32
      %dma_start3A_112 = tpu.memref_slice %arg4[%add3A_53, %dma_start3A_111] : memref<4096x128xf32, #tpu.memory_space<hbm>> -> memref<32x128xf32, #tpu.memory_space<hbm>>
      %dma_start3A_113 = arith.constant 0 : i32
      %dma_start3A_114 = tpu.memref_slice %arg4[%add3A_53, %dma_start3A_113] : memref<4096x128xf32, #tpu.memory_space<hbm>> -> memref<32x128xf32, #tpu.memory_space<hbm>>
      tpu.enqueue_dma source(%dma_start3A_114 : memref<32x128xf32, #tpu.memory_space<hbm>>) target(%arg10 : memref<32x128xf32, #tpu.memory_space<vmem>>) target_semaphore(%run_scoped3A : memref<!tpu.dma_semaphore, #tpu.memory_space<semaphore_mem>>)
      %dma_wait3A_115 = arith.constant 0 : i32
      %dma_wait3A_116 = tpu.memref_slice %arg4[%add3A_53, %dma_wait3A_115] : memref<4096x128xf32, #tpu.memory_space<hbm>> -> memref<32x128xf32, #tpu.memory_space<hbm>>
      %dma_wait3A_117 = arith.constant 0 : i32
      %dma_wait3A_118 = tpu.memref_slice %arg4[%add3A_53, %dma_wait3A_117] : memref<4096x128xf32, #tpu.memory_space<hbm>> -> memref<32x128xf32, #tpu.memory_space<hbm>>
      tpu.wait_dma2 semaphore(%run_scoped3A : memref<!tpu.dma_semaphore, #tpu.memory_space<semaphore_mem>>) src(%dma_wait3A_118 : memref<32x128xf32, #tpu.memory_space<hbm>>) dst(%arg10 : memref<32x128xf32, #tpu.memory_space<vmem>>)
      tpu.yield
    }) : () -> ()
    "tpu.region"() ({
      %run_scoped3A = tpu.sem_alloc : memref<!tpu.dma_semaphore, #tpu.memory_space<semaphore_mem>>
      %dma_start3A_111 = arith.constant 0 : i32
      %dma_start3A_112 = tpu.memref_slice %arg2[%add3A_47, %dma_start3A_111] : memref<2048x1024xf32, #tpu.memory_space<hbm>> -> memref<32x1024xf32, #tpu.memory_space<hbm>>
      %dma_start3A_113 = arith.constant 0 : i32
      %dma_start3A_114 = tpu.memref_slice %arg2[%add3A_47, %dma_start3A_113] : memref<2048x1024xf32, #tpu.memory_space<hbm>> -> memref<32x1024xf32, #tpu.memory_space<hbm>>
      tpu.enqueue_dma source(%dma_start3A_114 : memref<32x1024xf32, #tpu.memory_space<hbm>>) target(%arg8 : memref<32x1024xf32, #tpu.memory_space<vmem>>) target_semaphore(%run_scoped3A : memref<!tpu.dma_semaphore, #tpu.memory_space<semaphore_mem>>)
      %dma_wait3A_115 = arith.constant 0 : i32
      %dma_wait3A_116 = tpu.memref_slice %arg2[%add3A_47, %dma_wait3A_115] : memref<2048x1024xf32, #tpu.memory_space<hbm>> -> memref<32x1024xf32, #tpu.memory_space<hbm>>
      %dma_wait3A_117 = arith.constant 0 : i32
      %dma_wait3A_118 = tpu.memref_slice %arg2[%add3A_47, %dma_wait3A_117] : memref<2048x1024xf32, #tpu.memory_space<hbm>> -> memref<32x1024xf32, #tpu.memory_space<hbm>>
      tpu.wait_dma2 semaphore(%run_scoped3A : memref<!tpu.dma_semaphore, #tpu.memory_space<semaphore_mem>>) src(%dma_wait3A_118 : memref<32x1024xf32, #tpu.memory_space<hbm>>) dst(%arg8 : memref<32x1024xf32, #tpu.memory_space<vmem>>)
      tpu.yield
    }) : () -> ()
    %dma_start3A_54 = arith.constant 0 : i32
    %dma_start3A_55 = arith.constant 0 : i32
    %dma_start3A_56 = tpu.memref_slice %arg5[%dma_start3A_54, %dma_start3A_55] : memref<8640x1024xf32, #tpu.memory_space<hbm>> -> memref<8640x1024xf32, #tpu.memory_space<hbm>>
    tpu.enqueue_indirect_dma source(%arg8 : memref<32x1024xf32, #tpu.memory_space<vmem>>) target(%dma_start3A_56 : memref<8640x1024xf32, #tpu.memory_space<hbm>>) offsets(%arg12 : memref<32xi32, #tpu.memory_space<vmem>>) semaphore(%arg14 : memref<!tpu.dma_semaphore, #tpu.memory_space<semaphore_mem>>)
    %dma_start3A_57 = arith.constant 0 : i32
    %dma_start3A_58 = arith.constant 0 : i32
    %dma_start3A_59 = tpu.memref_slice %arg6[%dma_start3A_57, %dma_start3A_58] : memref<8640x128xf32, #tpu.memory_space<hbm>> -> memref<8640x128xf32, #tpu.memory_space<hbm>>
    tpu.enqueue_indirect_dma source(%arg10 : memref<32x128xf32, #tpu.memory_space<vmem>>) target(%dma_start3A_59 : memref<8640x128xf32, #tpu.memory_space<hbm>>) offsets(%arg12 : memref<32xi32, #tpu.memory_space<vmem>>) semaphore(%arg16 : memref<!tpu.dma_semaphore, #tpu.memory_space<semaphore_mem>>)
    %dma_wait3A = arith.constant 0 : i32
    %dma_wait3A_60 = arith.constant 0 : i32
    %dma_wait3A_61 = tpu.memref_slice %arg5[%dma_wait3A, %dma_wait3A_60] : memref<8640x1024xf32, #tpu.memory_space<hbm>> -> memref<8640x1024xf32, #tpu.memory_space<hbm>>
    tpu.wait_indirect_dma semaphore(%arg13 : memref<!tpu.dma_semaphore, #tpu.memory_space<semaphore_mem>>) src(%arg7 : memref<32x1024xf32, #tpu.memory_space<vmem>>) dst(%dma_wait3A_61 : memref<8640x1024xf32, #tpu.memory_space<hbm>>)
    %dma_wait3A_62 = arith.constant 0 : i32
    %dma_wait3A_63 = arith.constant 0 : i32
    %dma_wait3A_64 = tpu.memref_slice %arg6[%dma_wait3A_62, %dma_wait3A_63] : memref<8640x128xf32, #tpu.memory_space<hbm>> -> memref<8640x128xf32, #tpu.memory_space<hbm>>
    tpu.wait_indirect_dma semaphore(%arg15 : memref<!tpu.dma_semaphore, #tpu.memory_space<semaphore_mem>>) src(%arg9 : memref<32x128xf32, #tpu.memory_space<vmem>>) dst(%dma_wait3A_64 : memref<8640x128xf32, #tpu.memory_space<hbm>>)
    %add3A_65 = arith.constant 64 : i32
    %add3A_66 = arith.addi %mul3A_32, %add3A_65 : i32
    %mul3A_67 = arith.constant 2048 : i32
    %mul3A_68 = arith.muli %select_n3A, %mul3A_67 : i32
    %add3A_69 = arith.addi %mul3A_68, %add3A_66 : i32
    "tpu.region"() ({
      %run_scoped3A = tpu.sem_alloc : memref<!tpu.dma_semaphore, #tpu.memory_space<semaphore_mem>>
      %dma_start3A_111 = tpu.memref_slice %arg3[%add3A_69] : memref<4096xi32, #tpu.memory_space<hbm>> -> memref<32xi32, #tpu.memory_space<hbm>>
      %dma_start3A_112 = tpu.memref_slice %arg3[%add3A_69] : memref<4096xi32, #tpu.memory_space<hbm>> -> memref<32xi32, #tpu.memory_space<hbm>>
      tpu.enqueue_dma source(%dma_start3A_112 : memref<32xi32, #tpu.memory_space<hbm>>) target(%arg11 : memref<32xi32, #tpu.memory_space<vmem>>) target_semaphore(%run_scoped3A : memref<!tpu.dma_semaphore, #tpu.memory_space<semaphore_mem>>)
      %dma_wait3A_113 = tpu.memref_slice %arg3[%add3A_69] : memref<4096xi32, #tpu.memory_space<hbm>> -> memref<32xi32, #tpu.memory_space<hbm>>
      %dma_wait3A_114 = tpu.memref_slice %arg3[%add3A_69] : memref<4096xi32, #tpu.memory_space<hbm>> -> memref<32xi32, #tpu.memory_space<hbm>>
      tpu.wait_dma2 semaphore(%run_scoped3A : memref<!tpu.dma_semaphore, #tpu.memory_space<semaphore_mem>>) src(%dma_wait3A_114 : memref<32xi32, #tpu.memory_space<hbm>>) dst(%arg11 : memref<32xi32, #tpu.memory_space<vmem>>)
      tpu.yield
    }) : () -> ()
    %mul3A_70 = arith.constant 2048 : i32
    %mul3A_71 = arith.muli %select_n3A, %mul3A_70 : i32
    %add3A_72 = arith.addi %mul3A_71, %add3A_66 : i32
    "tpu.region"() ({
      %run_scoped3A = tpu.sem_alloc : memref<!tpu.dma_semaphore, #tpu.memory_space<semaphore_mem>>
      %dma_start3A_111 = arith.constant 0 : i32
      %dma_start3A_112 = tpu.memref_slice %arg4[%add3A_72, %dma_start3A_111] : memref<4096x128xf32, #tpu.memory_space<hbm>> -> memref<32x128xf32, #tpu.memory_space<hbm>>
      %dma_start3A_113 = arith.constant 0 : i32
      %dma_start3A_114 = tpu.memref_slice %arg4[%add3A_72, %dma_start3A_113] : memref<4096x128xf32, #tpu.memory_space<hbm>> -> memref<32x128xf32, #tpu.memory_space<hbm>>
      tpu.enqueue_dma source(%dma_start3A_114 : memref<32x128xf32, #tpu.memory_space<hbm>>) target(%arg9 : memref<32x128xf32, #tpu.memory_space<vmem>>) target_semaphore(%run_scoped3A : memref<!tpu.dma_semaphore, #tpu.memory_space<semaphore_mem>>)
      %dma_wait3A_115 = arith.constant 0 : i32
      %dma_wait3A_116 = tpu.memref_slice %arg4[%add3A_72, %dma_wait3A_115] : memref<4096x128xf32, #tpu.memory_space<hbm>> -> memref<32x128xf32, #tpu.memory_space<hbm>>
      %dma_wait3A_117 = arith.constant 0 : i32
      %dma_wait3A_118 = tpu.memref_slice %arg4[%add3A_72, %dma_wait3A_117] : memref<4096x128xf32, #tpu.memory_space<hbm>> -> memref<32x128xf32, #tpu.memory_space<hbm>>
      tpu.wait_dma2 semaphore(%run_scoped3A : memref<!tpu.dma_semaphore, #tpu.memory_space<semaphore_mem>>) src(%dma_wait3A_118 : memref<32x128xf32, #tpu.memory_space<hbm>>) dst(%arg9 : memref<32x128xf32, #tpu.memory_space<vmem>>)
      tpu.yield
    }) : () -> ()
    "tpu.region"() ({
      %run_scoped3A = tpu.sem_alloc : memref<!tpu.dma_semaphore, #tpu.memory_space<semaphore_mem>>
      %dma_start3A_111 = arith.constant 0 : i32
      %dma_start3A_112 = tpu.memref_slice %arg2[%add3A_66, %dma_start3A_111] : memref<2048x1024xf32, #tpu.memory_space<hbm>> -> memref<32x1024xf32, #tpu.memory_space<hbm>>
      %dma_start3A_113 = arith.constant 0 : i32
      %dma_start3A_114 = tpu.memref_slice %arg2[%add3A_66, %dma_start3A_113] : memref<2048x1024xf32, #tpu.memory_space<hbm>> -> memref<32x1024xf32, #tpu.memory_space<hbm>>
      tpu.enqueue_dma source(%dma_start3A_114 : memref<32x1024xf32, #tpu.memory_space<hbm>>) target(%arg7 : memref<32x1024xf32, #tpu.memory_space<vmem>>) target_semaphore(%run_scoped3A : memref<!tpu.dma_semaphore, #tpu.memory_space<semaphore_mem>>)
      %dma_wait3A_115 = arith.constant 0 : i32
      %dma_wait3A_116 = tpu.memref_slice %arg2[%add3A_66, %dma_wait3A_115] : memref<2048x1024xf32, #tpu.memory_space<hbm>> -> memref<32x1024xf32, #tpu.memory_space<hbm>>
      %dma_wait3A_117 = arith.constant 0 : i32
      %dma_wait3A_118 = tpu.memref_slice %arg2[%add3A_66, %dma_wait3A_117] : memref<2048x1024xf32, #tpu.memory_space<hbm>> -> memref<32x1024xf32, #tpu.memory_space<hbm>>
      tpu.wait_dma2 semaphore(%run_scoped3A : memref<!tpu.dma_semaphore, #tpu.memory_space<semaphore_mem>>) src(%dma_wait3A_118 : memref<32x1024xf32, #tpu.memory_space<hbm>>) dst(%arg7 : memref<32x1024xf32, #tpu.memory_space<vmem>>)
      tpu.yield
    }) : () -> ()
    %dma_start3A_73 = arith.constant 0 : i32
    %dma_start3A_74 = arith.constant 0 : i32
    %dma_start3A_75 = tpu.memref_slice %arg5[%dma_start3A_73, %dma_start3A_74] : memref<8640x1024xf32, #tpu.memory_space<hbm>> -> memref<8640x1024xf32, #tpu.memory_space<hbm>>
    tpu.enqueue_indirect_dma source(%arg7 : memref<32x1024xf32, #tpu.memory_space<vmem>>) target(%dma_start3A_75 : memref<8640x1024xf32, #tpu.memory_space<hbm>>) offsets(%arg11 : memref<32xi32, #tpu.memory_space<vmem>>) semaphore(%arg13 : memref<!tpu.dma_semaphore, #tpu.memory_space<semaphore_mem>>)
    %dma_start3A_76 = arith.constant 0 : i32
    %dma_start3A_77 = arith.constant 0 : i32
    %dma_start3A_78 = tpu.memref_slice %arg6[%dma_start3A_76, %dma_start3A_77] : memref<8640x128xf32, #tpu.memory_space<hbm>> -> memref<8640x128xf32, #tpu.memory_space<hbm>>
    tpu.enqueue_indirect_dma source(%arg9 : memref<32x128xf32, #tpu.memory_space<vmem>>) target(%dma_start3A_78 : memref<8640x128xf32, #tpu.memory_space<hbm>>) offsets(%arg11 : memref<32xi32, #tpu.memory_space<vmem>>) semaphore(%arg15 : memref<!tpu.dma_semaphore, #tpu.memory_space<semaphore_mem>>)
    %dma_wait3A_79 = arith.constant 0 : i32
    %dma_wait3A_80 = arith.constant 0 : i32
    %dma_wait3A_81 = tpu.memref_slice %arg5[%dma_wait3A_79, %dma_wait3A_80] : memref<8640x1024xf32, #tpu.memory_space<hbm>> -> memref<8640x1024xf32, #tpu.memory_space<hbm>>
    tpu.wait_indirect_dma semaphore(%arg14 : memref<!tpu.dma_semaphore, #tpu.memory_space<semaphore_mem>>) src(%arg8 : memref<32x1024xf32, #tpu.memory_space<vmem>>) dst(%dma_wait3A_81 : memref<8640x1024xf32, #tpu.memory_space<hbm>>)
    %dma_wait3A_82 = arith.constant 0 : i32
    %dma_wait3A_83 = arith.constant 0 : i32
    %dma_wait3A_84 = tpu.memref_slice %arg6[%dma_wait3A_82, %dma_wait3A_83] : memref<8640x128xf32, #tpu.memory_space<hbm>> -> memref<8640x128xf32, #tpu.memory_space<hbm>>
    tpu.wait_indirect_dma semaphore(%arg16 : memref<!tpu.dma_semaphore, #tpu.memory_space<semaphore_mem>>) src(%arg10 : memref<32x128xf32, #tpu.memory_space<vmem>>) dst(%dma_wait3A_84 : memref<8640x128xf32, #tpu.memory_space<hbm>>)
    %add3A_85 = arith.constant 96 : i32
    %add3A_86 = arith.addi %mul3A_32, %add3A_85 : i32
    %mul3A_87 = arith.constant 2048 : i32
    %mul3A_88 = arith.muli %select_n3A, %mul3A_87 : i32
    %add3A_89 = arith.addi %mul3A_88, %add3A_86 : i32
    "tpu.region"() ({
      %run_scoped3A = tpu.sem_alloc : memref<!tpu.dma_semaphore, #tpu.memory_space<semaphore_mem>>
      %dma_start3A_111 = tpu.memref_slice %arg3[%add3A_89] : memref<4096xi32, #tpu.memory_space<hbm>> -> memref<32xi32, #tpu.memory_space<hbm>>
      %dma_start3A_112 = tpu.memref_slice %arg3[%add3A_89] : memref<4096xi32, #tpu.memory_space<hbm>> -> memref<32xi32, #tpu.memory_space<hbm>>
      tpu.enqueue_dma source(%dma_start3A_112 : memref<32xi32, #tpu.memory_space<hbm>>) target(%arg12 : memref<32xi32, #tpu.memory_space<vmem>>) target_semaphore(%run_scoped3A : memref<!tpu.dma_semaphore, #tpu.memory_space<semaphore_mem>>)
      %dma_wait3A_113 = tpu.memref_slice %arg3[%add3A_89] : memref<4096xi32, #tpu.memory_space<hbm>> -> memref<32xi32, #tpu.memory_space<hbm>>
      %dma_wait3A_114 = tpu.memref_slice %arg3[%add3A_89] : memref<4096xi32, #tpu.memory_space<hbm>> -> memref<32xi32, #tpu.memory_space<hbm>>
      tpu.wait_dma2 semaphore(%run_scoped3A : memref<!tpu.dma_semaphore, #tpu.memory_space<semaphore_mem>>) src(%dma_wait3A_114 : memref<32xi32, #tpu.memory_space<hbm>>) dst(%arg12 : memref<32xi32, #tpu.memory_space<vmem>>)
      tpu.yield
    }) : () -> ()
    %mul3A_90 = arith.constant 2048 : i32
    %mul3A_91 = arith.muli %select_n3A, %mul3A_90 : i32
    %add3A_92 = arith.addi %mul3A_91, %add3A_86 : i32
    "tpu.region"() ({
      %run_scoped3A = tpu.sem_alloc : memref<!tpu.dma_semaphore, #tpu.memory_space<semaphore_mem>>
      %dma_start3A_111 = arith.constant 0 : i32
      %dma_start3A_112 = tpu.memref_slice %arg4[%add3A_92, %dma_start3A_111] : memref<4096x128xf32, #tpu.memory_space<hbm>> -> memref<32x128xf32, #tpu.memory_space<hbm>>
      %dma_start3A_113 = arith.constant 0 : i32
      %dma_start3A_114 = tpu.memref_slice %arg4[%add3A_92, %dma_start3A_113] : memref<4096x128xf32, #tpu.memory_space<hbm>> -> memref<32x128xf32, #tpu.memory_space<hbm>>
      tpu.enqueue_dma source(%dma_start3A_114 : memref<32x128xf32, #tpu.memory_space<hbm>>) target(%arg10 : memref<32x128xf32, #tpu.memory_space<vmem>>) target_semaphore(%run_scoped3A : memref<!tpu.dma_semaphore, #tpu.memory_space<semaphore_mem>>)
      %dma_wait3A_115 = arith.constant 0 : i32
      %dma_wait3A_116 = tpu.memref_slice %arg4[%add3A_92, %dma_wait3A_115] : memref<4096x128xf32, #tpu.memory_space<hbm>> -> memref<32x128xf32, #tpu.memory_space<hbm>>
      %dma_wait3A_117 = arith.constant 0 : i32
      %dma_wait3A_118 = tpu.memref_slice %arg4[%add3A_92, %dma_wait3A_117] : memref<4096x128xf32, #tpu.memory_space<hbm>> -> memref<32x128xf32, #tpu.memory_space<hbm>>
      tpu.wait_dma2 semaphore(%run_scoped3A : memref<!tpu.dma_semaphore, #tpu.memory_space<semaphore_mem>>) src(%dma_wait3A_118 : memref<32x128xf32, #tpu.memory_space<hbm>>) dst(%arg10 : memref<32x128xf32, #tpu.memory_space<vmem>>)
      tpu.yield
    }) : () -> ()
    "tpu.region"() ({
      %run_scoped3A = tpu.sem_alloc : memref<!tpu.dma_semaphore, #tpu.memory_space<semaphore_mem>>
      %dma_start3A_111 = arith.constant 0 : i32
      %dma_start3A_112 = tpu.memref_slice %arg2[%add3A_86, %dma_start3A_111] : memref<2048x1024xf32, #tpu.memory_space<hbm>> -> memref<32x1024xf32, #tpu.memory_space<hbm>>
      %dma_start3A_113 = arith.constant 0 : i32
      %dma_start3A_114 = tpu.memref_slice %arg2[%add3A_86, %dma_start3A_113] : memref<2048x1024xf32, #tpu.memory_space<hbm>> -> memref<32x1024xf32, #tpu.memory_space<hbm>>
      tpu.enqueue_dma source(%dma_start3A_114 : memref<32x1024xf32, #tpu.memory_space<hbm>>) target(%arg8 : memref<32x1024xf32, #tpu.memory_space<vmem>>) target_semaphore(%run_scoped3A : memref<!tpu.dma_semaphore, #tpu.memory_space<semaphore_mem>>)
      %dma_wait3A_115 = arith.constant 0 : i32
      %dma_wait3A_116 = tpu.memref_slice %arg2[%add3A_86, %dma_wait3A_115] : memref<2048x1024xf32, #tpu.memory_space<hbm>> -> memref<32x1024xf32, #tpu.memory_space<hbm>>
      %dma_wait3A_117 = arith.constant 0 : i32
      %dma_wait3A_118 = tpu.memref_slice %arg2[%add3A_86, %dma_wait3A_117] : memref<2048x1024xf32, #tpu.memory_space<hbm>> -> memref<32x1024xf32, #tpu.memory_space<hbm>>
      tpu.wait_dma2 semaphore(%run_scoped3A : memref<!tpu.dma_semaphore, #tpu.memory_space<semaphore_mem>>) src(%dma_wait3A_118 : memref<32x1024xf32, #tpu.memory_space<hbm>>) dst(%arg8 : memref<32x1024xf32, #tpu.memory_space<vmem>>)
      tpu.yield
    }) : () -> ()
    %dma_start3A_93 = arith.constant 0 : i32
    %dma_start3A_94 = arith.constant 0 : i32
    %dma_start3A_95 = tpu.memref_slice %arg5[%dma_start3A_93, %dma_start3A_94] : memref<8640x1024xf32, #tpu.memory_space<hbm>> -> memref<8640x1024xf32, #tpu.memory_space<hbm>>
    tpu.enqueue_indirect_dma source(%arg8 : memref<32x1024xf32, #tpu.memory_space<vmem>>) target(%dma_start3A_95 : memref<8640x1024xf32, #tpu.memory_space<hbm>>) offsets(%arg12 : memref<32xi32, #tpu.memory_space<vmem>>) semaphore(%arg14 : memref<!tpu.dma_semaphore, #tpu.memory_space<semaphore_mem>>)
    %dma_start3A_96 = arith.constant 0 : i32
    %dma_start3A_97 = arith.constant 0 : i32
    %dma_start3A_98 = tpu.memref_slice %arg6[%dma_start3A_96, %dma_start3A_97] : memref<8640x128xf32, #tpu.memory_space<hbm>> -> memref<8640x128xf32, #tpu.memory_space<hbm>>
    tpu.enqueue_indirect_dma source(%arg10 : memref<32x128xf32, #tpu.memory_space<vmem>>) target(%dma_start3A_98 : memref<8640x128xf32, #tpu.memory_space<hbm>>) offsets(%arg12 : memref<32xi32, #tpu.memory_space<vmem>>) semaphore(%arg16 : memref<!tpu.dma_semaphore, #tpu.memory_space<semaphore_mem>>)
    %dma_wait3A_99 = arith.constant 0 : i32
    %dma_wait3A_100 = arith.constant 0 : i32
    %dma_wait3A_101 = tpu.memref_slice %arg5[%dma_wait3A_99, %dma_wait3A_100] : memref<8640x1024xf32, #tpu.memory_space<hbm>> -> memref<8640x1024xf32, #tpu.memory_space<hbm>>
    tpu.wait_indirect_dma semaphore(%arg13 : memref<!tpu.dma_semaphore, #tpu.memory_space<semaphore_mem>>) src(%arg7 : memref<32x1024xf32, #tpu.memory_space<vmem>>) dst(%dma_wait3A_101 : memref<8640x1024xf32, #tpu.memory_space<hbm>>)
    %dma_wait3A_102 = arith.constant 0 : i32
    %dma_wait3A_103 = arith.constant 0 : i32
    %dma_wait3A_104 = tpu.memref_slice %arg6[%dma_wait3A_102, %dma_wait3A_103] : memref<8640x128xf32, #tpu.memory_space<hbm>> -> memref<8640x128xf32, #tpu.memory_space<hbm>>
    tpu.wait_indirect_dma semaphore(%arg15 : memref<!tpu.dma_semaphore, #tpu.memory_space<semaphore_mem>>) src(%arg9 : memref<32x128xf32, #tpu.memory_space<vmem>>) dst(%dma_wait3A_104 : memref<8640x128xf32, #tpu.memory_space<hbm>>)
    %dma_wait3A_105 = arith.constant 0 : i32
    %dma_wait3A_106 = arith.constant 0 : i32
    %dma_wait3A_107 = tpu.memref_slice %arg5[%dma_wait3A_105, %dma_wait3A_106] : memref<8640x1024xf32, #tpu.memory_space<hbm>> -> memref<8640x1024xf32, #tpu.memory_space<hbm>>
    tpu.wait_indirect_dma semaphore(%arg14 : memref<!tpu.dma_semaphore, #tpu.memory_space<semaphore_mem>>) src(%arg8 : memref<32x1024xf32, #tpu.memory_space<vmem>>) dst(%dma_wait3A_107 : memref<8640x1024xf32, #tpu.memory_space<hbm>>)
    %dma_wait3A_108 = arith.constant 0 : i32
    %dma_wait3A_109 = arith.constant 0 : i32
    %dma_wait3A_110 = tpu.memref_slice %arg6[%dma_wait3A_108, %dma_wait3A_109] : memref<8640x128xf32, #tpu.memory_space<hbm>> -> memref<8640x128xf32, #tpu.memory_space<hbm>>
    tpu.wait_indirect_dma semaphore(%arg16 : memref<!tpu.dma_semaphore, #tpu.memory_space<semaphore_mem>>) src(%arg10 : memref<32x128xf32, #tpu.memory_space<vmem>>) dst(%dma_wait3A_110 : memref<8640x128xf32, #tpu.memory_space<hbm>>)
    return
  }
}

module attributes {stable_mosaic.version = 14 : i64} {
  func.func @_router_body(%arg0: memref<2048x1024xf32, #tpu.memory_space<vmem>>, %arg1: memref<1024x8xf32, #tpu.memory_space<vmem>>, %arg2: memref<1x8xf32, #tpu.memory_space<vmem>>, %arg3: memref<2048x2xi32, #tpu.memory_space<vmem>>, %arg4: memref<2048x2xf32, #tpu.memory_space<vmem>>, %arg5: memref<1x32xi32, #tpu.memory_space<vmem>>, %arg6: memref<1x1xf32, #tpu.memory_space<vmem>>) attributes {dimension_semantics = [], scalar_prefetch = 0 : i64, scratch_operands = 0 : i64, tpu.core_type = #tpu.core_type<tc>} {
    %get3A = arith.constant 0 : index
    %get3A_0 = arith.constant 0 : index
    %get3A_1 = vector.load %arg0[%get3A, %get3A_0] : memref<2048x1024xf32, #tpu.memory_space<vmem>>, vector<2048x1024xf32>
    %get3A_2 = arith.constant 0 : index
    %get3A_3 = arith.constant 0 : index
    %get3A_4 = vector.load %arg1[%get3A_2, %get3A_3] : memref<1024x8xf32, #tpu.memory_space<vmem>>, vector<1024x8xf32>
    %dot_general3A = arith.constant dense<0.000000e+00> : vector<2048x8xf32>
    %dot_general3A_5 = tpu.matmul %get3A_1, %get3A_4, %dot_general3A {dimension_numbers = #tpu.dot_dimension_numbers<[1], [0], [0], [1], [0, 0, 1, 1], [], []>, transpose_lhs_hint = false} : vector<2048x1024xf32>, vector<1024x8xf32>, vector<2048x8xf32> -> vector<2048x8xf32>
    %get3A_6 = arith.constant 0 : index
    %get3A_7 = arith.constant 0 : index
    %get3A_8 = vector.load %arg2[%get3A_6, %get3A_7] : memref<1x8xf32, #tpu.memory_space<vmem>>, vector<1x8xf32>
    %add3A = vector.broadcast %get3A_8 : vector<1x8xf32> to vector<2048x8xf32>
    %add3A_9 = arith.addf %dot_general3A_5, %add3A : vector<2048x8xf32>
    %reduce_max3A = arith.constant dense<0xFF800000> : vector<2048xf32>
    %reduce_max3A_10 = vector.multi_reduction <maximumf>, %add3A_9, %reduce_max3A [1] : vector<2048x8xf32> to vector<2048xf32>
    %broadcast_in_dim3A = vector.shape_cast %reduce_max3A_10 : vector<2048xf32> to vector<2048x1xf32>
    %sub3A = vector.broadcast %broadcast_in_dim3A : vector<2048x1xf32> to vector<2048x8xf32>
    %sub3A_11 = arith.subf %add3A_9, %sub3A : vector<2048x8xf32>
    %exp3A = math.exp %sub3A_11 : vector<2048x8xf32>
    %reduce_sum3A = arith.constant dense<0.000000e+00> : vector<2048xf32>
    %reduce_sum3A_12 = vector.multi_reduction <add>, %exp3A, %reduce_sum3A [1] : vector<2048x8xf32> to vector<2048xf32>
    %broadcast_in_dim3A_13 = vector.shape_cast %reduce_sum3A_12 : vector<2048xf32> to vector<2048x1xf32>
    %div3A = vector.broadcast %broadcast_in_dim3A_13 : vector<2048x1xf32> to vector<2048x8xf32>
    %div3A_14 = arith.divf %exp3A, %div3A : vector<2048x8xf32>
    %reduce_sum3A_15 = arith.constant dense<0.000000e+00> : vector<8xf32>
    %reduce_sum3A_16 = vector.multi_reduction <add>, %div3A_14, %reduce_sum3A_15 [0] : vector<2048x8xf32> to vector<8xf32>
    %broadcast_in_dim3A_17 = vector.shape_cast %reduce_sum3A_16 : vector<8xf32> to vector<1x8xf32>
    %mul3A = arith.constant 4.8828125E-4 : f32
    %mul3A_18 = vector.broadcast %mul3A : f32 to vector<1x8xf32>
    %mul3A_19 = arith.mulf %broadcast_in_dim3A_17, %mul3A_18 : vector<1x8xf32>
    %mul3A_20 = arith.mulf %mul3A_19, %mul3A_19 : vector<1x8xf32>
    %reduce_sum3A_21 = arith.constant dense<0.000000e+00> : vector<1xf32>
    %reduce_sum3A_22 = vector.multi_reduction <add>, %mul3A_20, %reduce_sum3A_21 [1] : vector<1x8xf32> to vector<1xf32>
    %broadcast_in_dim3A_23 = vector.shape_cast %reduce_sum3A_22 : vector<1xf32> to vector<1x1xf32>
    %swap3A = arith.constant 0 : index
    %swap3A_24 = arith.constant 0 : index
    %swap3A_25 = vector.load %arg6[%swap3A, %swap3A_24] : memref<1x1xf32, #tpu.memory_space<vmem>>, vector<1x1xf32>
    tpu.vector_store %arg6[%swap3A, %swap3A_24], %broadcast_in_dim3A_23 {strides = array<i32>} : memref<1x1xf32, #tpu.memory_space<vmem>>, vector<1x1xf32>,
    %iota3A = tpu.iota {dimensions = array<i32: 1>} : vector<2048x8xi32>
    %eq3A = vector.broadcast %broadcast_in_dim3A : vector<2048x1xf32> to vector<2048x8xf32>
    %eq3A_26 = arith.cmpf oeq, %add3A_9, %eq3A : vector<2048x8xf32>
    %jit3A = arith.constant 8 : i32
    %broadcast_in_dim3A_27 = vector.broadcast %jit3A : i32 to vector<2048x8xi32>
    %select_n3A = arith.select %eq3A_26, %iota3A, %broadcast_in_dim3A_27 : vector<2048x8xi1>, vector<2048x8xi32>
    %reduce_min3A = arith.constant dense<2147483647> : vector<2048xi32>
    %reduce_min3A_28 = vector.multi_reduction <minsi>, %select_n3A, %reduce_min3A [1] : vector<2048x8xi32> to vector<2048xi32>
    %broadcast_in_dim3A_29 = vector.shape_cast %reduce_min3A_28 : vector<2048xi32> to vector<2048x1xi32>
    %eq3A_30 = vector.broadcast %broadcast_in_dim3A_29 : vector<2048x1xi32> to vector<2048x8xi32>
    %eq3A_31 = arith.cmpi eq, %iota3A, %eq3A_30 : vector<2048x8xi32>
    %jit3A_32 = arith.constant 0xFF800000 : f32
    %broadcast_in_dim3A_33 = vector.broadcast %jit3A_32 : f32 to vector<2048x8xf32>
    %select_n3A_34 = arith.select %eq3A_31, %broadcast_in_dim3A_33, %add3A_9 : vector<2048x8xi1>, vector<2048x8xf32>
    %reduce_max3A_35 = arith.constant dense<0xFF800000> : vector<2048xf32>
    %reduce_max3A_36 = vector.multi_reduction <maximumf>, %select_n3A_34, %reduce_max3A_35 [1] : vector<2048x8xf32> to vector<2048xf32>
    %broadcast_in_dim3A_37 = vector.shape_cast %reduce_max3A_36 : vector<2048xf32> to vector<2048x1xf32>
    %eq3A_38 = vector.broadcast %broadcast_in_dim3A_37 : vector<2048x1xf32> to vector<2048x8xf32>
    %eq3A_39 = arith.cmpf oeq, %select_n3A_34, %eq3A_38 : vector<2048x8xf32>
    %jit3A_40 = arith.constant 8 : i32
    %broadcast_in_dim3A_41 = vector.broadcast %jit3A_40 : i32 to vector<2048x8xi32>
    %select_n3A_42 = arith.select %eq3A_39, %iota3A, %broadcast_in_dim3A_41 : vector<2048x8xi1>, vector<2048x8xi32>
    %reduce_min3A_43 = arith.constant dense<2147483647> : vector<2048xi32>
    %reduce_min3A_44 = vector.multi_reduction <minsi>, %select_n3A_42, %reduce_min3A_43 [1] : vector<2048x8xi32> to vector<2048xi32>
    %broadcast_in_dim3A_45 = vector.shape_cast %reduce_min3A_44 : vector<2048xi32> to vector<2048x1xi32>
    %eq3A_46 = vector.broadcast %broadcast_in_dim3A_29 : vector<2048x1xi32> to vector<2048x8xi32>
    %eq3A_47 = arith.cmpi eq, %iota3A, %eq3A_46 : vector<2048x8xi32>
    %jit3A_48 = arith.constant 0.000000e+00 : f32
    %broadcast_in_dim3A_49 = vector.broadcast %jit3A_48 : f32 to vector<2048x8xf32>
    %select_n3A_50 = arith.select %eq3A_47, %div3A_14, %broadcast_in_dim3A_49 : vector<2048x8xi1>, vector<2048x8xf32>
    %reduce_sum3A_51 = arith.constant dense<0.000000e+00> : vector<2048xf32>
    %reduce_sum3A_52 = vector.multi_reduction <add>, %select_n3A_50, %reduce_sum3A_51 [1] : vector<2048x8xf32> to vector<2048xf32>
    %broadcast_in_dim3A_53 = vector.shape_cast %reduce_sum3A_52 : vector<2048xf32> to vector<2048x1xf32>
    %eq3A_54 = vector.broadcast %broadcast_in_dim3A_45 : vector<2048x1xi32> to vector<2048x8xi32>
    %eq3A_55 = arith.cmpi eq, %iota3A, %eq3A_54 : vector<2048x8xi32>
    %jit3A_56 = arith.constant 0.000000e+00 : f32
    %broadcast_in_dim3A_57 = vector.broadcast %jit3A_56 : f32 to vector<2048x8xf32>
    %select_n3A_58 = arith.select %eq3A_55, %div3A_14, %broadcast_in_dim3A_57 : vector<2048x8xi1>, vector<2048x8xf32>
    %reduce_sum3A_59 = arith.constant dense<0.000000e+00> : vector<2048xf32>
    %reduce_sum3A_60 = vector.multi_reduction <add>, %select_n3A_58, %reduce_sum3A_59 [1] : vector<2048x8xf32> to vector<2048xf32>
    %broadcast_in_dim3A_61 = vector.shape_cast %reduce_sum3A_60 : vector<2048xf32> to vector<2048x1xf32>
    %swap3A_62 = arith.constant 0 : index
    %swap3A_63 = arith.constant 0 : index
    %swap3A_64 = vector.load %arg4[%swap3A_62, %swap3A_63] : memref<2048x2xf32, #tpu.memory_space<vmem>>, vector<2048x1xf32>
    tpu.vector_store %arg4[%swap3A_62, %swap3A_63], %broadcast_in_dim3A_53 {strides = array<i32>} : memref<2048x2xf32, #tpu.memory_space<vmem>>, vector<2048x1xf32>,
    %swap3A_65 = arith.constant 0 : index
    %swap3A_66 = arith.constant 1 : index
    %swap3A_67 = vector.load %arg4[%swap3A_65, %swap3A_66] : memref<2048x2xf32, #tpu.memory_space<vmem>>, vector<2048x1xf32>
    tpu.vector_store %arg4[%swap3A_65, %swap3A_66], %broadcast_in_dim3A_61 {strides = array<i32>} : memref<2048x2xf32, #tpu.memory_space<vmem>>, vector<2048x1xf32>,
    %eq3A_68 = vector.broadcast %broadcast_in_dim3A_29 : vector<2048x1xi32> to vector<2048x8xi32>
    %eq3A_69 = arith.cmpi eq, %iota3A, %eq3A_68 : vector<2048x8xi32>
    %convert_element_type3A = arith.extui %eq3A_69 : vector<2048x8xi1> to vector<2048x8xi32>
    %convert_element_type3A_70 = arith.sitofp %convert_element_type3A : vector<2048x8xi32> to vector<2048x8xf32>
    %eq3A_71 = vector.broadcast %broadcast_in_dim3A_45 : vector<2048x1xi32> to vector<2048x8xi32>
    %eq3A_72 = arith.cmpi eq, %iota3A, %eq3A_71 : vector<2048x8xi32>
    %convert_element_type3A_73 = arith.extui %eq3A_72 : vector<2048x8xi1> to vector<2048x8xi32>
    %convert_element_type3A_74 = arith.sitofp %convert_element_type3A_73 : vector<2048x8xi32> to vector<2048x8xf32>
    %add3A_75 = arith.addf %convert_element_type3A_70, %convert_element_type3A_74 : vector<2048x8xf32>
    %reduce_sum3A_76 = arith.constant dense<0.000000e+00> : vector<8xf32>
    %reduce_sum3A_77 = vector.multi_reduction <add>, %add3A_75, %reduce_sum3A_76 [0] : vector<2048x8xf32> to vector<8xf32>
    %broadcast_in_dim3A_78 = vector.shape_cast %reduce_sum3A_77 : vector<8xf32> to vector<1x8xf32>
    %add3A_79 = arith.constant 5.750000e+02 : f32
    %add3A_80 = vector.broadcast %add3A_79 : f32 to vector<1x8xf32>
    %add3A_81 = arith.addf %broadcast_in_dim3A_78, %add3A_80 : vector<1x8xf32>
    %mul3A_82 = arith.constant 0.00173611112 : f32
    %mul3A_83 = vector.broadcast %mul3A_82 : f32 to vector<1x8xf32>
    %mul3A_84 = arith.mulf %add3A_81, %mul3A_83 : vector<1x8xf32>
    %floor3A = math.floor %mul3A_84 : vector<1x8xf32>
    %iota3A_85 = tpu.iota {dimensions = array<i32: 0>} : vector<8x8xi32>
    %iota3A_86 = tpu.iota {dimensions = array<i32: 1>} : vector<8x8xi32>
    %lt3A = arith.cmpi slt, %iota3A_85, %iota3A_86 : vector<8x8xi32>
    %convert_element_type3A_87 = arith.extui %lt3A : vector<8x8xi1> to vector<8x8xi32>
    %convert_element_type3A_88 = arith.sitofp %convert_element_type3A_87 : vector<8x8xi32> to vector<8x8xf32>
    %dot_general3A_89 = arith.constant dense<0.000000e+00> : vector<1x8xf32>
    %dot_general3A_90 = tpu.matmul %floor3A, %convert_element_type3A_88, %dot_general3A_89 {dimension_numbers = #tpu.dot_dimension_numbers<[1], [0], [0], [1], [0, 0, 1, 1], [], []>, transpose_lhs_hint = false} : vector<1x8xf32>, vector<8x8xf32>, vector<1x8xf32> -> vector<1x8xf32>
    %mul3A_91 = arith.constant 5.760000e+02 : f32
    %mul3A_92 = vector.broadcast %mul3A_91 : f32 to vector<1x8xf32>
    %mul3A_93 = arith.mulf %dot_general3A_90, %mul3A_92 : vector<1x8xf32>
    %add3A_94 = arith.addf %dot_general3A_90, %floor3A : vector<1x8xf32>
    %eq3A_95 = arith.cmpi eq, %iota3A_85, %iota3A_86 : vector<8x8xi32>
    %convert_element_type3A_96 = arith.extui %eq3A_95 : vector<8x8xi1> to vector<8x8xi32>
    %convert_element_type3A_97 = arith.sitofp %convert_element_type3A_96 : vector<8x8xi32> to vector<8x8xf32>
    %mul3A_98 = vector.broadcast %add3A_94 : vector<1x8xf32> to vector<8x8xf32>
    %mul3A_99 = arith.mulf %convert_element_type3A_97, %mul3A_98 : vector<8x8xf32>
    %reduce_sum3A_100 = arith.constant dense<0.000000e+00> : vector<8xf32>
    %reduce_sum3A_101 = vector.multi_reduction <add>, %mul3A_99, %reduce_sum3A_100 [1] : vector<8x8xf32> to vector<8xf32>
    %broadcast_in_dim3A_102 = vector.shape_cast %reduce_sum3A_101 : vector<8xf32> to vector<8x1xf32>
    %iota3A_103 = tpu.iota {dimensions = array<i32: 1>} : vector<1x32xi32>
    %convert_element_type3A_104 = arith.sitofp %iota3A_103 : vector<1x32xi32> to vector<1x32xf32>
    %le3A = vector.broadcast %broadcast_in_dim3A_102 : vector<8x1xf32> to vector<8x32xf32>
    %le3A_105 = vector.broadcast %convert_element_type3A_104 : vector<1x32xf32> to vector<8x32xf32>
    %le3A_106 = arith.cmpf ole, %le3A, %le3A_105 : vector<8x32xf32>
    %convert_element_type3A_107 = arith.extui %le3A_106 : vector<8x32xi1> to vector<8x32xi32>
    %convert_element_type3A_108 = arith.sitofp %convert_element_type3A_107 : vector<8x32xi32> to vector<8x32xf32>
    %reduce_sum3A_109 = arith.constant dense<0.000000e+00> : vector<32xf32>
    %reduce_sum3A_110 = vector.multi_reduction <add>, %convert_element_type3A_108, %reduce_sum3A_109 [0] : vector<8x32xf32> to vector<32xf32>
    %broadcast_in_dim3A_111 = vector.shape_cast %reduce_sum3A_110 : vector<32xf32> to vector<1x32xf32>
    %min3A = arith.constant 7.000000e+00 : f32
    %min3A_112 = vector.broadcast %min3A : f32 to vector<1x32xf32>
    %min3A_113 = arith.minimumf %broadcast_in_dim3A_111, %min3A_112 : vector<1x32xf32>
    %slice3A = vector.extract_strided_slice %add3A_94 {offsets = [0, 7], sizes = [1, 1], strides = [1, 1]} : vector<1x8xf32> to vector<1x1xf32>
    %eq3A_114 = arith.constant 3.100000e+01 : f32
    %eq3A_115 = vector.broadcast %eq3A_114 : f32 to vector<1x32xf32>
    %eq3A_116 = arith.cmpf oeq, %convert_element_type3A_104, %eq3A_115 : vector<1x32xf32>
    %broadcast_in_dim3A_117 = vector.shape_cast %slice3A : vector<1x1xf32> to vector<1x1xf32>
    %broadcast_in_dim3A_118 = vector.broadcast %broadcast_in_dim3A_117 : vector<1x1xf32> to vector<1x32xf32>
    %select_n3A_119 = arith.select %eq3A_116, %broadcast_in_dim3A_118, %min3A_113 : vector<1x32xi1>, vector<1x32xf32>
    %convert_element_type3A_120 = arith.fptosi %select_n3A_119 : vector<1x32xf32> to vector<1x32xi32>
    %swap3A_121 = arith.constant 0 : index
    %swap3A_122 = arith.constant 0 : index
    %swap3A_123 = vector.load %arg5[%swap3A_121, %swap3A_122] : memref<1x32xi32, #tpu.memory_space<vmem>>, vector<1x32xi32>
    tpu.vector_store %arg5[%swap3A_121, %swap3A_122], %convert_element_type3A_120 {strides = array<i32>} : memref<1x32xi32, #tpu.memory_space<vmem>>, vector<1x32xi32>,
    %iota3A_124 = tpu.iota {dimensions = array<i32: 0>} : vector<128x128xi32>
    %iota3A_125 = tpu.iota {dimensions = array<i32: 1>} : vector<128x128xi32>
    %ge3A = arith.cmpi sge, %iota3A_124, %iota3A_125 : vector<128x128xi32>
    %convert_element_type3A_126 = arith.extui %ge3A : vector<128x128xi1> to vector<128x128xi32>
    %convert_element_type3A_127 = arith.sitofp %convert_element_type3A_126 : vector<128x128xi32> to vector<128x128xf32>
    %iota3A_128 = tpu.iota {dimensions = array<i32: 1>} : vector<128x8xi32>
    %broadcast_in_dim3A_129 = arith.constant 0.000000e+00 : f32
    %broadcast_in_dim3A_130 = vector.broadcast %broadcast_in_dim3A_129 : f32 to vector<1x8xf32>
    %slice3A_131 = vector.extract_strided_slice %broadcast_in_dim3A_29 {offsets = [0, 0], sizes = [128, 1], strides = [1, 1]} : vector<2048x1xi32> to vector<128x1xi32>
    %eq3A_132 = vector.broadcast %slice3A_131 : vector<128x1xi32> to vector<128x8xi32>
    %eq3A_133 = arith.cmpi eq, %iota3A_128, %eq3A_132 : vector<128x8xi32>
    %convert_element_type3A_134 = arith.extui %eq3A_133 : vector<128x8xi1> to vector<128x8xi32>
    %convert_element_type3A_135 = arith.sitofp %convert_element_type3A_134 : vector<128x8xi32> to vector<128x8xf32>
    %dot_general3A_136 = arith.constant dense<0.000000e+00> : vector<128x8xf32>
    %dot_general3A_137 = tpu.matmul %convert_element_type3A_127, %convert_element_type3A_135, %dot_general3A_136 {dimension_numbers = #tpu.dot_dimension_numbers<[1], [0], [0], [1], [0, 0, 1, 1], [], []>, transpose_lhs_hint = false} : vector<128x128xf32>, vector<128x8xf32>, vector<128x8xf32> -> vector<128x8xf32>
    %add3A_138 = vector.broadcast %broadcast_in_dim3A_130 : vector<1x8xf32> to vector<128x8xf32>
    %add3A_139 = arith.addf %add3A_138, %dot_general3A_137 : vector<128x8xf32>
    %sub3A_140 = arith.subf %add3A_139, %convert_element_type3A_135 : vector<128x8xf32>
    %add3A_141 = vector.broadcast %mul3A_93 : vector<1x8xf32> to vector<128x8xf32>
    %add3A_142 = arith.addf %add3A_141, %sub3A_140 : vector<128x8xf32>
    %mul3A_143 = arith.mulf %convert_element_type3A_135, %add3A_142 : vector<128x8xf32>
    %reduce_sum3A_144 = arith.constant dense<0.000000e+00> : vector<128xf32>
    %reduce_sum3A_145 = vector.multi_reduction <add>, %mul3A_143, %reduce_sum3A_144 [1] : vector<128x8xf32> to vector<128xf32>
    %broadcast_in_dim3A_146 = vector.shape_cast %reduce_sum3A_145 : vector<128xf32> to vector<128x1xf32>
    %convert_element_type3A_147 = arith.fptosi %broadcast_in_dim3A_146 : vector<128x1xf32> to vector<128x1xi32>
    %swap3A_148 = arith.constant 0 : index
    %swap3A_149 = arith.constant 0 : index
    %swap3A_150 = vector.load %arg3[%swap3A_148, %swap3A_149] : memref<2048x2xi32, #tpu.memory_space<vmem>>, vector<128x1xi32>
    tpu.vector_store %arg3[%swap3A_148, %swap3A_149], %convert_element_type3A_147 {strides = array<i32>} : memref<2048x2xi32, #tpu.memory_space<vmem>>, vector<128x1xi32>,
    %slice3A_151 = vector.extract_strided_slice %dot_general3A_137 {offsets = [127, 0], sizes = [1, 8], strides = [1, 1]} : vector<128x8xf32> to vector<1x8xf32>
    %add3A_152 = arith.addf %broadcast_in_dim3A_130, %slice3A_151 : vector<1x8xf32>
    %slice3A_153 = vector.extract_strided_slice %broadcast_in_dim3A_29 {offsets = [128, 0], sizes = [128, 1], strides = [1, 1]} : vector<2048x1xi32> to vector<128x1xi32>
    %eq3A_154 = vector.broadcast %slice3A_153 : vector<128x1xi32> to vector<128x8xi32>
    %eq3A_155 = arith.cmpi eq, %iota3A_128, %eq3A_154 : vector<128x8xi32>
    %convert_element_type3A_156 = arith.extui %eq3A_155 : vector<128x8xi1> to vector<128x8xi32>
    %convert_element_type3A_157 = arith.sitofp %convert_element_type3A_156 : vector<128x8xi32> to vector<128x8xf32>
    %dot_general3A_158 = arith.constant dense<0.000000e+00> : vector<128x8xf32>
    %dot_general3A_159 = tpu.matmul %convert_element_type3A_127, %convert_element_type3A_157, %dot_general3A_158 {dimension_numbers = #tpu.dot_dimension_numbers<[1], [0], [0], [1], [0, 0, 1, 1], [], []>, transpose_lhs_hint = false} : vector<128x128xf32>, vector<128x8xf32>, vector<128x8xf32> -> vector<128x8xf32>
    %add3A_160 = vector.broadcast %add3A_152 : vector<1x8xf32> to vector<128x8xf32>
    %add3A_161 = arith.addf %add3A_160, %dot_general3A_159 : vector<128x8xf32>
    %sub3A_162 = arith.subf %add3A_161, %convert_element_type3A_157 : vector<128x8xf32>
    %add3A_163 = vector.broadcast %mul3A_93 : vector<1x8xf32> to vector<128x8xf32>
    %add3A_164 = arith.addf %add3A_163, %sub3A_162 : vector<128x8xf32>
    %mul3A_165 = arith.mulf %convert_element_type3A_157, %add3A_164 : vector<128x8xf32>
    %reduce_sum3A_166 = arith.constant dense<0.000000e+00> : vector<128xf32>
    %reduce_sum3A_167 = vector.multi_reduction <add>, %mul3A_165, %reduce_sum3A_166 [1] : vector<128x8xf32> to vector<128xf32>
    %broadcast_in_dim3A_168 = vector.shape_cast %reduce_sum3A_167 : vector<128xf32> to vector<128x1xf32>
    %convert_element_type3A_169 = arith.fptosi %broadcast_in_dim3A_168 : vector<128x1xf32> to vector<128x1xi32>
    %swap3A_170 = arith.constant 128 : index
    %swap3A_171 = arith.constant 0 : index
    %swap3A_172 = vector.load %arg3[%swap3A_170, %swap3A_171] : memref<2048x2xi32, #tpu.memory_space<vmem>>, vector<128x1xi32>
    tpu.vector_store %arg3[%swap3A_170, %swap3A_171], %convert_element_type3A_169 {strides = array<i32>} : memref<2048x2xi32, #tpu.memory_space<vmem>>, vector<128x1xi32>,
    %slice3A_173 = vector.extract_strided_slice %dot_general3A_159 {offsets = [127, 0], sizes = [1, 8], strides = [1, 1]} : vector<128x8xf32> to vector<1x8xf32>
    %add3A_174 = arith.addf %add3A_152, %slice3A_173 : vector<1x8xf32>
    %slice3A_175 = vector.extract_strided_slice %broadcast_in_dim3A_29 {offsets = [256, 0], sizes = [128, 1], strides = [1, 1]} : vector<2048x1xi32> to vector<128x1xi32>
    %eq3A_176 = vector.broadcast %slice3A_175 : vector<128x1xi32> to vector<128x8xi32>
    %eq3A_177 = arith.cmpi eq, %iota3A_128, %eq3A_176 : vector<128x8xi32>
    %convert_element_type3A_178 = arith.extui %eq3A_177 : vector<128x8xi1> to vector<128x8xi32>
    %convert_element_type3A_179 = arith.sitofp %convert_element_type3A_178 : vector<128x8xi32> to vector<128x8xf32>
    %dot_general3A_180 = arith.constant dense<0.000000e+00> : vector<128x8xf32>
    %dot_general3A_181 = tpu.matmul %convert_element_type3A_127, %convert_element_type3A_179, %dot_general3A_180 {dimension_numbers = #tpu.dot_dimension_numbers<[1], [0], [0], [1], [0, 0, 1, 1], [], []>, transpose_lhs_hint = false} : vector<128x128xf32>, vector<128x8xf32>, vector<128x8xf32> -> vector<128x8xf32>
    %add3A_182 = vector.broadcast %add3A_174 : vector<1x8xf32> to vector<128x8xf32>
    %add3A_183 = arith.addf %add3A_182, %dot_general3A_181 : vector<128x8xf32>
    %sub3A_184 = arith.subf %add3A_183, %convert_element_type3A_179 : vector<128x8xf32>
    %add3A_185 = vector.broadcast %mul3A_93 : vector<1x8xf32> to vector<128x8xf32>
    %add3A_186 = arith.addf %add3A_185, %sub3A_184 : vector<128x8xf32>
    %mul3A_187 = arith.mulf %convert_element_type3A_179, %add3A_186 : vector<128x8xf32>
    %reduce_sum3A_188 = arith.constant dense<0.000000e+00> : vector<128xf32>
    %reduce_sum3A_189 = vector.multi_reduction <add>, %mul3A_187, %reduce_sum3A_188 [1] : vector<128x8xf32> to vector<128xf32>
    %broadcast_in_dim3A_190 = vector.shape_cast %reduce_sum3A_189 : vector<128xf32> to vector<128x1xf32>
    %convert_element_type3A_191 = arith.fptosi %broadcast_in_dim3A_190 : vector<128x1xf32> to vector<128x1xi32>
    %swap3A_192 = arith.constant 256 : index
    %swap3A_193 = arith.constant 0 : index
    %swap3A_194 = vector.load %arg3[%swap3A_192, %swap3A_193] : memref<2048x2xi32, #tpu.memory_space<vmem>>, vector<128x1xi32>
    tpu.vector_store %arg3[%swap3A_192, %swap3A_193], %convert_element_type3A_191 {strides = array<i32>} : memref<2048x2xi32, #tpu.memory_space<vmem>>, vector<128x1xi32>,
    %slice3A_195 = vector.extract_strided_slice %dot_general3A_181 {offsets = [127, 0], sizes = [1, 8], strides = [1, 1]} : vector<128x8xf32> to vector<1x8xf32>
    %add3A_196 = arith.addf %add3A_174, %slice3A_195 : vector<1x8xf32>
    %slice3A_197 = vector.extract_strided_slice %broadcast_in_dim3A_29 {offsets = [384, 0], sizes = [128, 1], strides = [1, 1]} : vector<2048x1xi32> to vector<128x1xi32>
    %eq3A_198 = vector.broadcast %slice3A_197 : vector<128x1xi32> to vector<128x8xi32>
    %eq3A_199 = arith.cmpi eq, %iota3A_128, %eq3A_198 : vector<128x8xi32>
    %convert_element_type3A_200 = arith.extui %eq3A_199 : vector<128x8xi1> to vector<128x8xi32>
    %convert_element_type3A_201 = arith.sitofp %convert_element_type3A_200 : vector<128x8xi32> to vector<128x8xf32>
    %dot_general3A_202 = arith.constant dense<0.000000e+00> : vector<128x8xf32>
    %dot_general3A_203 = tpu.matmul %convert_element_type3A_127, %convert_element_type3A_201, %dot_general3A_202 {dimension_numbers = #tpu.dot_dimension_numbers<[1], [0], [0], [1], [0, 0, 1, 1], [], []>, transpose_lhs_hint = false} : vector<128x128xf32>, vector<128x8xf32>, vector<128x8xf32> -> vector<128x8xf32>
    %add3A_204 = vector.broadcast %add3A_196 : vector<1x8xf32> to vector<128x8xf32>
    %add3A_205 = arith.addf %add3A_204, %dot_general3A_203 : vector<128x8xf32>
    %sub3A_206 = arith.subf %add3A_205, %convert_element_type3A_201 : vector<128x8xf32>
    %add3A_207 = vector.broadcast %mul3A_93 : vector<1x8xf32> to vector<128x8xf32>
    %add3A_208 = arith.addf %add3A_207, %sub3A_206 : vector<128x8xf32>
    %mul3A_209 = arith.mulf %convert_element_type3A_201, %add3A_208 : vector<128x8xf32>
    %reduce_sum3A_210 = arith.constant dense<0.000000e+00> : vector<128xf32>
    %reduce_sum3A_211 = vector.multi_reduction <add>, %mul3A_209, %reduce_sum3A_210 [1] : vector<128x8xf32> to vector<128xf32>
    %broadcast_in_dim3A_212 = vector.shape_cast %reduce_sum3A_211 : vector<128xf32> to vector<128x1xf32>
    %convert_element_type3A_213 = arith.fptosi %broadcast_in_dim3A_212 : vector<128x1xf32> to vector<128x1xi32>
    %swap3A_214 = arith.constant 384 : index
    %swap3A_215 = arith.constant 0 : index
    %swap3A_216 = vector.load %arg3[%swap3A_214, %swap3A_215] : memref<2048x2xi32, #tpu.memory_space<vmem>>, vector<128x1xi32>
    tpu.vector_store %arg3[%swap3A_214, %swap3A_215], %convert_element_type3A_213 {strides = array<i32>} : memref<2048x2xi32, #tpu.memory_space<vmem>>, vector<128x1xi32>,
    %slice3A_217 = vector.extract_strided_slice %dot_general3A_203 {offsets = [127, 0], sizes = [1, 8], strides = [1, 1]} : vector<128x8xf32> to vector<1x8xf32>
    %add3A_218 = arith.addf %add3A_196, %slice3A_217 : vector<1x8xf32>
    %slice3A_219 = vector.extract_strided_slice %broadcast_in_dim3A_29 {offsets = [512, 0], sizes = [128, 1], strides = [1, 1]} : vector<2048x1xi32> to vector<128x1xi32>
    %eq3A_220 = vector.broadcast %slice3A_219 : vector<128x1xi32> to vector<128x8xi32>
    %eq3A_221 = arith.cmpi eq, %iota3A_128, %eq3A_220 : vector<128x8xi32>
    %convert_element_type3A_222 = arith.extui %eq3A_221 : vector<128x8xi1> to vector<128x8xi32>
    %convert_element_type3A_223 = arith.sitofp %convert_element_type3A_222 : vector<128x8xi32> to vector<128x8xf32>
    %dot_general3A_224 = arith.constant dense<0.000000e+00> : vector<128x8xf32>
    %dot_general3A_225 = tpu.matmul %convert_element_type3A_127, %convert_element_type3A_223, %dot_general3A_224 {dimension_numbers = #tpu.dot_dimension_numbers<[1], [0], [0], [1], [0, 0, 1, 1], [], []>, transpose_lhs_hint = false} : vector<128x128xf32>, vector<128x8xf32>, vector<128x8xf32> -> vector<128x8xf32>
    %add3A_226 = vector.broadcast %add3A_218 : vector<1x8xf32> to vector<128x8xf32>
    %add3A_227 = arith.addf %add3A_226, %dot_general3A_225 : vector<128x8xf32>
    %sub3A_228 = arith.subf %add3A_227, %convert_element_type3A_223 : vector<128x8xf32>
    %add3A_229 = vector.broadcast %mul3A_93 : vector<1x8xf32> to vector<128x8xf32>
    %add3A_230 = arith.addf %add3A_229, %sub3A_228 : vector<128x8xf32>
    %mul3A_231 = arith.mulf %convert_element_type3A_223, %add3A_230 : vector<128x8xf32>
    %reduce_sum3A_232 = arith.constant dense<0.000000e+00> : vector<128xf32>
    %reduce_sum3A_233 = vector.multi_reduction <add>, %mul3A_231, %reduce_sum3A_232 [1] : vector<128x8xf32> to vector<128xf32>
    %broadcast_in_dim3A_234 = vector.shape_cast %reduce_sum3A_233 : vector<128xf32> to vector<128x1xf32>
    %convert_element_type3A_235 = arith.fptosi %broadcast_in_dim3A_234 : vector<128x1xf32> to vector<128x1xi32>
    %swap3A_236 = arith.constant 512 : index
    %swap3A_237 = arith.constant 0 : index
    %swap3A_238 = vector.load %arg3[%swap3A_236, %swap3A_237] : memref<2048x2xi32, #tpu.memory_space<vmem>>, vector<128x1xi32>
    tpu.vector_store %arg3[%swap3A_236, %swap3A_237], %convert_element_type3A_235 {strides = array<i32>} : memref<2048x2xi32, #tpu.memory_space<vmem>>, vector<128x1xi32>,
    %slice3A_239 = vector.extract_strided_slice %dot_general3A_225 {offsets = [127, 0], sizes = [1, 8], strides = [1, 1]} : vector<128x8xf32> to vector<1x8xf32>
    %add3A_240 = arith.addf %add3A_218, %slice3A_239 : vector<1x8xf32>
    %slice3A_241 = vector.extract_strided_slice %broadcast_in_dim3A_29 {offsets = [640, 0], sizes = [128, 1], strides = [1, 1]} : vector<2048x1xi32> to vector<128x1xi32>
    %eq3A_242 = vector.broadcast %slice3A_241 : vector<128x1xi32> to vector<128x8xi32>
    %eq3A_243 = arith.cmpi eq, %iota3A_128, %eq3A_242 : vector<128x8xi32>
    %convert_element_type3A_244 = arith.extui %eq3A_243 : vector<128x8xi1> to vector<128x8xi32>
    %convert_element_type3A_245 = arith.sitofp %convert_element_type3A_244 : vector<128x8xi32> to vector<128x8xf32>
    %dot_general3A_246 = arith.constant dense<0.000000e+00> : vector<128x8xf32>
    %dot_general3A_247 = tpu.matmul %convert_element_type3A_127, %convert_element_type3A_245, %dot_general3A_246 {dimension_numbers = #tpu.dot_dimension_numbers<[1], [0], [0], [1], [0, 0, 1, 1], [], []>, transpose_lhs_hint = false} : vector<128x128xf32>, vector<128x8xf32>, vector<128x8xf32> -> vector<128x8xf32>
    %add3A_248 = vector.broadcast %add3A_240 : vector<1x8xf32> to vector<128x8xf32>
    %add3A_249 = arith.addf %add3A_248, %dot_general3A_247 : vector<128x8xf32>
    %sub3A_250 = arith.subf %add3A_249, %convert_element_type3A_245 : vector<128x8xf32>
    %add3A_251 = vector.broadcast %mul3A_93 : vector<1x8xf32> to vector<128x8xf32>
    %add3A_252 = arith.addf %add3A_251, %sub3A_250 : vector<128x8xf32>
    %mul3A_253 = arith.mulf %convert_element_type3A_245, %add3A_252 : vector<128x8xf32>
    %reduce_sum3A_254 = arith.constant dense<0.000000e+00> : vector<128xf32>
    %reduce_sum3A_255 = vector.multi_reduction <add>, %mul3A_253, %reduce_sum3A_254 [1] : vector<128x8xf32> to vector<128xf32>
    %broadcast_in_dim3A_256 = vector.shape_cast %reduce_sum3A_255 : vector<128xf32> to vector<128x1xf32>
    %convert_element_type3A_257 = arith.fptosi %broadcast_in_dim3A_256 : vector<128x1xf32> to vector<128x1xi32>
    %swap3A_258 = arith.constant 640 : index
    %swap3A_259 = arith.constant 0 : index
    %swap3A_260 = vector.load %arg3[%swap3A_258, %swap3A_259] : memref<2048x2xi32, #tpu.memory_space<vmem>>, vector<128x1xi32>
    tpu.vector_store %arg3[%swap3A_258, %swap3A_259], %convert_element_type3A_257 {strides = array<i32>} : memref<2048x2xi32, #tpu.memory_space<vmem>>, vector<128x1xi32>,
    %slice3A_261 = vector.extract_strided_slice %dot_general3A_247 {offsets = [127, 0], sizes = [1, 8], strides = [1, 1]} : vector<128x8xf32> to vector<1x8xf32>
    %add3A_262 = arith.addf %add3A_240, %slice3A_261 : vector<1x8xf32>
    %slice3A_263 = vector.extract_strided_slice %broadcast_in_dim3A_29 {offsets = [768, 0], sizes = [128, 1], strides = [1, 1]} : vector<2048x1xi32> to vector<128x1xi32>
    %eq3A_264 = vector.broadcast %slice3A_263 : vector<128x1xi32> to vector<128x8xi32>
    %eq3A_265 = arith.cmpi eq, %iota3A_128, %eq3A_264 : vector<128x8xi32>
    %convert_element_type3A_266 = arith.extui %eq3A_265 : vector<128x8xi1> to vector<128x8xi32>
    %convert_element_type3A_267 = arith.sitofp %convert_element_type3A_266 : vector<128x8xi32> to vector<128x8xf32>
    %dot_general3A_268 = arith.constant dense<0.000000e+00> : vector<128x8xf32>
    %dot_general3A_269 = tpu.matmul %convert_element_type3A_127, %convert_element_type3A_267, %dot_general3A_268 {dimension_numbers = #tpu.dot_dimension_numbers<[1], [0], [0], [1], [0, 0, 1, 1], [], []>, transpose_lhs_hint = false} : vector<128x128xf32>, vector<128x8xf32>, vector<128x8xf32> -> vector<128x8xf32>
    %add3A_270 = vector.broadcast %add3A_262 : vector<1x8xf32> to vector<128x8xf32>
    %add3A_271 = arith.addf %add3A_270, %dot_general3A_269 : vector<128x8xf32>
    %sub3A_272 = arith.subf %add3A_271, %convert_element_type3A_267 : vector<128x8xf32>
    %add3A_273 = vector.broadcast %mul3A_93 : vector<1x8xf32> to vector<128x8xf32>
    %add3A_274 = arith.addf %add3A_273, %sub3A_272 : vector<128x8xf32>
    %mul3A_275 = arith.mulf %convert_element_type3A_267, %add3A_274 : vector<128x8xf32>
    %reduce_sum3A_276 = arith.constant dense<0.000000e+00> : vector<128xf32>
    %reduce_sum3A_277 = vector.multi_reduction <add>, %mul3A_275, %reduce_sum3A_276 [1] : vector<128x8xf32> to vector<128xf32>
    %broadcast_in_dim3A_278 = vector.shape_cast %reduce_sum3A_277 : vector<128xf32> to vector<128x1xf32>
    %convert_element_type3A_279 = arith.fptosi %broadcast_in_dim3A_278 : vector<128x1xf32> to vector<128x1xi32>
    %swap3A_280 = arith.constant 768 : index
    %swap3A_281 = arith.constant 0 : index
    %swap3A_282 = vector.load %arg3[%swap3A_280, %swap3A_281] : memref<2048x2xi32, #tpu.memory_space<vmem>>, vector<128x1xi32>
    tpu.vector_store %arg3[%swap3A_280, %swap3A_281], %convert_element_type3A_279 {strides = array<i32>} : memref<2048x2xi32, #tpu.memory_space<vmem>>, vector<128x1xi32>,
    %slice3A_283 = vector.extract_strided_slice %dot_general3A_269 {offsets = [127, 0], sizes = [1, 8], strides = [1, 1]} : vector<128x8xf32> to vector<1x8xf32>
    %add3A_284 = arith.addf %add3A_262, %slice3A_283 : vector<1x8xf32>
    %slice3A_285 = vector.extract_strided_slice %broadcast_in_dim3A_29 {offsets = [896, 0], sizes = [128, 1], strides = [1, 1]} : vector<2048x1xi32> to vector<128x1xi32>
    %eq3A_286 = vector.broadcast %slice3A_285 : vector<128x1xi32> to vector<128x8xi32>
    %eq3A_287 = arith.cmpi eq, %iota3A_128, %eq3A_286 : vector<128x8xi32>
    %convert_element_type3A_288 = arith.extui %eq3A_287 : vector<128x8xi1> to vector<128x8xi32>
    %convert_element_type3A_289 = arith.sitofp %convert_element_type3A_288 : vector<128x8xi32> to vector<128x8xf32>
    %dot_general3A_290 = arith.constant dense<0.000000e+00> : vector<128x8xf32>
    %dot_general3A_291 = tpu.matmul %convert_element_type3A_127, %convert_element_type3A_289, %dot_general3A_290 {dimension_numbers = #tpu.dot_dimension_numbers<[1], [0], [0], [1], [0, 0, 1, 1], [], []>, transpose_lhs_hint = false} : vector<128x128xf32>, vector<128x8xf32>, vector<128x8xf32> -> vector<128x8xf32>
    %add3A_292 = vector.broadcast %add3A_284 : vector<1x8xf32> to vector<128x8xf32>
    %add3A_293 = arith.addf %add3A_292, %dot_general3A_291 : vector<128x8xf32>
    %sub3A_294 = arith.subf %add3A_293, %convert_element_type3A_289 : vector<128x8xf32>
    %add3A_295 = vector.broadcast %mul3A_93 : vector<1x8xf32> to vector<128x8xf32>
    %add3A_296 = arith.addf %add3A_295, %sub3A_294 : vector<128x8xf32>
    %mul3A_297 = arith.mulf %convert_element_type3A_289, %add3A_296 : vector<128x8xf32>
    %reduce_sum3A_298 = arith.constant dense<0.000000e+00> : vector<128xf32>
    %reduce_sum3A_299 = vector.multi_reduction <add>, %mul3A_297, %reduce_sum3A_298 [1] : vector<128x8xf32> to vector<128xf32>
    %broadcast_in_dim3A_300 = vector.shape_cast %reduce_sum3A_299 : vector<128xf32> to vector<128x1xf32>
    %convert_element_type3A_301 = arith.fptosi %broadcast_in_dim3A_300 : vector<128x1xf32> to vector<128x1xi32>
    %swap3A_302 = arith.constant 896 : index
    %swap3A_303 = arith.constant 0 : index
    %swap3A_304 = vector.load %arg3[%swap3A_302, %swap3A_303] : memref<2048x2xi32, #tpu.memory_space<vmem>>, vector<128x1xi32>
    tpu.vector_store %arg3[%swap3A_302, %swap3A_303], %convert_element_type3A_301 {strides = array<i32>} : memref<2048x2xi32, #tpu.memory_space<vmem>>, vector<128x1xi32>,
    %slice3A_305 = vector.extract_strided_slice %dot_general3A_291 {offsets = [127, 0], sizes = [1, 8], strides = [1, 1]} : vector<128x8xf32> to vector<1x8xf32>
    %add3A_306 = arith.addf %add3A_284, %slice3A_305 : vector<1x8xf32>
    %slice3A_307 = vector.extract_strided_slice %broadcast_in_dim3A_29 {offsets = [1024, 0], sizes = [128, 1], strides = [1, 1]} : vector<2048x1xi32> to vector<128x1xi32>
    %eq3A_308 = vector.broadcast %slice3A_307 : vector<128x1xi32> to vector<128x8xi32>
    %eq3A_309 = arith.cmpi eq, %iota3A_128, %eq3A_308 : vector<128x8xi32>
    %convert_element_type3A_310 = arith.extui %eq3A_309 : vector<128x8xi1> to vector<128x8xi32>
    %convert_element_type3A_311 = arith.sitofp %convert_element_type3A_310 : vector<128x8xi32> to vector<128x8xf32>
    %dot_general3A_312 = arith.constant dense<0.000000e+00> : vector<128x8xf32>
    %dot_general3A_313 = tpu.matmul %convert_element_type3A_127, %convert_element_type3A_311, %dot_general3A_312 {dimension_numbers = #tpu.dot_dimension_numbers<[1], [0], [0], [1], [0, 0, 1, 1], [], []>, transpose_lhs_hint = false} : vector<128x128xf32>, vector<128x8xf32>, vector<128x8xf32> -> vector<128x8xf32>
    %add3A_314 = vector.broadcast %add3A_306 : vector<1x8xf32> to vector<128x8xf32>
    %add3A_315 = arith.addf %add3A_314, %dot_general3A_313 : vector<128x8xf32>
    %sub3A_316 = arith.subf %add3A_315, %convert_element_type3A_311 : vector<128x8xf32>
    %add3A_317 = vector.broadcast %mul3A_93 : vector<1x8xf32> to vector<128x8xf32>
    %add3A_318 = arith.addf %add3A_317, %sub3A_316 : vector<128x8xf32>
    %mul3A_319 = arith.mulf %convert_element_type3A_311, %add3A_318 : vector<128x8xf32>
    %reduce_sum3A_320 = arith.constant dense<0.000000e+00> : vector<128xf32>
    %reduce_sum3A_321 = vector.multi_reduction <add>, %mul3A_319, %reduce_sum3A_320 [1] : vector<128x8xf32> to vector<128xf32>
    %broadcast_in_dim3A_322 = vector.shape_cast %reduce_sum3A_321 : vector<128xf32> to vector<128x1xf32>
    %convert_element_type3A_323 = arith.fptosi %broadcast_in_dim3A_322 : vector<128x1xf32> to vector<128x1xi32>
    %swap3A_324 = arith.constant 1024 : index
    %swap3A_325 = arith.constant 0 : index
    %swap3A_326 = vector.load %arg3[%swap3A_324, %swap3A_325] : memref<2048x2xi32, #tpu.memory_space<vmem>>, vector<128x1xi32>
    tpu.vector_store %arg3[%swap3A_324, %swap3A_325], %convert_element_type3A_323 {strides = array<i32>} : memref<2048x2xi32, #tpu.memory_space<vmem>>, vector<128x1xi32>,
    %slice3A_327 = vector.extract_strided_slice %dot_general3A_313 {offsets = [127, 0], sizes = [1, 8], strides = [1, 1]} : vector<128x8xf32> to vector<1x8xf32>
    %add3A_328 = arith.addf %add3A_306, %slice3A_327 : vector<1x8xf32>
    %slice3A_329 = vector.extract_strided_slice %broadcast_in_dim3A_29 {offsets = [1152, 0], sizes = [128, 1], strides = [1, 1]} : vector<2048x1xi32> to vector<128x1xi32>
    %eq3A_330 = vector.broadcast %slice3A_329 : vector<128x1xi32> to vector<128x8xi32>
    %eq3A_331 = arith.cmpi eq, %iota3A_128, %eq3A_330 : vector<128x8xi32>
    %convert_element_type3A_332 = arith.extui %eq3A_331 : vector<128x8xi1> to vector<128x8xi32>
    %convert_element_type3A_333 = arith.sitofp %convert_element_type3A_332 : vector<128x8xi32> to vector<128x8xf32>
    %dot_general3A_334 = arith.constant dense<0.000000e+00> : vector<128x8xf32>
    %dot_general3A_335 = tpu.matmul %convert_element_type3A_127, %convert_element_type3A_333, %dot_general3A_334 {dimension_numbers = #tpu.dot_dimension_numbers<[1], [0], [0], [1], [0, 0, 1, 1], [], []>, transpose_lhs_hint = false} : vector<128x128xf32>, vector<128x8xf32>, vector<128x8xf32> -> vector<128x8xf32>
    %add3A_336 = vector.broadcast %add3A_328 : vector<1x8xf32> to vector<128x8xf32>
    %add3A_337 = arith.addf %add3A_336, %dot_general3A_335 : vector<128x8xf32>
    %sub3A_338 = arith.subf %add3A_337, %convert_element_type3A_333 : vector<128x8xf32>
    %add3A_339 = vector.broadcast %mul3A_93 : vector<1x8xf32> to vector<128x8xf32>
    %add3A_340 = arith.addf %add3A_339, %sub3A_338 : vector<128x8xf32>
    %mul3A_341 = arith.mulf %convert_element_type3A_333, %add3A_340 : vector<128x8xf32>
    %reduce_sum3A_342 = arith.constant dense<0.000000e+00> : vector<128xf32>
    %reduce_sum3A_343 = vector.multi_reduction <add>, %mul3A_341, %reduce_sum3A_342 [1] : vector<128x8xf32> to vector<128xf32>
    %broadcast_in_dim3A_344 = vector.shape_cast %reduce_sum3A_343 : vector<128xf32> to vector<128x1xf32>
    %convert_element_type3A_345 = arith.fptosi %broadcast_in_dim3A_344 : vector<128x1xf32> to vector<128x1xi32>
    %swap3A_346 = arith.constant 1152 : index
    %swap3A_347 = arith.constant 0 : index
    %swap3A_348 = vector.load %arg3[%swap3A_346, %swap3A_347] : memref<2048x2xi32, #tpu.memory_space<vmem>>, vector<128x1xi32>
    tpu.vector_store %arg3[%swap3A_346, %swap3A_347], %convert_element_type3A_345 {strides = array<i32>} : memref<2048x2xi32, #tpu.memory_space<vmem>>, vector<128x1xi32>,
    %slice3A_349 = vector.extract_strided_slice %dot_general3A_335 {offsets = [127, 0], sizes = [1, 8], strides = [1, 1]} : vector<128x8xf32> to vector<1x8xf32>
    %add3A_350 = arith.addf %add3A_328, %slice3A_349 : vector<1x8xf32>
    %slice3A_351 = vector.extract_strided_slice %broadcast_in_dim3A_29 {offsets = [1280, 0], sizes = [128, 1], strides = [1, 1]} : vector<2048x1xi32> to vector<128x1xi32>
    %eq3A_352 = vector.broadcast %slice3A_351 : vector<128x1xi32> to vector<128x8xi32>
    %eq3A_353 = arith.cmpi eq, %iota3A_128, %eq3A_352 : vector<128x8xi32>
    %convert_element_type3A_354 = arith.extui %eq3A_353 : vector<128x8xi1> to vector<128x8xi32>
    %convert_element_type3A_355 = arith.sitofp %convert_element_type3A_354 : vector<128x8xi32> to vector<128x8xf32>
    %dot_general3A_356 = arith.constant dense<0.000000e+00> : vector<128x8xf32>
    %dot_general3A_357 = tpu.matmul %convert_element_type3A_127, %convert_element_type3A_355, %dot_general3A_356 {dimension_numbers = #tpu.dot_dimension_numbers<[1], [0], [0], [1], [0, 0, 1, 1], [], []>, transpose_lhs_hint = false} : vector<128x128xf32>, vector<128x8xf32>, vector<128x8xf32> -> vector<128x8xf32>
    %add3A_358 = vector.broadcast %add3A_350 : vector<1x8xf32> to vector<128x8xf32>
    %add3A_359 = arith.addf %add3A_358, %dot_general3A_357 : vector<128x8xf32>
    %sub3A_360 = arith.subf %add3A_359, %convert_element_type3A_355 : vector<128x8xf32>
    %add3A_361 = vector.broadcast %mul3A_93 : vector<1x8xf32> to vector<128x8xf32>
    %add3A_362 = arith.addf %add3A_361, %sub3A_360 : vector<128x8xf32>
    %mul3A_363 = arith.mulf %convert_element_type3A_355, %add3A_362 : vector<128x8xf32>
    %reduce_sum3A_364 = arith.constant dense<0.000000e+00> : vector<128xf32>
    %reduce_sum3A_365 = vector.multi_reduction <add>, %mul3A_363, %reduce_sum3A_364 [1] : vector<128x8xf32> to vector<128xf32>
    %broadcast_in_dim3A_366 = vector.shape_cast %reduce_sum3A_365 : vector<128xf32> to vector<128x1xf32>
    %convert_element_type3A_367 = arith.fptosi %broadcast_in_dim3A_366 : vector<128x1xf32> to vector<128x1xi32>
    %swap3A_368 = arith.constant 1280 : index
    %swap3A_369 = arith.constant 0 : index
    %swap3A_370 = vector.load %arg3[%swap3A_368, %swap3A_369] : memref<2048x2xi32, #tpu.memory_space<vmem>>, vector<128x1xi32>
    tpu.vector_store %arg3[%swap3A_368, %swap3A_369], %convert_element_type3A_367 {strides = array<i32>} : memref<2048x2xi32, #tpu.memory_space<vmem>>, vector<128x1xi32>,
    %slice3A_371 = vector.extract_strided_slice %dot_general3A_357 {offsets = [127, 0], sizes = [1, 8], strides = [1, 1]} : vector<128x8xf32> to vector<1x8xf32>
    %add3A_372 = arith.addf %add3A_350, %slice3A_371 : vector<1x8xf32>
    %slice3A_373 = vector.extract_strided_slice %broadcast_in_dim3A_29 {offsets = [1408, 0], sizes = [128, 1], strides = [1, 1]} : vector<2048x1xi32> to vector<128x1xi32>
    %eq3A_374 = vector.broadcast %slice3A_373 : vector<128x1xi32> to vector<128x8xi32>
    %eq3A_375 = arith.cmpi eq, %iota3A_128, %eq3A_374 : vector<128x8xi32>
    %convert_element_type3A_376 = arith.extui %eq3A_375 : vector<128x8xi1> to vector<128x8xi32>
    %convert_element_type3A_377 = arith.sitofp %convert_element_type3A_376 : vector<128x8xi32> to vector<128x8xf32>
    %dot_general3A_378 = arith.constant dense<0.000000e+00> : vector<128x8xf32>
    %dot_general3A_379 = tpu.matmul %convert_element_type3A_127, %convert_element_type3A_377, %dot_general3A_378 {dimension_numbers = #tpu.dot_dimension_numbers<[1], [0], [0], [1], [0, 0, 1, 1], [], []>, transpose_lhs_hint = false} : vector<128x128xf32>, vector<128x8xf32>, vector<128x8xf32> -> vector<128x8xf32>
    %add3A_380 = vector.broadcast %add3A_372 : vector<1x8xf32> to vector<128x8xf32>
    %add3A_381 = arith.addf %add3A_380, %dot_general3A_379 : vector<128x8xf32>
    %sub3A_382 = arith.subf %add3A_381, %convert_element_type3A_377 : vector<128x8xf32>
    %add3A_383 = vector.broadcast %mul3A_93 : vector<1x8xf32> to vector<128x8xf32>
    %add3A_384 = arith.addf %add3A_383, %sub3A_382 : vector<128x8xf32>
    %mul3A_385 = arith.mulf %convert_element_type3A_377, %add3A_384 : vector<128x8xf32>
    %reduce_sum3A_386 = arith.constant dense<0.000000e+00> : vector<128xf32>
    %reduce_sum3A_387 = vector.multi_reduction <add>, %mul3A_385, %reduce_sum3A_386 [1] : vector<128x8xf32> to vector<128xf32>
    %broadcast_in_dim3A_388 = vector.shape_cast %reduce_sum3A_387 : vector<128xf32> to vector<128x1xf32>
    %convert_element_type3A_389 = arith.fptosi %broadcast_in_dim3A_388 : vector<128x1xf32> to vector<128x1xi32>
    %swap3A_390 = arith.constant 1408 : index
    %swap3A_391 = arith.constant 0 : index
    %swap3A_392 = vector.load %arg3[%swap3A_390, %swap3A_391] : memref<2048x2xi32, #tpu.memory_space<vmem>>, vector<128x1xi32>
    tpu.vector_store %arg3[%swap3A_390, %swap3A_391], %convert_element_type3A_389 {strides = array<i32>} : memref<2048x2xi32, #tpu.memory_space<vmem>>, vector<128x1xi32>,
    %slice3A_393 = vector.extract_strided_slice %dot_general3A_379 {offsets = [127, 0], sizes = [1, 8], strides = [1, 1]} : vector<128x8xf32> to vector<1x8xf32>
    %add3A_394 = arith.addf %add3A_372, %slice3A_393 : vector<1x8xf32>
    %slice3A_395 = vector.extract_strided_slice %broadcast_in_dim3A_29 {offsets = [1536, 0], sizes = [128, 1], strides = [1, 1]} : vector<2048x1xi32> to vector<128x1xi32>
    %eq3A_396 = vector.broadcast %slice3A_395 : vector<128x1xi32> to vector<128x8xi32>
    %eq3A_397 = arith.cmpi eq, %iota3A_128, %eq3A_396 : vector<128x8xi32>
    %convert_element_type3A_398 = arith.extui %eq3A_397 : vector<128x8xi1> to vector<128x8xi32>
    %convert_element_type3A_399 = arith.sitofp %convert_element_type3A_398 : vector<128x8xi32> to vector<128x8xf32>
    %dot_general3A_400 = arith.constant dense<0.000000e+00> : vector<128x8xf32>
    %dot_general3A_401 = tpu.matmul %convert_element_type3A_127, %convert_element_type3A_399, %dot_general3A_400 {dimension_numbers = #tpu.dot_dimension_numbers<[1], [0], [0], [1], [0, 0, 1, 1], [], []>, transpose_lhs_hint = false} : vector<128x128xf32>, vector<128x8xf32>, vector<128x8xf32> -> vector<128x8xf32>
    %add3A_402 = vector.broadcast %add3A_394 : vector<1x8xf32> to vector<128x8xf32>
    %add3A_403 = arith.addf %add3A_402, %dot_general3A_401 : vector<128x8xf32>
    %sub3A_404 = arith.subf %add3A_403, %convert_element_type3A_399 : vector<128x8xf32>
    %add3A_405 = vector.broadcast %mul3A_93 : vector<1x8xf32> to vector<128x8xf32>
    %add3A_406 = arith.addf %add3A_405, %sub3A_404 : vector<128x8xf32>
    %mul3A_407 = arith.mulf %convert_element_type3A_399, %add3A_406 : vector<128x8xf32>
    %reduce_sum3A_408 = arith.constant dense<0.000000e+00> : vector<128xf32>
    %reduce_sum3A_409 = vector.multi_reduction <add>, %mul3A_407, %reduce_sum3A_408 [1] : vector<128x8xf32> to vector<128xf32>
    %broadcast_in_dim3A_410 = vector.shape_cast %reduce_sum3A_409 : vector<128xf32> to vector<128x1xf32>
    %convert_element_type3A_411 = arith.fptosi %broadcast_in_dim3A_410 : vector<128x1xf32> to vector<128x1xi32>
    %swap3A_412 = arith.constant 1536 : index
    %swap3A_413 = arith.constant 0 : index
    %swap3A_414 = vector.load %arg3[%swap3A_412, %swap3A_413] : memref<2048x2xi32, #tpu.memory_space<vmem>>, vector<128x1xi32>
    tpu.vector_store %arg3[%swap3A_412, %swap3A_413], %convert_element_type3A_411 {strides = array<i32>} : memref<2048x2xi32, #tpu.memory_space<vmem>>, vector<128x1xi32>,
    %slice3A_415 = vector.extract_strided_slice %dot_general3A_401 {offsets = [127, 0], sizes = [1, 8], strides = [1, 1]} : vector<128x8xf32> to vector<1x8xf32>
    %add3A_416 = arith.addf %add3A_394, %slice3A_415 : vector<1x8xf32>
    %slice3A_417 = vector.extract_strided_slice %broadcast_in_dim3A_29 {offsets = [1664, 0], sizes = [128, 1], strides = [1, 1]} : vector<2048x1xi32> to vector<128x1xi32>
    %eq3A_418 = vector.broadcast %slice3A_417 : vector<128x1xi32> to vector<128x8xi32>
    %eq3A_419 = arith.cmpi eq, %iota3A_128, %eq3A_418 : vector<128x8xi32>
    %convert_element_type3A_420 = arith.extui %eq3A_419 : vector<128x8xi1> to vector<128x8xi32>
    %convert_element_type3A_421 = arith.sitofp %convert_element_type3A_420 : vector<128x8xi32> to vector<128x8xf32>
    %dot_general3A_422 = arith.constant dense<0.000000e+00> : vector<128x8xf32>
    %dot_general3A_423 = tpu.matmul %convert_element_type3A_127, %convert_element_type3A_421, %dot_general3A_422 {dimension_numbers = #tpu.dot_dimension_numbers<[1], [0], [0], [1], [0, 0, 1, 1], [], []>, transpose_lhs_hint = false} : vector<128x128xf32>, vector<128x8xf32>, vector<128x8xf32> -> vector<128x8xf32>
    %add3A_424 = vector.broadcast %add3A_416 : vector<1x8xf32> to vector<128x8xf32>
    %add3A_425 = arith.addf %add3A_424, %dot_general3A_423 : vector<128x8xf32>
    %sub3A_426 = arith.subf %add3A_425, %convert_element_type3A_421 : vector<128x8xf32>
    %add3A_427 = vector.broadcast %mul3A_93 : vector<1x8xf32> to vector<128x8xf32>
    %add3A_428 = arith.addf %add3A_427, %sub3A_426 : vector<128x8xf32>
    %mul3A_429 = arith.mulf %convert_element_type3A_421, %add3A_428 : vector<128x8xf32>
    %reduce_sum3A_430 = arith.constant dense<0.000000e+00> : vector<128xf32>
    %reduce_sum3A_431 = vector.multi_reduction <add>, %mul3A_429, %reduce_sum3A_430 [1] : vector<128x8xf32> to vector<128xf32>
    %broadcast_in_dim3A_432 = vector.shape_cast %reduce_sum3A_431 : vector<128xf32> to vector<128x1xf32>
    %convert_element_type3A_433 = arith.fptosi %broadcast_in_dim3A_432 : vector<128x1xf32> to vector<128x1xi32>
    %swap3A_434 = arith.constant 1664 : index
    %swap3A_435 = arith.constant 0 : index
    %swap3A_436 = vector.load %arg3[%swap3A_434, %swap3A_435] : memref<2048x2xi32, #tpu.memory_space<vmem>>, vector<128x1xi32>
    tpu.vector_store %arg3[%swap3A_434, %swap3A_435], %convert_element_type3A_433 {strides = array<i32>} : memref<2048x2xi32, #tpu.memory_space<vmem>>, vector<128x1xi32>,
    %slice3A_437 = vector.extract_strided_slice %dot_general3A_423 {offsets = [127, 0], sizes = [1, 8], strides = [1, 1]} : vector<128x8xf32> to vector<1x8xf32>
    %add3A_438 = arith.addf %add3A_416, %slice3A_437 : vector<1x8xf32>
    %slice3A_439 = vector.extract_strided_slice %broadcast_in_dim3A_29 {offsets = [1792, 0], sizes = [128, 1], strides = [1, 1]} : vector<2048x1xi32> to vector<128x1xi32>
    %eq3A_440 = vector.broadcast %slice3A_439 : vector<128x1xi32> to vector<128x8xi32>
    %eq3A_441 = arith.cmpi eq, %iota3A_128, %eq3A_440 : vector<128x8xi32>
    %convert_element_type3A_442 = arith.extui %eq3A_441 : vector<128x8xi1> to vector<128x8xi32>
    %convert_element_type3A_443 = arith.sitofp %convert_element_type3A_442 : vector<128x8xi32> to vector<128x8xf32>
    %dot_general3A_444 = arith.constant dense<0.000000e+00> : vector<128x8xf32>
    %dot_general3A_445 = tpu.matmul %convert_element_type3A_127, %convert_element_type3A_443, %dot_general3A_444 {dimension_numbers = #tpu.dot_dimension_numbers<[1], [0], [0], [1], [0, 0, 1, 1], [], []>, transpose_lhs_hint = false} : vector<128x128xf32>, vector<128x8xf32>, vector<128x8xf32> -> vector<128x8xf32>
    %add3A_446 = vector.broadcast %add3A_438 : vector<1x8xf32> to vector<128x8xf32>
    %add3A_447 = arith.addf %add3A_446, %dot_general3A_445 : vector<128x8xf32>
    %sub3A_448 = arith.subf %add3A_447, %convert_element_type3A_443 : vector<128x8xf32>
    %add3A_449 = vector.broadcast %mul3A_93 : vector<1x8xf32> to vector<128x8xf32>
    %add3A_450 = arith.addf %add3A_449, %sub3A_448 : vector<128x8xf32>
    %mul3A_451 = arith.mulf %convert_element_type3A_443, %add3A_450 : vector<128x8xf32>
    %reduce_sum3A_452 = arith.constant dense<0.000000e+00> : vector<128xf32>
    %reduce_sum3A_453 = vector.multi_reduction <add>, %mul3A_451, %reduce_sum3A_452 [1] : vector<128x8xf32> to vector<128xf32>
    %broadcast_in_dim3A_454 = vector.shape_cast %reduce_sum3A_453 : vector<128xf32> to vector<128x1xf32>
    %convert_element_type3A_455 = arith.fptosi %broadcast_in_dim3A_454 : vector<128x1xf32> to vector<128x1xi32>
    %swap3A_456 = arith.constant 1792 : index
    %swap3A_457 = arith.constant 0 : index
    %swap3A_458 = vector.load %arg3[%swap3A_456, %swap3A_457] : memref<2048x2xi32, #tpu.memory_space<vmem>>, vector<128x1xi32>
    tpu.vector_store %arg3[%swap3A_456, %swap3A_457], %convert_element_type3A_455 {strides = array<i32>} : memref<2048x2xi32, #tpu.memory_space<vmem>>, vector<128x1xi32>,
    %slice3A_459 = vector.extract_strided_slice %dot_general3A_445 {offsets = [127, 0], sizes = [1, 8], strides = [1, 1]} : vector<128x8xf32> to vector<1x8xf32>
    %add3A_460 = arith.addf %add3A_438, %slice3A_459 : vector<1x8xf32>
    %slice3A_461 = vector.extract_strided_slice %broadcast_in_dim3A_29 {offsets = [1920, 0], sizes = [128, 1], strides = [1, 1]} : vector<2048x1xi32> to vector<128x1xi32>
    %eq3A_462 = vector.broadcast %slice3A_461 : vector<128x1xi32> to vector<128x8xi32>
    %eq3A_463 = arith.cmpi eq, %iota3A_128, %eq3A_462 : vector<128x8xi32>
    %convert_element_type3A_464 = arith.extui %eq3A_463 : vector<128x8xi1> to vector<128x8xi32>
    %convert_element_type3A_465 = arith.sitofp %convert_element_type3A_464 : vector<128x8xi32> to vector<128x8xf32>
    %dot_general3A_466 = arith.constant dense<0.000000e+00> : vector<128x8xf32>
    %dot_general3A_467 = tpu.matmul %convert_element_type3A_127, %convert_element_type3A_465, %dot_general3A_466 {dimension_numbers = #tpu.dot_dimension_numbers<[1], [0], [0], [1], [0, 0, 1, 1], [], []>, transpose_lhs_hint = false} : vector<128x128xf32>, vector<128x8xf32>, vector<128x8xf32> -> vector<128x8xf32>
    %add3A_468 = vector.broadcast %add3A_460 : vector<1x8xf32> to vector<128x8xf32>
    %add3A_469 = arith.addf %add3A_468, %dot_general3A_467 : vector<128x8xf32>
    %sub3A_470 = arith.subf %add3A_469, %convert_element_type3A_465 : vector<128x8xf32>
    %add3A_471 = vector.broadcast %mul3A_93 : vector<1x8xf32> to vector<128x8xf32>
    %add3A_472 = arith.addf %add3A_471, %sub3A_470 : vector<128x8xf32>
    %mul3A_473 = arith.mulf %convert_element_type3A_465, %add3A_472 : vector<128x8xf32>
    %reduce_sum3A_474 = arith.constant dense<0.000000e+00> : vector<128xf32>
    %reduce_sum3A_475 = vector.multi_reduction <add>, %mul3A_473, %reduce_sum3A_474 [1] : vector<128x8xf32> to vector<128xf32>
    %broadcast_in_dim3A_476 = vector.shape_cast %reduce_sum3A_475 : vector<128xf32> to vector<128x1xf32>
    %convert_element_type3A_477 = arith.fptosi %broadcast_in_dim3A_476 : vector<128x1xf32> to vector<128x1xi32>
    %swap3A_478 = arith.constant 1920 : index
    %swap3A_479 = arith.constant 0 : index
    %swap3A_480 = vector.load %arg3[%swap3A_478, %swap3A_479] : memref<2048x2xi32, #tpu.memory_space<vmem>>, vector<128x1xi32>
    tpu.vector_store %arg3[%swap3A_478, %swap3A_479], %convert_element_type3A_477 {strides = array<i32>} : memref<2048x2xi32, #tpu.memory_space<vmem>>, vector<128x1xi32>,
    %slice3A_481 = vector.extract_strided_slice %dot_general3A_467 {offsets = [127, 0], sizes = [1, 8], strides = [1, 1]} : vector<128x8xf32> to vector<1x8xf32>
    %add3A_482 = arith.addf %add3A_460, %slice3A_481 : vector<1x8xf32>
    %slice3A_483 = vector.extract_strided_slice %broadcast_in_dim3A_45 {offsets = [0, 0], sizes = [128, 1], strides = [1, 1]} : vector<2048x1xi32> to vector<128x1xi32>
    %eq3A_484 = vector.broadcast %slice3A_483 : vector<128x1xi32> to vector<128x8xi32>
    %eq3A_485 = arith.cmpi eq, %iota3A_128, %eq3A_484 : vector<128x8xi32>
    %convert_element_type3A_486 = arith.extui %eq3A_485 : vector<128x8xi1> to vector<128x8xi32>
    %convert_element_type3A_487 = arith.sitofp %convert_element_type3A_486 : vector<128x8xi32> to vector<128x8xf32>
    %dot_general3A_488 = arith.constant dense<0.000000e+00> : vector<128x8xf32>
    %dot_general3A_489 = tpu.matmul %convert_element_type3A_127, %convert_element_type3A_487, %dot_general3A_488 {dimension_numbers = #tpu.dot_dimension_numbers<[1], [0], [0], [1], [0, 0, 1, 1], [], []>, transpose_lhs_hint = false} : vector<128x128xf32>, vector<128x8xf32>, vector<128x8xf32> -> vector<128x8xf32>
    %add3A_490 = vector.broadcast %add3A_482 : vector<1x8xf32> to vector<128x8xf32>
    %add3A_491 = arith.addf %add3A_490, %dot_general3A_489 : vector<128x8xf32>
    %sub3A_492 = arith.subf %add3A_491, %convert_element_type3A_487 : vector<128x8xf32>
    %add3A_493 = vector.broadcast %mul3A_93 : vector<1x8xf32> to vector<128x8xf32>
    %add3A_494 = arith.addf %add3A_493, %sub3A_492 : vector<128x8xf32>
    %mul3A_495 = arith.mulf %convert_element_type3A_487, %add3A_494 : vector<128x8xf32>
    %reduce_sum3A_496 = arith.constant dense<0.000000e+00> : vector<128xf32>
    %reduce_sum3A_497 = vector.multi_reduction <add>, %mul3A_495, %reduce_sum3A_496 [1] : vector<128x8xf32> to vector<128xf32>
    %broadcast_in_dim3A_498 = vector.shape_cast %reduce_sum3A_497 : vector<128xf32> to vector<128x1xf32>
    %convert_element_type3A_499 = arith.fptosi %broadcast_in_dim3A_498 : vector<128x1xf32> to vector<128x1xi32>
    %swap3A_500 = arith.constant 0 : index
    %swap3A_501 = arith.constant 1 : index
    %swap3A_502 = vector.load %arg3[%swap3A_500, %swap3A_501] : memref<2048x2xi32, #tpu.memory_space<vmem>>, vector<128x1xi32>
    tpu.vector_store %arg3[%swap3A_500, %swap3A_501], %convert_element_type3A_499 {strides = array<i32>} : memref<2048x2xi32, #tpu.memory_space<vmem>>, vector<128x1xi32>,
    %slice3A_503 = vector.extract_strided_slice %dot_general3A_489 {offsets = [127, 0], sizes = [1, 8], strides = [1, 1]} : vector<128x8xf32> to vector<1x8xf32>
    %add3A_504 = arith.addf %add3A_482, %slice3A_503 : vector<1x8xf32>
    %slice3A_505 = vector.extract_strided_slice %broadcast_in_dim3A_45 {offsets = [128, 0], sizes = [128, 1], strides = [1, 1]} : vector<2048x1xi32> to vector<128x1xi32>
    %eq3A_506 = vector.broadcast %slice3A_505 : vector<128x1xi32> to vector<128x8xi32>
    %eq3A_507 = arith.cmpi eq, %iota3A_128, %eq3A_506 : vector<128x8xi32>
    %convert_element_type3A_508 = arith.extui %eq3A_507 : vector<128x8xi1> to vector<128x8xi32>
    %convert_element_type3A_509 = arith.sitofp %convert_element_type3A_508 : vector<128x8xi32> to vector<128x8xf32>
    %dot_general3A_510 = arith.constant dense<0.000000e+00> : vector<128x8xf32>
    %dot_general3A_511 = tpu.matmul %convert_element_type3A_127, %convert_element_type3A_509, %dot_general3A_510 {dimension_numbers = #tpu.dot_dimension_numbers<[1], [0], [0], [1], [0, 0, 1, 1], [], []>, transpose_lhs_hint = false} : vector<128x128xf32>, vector<128x8xf32>, vector<128x8xf32> -> vector<128x8xf32>
    %add3A_512 = vector.broadcast %add3A_504 : vector<1x8xf32> to vector<128x8xf32>
    %add3A_513 = arith.addf %add3A_512, %dot_general3A_511 : vector<128x8xf32>
    %sub3A_514 = arith.subf %add3A_513, %convert_element_type3A_509 : vector<128x8xf32>
    %add3A_515 = vector.broadcast %mul3A_93 : vector<1x8xf32> to vector<128x8xf32>
    %add3A_516 = arith.addf %add3A_515, %sub3A_514 : vector<128x8xf32>
    %mul3A_517 = arith.mulf %convert_element_type3A_509, %add3A_516 : vector<128x8xf32>
    %reduce_sum3A_518 = arith.constant dense<0.000000e+00> : vector<128xf32>
    %reduce_sum3A_519 = vector.multi_reduction <add>, %mul3A_517, %reduce_sum3A_518 [1] : vector<128x8xf32> to vector<128xf32>
    %broadcast_in_dim3A_520 = vector.shape_cast %reduce_sum3A_519 : vector<128xf32> to vector<128x1xf32>
    %convert_element_type3A_521 = arith.fptosi %broadcast_in_dim3A_520 : vector<128x1xf32> to vector<128x1xi32>
    %swap3A_522 = arith.constant 128 : index
    %swap3A_523 = arith.constant 1 : index
    %swap3A_524 = vector.load %arg3[%swap3A_522, %swap3A_523] : memref<2048x2xi32, #tpu.memory_space<vmem>>, vector<128x1xi32>
    tpu.vector_store %arg3[%swap3A_522, %swap3A_523], %convert_element_type3A_521 {strides = array<i32>} : memref<2048x2xi32, #tpu.memory_space<vmem>>, vector<128x1xi32>,
    %slice3A_525 = vector.extract_strided_slice %dot_general3A_511 {offsets = [127, 0], sizes = [1, 8], strides = [1, 1]} : vector<128x8xf32> to vector<1x8xf32>
    %add3A_526 = arith.addf %add3A_504, %slice3A_525 : vector<1x8xf32>
    %slice3A_527 = vector.extract_strided_slice %broadcast_in_dim3A_45 {offsets = [256, 0], sizes = [128, 1], strides = [1, 1]} : vector<2048x1xi32> to vector<128x1xi32>
    %eq3A_528 = vector.broadcast %slice3A_527 : vector<128x1xi32> to vector<128x8xi32>
    %eq3A_529 = arith.cmpi eq, %iota3A_128, %eq3A_528 : vector<128x8xi32>
    %convert_element_type3A_530 = arith.extui %eq3A_529 : vector<128x8xi1> to vector<128x8xi32>
    %convert_element_type3A_531 = arith.sitofp %convert_element_type3A_530 : vector<128x8xi32> to vector<128x8xf32>
    %dot_general3A_532 = arith.constant dense<0.000000e+00> : vector<128x8xf32>
    %dot_general3A_533 = tpu.matmul %convert_element_type3A_127, %convert_element_type3A_531, %dot_general3A_532 {dimension_numbers = #tpu.dot_dimension_numbers<[1], [0], [0], [1], [0, 0, 1, 1], [], []>, transpose_lhs_hint = false} : vector<128x128xf32>, vector<128x8xf32>, vector<128x8xf32> -> vector<128x8xf32>
    %add3A_534 = vector.broadcast %add3A_526 : vector<1x8xf32> to vector<128x8xf32>
    %add3A_535 = arith.addf %add3A_534, %dot_general3A_533 : vector<128x8xf32>
    %sub3A_536 = arith.subf %add3A_535, %convert_element_type3A_531 : vector<128x8xf32>
    %add3A_537 = vector.broadcast %mul3A_93 : vector<1x8xf32> to vector<128x8xf32>
    %add3A_538 = arith.addf %add3A_537, %sub3A_536 : vector<128x8xf32>
    %mul3A_539 = arith.mulf %convert_element_type3A_531, %add3A_538 : vector<128x8xf32>
    %reduce_sum3A_540 = arith.constant dense<0.000000e+00> : vector<128xf32>
    %reduce_sum3A_541 = vector.multi_reduction <add>, %mul3A_539, %reduce_sum3A_540 [1] : vector<128x8xf32> to vector<128xf32>
    %broadcast_in_dim3A_542 = vector.shape_cast %reduce_sum3A_541 : vector<128xf32> to vector<128x1xf32>
    %convert_element_type3A_543 = arith.fptosi %broadcast_in_dim3A_542 : vector<128x1xf32> to vector<128x1xi32>
    %swap3A_544 = arith.constant 256 : index
    %swap3A_545 = arith.constant 1 : index
    %swap3A_546 = vector.load %arg3[%swap3A_544, %swap3A_545] : memref<2048x2xi32, #tpu.memory_space<vmem>>, vector<128x1xi32>
    tpu.vector_store %arg3[%swap3A_544, %swap3A_545], %convert_element_type3A_543 {strides = array<i32>} : memref<2048x2xi32, #tpu.memory_space<vmem>>, vector<128x1xi32>,
    %slice3A_547 = vector.extract_strided_slice %dot_general3A_533 {offsets = [127, 0], sizes = [1, 8], strides = [1, 1]} : vector<128x8xf32> to vector<1x8xf32>
    %add3A_548 = arith.addf %add3A_526, %slice3A_547 : vector<1x8xf32>
    %slice3A_549 = vector.extract_strided_slice %broadcast_in_dim3A_45 {offsets = [384, 0], sizes = [128, 1], strides = [1, 1]} : vector<2048x1xi32> to vector<128x1xi32>
    %eq3A_550 = vector.broadcast %slice3A_549 : vector<128x1xi32> to vector<128x8xi32>
    %eq3A_551 = arith.cmpi eq, %iota3A_128, %eq3A_550 : vector<128x8xi32>
    %convert_element_type3A_552 = arith.extui %eq3A_551 : vector<128x8xi1> to vector<128x8xi32>
    %convert_element_type3A_553 = arith.sitofp %convert_element_type3A_552 : vector<128x8xi32> to vector<128x8xf32>
    %dot_general3A_554 = arith.constant dense<0.000000e+00> : vector<128x8xf32>
    %dot_general3A_555 = tpu.matmul %convert_element_type3A_127, %convert_element_type3A_553, %dot_general3A_554 {dimension_numbers = #tpu.dot_dimension_numbers<[1], [0], [0], [1], [0, 0, 1, 1], [], []>, transpose_lhs_hint = false} : vector<128x128xf32>, vector<128x8xf32>, vector<128x8xf32> -> vector<128x8xf32>
    %add3A_556 = vector.broadcast %add3A_548 : vector<1x8xf32> to vector<128x8xf32>
    %add3A_557 = arith.addf %add3A_556, %dot_general3A_555 : vector<128x8xf32>
    %sub3A_558 = arith.subf %add3A_557, %convert_element_type3A_553 : vector<128x8xf32>
    %add3A_559 = vector.broadcast %mul3A_93 : vector<1x8xf32> to vector<128x8xf32>
    %add3A_560 = arith.addf %add3A_559, %sub3A_558 : vector<128x8xf32>
    %mul3A_561 = arith.mulf %convert_element_type3A_553, %add3A_560 : vector<128x8xf32>
    %reduce_sum3A_562 = arith.constant dense<0.000000e+00> : vector<128xf32>
    %reduce_sum3A_563 = vector.multi_reduction <add>, %mul3A_561, %reduce_sum3A_562 [1] : vector<128x8xf32> to vector<128xf32>
    %broadcast_in_dim3A_564 = vector.shape_cast %reduce_sum3A_563 : vector<128xf32> to vector<128x1xf32>
    %convert_element_type3A_565 = arith.fptosi %broadcast_in_dim3A_564 : vector<128x1xf32> to vector<128x1xi32>
    %swap3A_566 = arith.constant 384 : index
    %swap3A_567 = arith.constant 1 : index
    %swap3A_568 = vector.load %arg3[%swap3A_566, %swap3A_567] : memref<2048x2xi32, #tpu.memory_space<vmem>>, vector<128x1xi32>
    tpu.vector_store %arg3[%swap3A_566, %swap3A_567], %convert_element_type3A_565 {strides = array<i32>} : memref<2048x2xi32, #tpu.memory_space<vmem>>, vector<128x1xi32>,
    %slice3A_569 = vector.extract_strided_slice %dot_general3A_555 {offsets = [127, 0], sizes = [1, 8], strides = [1, 1]} : vector<128x8xf32> to vector<1x8xf32>
    %add3A_570 = arith.addf %add3A_548, %slice3A_569 : vector<1x8xf32>
    %slice3A_571 = vector.extract_strided_slice %broadcast_in_dim3A_45 {offsets = [512, 0], sizes = [128, 1], strides = [1, 1]} : vector<2048x1xi32> to vector<128x1xi32>
    %eq3A_572 = vector.broadcast %slice3A_571 : vector<128x1xi32> to vector<128x8xi32>
    %eq3A_573 = arith.cmpi eq, %iota3A_128, %eq3A_572 : vector<128x8xi32>
    %convert_element_type3A_574 = arith.extui %eq3A_573 : vector<128x8xi1> to vector<128x8xi32>
    %convert_element_type3A_575 = arith.sitofp %convert_element_type3A_574 : vector<128x8xi32> to vector<128x8xf32>
    %dot_general3A_576 = arith.constant dense<0.000000e+00> : vector<128x8xf32>
    %dot_general3A_577 = tpu.matmul %convert_element_type3A_127, %convert_element_type3A_575, %dot_general3A_576 {dimension_numbers = #tpu.dot_dimension_numbers<[1], [0], [0], [1], [0, 0, 1, 1], [], []>, transpose_lhs_hint = false} : vector<128x128xf32>, vector<128x8xf32>, vector<128x8xf32> -> vector<128x8xf32>
    %add3A_578 = vector.broadcast %add3A_570 : vector<1x8xf32> to vector<128x8xf32>
    %add3A_579 = arith.addf %add3A_578, %dot_general3A_577 : vector<128x8xf32>
    %sub3A_580 = arith.subf %add3A_579, %convert_element_type3A_575 : vector<128x8xf32>
    %add3A_581 = vector.broadcast %mul3A_93 : vector<1x8xf32> to vector<128x8xf32>
    %add3A_582 = arith.addf %add3A_581, %sub3A_580 : vector<128x8xf32>
    %mul3A_583 = arith.mulf %convert_element_type3A_575, %add3A_582 : vector<128x8xf32>
    %reduce_sum3A_584 = arith.constant dense<0.000000e+00> : vector<128xf32>
    %reduce_sum3A_585 = vector.multi_reduction <add>, %mul3A_583, %reduce_sum3A_584 [1] : vector<128x8xf32> to vector<128xf32>
    %broadcast_in_dim3A_586 = vector.shape_cast %reduce_sum3A_585 : vector<128xf32> to vector<128x1xf32>
    %convert_element_type3A_587 = arith.fptosi %broadcast_in_dim3A_586 : vector<128x1xf32> to vector<128x1xi32>
    %swap3A_588 = arith.constant 512 : index
    %swap3A_589 = arith.constant 1 : index
    %swap3A_590 = vector.load %arg3[%swap3A_588, %swap3A_589] : memref<2048x2xi32, #tpu.memory_space<vmem>>, vector<128x1xi32>
    tpu.vector_store %arg3[%swap3A_588, %swap3A_589], %convert_element_type3A_587 {strides = array<i32>} : memref<2048x2xi32, #tpu.memory_space<vmem>>, vector<128x1xi32>,
    %slice3A_591 = vector.extract_strided_slice %dot_general3A_577 {offsets = [127, 0], sizes = [1, 8], strides = [1, 1]} : vector<128x8xf32> to vector<1x8xf32>
    %add3A_592 = arith.addf %add3A_570, %slice3A_591 : vector<1x8xf32>
    %slice3A_593 = vector.extract_strided_slice %broadcast_in_dim3A_45 {offsets = [640, 0], sizes = [128, 1], strides = [1, 1]} : vector<2048x1xi32> to vector<128x1xi32>
    %eq3A_594 = vector.broadcast %slice3A_593 : vector<128x1xi32> to vector<128x8xi32>
    %eq3A_595 = arith.cmpi eq, %iota3A_128, %eq3A_594 : vector<128x8xi32>
    %convert_element_type3A_596 = arith.extui %eq3A_595 : vector<128x8xi1> to vector<128x8xi32>
    %convert_element_type3A_597 = arith.sitofp %convert_element_type3A_596 : vector<128x8xi32> to vector<128x8xf32>
    %dot_general3A_598 = arith.constant dense<0.000000e+00> : vector<128x8xf32>
    %dot_general3A_599 = tpu.matmul %convert_element_type3A_127, %convert_element_type3A_597, %dot_general3A_598 {dimension_numbers = #tpu.dot_dimension_numbers<[1], [0], [0], [1], [0, 0, 1, 1], [], []>, transpose_lhs_hint = false} : vector<128x128xf32>, vector<128x8xf32>, vector<128x8xf32> -> vector<128x8xf32>
    %add3A_600 = vector.broadcast %add3A_592 : vector<1x8xf32> to vector<128x8xf32>
    %add3A_601 = arith.addf %add3A_600, %dot_general3A_599 : vector<128x8xf32>
    %sub3A_602 = arith.subf %add3A_601, %convert_element_type3A_597 : vector<128x8xf32>
    %add3A_603 = vector.broadcast %mul3A_93 : vector<1x8xf32> to vector<128x8xf32>
    %add3A_604 = arith.addf %add3A_603, %sub3A_602 : vector<128x8xf32>
    %mul3A_605 = arith.mulf %convert_element_type3A_597, %add3A_604 : vector<128x8xf32>
    %reduce_sum3A_606 = arith.constant dense<0.000000e+00> : vector<128xf32>
    %reduce_sum3A_607 = vector.multi_reduction <add>, %mul3A_605, %reduce_sum3A_606 [1] : vector<128x8xf32> to vector<128xf32>
    %broadcast_in_dim3A_608 = vector.shape_cast %reduce_sum3A_607 : vector<128xf32> to vector<128x1xf32>
    %convert_element_type3A_609 = arith.fptosi %broadcast_in_dim3A_608 : vector<128x1xf32> to vector<128x1xi32>
    %swap3A_610 = arith.constant 640 : index
    %swap3A_611 = arith.constant 1 : index
    %swap3A_612 = vector.load %arg3[%swap3A_610, %swap3A_611] : memref<2048x2xi32, #tpu.memory_space<vmem>>, vector<128x1xi32>
    tpu.vector_store %arg3[%swap3A_610, %swap3A_611], %convert_element_type3A_609 {strides = array<i32>} : memref<2048x2xi32, #tpu.memory_space<vmem>>, vector<128x1xi32>,
    %slice3A_613 = vector.extract_strided_slice %dot_general3A_599 {offsets = [127, 0], sizes = [1, 8], strides = [1, 1]} : vector<128x8xf32> to vector<1x8xf32>
    %add3A_614 = arith.addf %add3A_592, %slice3A_613 : vector<1x8xf32>
    %slice3A_615 = vector.extract_strided_slice %broadcast_in_dim3A_45 {offsets = [768, 0], sizes = [128, 1], strides = [1, 1]} : vector<2048x1xi32> to vector<128x1xi32>
    %eq3A_616 = vector.broadcast %slice3A_615 : vector<128x1xi32> to vector<128x8xi32>
    %eq3A_617 = arith.cmpi eq, %iota3A_128, %eq3A_616 : vector<128x8xi32>
    %convert_element_type3A_618 = arith.extui %eq3A_617 : vector<128x8xi1> to vector<128x8xi32>
    %convert_element_type3A_619 = arith.sitofp %convert_element_type3A_618 : vector<128x8xi32> to vector<128x8xf32>
    %dot_general3A_620 = arith.constant dense<0.000000e+00> : vector<128x8xf32>
    %dot_general3A_621 = tpu.matmul %convert_element_type3A_127, %convert_element_type3A_619, %dot_general3A_620 {dimension_numbers = #tpu.dot_dimension_numbers<[1], [0], [0], [1], [0, 0, 1, 1], [], []>, transpose_lhs_hint = false} : vector<128x128xf32>, vector<128x8xf32>, vector<128x8xf32> -> vector<128x8xf32>
    %add3A_622 = vector.broadcast %add3A_614 : vector<1x8xf32> to vector<128x8xf32>
    %add3A_623 = arith.addf %add3A_622, %dot_general3A_621 : vector<128x8xf32>
    %sub3A_624 = arith.subf %add3A_623, %convert_element_type3A_619 : vector<128x8xf32>
    %add3A_625 = vector.broadcast %mul3A_93 : vector<1x8xf32> to vector<128x8xf32>
    %add3A_626 = arith.addf %add3A_625, %sub3A_624 : vector<128x8xf32>
    %mul3A_627 = arith.mulf %convert_element_type3A_619, %add3A_626 : vector<128x8xf32>
    %reduce_sum3A_628 = arith.constant dense<0.000000e+00> : vector<128xf32>
    %reduce_sum3A_629 = vector.multi_reduction <add>, %mul3A_627, %reduce_sum3A_628 [1] : vector<128x8xf32> to vector<128xf32>
    %broadcast_in_dim3A_630 = vector.shape_cast %reduce_sum3A_629 : vector<128xf32> to vector<128x1xf32>
    %convert_element_type3A_631 = arith.fptosi %broadcast_in_dim3A_630 : vector<128x1xf32> to vector<128x1xi32>
    %swap3A_632 = arith.constant 768 : index
    %swap3A_633 = arith.constant 1 : index
    %swap3A_634 = vector.load %arg3[%swap3A_632, %swap3A_633] : memref<2048x2xi32, #tpu.memory_space<vmem>>, vector<128x1xi32>
    tpu.vector_store %arg3[%swap3A_632, %swap3A_633], %convert_element_type3A_631 {strides = array<i32>} : memref<2048x2xi32, #tpu.memory_space<vmem>>, vector<128x1xi32>,
    %slice3A_635 = vector.extract_strided_slice %dot_general3A_621 {offsets = [127, 0], sizes = [1, 8], strides = [1, 1]} : vector<128x8xf32> to vector<1x8xf32>
    %add3A_636 = arith.addf %add3A_614, %slice3A_635 : vector<1x8xf32>
    %slice3A_637 = vector.extract_strided_slice %broadcast_in_dim3A_45 {offsets = [896, 0], sizes = [128, 1], strides = [1, 1]} : vector<2048x1xi32> to vector<128x1xi32>
    %eq3A_638 = vector.broadcast %slice3A_637 : vector<128x1xi32> to vector<128x8xi32>
    %eq3A_639 = arith.cmpi eq, %iota3A_128, %eq3A_638 : vector<128x8xi32>
    %convert_element_type3A_640 = arith.extui %eq3A_639 : vector<128x8xi1> to vector<128x8xi32>
    %convert_element_type3A_641 = arith.sitofp %convert_element_type3A_640 : vector<128x8xi32> to vector<128x8xf32>
    %dot_general3A_642 = arith.constant dense<0.000000e+00> : vector<128x8xf32>
    %dot_general3A_643 = tpu.matmul %convert_element_type3A_127, %convert_element_type3A_641, %dot_general3A_642 {dimension_numbers = #tpu.dot_dimension_numbers<[1], [0], [0], [1], [0, 0, 1, 1], [], []>, transpose_lhs_hint = false} : vector<128x128xf32>, vector<128x8xf32>, vector<128x8xf32> -> vector<128x8xf32>
    %add3A_644 = vector.broadcast %add3A_636 : vector<1x8xf32> to vector<128x8xf32>
    %add3A_645 = arith.addf %add3A_644, %dot_general3A_643 : vector<128x8xf32>
    %sub3A_646 = arith.subf %add3A_645, %convert_element_type3A_641 : vector<128x8xf32>
    %add3A_647 = vector.broadcast %mul3A_93 : vector<1x8xf32> to vector<128x8xf32>
    %add3A_648 = arith.addf %add3A_647, %sub3A_646 : vector<128x8xf32>
    %mul3A_649 = arith.mulf %convert_element_type3A_641, %add3A_648 : vector<128x8xf32>
    %reduce_sum3A_650 = arith.constant dense<0.000000e+00> : vector<128xf32>
    %reduce_sum3A_651 = vector.multi_reduction <add>, %mul3A_649, %reduce_sum3A_650 [1] : vector<128x8xf32> to vector<128xf32>
    %broadcast_in_dim3A_652 = vector.shape_cast %reduce_sum3A_651 : vector<128xf32> to vector<128x1xf32>
    %convert_element_type3A_653 = arith.fptosi %broadcast_in_dim3A_652 : vector<128x1xf32> to vector<128x1xi32>
    %swap3A_654 = arith.constant 896 : index
    %swap3A_655 = arith.constant 1 : index
    %swap3A_656 = vector.load %arg3[%swap3A_654, %swap3A_655] : memref<2048x2xi32, #tpu.memory_space<vmem>>, vector<128x1xi32>
    tpu.vector_store %arg3[%swap3A_654, %swap3A_655], %convert_element_type3A_653 {strides = array<i32>} : memref<2048x2xi32, #tpu.memory_space<vmem>>, vector<128x1xi32>,
    %slice3A_657 = vector.extract_strided_slice %dot_general3A_643 {offsets = [127, 0], sizes = [1, 8], strides = [1, 1]} : vector<128x8xf32> to vector<1x8xf32>
    %add3A_658 = arith.addf %add3A_636, %slice3A_657 : vector<1x8xf32>
    %slice3A_659 = vector.extract_strided_slice %broadcast_in_dim3A_45 {offsets = [1024, 0], sizes = [128, 1], strides = [1, 1]} : vector<2048x1xi32> to vector<128x1xi32>
    %eq3A_660 = vector.broadcast %slice3A_659 : vector<128x1xi32> to vector<128x8xi32>
    %eq3A_661 = arith.cmpi eq, %iota3A_128, %eq3A_660 : vector<128x8xi32>
    %convert_element_type3A_662 = arith.extui %eq3A_661 : vector<128x8xi1> to vector<128x8xi32>
    %convert_element_type3A_663 = arith.sitofp %convert_element_type3A_662 : vector<128x8xi32> to vector<128x8xf32>
    %dot_general3A_664 = arith.constant dense<0.000000e+00> : vector<128x8xf32>
    %dot_general3A_665 = tpu.matmul %convert_element_type3A_127, %convert_element_type3A_663, %dot_general3A_664 {dimension_numbers = #tpu.dot_dimension_numbers<[1], [0], [0], [1], [0, 0, 1, 1], [], []>, transpose_lhs_hint = false} : vector<128x128xf32>, vector<128x8xf32>, vector<128x8xf32> -> vector<128x8xf32>
    %add3A_666 = vector.broadcast %add3A_658 : vector<1x8xf32> to vector<128x8xf32>
    %add3A_667 = arith.addf %add3A_666, %dot_general3A_665 : vector<128x8xf32>
    %sub3A_668 = arith.subf %add3A_667, %convert_element_type3A_663 : vector<128x8xf32>
    %add3A_669 = vector.broadcast %mul3A_93 : vector<1x8xf32> to vector<128x8xf32>
    %add3A_670 = arith.addf %add3A_669, %sub3A_668 : vector<128x8xf32>
    %mul3A_671 = arith.mulf %convert_element_type3A_663, %add3A_670 : vector<128x8xf32>
    %reduce_sum3A_672 = arith.constant dense<0.000000e+00> : vector<128xf32>
    %reduce_sum3A_673 = vector.multi_reduction <add>, %mul3A_671, %reduce_sum3A_672 [1] : vector<128x8xf32> to vector<128xf32>
    %broadcast_in_dim3A_674 = vector.shape_cast %reduce_sum3A_673 : vector<128xf32> to vector<128x1xf32>
    %convert_element_type3A_675 = arith.fptosi %broadcast_in_dim3A_674 : vector<128x1xf32> to vector<128x1xi32>
    %swap3A_676 = arith.constant 1024 : index
    %swap3A_677 = arith.constant 1 : index
    %swap3A_678 = vector.load %arg3[%swap3A_676, %swap3A_677] : memref<2048x2xi32, #tpu.memory_space<vmem>>, vector<128x1xi32>
    tpu.vector_store %arg3[%swap3A_676, %swap3A_677], %convert_element_type3A_675 {strides = array<i32>} : memref<2048x2xi32, #tpu.memory_space<vmem>>, vector<128x1xi32>,
    %slice3A_679 = vector.extract_strided_slice %dot_general3A_665 {offsets = [127, 0], sizes = [1, 8], strides = [1, 1]} : vector<128x8xf32> to vector<1x8xf32>
    %add3A_680 = arith.addf %add3A_658, %slice3A_679 : vector<1x8xf32>
    %slice3A_681 = vector.extract_strided_slice %broadcast_in_dim3A_45 {offsets = [1152, 0], sizes = [128, 1], strides = [1, 1]} : vector<2048x1xi32> to vector<128x1xi32>
    %eq3A_682 = vector.broadcast %slice3A_681 : vector<128x1xi32> to vector<128x8xi32>
    %eq3A_683 = arith.cmpi eq, %iota3A_128, %eq3A_682 : vector<128x8xi32>
    %convert_element_type3A_684 = arith.extui %eq3A_683 : vector<128x8xi1> to vector<128x8xi32>
    %convert_element_type3A_685 = arith.sitofp %convert_element_type3A_684 : vector<128x8xi32> to vector<128x8xf32>
    %dot_general3A_686 = arith.constant dense<0.000000e+00> : vector<128x8xf32>
    %dot_general3A_687 = tpu.matmul %convert_element_type3A_127, %convert_element_type3A_685, %dot_general3A_686 {dimension_numbers = #tpu.dot_dimension_numbers<[1], [0], [0], [1], [0, 0, 1, 1], [], []>, transpose_lhs_hint = false} : vector<128x128xf32>, vector<128x8xf32>, vector<128x8xf32> -> vector<128x8xf32>
    %add3A_688 = vector.broadcast %add3A_680 : vector<1x8xf32> to vector<128x8xf32>
    %add3A_689 = arith.addf %add3A_688, %dot_general3A_687 : vector<128x8xf32>
    %sub3A_690 = arith.subf %add3A_689, %convert_element_type3A_685 : vector<128x8xf32>
    %add3A_691 = vector.broadcast %mul3A_93 : vector<1x8xf32> to vector<128x8xf32>
    %add3A_692 = arith.addf %add3A_691, %sub3A_690 : vector<128x8xf32>
    %mul3A_693 = arith.mulf %convert_element_type3A_685, %add3A_692 : vector<128x8xf32>
    %reduce_sum3A_694 = arith.constant dense<0.000000e+00> : vector<128xf32>
    %reduce_sum3A_695 = vector.multi_reduction <add>, %mul3A_693, %reduce_sum3A_694 [1] : vector<128x8xf32> to vector<128xf32>
    %broadcast_in_dim3A_696 = vector.shape_cast %reduce_sum3A_695 : vector<128xf32> to vector<128x1xf32>
    %convert_element_type3A_697 = arith.fptosi %broadcast_in_dim3A_696 : vector<128x1xf32> to vector<128x1xi32>
    %swap3A_698 = arith.constant 1152 : index
    %swap3A_699 = arith.constant 1 : index
    %swap3A_700 = vector.load %arg3[%swap3A_698, %swap3A_699] : memref<2048x2xi32, #tpu.memory_space<vmem>>, vector<128x1xi32>
    tpu.vector_store %arg3[%swap3A_698, %swap3A_699], %convert_element_type3A_697 {strides = array<i32>} : memref<2048x2xi32, #tpu.memory_space<vmem>>, vector<128x1xi32>,
    %slice3A_701 = vector.extract_strided_slice %dot_general3A_687 {offsets = [127, 0], sizes = [1, 8], strides = [1, 1]} : vector<128x8xf32> to vector<1x8xf32>
    %add3A_702 = arith.addf %add3A_680, %slice3A_701 : vector<1x8xf32>
    %slice3A_703 = vector.extract_strided_slice %broadcast_in_dim3A_45 {offsets = [1280, 0], sizes = [128, 1], strides = [1, 1]} : vector<2048x1xi32> to vector<128x1xi32>
    %eq3A_704 = vector.broadcast %slice3A_703 : vector<128x1xi32> to vector<128x8xi32>
    %eq3A_705 = arith.cmpi eq, %iota3A_128, %eq3A_704 : vector<128x8xi32>
    %convert_element_type3A_706 = arith.extui %eq3A_705 : vector<128x8xi1> to vector<128x8xi32>
    %convert_element_type3A_707 = arith.sitofp %convert_element_type3A_706 : vector<128x8xi32> to vector<128x8xf32>
    %dot_general3A_708 = arith.constant dense<0.000000e+00> : vector<128x8xf32>
    %dot_general3A_709 = tpu.matmul %convert_element_type3A_127, %convert_element_type3A_707, %dot_general3A_708 {dimension_numbers = #tpu.dot_dimension_numbers<[1], [0], [0], [1], [0, 0, 1, 1], [], []>, transpose_lhs_hint = false} : vector<128x128xf32>, vector<128x8xf32>, vector<128x8xf32> -> vector<128x8xf32>
    %add3A_710 = vector.broadcast %add3A_702 : vector<1x8xf32> to vector<128x8xf32>
    %add3A_711 = arith.addf %add3A_710, %dot_general3A_709 : vector<128x8xf32>
    %sub3A_712 = arith.subf %add3A_711, %convert_element_type3A_707 : vector<128x8xf32>
    %add3A_713 = vector.broadcast %mul3A_93 : vector<1x8xf32> to vector<128x8xf32>
    %add3A_714 = arith.addf %add3A_713, %sub3A_712 : vector<128x8xf32>
    %mul3A_715 = arith.mulf %convert_element_type3A_707, %add3A_714 : vector<128x8xf32>
    %reduce_sum3A_716 = arith.constant dense<0.000000e+00> : vector<128xf32>
    %reduce_sum3A_717 = vector.multi_reduction <add>, %mul3A_715, %reduce_sum3A_716 [1] : vector<128x8xf32> to vector<128xf32>
    %broadcast_in_dim3A_718 = vector.shape_cast %reduce_sum3A_717 : vector<128xf32> to vector<128x1xf32>
    %convert_element_type3A_719 = arith.fptosi %broadcast_in_dim3A_718 : vector<128x1xf32> to vector<128x1xi32>
    %swap3A_720 = arith.constant 1280 : index
    %swap3A_721 = arith.constant 1 : index
    %swap3A_722 = vector.load %arg3[%swap3A_720, %swap3A_721] : memref<2048x2xi32, #tpu.memory_space<vmem>>, vector<128x1xi32>
    tpu.vector_store %arg3[%swap3A_720, %swap3A_721], %convert_element_type3A_719 {strides = array<i32>} : memref<2048x2xi32, #tpu.memory_space<vmem>>, vector<128x1xi32>,
    %slice3A_723 = vector.extract_strided_slice %dot_general3A_709 {offsets = [127, 0], sizes = [1, 8], strides = [1, 1]} : vector<128x8xf32> to vector<1x8xf32>
    %add3A_724 = arith.addf %add3A_702, %slice3A_723 : vector<1x8xf32>
    %slice3A_725 = vector.extract_strided_slice %broadcast_in_dim3A_45 {offsets = [1408, 0], sizes = [128, 1], strides = [1, 1]} : vector<2048x1xi32> to vector<128x1xi32>
    %eq3A_726 = vector.broadcast %slice3A_725 : vector<128x1xi32> to vector<128x8xi32>
    %eq3A_727 = arith.cmpi eq, %iota3A_128, %eq3A_726 : vector<128x8xi32>
    %convert_element_type3A_728 = arith.extui %eq3A_727 : vector<128x8xi1> to vector<128x8xi32>
    %convert_element_type3A_729 = arith.sitofp %convert_element_type3A_728 : vector<128x8xi32> to vector<128x8xf32>
    %dot_general3A_730 = arith.constant dense<0.000000e+00> : vector<128x8xf32>
    %dot_general3A_731 = tpu.matmul %convert_element_type3A_127, %convert_element_type3A_729, %dot_general3A_730 {dimension_numbers = #tpu.dot_dimension_numbers<[1], [0], [0], [1], [0, 0, 1, 1], [], []>, transpose_lhs_hint = false} : vector<128x128xf32>, vector<128x8xf32>, vector<128x8xf32> -> vector<128x8xf32>
    %add3A_732 = vector.broadcast %add3A_724 : vector<1x8xf32> to vector<128x8xf32>
    %add3A_733 = arith.addf %add3A_732, %dot_general3A_731 : vector<128x8xf32>
    %sub3A_734 = arith.subf %add3A_733, %convert_element_type3A_729 : vector<128x8xf32>
    %add3A_735 = vector.broadcast %mul3A_93 : vector<1x8xf32> to vector<128x8xf32>
    %add3A_736 = arith.addf %add3A_735, %sub3A_734 : vector<128x8xf32>
    %mul3A_737 = arith.mulf %convert_element_type3A_729, %add3A_736 : vector<128x8xf32>
    %reduce_sum3A_738 = arith.constant dense<0.000000e+00> : vector<128xf32>
    %reduce_sum3A_739 = vector.multi_reduction <add>, %mul3A_737, %reduce_sum3A_738 [1] : vector<128x8xf32> to vector<128xf32>
    %broadcast_in_dim3A_740 = vector.shape_cast %reduce_sum3A_739 : vector<128xf32> to vector<128x1xf32>
    %convert_element_type3A_741 = arith.fptosi %broadcast_in_dim3A_740 : vector<128x1xf32> to vector<128x1xi32>
    %swap3A_742 = arith.constant 1408 : index
    %swap3A_743 = arith.constant 1 : index
    %swap3A_744 = vector.load %arg3[%swap3A_742, %swap3A_743] : memref<2048x2xi32, #tpu.memory_space<vmem>>, vector<128x1xi32>
    tpu.vector_store %arg3[%swap3A_742, %swap3A_743], %convert_element_type3A_741 {strides = array<i32>} : memref<2048x2xi32, #tpu.memory_space<vmem>>, vector<128x1xi32>,
    %slice3A_745 = vector.extract_strided_slice %dot_general3A_731 {offsets = [127, 0], sizes = [1, 8], strides = [1, 1]} : vector<128x8xf32> to vector<1x8xf32>
    %add3A_746 = arith.addf %add3A_724, %slice3A_745 : vector<1x8xf32>
    %slice3A_747 = vector.extract_strided_slice %broadcast_in_dim3A_45 {offsets = [1536, 0], sizes = [128, 1], strides = [1, 1]} : vector<2048x1xi32> to vector<128x1xi32>
    %eq3A_748 = vector.broadcast %slice3A_747 : vector<128x1xi32> to vector<128x8xi32>
    %eq3A_749 = arith.cmpi eq, %iota3A_128, %eq3A_748 : vector<128x8xi32>
    %convert_element_type3A_750 = arith.extui %eq3A_749 : vector<128x8xi1> to vector<128x8xi32>
    %convert_element_type3A_751 = arith.sitofp %convert_element_type3A_750 : vector<128x8xi32> to vector<128x8xf32>
    %dot_general3A_752 = arith.constant dense<0.000000e+00> : vector<128x8xf32>
    %dot_general3A_753 = tpu.matmul %convert_element_type3A_127, %convert_element_type3A_751, %dot_general3A_752 {dimension_numbers = #tpu.dot_dimension_numbers<[1], [0], [0], [1], [0, 0, 1, 1], [], []>, transpose_lhs_hint = false} : vector<128x128xf32>, vector<128x8xf32>, vector<128x8xf32> -> vector<128x8xf32>
    %add3A_754 = vector.broadcast %add3A_746 : vector<1x8xf32> to vector<128x8xf32>
    %add3A_755 = arith.addf %add3A_754, %dot_general3A_753 : vector<128x8xf32>
    %sub3A_756 = arith.subf %add3A_755, %convert_element_type3A_751 : vector<128x8xf32>
    %add3A_757 = vector.broadcast %mul3A_93 : vector<1x8xf32> to vector<128x8xf32>
    %add3A_758 = arith.addf %add3A_757, %sub3A_756 : vector<128x8xf32>
    %mul3A_759 = arith.mulf %convert_element_type3A_751, %add3A_758 : vector<128x8xf32>
    %reduce_sum3A_760 = arith.constant dense<0.000000e+00> : vector<128xf32>
    %reduce_sum3A_761 = vector.multi_reduction <add>, %mul3A_759, %reduce_sum3A_760 [1] : vector<128x8xf32> to vector<128xf32>
    %broadcast_in_dim3A_762 = vector.shape_cast %reduce_sum3A_761 : vector<128xf32> to vector<128x1xf32>
    %convert_element_type3A_763 = arith.fptosi %broadcast_in_dim3A_762 : vector<128x1xf32> to vector<128x1xi32>
    %swap3A_764 = arith.constant 1536 : index
    %swap3A_765 = arith.constant 1 : index
    %swap3A_766 = vector.load %arg3[%swap3A_764, %swap3A_765] : memref<2048x2xi32, #tpu.memory_space<vmem>>, vector<128x1xi32>
    tpu.vector_store %arg3[%swap3A_764, %swap3A_765], %convert_element_type3A_763 {strides = array<i32>} : memref<2048x2xi32, #tpu.memory_space<vmem>>, vector<128x1xi32>,
    %slice3A_767 = vector.extract_strided_slice %dot_general3A_753 {offsets = [127, 0], sizes = [1, 8], strides = [1, 1]} : vector<128x8xf32> to vector<1x8xf32>
    %add3A_768 = arith.addf %add3A_746, %slice3A_767 : vector<1x8xf32>
    %slice3A_769 = vector.extract_strided_slice %broadcast_in_dim3A_45 {offsets = [1664, 0], sizes = [128, 1], strides = [1, 1]} : vector<2048x1xi32> to vector<128x1xi32>
    %eq3A_770 = vector.broadcast %slice3A_769 : vector<128x1xi32> to vector<128x8xi32>
    %eq3A_771 = arith.cmpi eq, %iota3A_128, %eq3A_770 : vector<128x8xi32>
    %convert_element_type3A_772 = arith.extui %eq3A_771 : vector<128x8xi1> to vector<128x8xi32>
    %convert_element_type3A_773 = arith.sitofp %convert_element_type3A_772 : vector<128x8xi32> to vector<128x8xf32>
    %dot_general3A_774 = arith.constant dense<0.000000e+00> : vector<128x8xf32>
    %dot_general3A_775 = tpu.matmul %convert_element_type3A_127, %convert_element_type3A_773, %dot_general3A_774 {dimension_numbers = #tpu.dot_dimension_numbers<[1], [0], [0], [1], [0, 0, 1, 1], [], []>, transpose_lhs_hint = false} : vector<128x128xf32>, vector<128x8xf32>, vector<128x8xf32> -> vector<128x8xf32>
    %add3A_776 = vector.broadcast %add3A_768 : vector<1x8xf32> to vector<128x8xf32>
    %add3A_777 = arith.addf %add3A_776, %dot_general3A_775 : vector<128x8xf32>
    %sub3A_778 = arith.subf %add3A_777, %convert_element_type3A_773 : vector<128x8xf32>
    %add3A_779 = vector.broadcast %mul3A_93 : vector<1x8xf32> to vector<128x8xf32>
    %add3A_780 = arith.addf %add3A_779, %sub3A_778 : vector<128x8xf32>
    %mul3A_781 = arith.mulf %convert_element_type3A_773, %add3A_780 : vector<128x8xf32>
    %reduce_sum3A_782 = arith.constant dense<0.000000e+00> : vector<128xf32>
    %reduce_sum3A_783 = vector.multi_reduction <add>, %mul3A_781, %reduce_sum3A_782 [1] : vector<128x8xf32> to vector<128xf32>
    %broadcast_in_dim3A_784 = vector.shape_cast %reduce_sum3A_783 : vector<128xf32> to vector<128x1xf32>
    %convert_element_type3A_785 = arith.fptosi %broadcast_in_dim3A_784 : vector<128x1xf32> to vector<128x1xi32>
    %swap3A_786 = arith.constant 1664 : index
    %swap3A_787 = arith.constant 1 : index
    %swap3A_788 = vector.load %arg3[%swap3A_786, %swap3A_787] : memref<2048x2xi32, #tpu.memory_space<vmem>>, vector<128x1xi32>
    tpu.vector_store %arg3[%swap3A_786, %swap3A_787], %convert_element_type3A_785 {strides = array<i32>} : memref<2048x2xi32, #tpu.memory_space<vmem>>, vector<128x1xi32>,
    %slice3A_789 = vector.extract_strided_slice %dot_general3A_775 {offsets = [127, 0], sizes = [1, 8], strides = [1, 1]} : vector<128x8xf32> to vector<1x8xf32>
    %add3A_790 = arith.addf %add3A_768, %slice3A_789 : vector<1x8xf32>
    %slice3A_791 = vector.extract_strided_slice %broadcast_in_dim3A_45 {offsets = [1792, 0], sizes = [128, 1], strides = [1, 1]} : vector<2048x1xi32> to vector<128x1xi32>
    %eq3A_792 = vector.broadcast %slice3A_791 : vector<128x1xi32> to vector<128x8xi32>
    %eq3A_793 = arith.cmpi eq, %iota3A_128, %eq3A_792 : vector<128x8xi32>
    %convert_element_type3A_794 = arith.extui %eq3A_793 : vector<128x8xi1> to vector<128x8xi32>
    %convert_element_type3A_795 = arith.sitofp %convert_element_type3A_794 : vector<128x8xi32> to vector<128x8xf32>
    %dot_general3A_796 = arith.constant dense<0.000000e+00> : vector<128x8xf32>
    %dot_general3A_797 = tpu.matmul %convert_element_type3A_127, %convert_element_type3A_795, %dot_general3A_796 {dimension_numbers = #tpu.dot_dimension_numbers<[1], [0], [0], [1], [0, 0, 1, 1], [], []>, transpose_lhs_hint = false} : vector<128x128xf32>, vector<128x8xf32>, vector<128x8xf32> -> vector<128x8xf32>
    %add3A_798 = vector.broadcast %add3A_790 : vector<1x8xf32> to vector<128x8xf32>
    %add3A_799 = arith.addf %add3A_798, %dot_general3A_797 : vector<128x8xf32>
    %sub3A_800 = arith.subf %add3A_799, %convert_element_type3A_795 : vector<128x8xf32>
    %add3A_801 = vector.broadcast %mul3A_93 : vector<1x8xf32> to vector<128x8xf32>
    %add3A_802 = arith.addf %add3A_801, %sub3A_800 : vector<128x8xf32>
    %mul3A_803 = arith.mulf %convert_element_type3A_795, %add3A_802 : vector<128x8xf32>
    %reduce_sum3A_804 = arith.constant dense<0.000000e+00> : vector<128xf32>
    %reduce_sum3A_805 = vector.multi_reduction <add>, %mul3A_803, %reduce_sum3A_804 [1] : vector<128x8xf32> to vector<128xf32>
    %broadcast_in_dim3A_806 = vector.shape_cast %reduce_sum3A_805 : vector<128xf32> to vector<128x1xf32>
    %convert_element_type3A_807 = arith.fptosi %broadcast_in_dim3A_806 : vector<128x1xf32> to vector<128x1xi32>
    %swap3A_808 = arith.constant 1792 : index
    %swap3A_809 = arith.constant 1 : index
    %swap3A_810 = vector.load %arg3[%swap3A_808, %swap3A_809] : memref<2048x2xi32, #tpu.memory_space<vmem>>, vector<128x1xi32>
    tpu.vector_store %arg3[%swap3A_808, %swap3A_809], %convert_element_type3A_807 {strides = array<i32>} : memref<2048x2xi32, #tpu.memory_space<vmem>>, vector<128x1xi32>,
    %slice3A_811 = vector.extract_strided_slice %dot_general3A_797 {offsets = [127, 0], sizes = [1, 8], strides = [1, 1]} : vector<128x8xf32> to vector<1x8xf32>
    %add3A_812 = arith.addf %add3A_790, %slice3A_811 : vector<1x8xf32>
    %slice3A_813 = vector.extract_strided_slice %broadcast_in_dim3A_45 {offsets = [1920, 0], sizes = [128, 1], strides = [1, 1]} : vector<2048x1xi32> to vector<128x1xi32>
    %eq3A_814 = vector.broadcast %slice3A_813 : vector<128x1xi32> to vector<128x8xi32>
    %eq3A_815 = arith.cmpi eq, %iota3A_128, %eq3A_814 : vector<128x8xi32>
    %convert_element_type3A_816 = arith.extui %eq3A_815 : vector<128x8xi1> to vector<128x8xi32>
    %convert_element_type3A_817 = arith.sitofp %convert_element_type3A_816 : vector<128x8xi32> to vector<128x8xf32>
    %dot_general3A_818 = arith.constant dense<0.000000e+00> : vector<128x8xf32>
    %dot_general3A_819 = tpu.matmul %convert_element_type3A_127, %convert_element_type3A_817, %dot_general3A_818 {dimension_numbers = #tpu.dot_dimension_numbers<[1], [0], [0], [1], [0, 0, 1, 1], [], []>, transpose_lhs_hint = false} : vector<128x128xf32>, vector<128x8xf32>, vector<128x8xf32> -> vector<128x8xf32>
    %add3A_820 = vector.broadcast %add3A_812 : vector<1x8xf32> to vector<128x8xf32>
    %add3A_821 = arith.addf %add3A_820, %dot_general3A_819 : vector<128x8xf32>
    %sub3A_822 = arith.subf %add3A_821, %convert_element_type3A_817 : vector<128x8xf32>
    %add3A_823 = vector.broadcast %mul3A_93 : vector<1x8xf32> to vector<128x8xf32>
    %add3A_824 = arith.addf %add3A_823, %sub3A_822 : vector<128x8xf32>
    %mul3A_825 = arith.mulf %convert_element_type3A_817, %add3A_824 : vector<128x8xf32>
    %reduce_sum3A_826 = arith.constant dense<0.000000e+00> : vector<128xf32>
    %reduce_sum3A_827 = vector.multi_reduction <add>, %mul3A_825, %reduce_sum3A_826 [1] : vector<128x8xf32> to vector<128xf32>
    %broadcast_in_dim3A_828 = vector.shape_cast %reduce_sum3A_827 : vector<128xf32> to vector<128x1xf32>
    %convert_element_type3A_829 = arith.fptosi %broadcast_in_dim3A_828 : vector<128x1xf32> to vector<128x1xi32>
    %swap3A_830 = arith.constant 1920 : index
    %swap3A_831 = arith.constant 1 : index
    %swap3A_832 = vector.load %arg3[%swap3A_830, %swap3A_831] : memref<2048x2xi32, #tpu.memory_space<vmem>>, vector<128x1xi32>
    tpu.vector_store %arg3[%swap3A_830, %swap3A_831], %convert_element_type3A_829 {strides = array<i32>} : memref<2048x2xi32, #tpu.memory_space<vmem>>, vector<128x1xi32>,
    return
  }
}

module attributes {stable_mosaic.version = 14 : i64} {
  func.func @_ffn2_body(%arg0: i32, %arg1: memref<32xi32, #tpu.memory_space<smem>>, %arg2: memref<576x4096xbf16, #tpu.memory_space<vmem>>, %arg3: memref<1x4096x1024xf32, #tpu.memory_space<vmem>>, %arg4: memref<1x1x1024xf32, #tpu.memory_space<vmem>>, %arg5: memref<576x128xf32, #tpu.memory_space<vmem>>, %arg6: memref<576x1024xf32, #tpu.memory_space<vmem>>) attributes {dimension_semantics = [#tpu.dimension_semantics<arbitrary>], iteration_bounds = array<i64: 15>, scalar_prefetch = 1 : i64, scratch_operands = 0 : i64, tpu.core_type = #tpu.core_type<tc>, window_params = [{transform_indices = @transform_0, window_bounds = array<i64: 576, 4096>}, {transform_indices = @transform_1, window_bounds = array<i64: 1, 4096, 1024>}, {transform_indices = @transform_2, window_bounds = array<i64: 1, 1, 1024>}, {transform_indices = @transform_3, window_bounds = array<i64: 576, 128>}, {transform_indices = @transform_4, window_bounds = array<i64: 576, 1024>}]} {
    %get3A = arith.constant 31 : index
    %get3A_0 = memref.load %arg1[%get3A] : memref<32xi32, #tpu.memory_space<smem>>
    %lt3A = arith.cmpi slt, %arg0, %get3A_0 : i32
    %convert_element_type3A = arith.extui %lt3A : i1 to i32
    %cond3A = arith.constant 0 : i32
    %cond3A_1 = arith.cmpi ne, %convert_element_type3A, %cond3A : i32
    scf.if %cond3A_1 {
      %get3A_2 = arith.constant 0 : index
      %get3A_3 = arith.constant 0 : index
      %get3A_4 = vector.load %arg2[%get3A_2, %get3A_3] : memref<576x4096xbf16, #tpu.memory_space<vmem>>, vector<576x4096xbf16>
      %get3A_5 = arith.constant 0 : index
      %get3A_6 = arith.constant 0 : index
      %get3A_7 = arith.constant 0 : index
      %get3A_8 = vector.load %arg3[%get3A_5, %get3A_6, %get3A_7] : memref<1x4096x1024xf32, #tpu.memory_space<vmem>>, vector<1x4096x1024xf32>
      %get3A_9 = vector.shape_cast %get3A_8 : vector<1x4096x1024xf32> to vector<4096x1024xf32>
      %convert_element_type3A_10 = arith.truncf %get3A_9 : vector<4096x1024xf32> to vector<4096x1024xbf16>
      %dot_general3A = arith.constant dense<0.000000e+00> : vector<576x1024xf32>
      %dot_general3A_11 = tpu.matmul %get3A_4, %convert_element_type3A_10, %dot_general3A {dimension_numbers = #tpu.dot_dimension_numbers<[1], [0], [0], [1], [0, 0, 1, 1], [], []>, transpose_lhs_hint = false} : vector<576x4096xbf16>, vector<4096x1024xbf16>, vector<576x1024xf32> -> vector<576x1024xf32>
      %get3A_12 = arith.constant 0 : index
      %get3A_13 = arith.constant 0 : index
      %get3A_14 = arith.constant 0 : index
      %get3A_15 = vector.load %arg4[%get3A_12, %get3A_13, %get3A_14] : memref<1x1x1024xf32, #tpu.memory_space<vmem>>, vector<1x1x1024xf32>
      %get3A_16 = vector.shape_cast %get3A_15 : vector<1x1x1024xf32> to vector<1x1024xf32>
      %add3A = vector.broadcast %get3A_16 : vector<1x1024xf32> to vector<576x1024xf32>
      %add3A_17 = arith.addf %dot_general3A_11, %add3A : vector<576x1024xf32>
      %get3A_18 = arith.constant 0 : index
      %get3A_19 = arith.constant 0 : index
      %get3A_20 = vector.load %arg5[%get3A_18, %get3A_19] : memref<576x128xf32, #tpu.memory_space<vmem>>, vector<576x1xf32>
      %mul3A = vector.broadcast %get3A_20 : vector<576x1xf32> to vector<576x1024xf32>
      %mul3A_21 = arith.mulf %add3A_17, %mul3A : vector<576x1024xf32>
      %swap3A = arith.constant 0 : index
      %swap3A_22 = arith.constant 0 : index
      %swap3A_23 = vector.load %arg6[%swap3A, %swap3A_22] : memref<576x1024xf32, #tpu.memory_space<vmem>>, vector<576x1024xf32>
      tpu.vector_store %arg6[%swap3A, %swap3A_22], %mul3A_21 {strides = array<i32>} : memref<576x1024xf32, #tpu.memory_space<vmem>>, vector<576x1024xf32>,
    } else {
    }
    return
  }
  func.func @transform_0(%arg0: i32, %arg1: memref<32xi32, #tpu.memory_space<smem>>) -> (i32, i32) {
    %get3A = arith.constant 31 : index
    %get3A_0 = memref.load %arg1[%get3A] : memref<32xi32, #tpu.memory_space<smem>>
    %lt3A = arith.cmpi slt, %arg0, %get3A_0 : i32
    %jit3A = arith.constant 0 : i32
    %select_n3A = arith.select %lt3A, %arg0, %jit3A : i32
    %c0_i32 = arith.constant 0 : i32
    %c0_i32_1 = arith.constant 0 : i32
    return %select_n3A, %c0_i32 : i32, i32
  }
  func.func @transform_1(%arg0: i32, %arg1: memref<32xi32, #tpu.memory_space<smem>>) -> (i32, i32, i32) {
    %get3A = arith.index_cast %arg0 : i32 to index
    %get3A_0 = memref.load %arg1[%get3A] : memref<32xi32, #tpu.memory_space<smem>>
    %c0_i32 = arith.constant 0 : i32
    %c0_i32_1 = arith.constant 0 : i32
    %c0_i32_2 = arith.constant 0 : i32
    return %get3A_0, %c0_i32, %c0_i32_1 : i32, i32, i32
  }
  func.func @transform_2(%arg0: i32, %arg1: memref<32xi32, #tpu.memory_space<smem>>) -> (i32, i32, i32) {
    %get3A = arith.index_cast %arg0 : i32 to index
    %get3A_0 = memref.load %arg1[%get3A] : memref<32xi32, #tpu.memory_space<smem>>
    %c0_i32 = arith.constant 0 : i32
    %c0_i32_1 = arith.constant 0 : i32
    %c0_i32_2 = arith.constant 0 : i32
    return %get3A_0, %c0_i32, %c0_i32_1 : i32, i32, i32
  }
  func.func @transform_3(%arg0: i32, %arg1: memref<32xi32, #tpu.memory_space<smem>>) -> (i32, i32) {
    %get3A = arith.constant 31 : index
    %get3A_0 = memref.load %arg1[%get3A] : memref<32xi32, #tpu.memory_space<smem>>
    %lt3A = arith.cmpi slt, %arg0, %get3A_0 : i32
    %jit3A = arith.constant 0 : i32
    %select_n3A = arith.select %lt3A, %arg0, %jit3A : i32
    %c0_i32 = arith.constant 0 : i32
    %c0_i32_1 = arith.constant 0 : i32
    return %select_n3A, %c0_i32 : i32, i32
  }
  func.func @transform_4(%arg0: i32, %arg1: memref<32xi32, #tpu.memory_space<smem>>) -> (i32, i32) {
    %get3A = arith.constant 31 : index
    %get3A_0 = memref.load %arg1[%get3A] : memref<32xi32, #tpu.memory_space<smem>>
    %lt3A = arith.cmpi slt, %arg0, %get3A_0 : i32
    %jit3A = arith.constant 15 : i32
    %select_n3A = arith.select %lt3A, %arg0, %jit3A : i32
    %c0_i32 = arith.constant 0 : i32
    %c0_i32_1 = arith.constant 0 : i32
    return %select_n3A, %c0_i32 : i32, i32
  }
}

module attributes {stable_mosaic.version = 14 : i64} {
  func.func @_ffn1_body(%arg0: i32, %arg1: memref<32xi32, #tpu.memory_space<smem>>, %arg2: memref<576x1024xf32, #tpu.memory_space<vmem>>, %arg3: memref<1x1024x4096xf32, #tpu.memory_space<vmem>>, %arg4: memref<1x1x4096xf32, #tpu.memory_space<vmem>>, %arg5: memref<576x4096xbf16, #tpu.memory_space<vmem>>) attributes {dimension_semantics = [#tpu.dimension_semantics<arbitrary>], iteration_bounds = array<i64: 15>, scalar_prefetch = 1 : i64, scratch_operands = 0 : i64, tpu.core_type = #tpu.core_type<tc>, window_params = [{transform_indices = @transform_0, window_bounds = array<i64: 576, 1024>}, {transform_indices = @transform_1, window_bounds = array<i64: 1, 1024, 4096>}, {transform_indices = @transform_2, window_bounds = array<i64: 1, 1, 4096>}, {transform_indices = @transform_3, window_bounds = array<i64: 576, 4096>}]} {
    %get3A = arith.constant 31 : index
    %get3A_0 = memref.load %arg1[%get3A] : memref<32xi32, #tpu.memory_space<smem>>
    %lt3A = arith.cmpi slt, %arg0, %get3A_0 : i32
    %convert_element_type3A = arith.extui %lt3A : i1 to i32
    %cond3A = arith.constant 0 : i32
    %cond3A_1 = arith.cmpi ne, %convert_element_type3A, %cond3A : i32
    scf.if %cond3A_1 {
      %get3A_2 = arith.constant 0 : index
      %get3A_3 = arith.constant 0 : index
      %get3A_4 = vector.load %arg2[%get3A_2, %get3A_3] : memref<576x1024xf32, #tpu.memory_space<vmem>>, vector<576x1024xf32>
      %convert_element_type3A_5 = arith.truncf %get3A_4 : vector<576x1024xf32> to vector<576x1024xbf16>
      %get3A_6 = arith.constant 0 : index
      %get3A_7 = arith.constant 0 : index
      %get3A_8 = arith.constant 0 : index
      %get3A_9 = vector.load %arg3[%get3A_6, %get3A_7, %get3A_8] : memref<1x1024x4096xf32, #tpu.memory_space<vmem>>, vector<1x1024x4096xf32>
      %get3A_10 = vector.shape_cast %get3A_9 : vector<1x1024x4096xf32> to vector<1024x4096xf32>
      %convert_element_type3A_11 = arith.truncf %get3A_10 : vector<1024x4096xf32> to vector<1024x4096xbf16>
      %dot_general3A = arith.constant dense<0.000000e+00> : vector<576x4096xf32>
      %dot_general3A_12 = tpu.matmul %convert_element_type3A_5, %convert_element_type3A_11, %dot_general3A {dimension_numbers = #tpu.dot_dimension_numbers<[1], [0], [0], [1], [0, 0, 1, 1], [], []>, transpose_lhs_hint = false} : vector<576x1024xbf16>, vector<1024x4096xbf16>, vector<576x4096xf32> -> vector<576x4096xf32>
      %get3A_13 = arith.constant 0 : index
      %get3A_14 = arith.constant 0 : index
      %get3A_15 = arith.constant 0 : index
      %get3A_16 = vector.load %arg4[%get3A_13, %get3A_14, %get3A_15] : memref<1x1x4096xf32, #tpu.memory_space<vmem>>, vector<1x1x4096xf32>
      %get3A_17 = vector.shape_cast %get3A_16 : vector<1x1x4096xf32> to vector<1x4096xf32>
      %add3A = vector.broadcast %get3A_17 : vector<1x4096xf32> to vector<576x4096xf32>
      %add3A_18 = arith.addf %dot_general3A_12, %add3A : vector<576x4096xf32>
      %mul3A = arith.constant 5.000000e-01 : f32
      %mul3A_19 = vector.broadcast %mul3A : f32 to vector<576x4096xf32>
      %mul3A_20 = arith.mulf %mul3A_19, %add3A_18 : vector<576x4096xf32>
      %mul3A_21 = arith.constant 0.707106769 : f32
      %mul3A_22 = vector.broadcast %mul3A_21 : f32 to vector<576x4096xf32>
      %mul3A_23 = arith.mulf %add3A_18, %mul3A_22 : vector<576x4096xf32>
      %erf3A = math.erf %mul3A_23 : vector<576x4096xf32>
      %add3A_24 = arith.constant 1.000000e+00 : f32
      %add3A_25 = vector.broadcast %add3A_24 : f32 to vector<576x4096xf32>
      %add3A_26 = arith.addf %add3A_25, %erf3A : vector<576x4096xf32>
      %mul3A_27 = arith.mulf %mul3A_20, %add3A_26 : vector<576x4096xf32>
      %convert_element_type3A_28 = arith.truncf %mul3A_27 : vector<576x4096xf32> to vector<576x4096xbf16>
      %swap3A = arith.constant 0 : index
      %swap3A_29 = arith.constant 0 : index
      %swap3A_30 = vector.load %arg5[%swap3A, %swap3A_29] : memref<576x4096xbf16, #tpu.memory_space<vmem>>, vector<576x4096xbf16>
      tpu.vector_store %arg5[%swap3A, %swap3A_29], %convert_element_type3A_28 {strides = array<i32>} : memref<576x4096xbf16, #tpu.memory_space<vmem>>, vector<576x4096xbf16>,
    } else {
    }
    return
  }
  func.func @transform_0(%arg0: i32, %arg1: memref<32xi32, #tpu.memory_space<smem>>) -> (i32, i32) {
    %get3A = arith.constant 31 : index
    %get3A_0 = memref.load %arg1[%get3A] : memref<32xi32, #tpu.memory_space<smem>>
    %lt3A = arith.cmpi slt, %arg0, %get3A_0 : i32
    %jit3A = arith.constant 0 : i32
    %select_n3A = arith.select %lt3A, %arg0, %jit3A : i32
    %c0_i32 = arith.constant 0 : i32
    %c0_i32_1 = arith.constant 0 : i32
    return %select_n3A, %c0_i32 : i32, i32
  }
  func.func @transform_1(%arg0: i32, %arg1: memref<32xi32, #tpu.memory_space<smem>>) -> (i32, i32, i32) {
    %get3A = arith.index_cast %arg0 : i32 to index
    %get3A_0 = memref.load %arg1[%get3A] : memref<32xi32, #tpu.memory_space<smem>>
    %c0_i32 = arith.constant 0 : i32
    %c0_i32_1 = arith.constant 0 : i32
    %c0_i32_2 = arith.constant 0 : i32
    return %get3A_0, %c0_i32, %c0_i32_1 : i32, i32, i32
  }
  func.func @transform_2(%arg0: i32, %arg1: memref<32xi32, #tpu.memory_space<smem>>) -> (i32, i32, i32) {
    %get3A = arith.index_cast %arg0 : i32 to index
    %get3A_0 = memref.load %arg1[%get3A] : memref<32xi32, #tpu.memory_space<smem>>
    %c0_i32 = arith.constant 0 : i32
    %c0_i32_1 = arith.constant 0 : i32
    %c0_i32_2 = arith.constant 0 : i32
    return %get3A_0, %c0_i32, %c0_i32_1 : i32, i32, i32
  }
  func.func @transform_3(%arg0: i32, %arg1: memref<32xi32, #tpu.memory_space<smem>>) -> (i32, i32) {
    %get3A = arith.constant 31 : index
    %get3A_0 = memref.load %arg1[%get3A] : memref<32xi32, #tpu.memory_space<smem>>
    %lt3A = arith.cmpi slt, %arg0, %get3A_0 : i32
    %jit3A = arith.constant 15 : i32
    %select_n3A = arith.select %lt3A, %arg0, %jit3A : i32
    %c0_i32 = arith.constant 0 : i32
    %c0_i32_1 = arith.constant 0 : i32
    return %select_n3A, %c0_i32 : i32, i32
  }
}

</mosaic_0001>

<sc_bundles>
// kernel: kernel.10.cloned.1.call-start
scs
__scs_entry_jumppad:
0x0: {  	(pc) =	sbr.rel $0x88, $3  }
0x1: {  	(tag) =	ssettag $0x0;
	lr =	simm.s32 $0x1  }
0x2: {  	[smem:$0x3F9A] =	sst lr;
	_ =	strace $0xD0000000  }
0x3: {  	_ = 	snop  }
0x4: {  	_ = 	snop  }
0x5: {  	_ = 	snop  }
0x6: {  	_ = 	snop  }
0x7: {  	_ = 	snop  }
__scs_overlays_trampoline_lowered:
0x8: {  	[smem:$0x3FA9] =	sst s0  }
0x9: {  	[smem:$0x3FAA] =	sst s1  }
0xa: {  	[smem:$0x3FAB] =	sst s2  }
0xb: {  	[smem:$0x3FAC] =	sst s3  }
0xc: {  	[smem:$0x3FAD] =	sst s4  }
0xd: {  	[smem:$0x3FAE] =	sst s5  }
0xe: {  	[smem:$0x3FAF] =	sst s6  }
0xf: {  	[smem:$0x3FB0] =	sst s7  }
0x10: {  	[smem:$0x3FB1] =	sst s8  }
0x11: {  	[smem:$0x3FB2] =	sst s9;
	s0 =	simm.s32 @!p0 $0x0  }
0x12: {  	s1 =	sld [smem:$0x3F98];
	s0 =	simm.s32 @p0 $0x1  }
0x13: {  	[smem:$0x3FB3] =	sst s0;
	s0 =	simm.s32 @!p1 $0x0  }
0x14: {  	s2 =	sld [smem:$0x3F97];
	s0 =	simm.s32 @p1 $0x1  }
0x15: {  	[smem:$0x3FB4] =	sst s0;
	s0 =	simm.s32 @!p2 $0x0  }
0x16: {  	s3 =	sld [smem:$0x3FDB];
	s0 =	simm.s32 @p2 $0x1  }
0x17: {  	s4 =	simm.s32 $0x1BF5;
	[smem:$0x3FB6] =	sst s0  }
0x18: {  	s0 =	sld [smem:$0x3F99];
	_ =	swait.ge [sflag:s4], $0x0  }
0x19: {  	s7 =	sld [smem:$0x3F9A]  }
0x1a: {  	s8 =	sadd.s32 $0xFFFFE003, lr  }
0x1b: {  	s9 =	sadd.s32 $0xFFFFFEF7, lr;
	s5 =	simm.s32 $0xFFFFFFFF;
	p2 =	slt.u32 s8, $0xFFFFF086  }
0x1c: {  	p1 =	slt.u32 s9, $0xF7A;
	s5 =	simm.s32 @!p2 $0x0  }
0x1d: {  	s5 =	simm.s32 @p1 $0x1;
	p0 =	seq.s32 s7, s2  }
0x1e: {  	s7 =	smul.u32 @!p0 $0xF7A, s2;
	p2 =	seq.s32 @!p0 s5, $0x0  }
0x1f: {  	s9 =	smul.u32 $0xF7A, s1;
	s8 =	simm.s32 @!p0 $0x1BF5;
	p2 =	por !p2, p0  }
0x20: {  	[sflag:s8] =	ssyncset.s32 @!p0 $0xFFFFF086;
	s6 =	sadd.s32 @!p0 s3, s7;
	s7 =	simm.s32 @!p0 $0x108  }
0x21: {  	s3 =	sadd.s32 s3, s9;
	s6 =	sadd.s32 @!p0 $0x88, s6;
	s7 =	simm.s32 @p2 $0x1082  }
0x22: {  	[simem:s7], [sflag:s8] =	dma.local @!p0 [hbm:s6], $0xF7A  }
0x23: {  	s9 =	sor.u32 $0xD0000000, s2;
	s6 =	simm.s32 $0x108;
	_ =	swait.ge @!p0 [sflag:s8], $0x0  }
0x24: {  	s3 =	sadd.s32 $0x88, s3;
	s6 =	simm.s32 @!p1 $0x1082;
	[sflag:s4] =	ssyncset.s32 $0xFFFFF086  }
0x25: {  	[simem:s6], [sflag:s4] =	dma.local [hbm:s3], $0xF7A  }
0x26: {  	[smem:$0x3F9A] =	sst s1;
	(tag) =	ssettag s2;
	_ =	strace s9  }
0x27: {  	s1 =	sld [smem:$0x3FAA]  }
0x28: {  	s2 =	sld [smem:$0x3FAB]  }
0x29: {  	s4 =	sld [smem:$0x3FAD]  }
0x2a: {  	p0 =	seq.s32 s5, $0x0;
	s5 =	sld [smem:$0x3FAE]  }
0x2b: {  	s6 =	sld [smem:$0x3FAF]  }
0x2c: {  	s7 =	sld [smem:$0x3FB0]  }
0x2d: {  	s3 =	simm.s32 $0x108;
	s8 =	sld [smem:$0x3FB1]  }
0x2e: {  	s3 =	simm.s32 @!p0 $0x1082;
	s9 =	sld [smem:$0x3FB2]  }
0x2f: {  	lr =	sadd.s32 s0, s3;
	s0 =	sld [smem:$0x3FA9]  }
0x30: {  	s3 =	sld [smem:$0x3FAC]  }
0x31: {  	[smem:$0x3FB5] =	sst s10  }
0x32: {  	s10 =	sld [smem:$0x3FB3];
	_ =	sdelay $0x3  }
0x33: {  	p0 =	seq.s32 s10, $0x1;
	s10 =	sld [smem:$0x3FB5];
	_ =	sdelay $0x3  }
0x34: {  	[smem:$0x3FB5] =	sst s10  }
0x35: {  	s10 =	sld [smem:$0x3FB4];
	_ =	sdelay $0x3  }
0x36: {  	p1 =	seq.s32 s10, $0x1;
	s10 =	sld [smem:$0x3FB5];
	_ =	sdelay $0x3  }
0x37: {  	[smem:$0x3FB5] =	sst s10  }
0x38: {  	s10 =	sld [smem:$0x3FB6]  }
0x39: {  	_ = 	snop;
	(pc) =	sbr.ind lr, $3  }
0x3a: {  	_ = 	snop  }
0x3b: {  	_ = 	snop  }
0x3c: {  	p2 =	seq.s32 s10, $0x1;
	s10 =	sld [smem:$0x3FB5]  }
0x3d: {  	_ =	shalt  }
0x3e: {  	_ =	shalt  }
0x3f: {  	_ =	shalt  }
0x40: {  	_ =	shalt  }
0x41: {  	_ =	shalt  }
0x42: {  	_ =	shalt  }
0x43: {  	_ =	shalt  }
0x44: {  	_ =	shalt  }
0x45: {  	_ =	shalt  }
0x46: {  	_ =	shalt  }
0x47: {  	_ =	shalt  }
0x48: {  	_ =	shalt  }
0x49: {  	_ =	shalt  }
0x4a: {  	_ =	shalt  }
0x4b: {  	_ =	shalt  }
0x4c: {  	_ =	shalt  }
0x4d: {  	_ =	shalt  }
0x4e: {  	_ =	shalt  }
0x4f: {  	_ =	shalt  }
0x50: {  	_ =	shalt  }
0x51: {  	_ =	shalt  }
0x52: {  	_ =	shalt  }
0x53: {  	_ =	shalt  }
0x54: {  	_ =	shalt  }
0x55: {  	_ =	shalt  }
0x56: {  	_ =	shalt  }
0x57: {  	_ =	shalt  }
0x58: {  	_ =	shalt  }
0x59: {  	_ =	shalt  }
0x5a: {  	_ =	shalt  }
0x5b: {  	_ =	shalt  }
0x5c: {  	_ =	shalt  }
0x5d: {  	_ =	shalt  }
0x5e: {  	_ =	shalt  }
0x5f: {  	_ =	shalt  }
0x60: {  	_ =	shalt  }
0x61: {  	_ =	shalt  }
0x62: {  	_ =	shalt  }
0x63: {  	_ =	shalt  }
0x64: {  	_ =	shalt  }
0x65: {  	_ =	shalt  }
0x66: {  	_ =	shalt  }
0x67: {  	_ =	shalt  }
0x68: {  	_ =	shalt  }
0x69: {  	_ =	shalt  }
0x6a: {  	_ =	shalt  }
0x6b: {  	_ =	shalt  }
0x6c: {  	_ =	shalt  }
0x6d: {  	_ =	shalt  }
0x6e: {  	_ =	shalt  }
0x6f: {  	_ =	shalt  }
0x70: {  	_ =	shalt  }
0x71: {  	_ =	shalt  }
0x72: {  	_ =	shalt  }
0x73: {  	_ =	shalt  }
0x74: {  	_ =	shalt  }
0x75: {  	_ =	shalt  }
0x76: {  	_ =	shalt  }
0x77: {  	_ =	shalt  }
0x78: {  	_ =	shalt  }
0x79: {  	_ =	shalt  }
0x7a: {  	_ =	shalt  }
0x7b: {  	_ =	shalt  }
0x7c: {  	_ =	shalt  }
0x7d: {  	_ =	shalt  }
0x7e: {  	_ =	shalt  }
0x7f: {  	_ =	shalt  }
0x80: {  	_ =	shalt  }
0x81: {  	_ =	shalt  }
0x82: {  	_ =	shalt  }
0x83: {  	_ =	shalt  }
0x84: {  	_ =	shalt  }
0x85: {  	_ =	shalt  }
0x86: {  	_ =	shalt  }
0x87: {  	_ =	shalt  }
.Lfunc_end0:
.L_simem_size_0:
called_computation.1_lowered:
.L_overlay_start_0:
0x88: {  	s2 =	sld [smem:$0x3FD9]  }
0x89: {  	s3 =	sld [smem:$0x3FFE];
	_ =	sdelay $0x1  }
0x8a: {  	s1 =	srdreg.scid  }
0x8b: {  	s0 =	sand.u32 $0x1, s1  }
0x8c: {  	s14 =	sshll.u32 s0, $0xA;
	s2 =	sadd.s32 s3, s2  }
0x8d: {  	s2 =	sadd.s32 s2, s14  }
0x8e: {  	[smem:$0x3FC1] =	sst s2  }
0x8f: {  	_ = 	snop  }
0x90: {  	s2 =	sld [smem:$0x3FD0];
	_ =	sdelay $0x2  }
0x91: {  	s15 =	simm.s32 $0xA;
	s4 =	simm.s32 $0x10  }
0x92: {  	[smem:s4], [sflag:s15] =	dma.local [hbm:s2], $0x1  }
0x93: {  	_ =	swait.eq [sflag:s15], $0x1  }
0x94: {  	[sflag:s15] =	ssyncset.done $0x0  }
0x95: {  	[sflag:s15] =	ssyncadd.s32 $0xFFFFFFFF  }
0x96: {  	s16 =	sld [smem:$0x10];
	(tm) =	ssettm $0x1  }
0x97: {  	s17 =	sld [smem:$0x3FFB];
	_ =	sdelay $0x3  }
0x98: {  	_ =	strace s17  }
0x99: {  	s3 =	sld [smem:$0x3FFC];
	_ =	sdelay $0x3  }
0x9a: {  	_ =	strace s3  }
0x9b: {  	s3 =	sld [smem:$0x3FFD];
	_ =	sdelay $0x3  }
0x9c: {  	_ =	strace s3  }
0x9d: {  	_ =	strace $0x8FFFFFFF  }
0x9e: {  	s18 =	sld [smem:$0x3FDB];
	_ =	sdelay $0x1  }
0x9f: {  	s19 =	simm.s32 $_scs_section_size  }
0xa0: {  	s5 =	simm.s32 $_size__tile_overlayer_lowered;
	s6 =	simm.s32 $_tile_overlayer_lowered  }
0xa1: {  	s22 =	simm.s32 $0x1BFF;
	s21 =	sshll.u32 s6, $0x1;
	s3 =	sadd.s32 s19, s18  }
0xa2: {  	s7 =	simm.s32 $0x0;
	s20 =	sshll.u32 s5, $0x1;
	s5 =	sadd.s32 s21, s3  }
0xa3: {  	[timem:s7], [sflag:s22] =	dma.local [hbm:s5], s20  }
0xa4: {  	_ =	swait.ge [sflag:s22], s20  }
0xa5: {  	s4 =	ssub.s32 $0x0, s20;
	[sflag:s22] =	ssyncset.done $0x0  }
0xa6: {  	[sflag:s22] =	ssyncadd.s32 s4;
	_ =	sdelay $0x1  }
0xa7: {  	s23 =	simm.s32 $0x1B8B  }
0xa8: {  	_ =	swait.ge [sflag:s23], $0x1  }
0xa9: {  	[sflag:s23] =	ssyncset.done $0x0  }
0xaa: {  	s25 =	simm.s32 $0x1B8E;
	s24 =	sld [smem:$0x3FFE];
	[sflag:s23] =	ssyncadd.s32 $0xFFFFFFFF  }
0xab: {  	s26 =	simm.s32 $execute0_lowered;
	[smem:$0x3FD2] =	sst s25  }
0xac: {  	s5 =	sshll.u32 s26, $0x1;
	_ =	strace $0x80000049;
	[dreg:$0x1] =	wrdreg $0xFFFFFFFF  }
0xad: {  	s28 =	simm.s32 $_size_execute0_lowered;
	s3 =	sadd.s32 s3, s5;
	[dreg:$0x0] =	wrdreg $0x0  }
0xae: {  	s5 =	sshll.u32 s28, $0x1;
	[dreg:$0x2] =	wrdreg s3  }
0xaf: {  	[dreg:$0x3] =	wrdreg s5  }
0xb0: {  	[dreg:$0x4] =	wrdreg $0xC0  }
0xb1: {  	_ =	task [dreg:s7], $0x5FFFF  }
0xb2: {  	[dreg:$0x1] =	wrdreg $0xFFFFFFFF  }
0xb3: {  	[dreg:$0x0] =	wrdreg $0x60  }
0xb4: {  	[dreg:$0x2] =	wrdreg s24  }
0xb5: {  	[dreg:$0x3] =	wrdreg s16  }
0xb6: {  	[dreg:$0x4] =	wrdreg $0x9  }
0xb7: {  	_ =	task.clear_ibuf [dreg:s7], $0x5FFFF;
	_ =	strace $0x90000049  }
0xb8: {  	s29 =	simm.s32 $0x9;
	_ =	strace $0x8000004B  }
0xb9: {  	_ =	swait.ge [sflag:s29], $0x1  }
0xba: {  	[sflag:s29] =	ssyncadd.s32 $0xFFFFFFFF  }
0xbb: {  	_ =	strace $0x9000004B  }
0xbc: {  	_ =	sfence  }
0xbd: {  	s30 =	sld [smem:$0x0];
	_ =	sdelay $0x2  }
0xbe: {  	s31 =	sshll.u32 s1, $0xD;
	s1 =	sshrl.u32 s1, $0x2  }
0xbf: {  	s3 =	sand.u32 $0x4000, s31;
	s1 =	sadd.s32 s1, s30  }
0xc0: {  	s0 =	sor.u32 s3, s0;
	s1 =	sshll.u32 s1, $0x11  }
0xc1: {  	s0 =	sor.u32 s1, s0  }
0xc2: {  	s0 =	sadd.s32 $0x8F2B, s0  }
0xc3: {  	[sflag:s0] =	ssyncadd.remote.s32 $0x1  }
0xc4: {  	_ =	sfence.sel $0xFFFF  }
0xc5: {  	[dreg:$0x0] =	wrdreg $0xFFFFFFFF;
	(pc) =	sbr.abs _section_cstart, $3  }
0xc6: {  	[dreg:$0x1] =	wrdreg $0xFFFFFFFF  }
0xc7: {  	_ =	task.clear_ibuf [dreg:s7], $0x2FFFF;
	_ =	strace $0x9FFFFFFF  }
0xc8: {  	(tm) =	ssettm $0x7FFFFFFF  }
0xc9: {  	_ =	shalt  }
tec
execute0_lowered:
.L_overlay_start_1:
0x0: {  	(tag) =	ssettag $0x1  }
0x1: {  	s0 =	rddreg [dreg:$0x0]  }
0x2: {  	s1 =	rddreg [dreg:$0x1];
	s3 =	srdreg.scid;
	s2 =	simm.s32 $0x0  }
0x3: {  	s4 =	stileid.u32;
	s15 =	simm.s32 $0x3;
	s14 =	simm.s32 $0x9000  }
0x4: {  	s16 =	simm.s32 $0x9800;
	s17 =	simm.s32 $0xA000;
	s18 =	simm.s32 $0xA800  }
0x5: {  	s19 =	simm.s32 $0xB000;
	s20 =	simm.s32 $0xC000;
	s21 =	simm.s32 $0xC800  }
0x6: {  	s22 =	simm.s32 $0xD800;
	s23 =	simm.s32 $0xE800;
	s24 =	simm.s32 $0xF000  }
0x7: {  	s12 =	simm.s32 $0xF800;
	s13 =	simm.s32 $0x2;
	s3 =	sand.u32 $0x1, s3  }
0x8: {  	[smem:$0x7FF] =	sst s2;
	s4 =	sshll.u32 s4, $0x7;
	s9 =	sadd.s32 $0x1A00, s0  }
0x9: {  	s8 =	sadd.s32 $0x361300, s0;
	s5 =	sshll.u32 s3, $0x6;
	s6 =	ssub.s32 $0x2, s3  }
0xa: {  	_ =	strace $0x8000004A;
	s5 =	sor.u32 s5, s4;
	s7 =	sshrl.u32 s6, $0x1  }
0xb: {  	s3 =	sadd.s32 $0x361000, s0;
	s4 =	sshrl.u32 s5, $0x3;
	s10 =	ssub.s32 s6, s7  }
0xc: {  	s6 =	sadd.s32 $0x361100, s0;
	s7 =	sadd.s32 $0x361200, s0;
	s11 =	sshll.u32 s5, $0x7  }
0xd: {  	s5 =	sor.u32 $0x20, s5;
	s4 =	sadd.s32 s9, s4;
	s26 =	sadd.s32 s1, s11  }
0xe: {  	s28 =	sshrl.u32 s5, $0x3;
	s31 =	smax.u32 s10, $0x1;
	[dreg:$0x4] =	wrdreg s26  }
0xf: {  	s30 =	sshll.u32 s5, $0x7;
	s25 =	sadd.s32 $0x100, s4;
	[dreg:$0x8] =	wrdreg s31  }
0x10: {  	s10 =	simm.s32 $0xD000;
	s0 =	sadd.s32 s9, s28;
	[dreg:$0x3] =	wrdreg s25  }
0x11: {  	v2 =	vlaneseq.u32;
	s11 =	simm.s32 $0xE000;
	s29 =	sadd.s32 $0x104, s4;
	[dreg:$0x5] =	wrdreg s0  }
0x12: {  	vm0 =	vmmov $0xffff;
	v1 =	vshrl.u32 v2, $0x3;
	s9 =	simm.s32 $0xB800;
	[dreg:$0x6] =	wrdreg s29;
	s0 =	sadd.s32 s1, s30  }
0x13: {  	v0 =	vand.u32 $0x7, v2;
	v2 =	vor.u32 $0x8, v2;
	v1 =	vmul.u32 $0x8, v1;
	s26 =	simm.s32 $0x0;
	s25 =	simm.s32 $0x1;
	[dreg:$0x7] =	wrdreg s0  }
.LBB2_1:
0x14: {  	s0 =	simm.s32 $0x10000  }
0x15: {  	[tilespmem:s0], [sflag:$0x3] =	stream.linear.gather [hbm4b:s4+s2], $0x20, $0x38;
	[tilespmem:$0x10100] =	vst v63  }
0x16: {  	_ =	swait.ge [sflag:s15], $0x20  }
0x17: {  	[sflag:s15] =	ssyncset.done $0x0  }
0x18: {  	s1 =	simm.s32 $0x10080;
	s5 =	rddreg [dreg:$0x3];
	[sflag:s15] =	ssyncadd.s32 $0xFFFFFFE0  }
0x19: {  	[tilespmem:s1], [sflag:$0x3] =	stream.linear.gather [hbm4b:s5+s2], $0x20, $0x38;
	[tilespmem:$0x10100] =	vst v63  }
0x1a: {  	_ =	swait.ge [sflag:s15], $0x20  }
0x1b: {  	[sflag:s15] =	ssyncset.done $0x0  }
0x1c: {  	[sflag:s15] =	ssyncadd.s32 $0xFFFFFFE0  }
0x1d: {  	v3 =	vld [tilespmem:$0x10000];
	_ =	sdelay $0x4  }
0x1e: {  	v4 =	vshll.u32 v3, $0x3  }
0x1f: {  	v3 =	vand.u32 $0x7, v3;
	v4 =	vand.u32 $0xFFFFFFC0, v4  }
0x20: {  	v3 =	vor.u32 v3, v4  }
0x21: {  	v4 =	vperm.xlane v3, v0;
	_ =	sdelay $0x1  }
0x22: {  	v4 =	vadd.s32 v1, v4;
	_ =	sdelay $0x4  }
0x23: {  	[tilespmem:s2], [sflag:$0x1] =	stream.indirect_vreg.gather [hbm4b:s3+s2], $0x80, v4, vm0, $0xb8;
	[tilespmem:$0x10100] =	vst v63  }
0x24: {  	s5 =	simm.s32 $0x800;
	v3 =	vperm.xlane v3, v2  }
0x25: {  	[tilespmem:s5], [sflag:$0x1] =	stream.indirect_vreg.gather [hbm4b:s6+s2], $0x80, v4, vm0, $0xb8;
	[tilespmem:$0x10100] =	vst v63  }
0x26: {  	s1 =	simm.s32 $0x1000;
	v3 =	vadd.s32 v1, v3  }
0x27: {  	[tilespmem:s1], [sflag:$0x1] =	stream.indirect_vreg.gather [hbm4b:s7+s2], $0x80, v4, vm0, $0xb8;
	[tilespmem:$0x10100] =	vst v63  }
0x28: {  	s5 =	simm.s32 $0x1800  }
0x29: {  	[tilespmem:s5], [sflag:$0x1] =	stream.indirect_vreg.gather [hbm4b:s8+s2], $0x80, v4, vm0, $0xb8;
	[tilespmem:$0x10100] =	vst v63  }
0x2a: {  	s1 =	simm.s32 $0x2000  }
0x2b: {  	[tilespmem:s1], [sflag:$0x1] =	stream.indirect_vreg.gather [hbm4b:s3+s2], $0x80, v3, vm0, $0xb8;
	[tilespmem:$0x10100] =	vst v63  }
0x2c: {  	s5 =	simm.s32 $0x2800  }
0x2d: {  	[tilespmem:s5], [sflag:$0x1] =	stream.indirect_vreg.gather [hbm4b:s6+s2], $0x80, v3, vm0, $0xb8;
	[tilespmem:$0x10100] =	vst v63  }
0x2e: {  	s1 =	simm.s32 $0x3000  }
0x2f: {  	[tilespmem:s1], [sflag:$0x1] =	stream.indirect_vreg.gather [hbm4b:s7+s2], $0x80, v3, vm0, $0xb8;
	[tilespmem:$0x10100] =	vst v63  }
0x30: {  	s5 =	simm.s32 $0x3800  }
0x31: {  	[tilespmem:s5], [sflag:$0x1] =	stream.indirect_vreg.gather [hbm4b:s8+s2], $0x80, v3, vm0, $0xb8;
	[tilespmem:$0x10100] =	vst v63  }
0x32: {  	v3 =	vld [tilespmem:$0x10010];
	_ =	sdelay $0x4  }
0x33: {  	v61 =	vshll.u32 v3, $0x3  }
0x34: {  	v3 =	vand.u32 $0x7, v3;
	v4 =	vand.u32 $0xFFFFFFC0, v61  }
0x35: {  	v3 =	vor.u32 v3, v4  }
0x36: {  	v4 =	vperm.xlane v3, v0;
	_ =	sdelay $0x1  }
0x37: {  	v4 =	vadd.s32 v1, v4;
	_ =	sdelay $0x3  }
0x38: {  	s1 =	simm.s32 $0x4000  }
0x39: {  	[tilespmem:s1], [sflag:$0x1] =	stream.indirect_vreg.gather [hbm4b:s3+s2], $0x80, v4, vm0, $0xb8;
	[tilespmem:$0x10100] =	vst v63  }
0x3a: {  	s5 =	simm.s32 $0x4800;
	v3 =	vperm.xlane v3, v2  }
0x3b: {  	[tilespmem:s5], [sflag:$0x1] =	stream.indirect_vreg.gather [hbm4b:s6+s2], $0x80, v4, vm0, $0xb8;
	[tilespmem:$0x10100] =	vst v63  }
0x3c: {  	v3 =	vadd.s32 v1, v3;
	s1 =	simm.s32 $0x5000  }
0x3d: {  	[tilespmem:s1], [sflag:$0x1] =	stream.indirect_vreg.gather [hbm4b:s7+s2], $0x80, v4, vm0, $0xb8;
	[tilespmem:$0x10100] =	vst v63  }
0x3e: {  	s5 =	simm.s32 $0x5800  }
0x3f: {  	[tilespmem:s5], [sflag:$0x1] =	stream.indirect_vreg.gather [hbm4b:s8+s2], $0x80, v4, vm0, $0xb8;
	[tilespmem:$0x10100] =	vst v63  }
0x40: {  	s1 =	simm.s32 $0x6000  }
0x41: {  	[tilespmem:s1], [sflag:$0x1] =	stream.indirect_vreg.gather [hbm4b:s3+s2], $0x80, v3, vm0, $0xb8;
	[tilespmem:$0x10100] =	vst v63  }
0x42: {  	s5 =	simm.s32 $0x6800  }
0x43: {  	[tilespmem:s5], [sflag:$0x1] =	stream.indirect_vreg.gather [hbm4b:s6+s2], $0x80, v3, vm0, $0xb8;
	[tilespmem:$0x10100] =	vst v63  }
0x44: {  	s1 =	simm.s32 $0x7000  }
0x45: {  	[tilespmem:s1], [sflag:$0x1] =	stream.indirect_vreg.gather [hbm4b:s7+s2], $0x80, v3, vm0, $0xb8;
	[tilespmem:$0x10100] =	vst v63  }
0x46: {  	s5 =	simm.s32 $0x7800  }
0x47: {  	[tilespmem:s5], [sflag:$0x1] =	stream.indirect_vreg.gather [hbm4b:s8+s2], $0x80, v3, vm0, $0xb8;
	[tilespmem:$0x10100] =	vst v63  }
0x48: {  	v3 =	vld [tilespmem:$0x10080];
	_ =	sdelay $0x4  }
0x49: {  	v62 =	vshll.u32 v3, $0x3  }
0x4a: {  	v3 =	vand.u32 $0x7, v3;
	v4 =	vand.u32 $0xFFFFFFC0, v62  }
0x4b: {  	v3 =	vor.u32 v3, v4  }
0x4c: {  	v4 =	vperm.xlane v3, v0;
	_ =	sdelay $0x1  }
0x4d: {  	v4 =	vadd.s32 v1, v4;
	_ =	sdelay $0x3  }
0x4e: {  	s1 =	simm.s32 $0x8000  }
0x4f: {  	[tilespmem:s1], [sflag:$0x2] =	stream.indirect_vreg.gather [hbm4b:s3+s2], $0x80, v4, vm0, $0xb8;
	[tilespmem:$0x10100] =	vst v63  }
0x50: {  	s5 =	simm.s32 $0x8800;
	v3 =	vperm.xlane v3, v2  }
0x51: {  	[tilespmem:s5], [sflag:$0x2] =	stream.indirect_vreg.gather [hbm4b:s6+s2], $0x80, v4, vm0, $0xb8;
	[tilespmem:$0x10100] =	vst v63  }
0x52: {  	v3 =	vadd.s32 v1, v3  }
0x53: {  	[tilespmem:s14], [sflag:$0x2] =	stream.indirect_vreg.gather [hbm4b:s7+s2], $0x80, v4, vm0, $0xb8;
	[tilespmem:$0x10100] =	vst v63  }
0x54: {  	_ = 	snop  }
0x55: {  	[tilespmem:s16], [sflag:$0x2] =	stream.indirect_vreg.gather [hbm4b:s8+s2], $0x80, v4, vm0, $0xb8;
	[tilespmem:$0x10100] =	vst v63  }
0x56: {  	_ = 	snop  }
0x57: {  	[tilespmem:s17], [sflag:$0x2] =	stream.indirect_vreg.gather [hbm4b:s3+s2], $0x80, v3, vm0, $0xb8;
	[tilespmem:$0x10100] =	vst v63  }
0x58: {  	_ = 	snop  }
0x59: {  	[tilespmem:s18], [sflag:$0x2] =	stream.indirect_vreg.gather [hbm4b:s6+s2], $0x80, v3, vm0, $0xb8;
	[tilespmem:$0x10100] =	vst v63  }
0x5a: {  	_ = 	snop  }
0x5b: {  	[tilespmem:s19], [sflag:$0x2] =	stream.indirect_vreg.gather [hbm4b:s7+s2], $0x80, v3, vm0, $0xb8;
	[tilespmem:$0x10100] =	vst v63  }
0x5c: {  	_ = 	snop  }
0x5d: {  	[tilespmem:s9], [sflag:$0x2] =	stream.indirect_vreg.gather [hbm4b:s8+s2], $0x80, v3, vm0, $0xb8;
	[tilespmem:$0x10100] =	vst v63  }
0x5e: {  	v3 =	vld [tilespmem:$0x10090];
	_ =	sdelay $0x4  }
0x5f: {  	v63 =	vshll.u32 v3, $0x3  }
0x60: {  	v3 =	vand.u32 $0x7, v3;
	v4 =	vand.u32 $0xFFFFFFC0, v63  }
0x61: {  	v3 =	vor.u32 v3, v4  }
0x62: {  	v4 =	vperm.xlane v3, v0;
	_ =	sdelay $0x1  }
0x63: {  	v4 =	vadd.s32 v1, v4;
	_ =	sdelay $0x4  }
0x64: {  	[tilespmem:s20], [sflag:$0x2] =	stream.indirect_vreg.gather [hbm4b:s3+s2], $0x80, v4, vm0, $0xb8;
	[tilespmem:$0x10100] =	vst v63  }
0x65: {  	v3 =	vperm.xlane v3, v2  }
0x66: {  	[tilespmem:s21], [sflag:$0x2] =	stream.indirect_vreg.gather [hbm4b:s6+s2], $0x80, v4, vm0, $0xb8;
	[tilespmem:$0x10100] =	vst v63  }
0x67: {  	v3 =	vadd.s32 v1, v3  }
0x68: {  	[tilespmem:s10], [sflag:$0x2] =	stream.indirect_vreg.gather [hbm4b:s7+s2], $0x80, v4, vm0, $0xb8;
	[tilespmem:$0x10100] =	vst v63  }
0x69: {  	_ = 	snop  }
0x6a: {  	[tilespmem:s22], [sflag:$0x2] =	stream.indirect_vreg.gather [hbm4b:s8+s2], $0x80, v4, vm0, $0xb8;
	[tilespmem:$0x10100] =	vst v63  }
0x6b: {  	_ = 	snop  }
0x6c: {  	[tilespmem:s11], [sflag:$0x2] =	stream.indirect_vreg.gather [hbm4b:s3+s2], $0x80, v3, vm0, $0xb8;
	[tilespmem:$0x10100] =	vst v63  }
0x6d: {  	_ = 	snop  }
0x6e: {  	[tilespmem:s23], [sflag:$0x2] =	stream.indirect_vreg.gather [hbm4b:s6+s2], $0x80, v3, vm0, $0xb8;
	[tilespmem:$0x10100] =	vst v63  }
0x6f: {  	_ = 	snop  }
0x70: {  	[tilespmem:s24], [sflag:$0x2] =	stream.indirect_vreg.gather [hbm4b:s7+s2], $0x80, v3, vm0, $0xb8;
	[tilespmem:$0x10100] =	vst v63  }
0x71: {  	_ = 	snop  }
0x72: {  	[tilespmem:s12], [sflag:$0x2] =	stream.indirect_vreg.gather [hbm4b:s8+s2], $0x80, v3, vm0, $0xb8;
	[tilespmem:$0x10100] =	vst v63  }
0x73: {  	_ =	swait.ge [sflag:s25], $0x8000  }
0x74: {  	[sflag:s25] =	ssyncset.done $0x0  }
0x75: {  	[sflag:s25] =	ssyncadd.s32 $0xFFFF8000  }
0x76: {  	_ =	swait.ge [sflag:s13], $0x8000  }
0x77: {  	s28 =	simm.s32 $0xFFFF8000;
	s29 =	simm.s32 $0x0;
	[sflag:s13] =	ssyncset.done $0x0  }
0x78: {  	s30 =	simm.s32 $0x0;
	s31 =	simm.s32 $0x0;
	[sflag:s13] =	ssyncadd.s32 $0xFFFF8000  }
.LBB2_2:
0x79: {  	s0 =	sadd.s32 $0x8000, s28  }
0x7a: {  	s1 =	sand.u32 $0x380, s31;
	s0 =	sand.u32 $0x6000, s0  }
0x7b: {  	s0 =	sor.u32 s1, s0  }
0x7c: {  	v3 =	vld [tilespmem:s0+$0x0]  }
0x7d: {  	v4 =	vld [tilespmem:s0+$0x8000]  }
0x7e: {  	v5 =	vld [tilespmem:s0+$0x10]  }
0x7f: {  	v6 =	vld [tilespmem:s0+$0x8010]  }
0x80: {  	v7 =	vld [tilespmem:s0+$0x20]  }
0x81: {  	v8 =	vld [tilespmem:s0+$0x8020]  }
0x82: {  	v9 =	vld [tilespmem:s0+$0x30]  }
0x83: {  	v10 =	vld [tilespmem:s0+$0x8030]  }
0x84: {  	v11 =	vld [tilespmem:s0+$0x40]  }
0x85: {  	v12 =	vld [tilespmem:s0+$0x8040]  }
0x86: {  	v13 =	vld [tilespmem:s0+$0x50]  }
0x87: {  	v14 =	vld [tilespmem:s0+$0x8050]  }
0x88: {  	v15 =	vld [tilespmem:s0+$0x60]  }
0x89: {  	v16 =	vld [tilespmem:s0+$0x8060]  }
0x8a: {  	v17 =	vld [tilespmem:s0+$0x70]  }
0x8b: {  	v18 =	vld [tilespmem:s0+$0x8070]  }
0x8c: {  	v19 =	vld [tilespmem:s0+$0x400]  }
0x8d: {  	v20 =	vld [tilespmem:s0+$0x8400]  }
0x8e: {  	v21 =	vld [tilespmem:s0+$0x410]  }
0x8f: {  	v22 =	vld [tilespmem:s0+$0x8410]  }
0x90: {  	v23 =	vld [tilespmem:s0+$0x420]  }
0x91: {  	v24 =	vld [tilespmem:s0+$0x8420]  }
0x92: {  	v25 =	vld [tilespmem:s0+$0x430]  }
0x93: {  	v26 =	vld [tilespmem:s0+$0x8430]  }
0x94: {  	v27 =	vld [tilespmem:s0+$0x440]  }
0x95: {  	v28 =	vld [tilespmem:s0+$0x8440]  }
0x96: {  	v29 =	vld [tilespmem:s0+$0x450]  }
0x97: {  	v30 =	vld [tilespmem:s0+$0x8450]  }
0x98: {  	v31 =	vld [tilespmem:s0+$0x460]  }
0x99: {  	v32 =	vld [tilespmem:s0+$0x8460]  }
0x9a: {  	v33 =	vld [tilespmem:s0+$0x470]  }
0x9b: {  	v34 =	vld [tilespmem:s0+$0x8470]  }
0x9c: {  	v35 =	vld [tilespmem:s0+$0x800]  }
0x9d: {  	v36 =	vld [tilespmem:s0+$0x8800]  }
0x9e: {  	v37 =	vld [tilespmem:s0+$0x810]  }
0x9f: {  	v38 =	vld [tilespmem:s0+$0x8810]  }
0xa0: {  	v39 =	vld [tilespmem:s0+$0x820]  }
0xa1: {  	v40 =	vld [tilespmem:s0+$0x8820]  }
0xa2: {  	v41 =	vld [tilespmem:s0+$0x830]  }
0xa3: {  	v42 =	vld [tilespmem:s0+$0x8830]  }
0xa4: {  	v43 =	vld [tilespmem:s0+$0x840]  }
0xa5: {  	v44 =	vld [tilespmem:s0+$0x8840]  }
0xa6: {  	v45 =	vld [tilespmem:s0+$0x850]  }
0xa7: {  	v46 =	vld [tilespmem:s0+$0x8850]  }
0xa8: {  	v47 =	vld [tilespmem:s0+$0x860]  }
0xa9: {  	v48 =	vld [tilespmem:s0+$0x8860]  }
0xaa: {  	v49 =	vld [tilespmem:s0+$0x870]  }
0xab: {  	v50 =	vld [tilespmem:s0+$0x8870]  }
0xac: {  	v51 =	vld [tilespmem:s0+$0xC00]  }
0xad: {  	v52 =	vld [tilespmem:s0+$0x8C00]  }
0xae: {  	v53 =	vld [tilespmem:s0+$0xC10]  }
0xaf: {  	v54 =	vld [tilespmem:s0+$0x8C10]  }
0xb0: {  	v55 =	vld [tilespmem:s0+$0xC20]  }
0xb1: {  	v56 =	vld [tilespmem:s0+$0x8C20]  }
0xb2: {  	v57 =	vld [tilespmem:s0+$0xC30]  }
0xb3: {  	v58 =	vld [tilespmem:s0+$0x8C30]  }
0xb4: {  	v59 =	vld [tilespmem:s0+$0xC40]  }
0xb5: {  	v60 =	vld [tilespmem:s0+$0x8C40]  }
0xb6: {  	v61 =	vld [tilespmem:s0+$0xC50]  }
0xb7: {  	v62 =	vld [tilespmem:s0+$0x8C50]  }
0xb8: {  	v63 =	vld [tilespmem:s0+$0xC60]  }
0xb9: {  	v3 =	vadd.f32 v4, v3;
	v4 =	vld [tilespmem:s0+$0x8C60]  }
0xba: {  	v5 =	vadd.f32 v6, v5;
	v6 =	vld [tilespmem:s0+$0xC70]  }
0xbb: {  	v14 =	vadd.f32 v14, v13;
	v13 =	vld [tilespmem:s0+$0x9020];
	[tilespmem:s0+$0x0] =	vst v3;
	v3 =	vadd.f32 v8, v7  }
0xbc: {  	v18 =	vadd.f32 v18, v17;
	v17 =	vld [tilespmem:s0+$0x9040];
	[tilespmem:s0+$0x10] =	vst v5  }
0xbd: {  	v22 =	vadd.f32 v22, v21;
	v21 =	vld [tilespmem:s0+$0x9060];
	[tilespmem:s0+$0x20] =	vst v3;
	v3 =	vadd.f32 v12, v11  }
0xbe: {  	v7 =	vld [tilespmem:s0+$0x8C70];
	[tilespmem:s0+$0x50] =	vst v14  }
0xbf: {  	v8 =	vld [tilespmem:s0+$0x1000];
	[tilespmem:s0+$0x40] =	vst v3;
	v3 =	vadd.f32 v16, v15  }
0xc0: {  	v5 =	vadd.f32 v10, v9;
	v9 =	vld [tilespmem:s0+$0x9000];
	[tilespmem:s0+$0x70] =	vst v18  }
0xc1: {  	v10 =	vld [tilespmem:s0+$0x1010];
	[tilespmem:s0+$0x60] =	vst v3;
	v3 =	vadd.f32 v20, v19  }
0xc2: {  	v26 =	vadd.f32 v26, v25;
	v14 =	vld [tilespmem:s0+$0x1030];
	[tilespmem:s0+$0x410] =	vst v22  }
0xc3: {  	v18 =	vld [tilespmem:s0+$0x1050];
	[tilespmem:s0+$0x400] =	vst v3;
	v3 =	vadd.f32 v24, v23  }
0xc4: {  	v30 =	vadd.f32 v30, v29;
	[tilespmem:s0+$0x430] =	vst v26;
	v22 =	vld [tilespmem:s0+$0x1070]  }
0xc5: {  	v19 =	vld [tilespmem:s0+$0x9050];
	[tilespmem:s0+$0x420] =	vst v3;
	v3 =	vadd.f32 v28, v27  }
0xc6: {  	v34 =	vadd.f32 v34, v33;
	[tilespmem:s0+$0x450] =	vst v30;
	v11 =	vld [tilespmem:s0+$0x9010]  }
0xc7: {  	v12 =	vld [tilespmem:s0+$0x1020];
	[tilespmem:s0+$0x440] =	vst v3;
	v3 =	vadd.f32 v32, v31  }
0xc8: {  	[tilespmem:s0+$0x470] =	vst v34;
	v15 =	vld [tilespmem:s0+$0x9030]  }
0xc9: {  	v16 =	vld [tilespmem:s0+$0x1040];
	[tilespmem:s0+$0x460] =	vst v3;
	v3 =	vadd.f32 v36, v35  }
0xca: {  	[tilespmem:s0+$0x30] =	vst v5;
	v20 =	vld [tilespmem:s0+$0x1060];
	v19 =	vadd.f32 v19, v18  }
0xcb: {  	v24 =	vld [tilespmem:s0+$0x1400];
	[tilespmem:s0+$0x800] =	vst v3;
	v3 =	vadd.f32 v40, v39  }
0xcc: {  	[tilespmem:s0+$0x1050] =	vst v19;
	v36 =	vadd.f32 v38, v37;
	v37 =	vld [tilespmem:s0+$0x9070]  }
0xcd: {  	v38 =	vadd.f32 v42, v41;
	v41 =	vld [tilespmem:s0+$0x1410];
	[tilespmem:s0+$0x820] =	vst v3;
	v3 =	vadd.f32 v44, v43  }
0xce: {  	v42 =	vld [tilespmem:s0+$0x9410];
	[tilespmem:s0+$0x810] =	vst v36  }
0xcf: {  	v35 =	vld [tilespmem:s0+$0x1810];
	[tilespmem:s0+$0x840] =	vst v3;
	v3 =	vadd.f32 v48, v47  }
0xd0: {  	v39 =	vld [tilespmem:s0+$0x9400];
	[tilespmem:s0+$0x830] =	vst v38;
	v40 =	vadd.f32 v46, v45  }
0xd1: {  	v45 =	vld [tilespmem:s0+$0x9420];
	[tilespmem:s0+$0x860] =	vst v3;
	v3 =	vadd.f32 v52, v51  }
0xd2: {  	v46 =	vadd.f32 v54, v53;
	v53 =	vld [tilespmem:s0+$0x1450];
	[tilespmem:s0+$0x850] =	vst v40  }
0xd3: {  	v54 =	vld [tilespmem:s0+$0x9450];
	[tilespmem:s0+$0xC00] =	vst v3;
	v3 =	vadd.f32 v56, v55  }
0xd4: {  	v36 =	vld [tilespmem:s0+$0x9810];
	v43 =	vadd.f32 v50, v49;
	[tilespmem:s0+$0xC10] =	vst v46  }
0xd5: {  	v38 =	vld [tilespmem:s0+$0x1820];
	[tilespmem:s0+$0xC20] =	vst v3;
	v3 =	vadd.f32 v60, v59  }
0xd6: {  	v44 =	vld [tilespmem:s0+$0x1420];
	v49 =	vadd.f32 v58, v57;
	[tilespmem:s0+$0x870] =	vst v43  }
0xd7: {  	v50 =	vld [tilespmem:s0+$0x1440];
	[tilespmem:s0+$0xC40] =	vst v3;
	v3 =	vadd.f32 v4, v63  }
0xd8: {  	v57 =	vld [tilespmem:s0+$0x9460];
	v58 =	vadd.f32 v11, v10;
	[tilespmem:s0+$0xC30] =	vst v49  }
0xd9: {  	v46 =	vld [tilespmem:s0+$0x9850];
	[tilespmem:s0+$0xC60] =	vst v3;
	v3 =	vadd.f32 v9, v8  }
0xda: {  	v37 =	vadd.f32 v37, v22;
	v40 =	vadd.f32 v42, v41;
	v41 =	vld [tilespmem:s0+$0x1830];
	[tilespmem:s0+$0x1010] =	vst v58  }
0xdb: {  	v42 =	vld [tilespmem:s0+$0x9830];
	[tilespmem:s0+$0x1000] =	vst v3;
	v3 =	vadd.f32 v13, v12  }
0xdc: {  	v47 =	vld [tilespmem:s0+$0x1430];
	[tilespmem:s0+$0x1070] =	vst v37  }
0xdd: {  	v48 =	vld [tilespmem:s0+$0x9430];
	[tilespmem:s0+$0x1020] =	vst v3;
	v3 =	vadd.f32 v17, v16  }
0xde: {  	v49 =	vld [tilespmem:s0+$0x9860];
	[tilespmem:s0+$0x1410] =	vst v40;
	v52 =	vadd.f32 v62, v61  }
0xdf: {  	v51 =	vld [tilespmem:s0+$0x9440];
	[tilespmem:s0+$0x1040] =	vst v3;
	v3 =	vadd.f32 v21, v20  }
0xe0: {  	v61 =	vadd.f32 v15, v14;
	v62 =	vld [tilespmem:s0+$0x1800];
	[tilespmem:s0+$0xC50] =	vst v52  }
0xe1: {  	v56 =	vld [tilespmem:s0+$0x1460];
	[tilespmem:s0+$0x1060] =	vst v3;
	v3 =	vadd.f32 v39, v24  }
0xe2: {  	v55 =	vadd.f32 v7, v6;
	[tilespmem:s0+$0x1030] =	vst v61;
	v52 =	vld [tilespmem:s0+$0x9870]  }
0xe3: {  	v43 =	vadd.f32 v48, v47;
	v47 =	vld [tilespmem:s0+$0x1860];
	[tilespmem:s0+$0x1400] =	vst v3;
	v3 =	vadd.f32 v45, v44  }
0xe4: {  	[tilespmem:s0+$0xC70] =	vst v55;
	v63 =	vld [tilespmem:s0+$0x9800]  }
0xe5: {  	v59 =	vld [tilespmem:s0+$0x1470];
	[tilespmem:s0+$0x1420] =	vst v3;
	v3 =	vadd.f32 v51, v50  }
0xe6: {  	[tilespmem:s0+$0x1430] =	vst v43;
	v4 =	vadd.f32 v54, v53;
	v39 =	vld [tilespmem:s0+$0x9820]  }
0xe7: {  	v60 =	vld [tilespmem:s0+$0x9470];
	[tilespmem:s0+$0x1440] =	vst v3;
	v3 =	vadd.f32 v57, v56  }
0xe8: {  	v54 =	vadd.f32 v42, v41;
	[tilespmem:s0+$0x1450] =	vst v4;
	v45 =	vld [tilespmem:s0+$0x1850]  }
0xe9: {  	v53 =	vld [tilespmem:s0+$0x9840];
	[tilespmem:s0+$0x1460] =	vst v3;
	v3 =	vadd.f32 v63, v62  }
0xea: {  	[tilespmem:s0+$0x1830] =	vst v54;
	v55 =	vadd.f32 v49, v47;
	v50 =	vld [tilespmem:s0+$0x1870]  }
0xeb: {  	v44 =	vld [tilespmem:s0+$0x1840];
	[tilespmem:s0+$0x1800] =	vst v3;
	v3 =	vadd.f32 v39, v38  }
0xec: {  	v48 =	vadd.f32 v60, v59;
	[tilespmem:s0+$0x1860] =	vst v55  }
0xed: {  	[tilespmem:s0+$0x1820] =	vst v3;
	v3 =	vadd.f32 v46, v45  }
0xee: {  	s5 =	sand.u32 $0x7, s29;
	[tilespmem:s0+$0x1470] =	vst v48;
	v51 =	vadd.f32 v36, v35  }
0xef: {  	s1 =	sshll.u32 s5, $0x7;
	[tilespmem:s0+$0x1850] =	vst v3;
	v3 =	vadd.f32 v52, v50  }
0xf0: {  	s1 =	sadd.s32 s1, s30;
	[tilespmem:s0+$0x1810] =	vst v51;
	v56 =	vadd.f32 v53, v44  }
0xf1: {  	s5 =	sor.u32 $0x1C00, s1;
	[tilespmem:s0+$0x1870] =	vst v3  }
0xf2: {  	[tilespmem:s0+$0x1840] =	vst v56;
	v3 =	vld [tilespmem:s5+$0x0]  }
0xf3: {  	v4 =	vld [tilespmem:s5+$0x8000];
	_ =	sdelay $0x4  }
0xf4: {  	v3 =	vadd.f32 v4, v3;
	_ =	sdelay $0x1  }
0xf5: {  	[tilespmem:s5+$0x0] =	vst v3;
	s5 =	sor.u32 $0x1C10, s1  }
0xf6: {  	v3 =	vld [tilespmem:s5+$0x0]  }
0xf7: {  	v57 =	vld [tilespmem:s5+$0x8000];
	_ =	sdelay $0x4  }
0xf8: {  	v3 =	vadd.f32 v57, v3;
	_ =	sdelay $0x1  }
0xf9: {  	[tilespmem:s5+$0x0] =	vst v3;
	s5 =	sor.u32 $0x1C20, s1  }
0xfa: {  	v3 =	vld [tilespmem:s5+$0x0]  }
0xfb: {  	v58 =	vld [tilespmem:s5+$0x8000];
	_ =	sdelay $0x4  }
0xfc: {  	v3 =	vadd.f32 v58, v3;
	_ =	sdelay $0x1  }
0xfd: {  	[tilespmem:s5+$0x0] =	vst v3;
	s5 =	sor.u32 $0x1C30, s1  }
0xfe: {  	v3 =	vld [tilespmem:s5+$0x0]  }
0xff: {  	v59 =	vld [tilespmem:s5+$0x8000];
	_ =	sdelay $0x4  }
0x100: {  	v3 =	vadd.f32 v59, v3;
	_ =	sdelay $0x1  }
0x101: {  	[tilespmem:s5+$0x0] =	vst v3;
	s5 =	sor.u32 $0x1C40, s1  }
0x102: {  	v3 =	vld [tilespmem:s5+$0x0]  }
0x103: {  	v60 =	vld [tilespmem:s5+$0x8000];
	_ =	sdelay $0x4  }
0x104: {  	v3 =	vadd.f32 v60, v3;
	_ =	sdelay $0x1  }
0x105: {  	[tilespmem:s5+$0x0] =	vst v3;
	s5 =	sor.u32 $0x1C50, s1  }
0x106: {  	v3 =	vld [tilespmem:s5+$0x0]  }
0x107: {  	v61 =	vld [tilespmem:s5+$0x8000];
	_ =	sdelay $0x4  }
0x108: {  	v3 =	vadd.f32 v61, v3;
	_ =	sdelay $0x1  }
0x109: {  	[tilespmem:s5+$0x0] =	vst v3;
	s5 =	sor.u32 $0x1C60, s1  }
0x10a: {  	v3 =	vld [tilespmem:s5+$0x0]  }
0x10b: {  	v62 =	vld [tilespmem:s5+$0x8000];
	_ =	sdelay $0x4  }
0x10c: {  	v3 =	vadd.f32 v62, v3;
	_ =	sdelay $0x1  }
0x10d: {  	[tilespmem:s5+$0x0] =	vst v3;
	s5 =	sor.u32 $0x1C70, s1  }
0x10e: {  	v3 =	vld [tilespmem:s5+$0x0]  }
0x10f: {  	v63 =	vld [tilespmem:s5+$0x8000];
	_ =	sdelay $0x1  }
0x110: {  	p0 =	sne.s32 s31, $0xF80  }
.Ltmp0:
0x111: {  	_ = 	snop;
	(pc) =	sbr.rel @p0 .LBB2_2-.Ltmp0, $4  }
0x112: {  	_ = 	snop  }
0x113: {  	v3 =	vadd.f32 v63, v3  }
0x114: {  	s29 =	sadd.s32 $0x1, s29  }
0x115: {  	s28 =	sadd.s32 $0x400, s28;
	s31 =	sadd.s32 $0x80, s31;
	s30 =	sadd.s32 $0x400, s30;
	[tilespmem:s5+$0x0] =	vst v3  }
0x116: {  	s28 =	simm.s32 $0x0;
	s0 =	rddreg [dreg:$0x4]  }
0x117: {  	[hbm4b:s0+s28] =	stream.linear.scatter [tilespmem:s28], [sflag:$0x3], $0x8000, $0x38;
	[tilespmem:$0x10100] =	vst v63  }
0x118: {  	_ =	swait.ge [sflag:s15], $0x8000  }
0x119: {  	[sflag:s15] =	ssyncset.done $0x0  }
0x11a: {  	s1 =	simm.s32 $0x10000;
	s5 =	rddreg [dreg:$0x5];
	[sflag:s15] =	ssyncadd.s32 $0xFFFF8000  }
0x11b: {  	[tilespmem:s1], [sflag:$0x3] =	stream.linear.gather [hbm4b:s5+s28], $0x20, $0x38;
	[tilespmem:$0x10100] =	vst v63  }
0x11c: {  	_ =	swait.ge [sflag:s15], $0x20  }
0x11d: {  	[sflag:s15] =	ssyncset.done $0x0  }
0x11e: {  	s5 =	simm.s32 $0x10080;
	s1 =	rddreg [dreg:$0x6];
	[sflag:s15] =	ssyncadd.s32 $0xFFFFFFE0  }
0x11f: {  	[tilespmem:s5], [sflag:$0x3] =	stream.linear.gather [hbm4b:s1+s28], $0x20, $0x38;
	[tilespmem:$0x10100] =	vst v63  }
0x120: {  	_ =	swait.ge [sflag:s15], $0x20  }
0x121: {  	[sflag:s15] =	ssyncset.done $0x0  }
0x122: {  	[sflag:s15] =	ssyncadd.s32 $0xFFFFFFE0  }
0x123: {  	v3 =	vld [tilespmem:$0x10000];
	_ =	sdelay $0x4  }
0x124: {  	v4 =	vshll.u32 v3, $0x3  }
0x125: {  	v3 =	vand.u32 $0x7, v3;
	v4 =	vand.u32 $0xFFFFFFC0, v4  }
0x126: {  	v3 =	vor.u32 v3, v4  }
0x127: {  	v4 =	vperm.xlane v3, v0;
	_ =	sdelay $0x1  }
0x128: {  	v4 =	vadd.s32 v1, v4;
	_ =	sdelay $0x4  }
0x129: {  	[tilespmem:s28], [sflag:$0x1] =	stream.indirect_vreg.gather [hbm4b:s3+s28], $0x80, v4, vm0, $0xb8;
	[tilespmem:$0x10100] =	vst v63  }
0x12a: {  	s5 =	simm.s32 $0x800;
	v3 =	vperm.xlane v3, v2  }
0x12b: {  	[tilespmem:s5], [sflag:$0x1] =	stream.indirect_vreg.gather [hbm4b:s6+s28], $0x80, v4, vm0, $0xb8;
	[tilespmem:$0x10100] =	vst v63  }
0x12c: {  	s1 =	simm.s32 $0x1000;
	v3 =	vadd.s32 v1, v3  }
0x12d: {  	[tilespmem:s1], [sflag:$0x1] =	stream.indirect_vreg.gather [hbm4b:s7+s28], $0x80, v4, vm0, $0xb8;
	[tilespmem:$0x10100] =	vst v63  }
0x12e: {  	s5 =	simm.s32 $0x1800  }
0x12f: {  	[tilespmem:s5], [sflag:$0x1] =	stream.indirect_vreg.gather [hbm4b:s8+s28], $0x80, v4, vm0, $0xb8;
	[tilespmem:$0x10100] =	vst v63  }
0x130: {  	s1 =	simm.s32 $0x2000  }
0x131: {  	[tilespmem:s1], [sflag:$0x1] =	stream.indirect_vreg.gather [hbm4b:s3+s28], $0x80, v3, vm0, $0xb8;
	[tilespmem:$0x10100] =	vst v63  }
0x132: {  	s5 =	simm.s32 $0x2800  }
0x133: {  	[tilespmem:s5], [sflag:$0x1] =	stream.indirect_vreg.gather [hbm4b:s6+s28], $0x80, v3, vm0, $0xb8;
	[tilespmem:$0x10100] =	vst v63  }
0x134: {  	s1 =	simm.s32 $0x3000  }
0x135: {  	[tilespmem:s1], [sflag:$0x1] =	stream.indirect_vreg.gather [hbm4b:s7+s28], $0x80, v3, vm0, $0xb8;
	[tilespmem:$0x10100] =	vst v63  }
0x136: {  	s5 =	simm.s32 $0x3800  }
0x137: {  	[tilespmem:s5], [sflag:$0x1] =	stream.indirect_vreg.gather [hbm4b:s8+s28], $0x80, v3, vm0, $0xb8;
	[tilespmem:$0x10100] =	vst v63  }
0x138: {  	v3 =	vld [tilespmem:$0x10010];
	_ =	sdelay $0x4  }
0x139: {  	v61 =	vshll.u32 v3, $0x3  }
0x13a: {  	v3 =	vand.u32 $0x7, v3;
	v4 =	vand.u32 $0xFFFFFFC0, v61  }
0x13b: {  	v3 =	vor.u32 v3, v4  }
0x13c: {  	v4 =	vperm.xlane v3, v0;
	_ =	sdelay $0x1  }
0x13d: {  	v4 =	vadd.s32 v1, v4;
	_ =	sdelay $0x3  }
0x13e: {  	s1 =	simm.s32 $0x4000  }
0x13f: {  	[tilespmem:s1], [sflag:$0x1] =	stream.indirect_vreg.gather [hbm4b:s3+s28], $0x80, v4, vm0, $0xb8;
	[tilespmem:$0x10100] =	vst v63  }
0x140: {  	s5 =	simm.s32 $0x4800;
	v3 =	vperm.xlane v3, v2  }
0x141: {  	[tilespmem:s5], [sflag:$0x1] =	stream.indirect_vreg.gather [hbm4b:s6+s28], $0x80, v4, vm0, $0xb8;
	[tilespmem:$0x10100] =	vst v63  }
0x142: {  	v3 =	vadd.s32 v1, v3;
	s1 =	simm.s32 $0x5000  }
0x143: {  	[tilespmem:s1], [sflag:$0x1] =	stream.indirect_vreg.gather [hbm4b:s7+s28], $0x80, v4, vm0, $0xb8;
	[tilespmem:$0x10100] =	vst v63  }
0x144: {  	s5 =	simm.s32 $0x5800  }
0x145: {  	[tilespmem:s5], [sflag:$0x1] =	stream.indirect_vreg.gather [hbm4b:s8+s28], $0x80, v4, vm0, $0xb8;
	[tilespmem:$0x10100] =	vst v63  }
0x146: {  	s1 =	simm.s32 $0x6000  }
0x147: {  	[tilespmem:s1], [sflag:$0x1] =	stream.indirect_vreg.gather [hbm4b:s3+s28], $0x80, v3, vm0, $0xb8;
	[tilespmem:$0x10100] =	vst v63  }
0x148: {  	s5 =	simm.s32 $0x6800  }
0x149: {  	[tilespmem:s5], [sflag:$0x1] =	stream.indirect_vreg.gather [hbm4b:s6+s28], $0x80, v3, vm0, $0xb8;
	[tilespmem:$0x10100] =	vst v63  }
0x14a: {  	s1 =	simm.s32 $0x7000  }
0x14b: {  	[tilespmem:s1], [sflag:$0x1] =	stream.indirect_vreg.gather [hbm4b:s7+s28], $0x80, v3, vm0, $0xb8;
	[tilespmem:$0x10100] =	vst v63  }
0x14c: {  	s5 =	simm.s32 $0x7800  }
0x14d: {  	[tilespmem:s5], [sflag:$0x1] =	stream.indirect_vreg.gather [hbm4b:s8+s28], $0x80, v3, vm0, $0xb8;
	[tilespmem:$0x10100] =	vst v63  }
0x14e: {  	v3 =	vld [tilespmem:$0x10080];
	_ =	sdelay $0x4  }
0x14f: {  	v62 =	vshll.u32 v3, $0x3  }
0x150: {  	v3 =	vand.u32 $0x7, v3;
	v4 =	vand.u32 $0xFFFFFFC0, v62  }
0x151: {  	v3 =	vor.u32 v3, v4  }
0x152: {  	v4 =	vperm.xlane v3, v0;
	_ =	sdelay $0x1  }
0x153: {  	v4 =	vadd.s32 v1, v4;
	_ =	sdelay $0x3  }
0x154: {  	s1 =	simm.s32 $0x8000  }
0x155: {  	[tilespmem:s1], [sflag:$0x2] =	stream.indirect_vreg.gather [hbm4b:s3+s28], $0x80, v4, vm0, $0xb8;
	[tilespmem:$0x10100] =	vst v63  }
0x156: {  	s5 =	simm.s32 $0x8800;
	v3 =	vperm.xlane v3, v2  }
0x157: {  	[tilespmem:s5], [sflag:$0x2] =	stream.indirect_vreg.gather [hbm4b:s6+s28], $0x80, v4, vm0, $0xb8;
	[tilespmem:$0x10100] =	vst v63  }
0x158: {  	v3 =	vadd.s32 v1, v3  }
0x159: {  	[tilespmem:s14], [sflag:$0x2] =	stream.indirect_vreg.gather [hbm4b:s7+s28], $0x80, v4, vm0, $0xb8;
	[tilespmem:$0x10100] =	vst v63  }
0x15a: {  	_ = 	snop  }
0x15b: {  	[tilespmem:s16], [sflag:$0x2] =	stream.indirect_vreg.gather [hbm4b:s8+s28], $0x80, v4, vm0, $0xb8;
	[tilespmem:$0x10100] =	vst v63  }
0x15c: {  	_ = 	snop  }
0x15d: {  	[tilespmem:s17], [sflag:$0x2] =	stream.indirect_vreg.gather [hbm4b:s3+s28], $0x80, v3, vm0, $0xb8;
	[tilespmem:$0x10100] =	vst v63  }
0x15e: {  	_ = 	snop  }
0x15f: {  	[tilespmem:s18], [sflag:$0x2] =	stream.indirect_vreg.gather [hbm4b:s6+s28], $0x80, v3, vm0, $0xb8;
	[tilespmem:$0x10100] =	vst v63  }
0x160: {  	_ = 	snop  }
0x161: {  	[tilespmem:s19], [sflag:$0x2] =	stream.indirect_vreg.gather [hbm4b:s7+s28], $0x80, v3, vm0, $0xb8;
	[tilespmem:$0x10100] =	vst v63  }
0x162: {  	_ = 	snop  }
0x163: {  	[tilespmem:s9], [sflag:$0x2] =	stream.indirect_vreg.gather [hbm4b:s8+s28], $0x80, v3, vm0, $0xb8;
	[tilespmem:$0x10100] =	vst v63  }
0x164: {  	v3 =	vld [tilespmem:$0x10090];
	_ =	sdelay $0x4  }
0x165: {  	v63 =	vshll.u32 v3, $0x3  }
0x166: {  	v3 =	vand.u32 $0x7, v3;
	v4 =	vand.u32 $0xFFFFFFC0, v63  }
0x167: {  	v3 =	vor.u32 v3, v4  }
0x168: {  	v4 =	vperm.xlane v3, v0;
	_ =	sdelay $0x1  }
0x169: {  	v4 =	vadd.s32 v1, v4;
	_ =	sdelay $0x4  }
0x16a: {  	[tilespmem:s20], [sflag:$0x2] =	stream.indirect_vreg.gather [hbm4b:s3+s28], $0x80, v4, vm0, $0xb8;
	[tilespmem:$0x10100] =	vst v63  }
0x16b: {  	v3 =	vperm.xlane v3, v2  }
0x16c: {  	[tilespmem:s21], [sflag:$0x2] =	stream.indirect_vreg.gather [hbm4b:s6+s28], $0x80, v4, vm0, $0xb8;
	[tilespmem:$0x10100] =	vst v63  }
0x16d: {  	v3 =	vadd.s32 v1, v3  }
0x16e: {  	[tilespmem:s10], [sflag:$0x2] =	stream.indirect_vreg.gather [hbm4b:s7+s28], $0x80, v4, vm0, $0xb8;
	[tilespmem:$0x10100] =	vst v63  }
0x16f: {  	_ = 	snop  }
0x170: {  	[tilespmem:s22], [sflag:$0x2] =	stream.indirect_vreg.gather [hbm4b:s8+s28], $0x80, v4, vm0, $0xb8;
	[tilespmem:$0x10100] =	vst v63  }
0x171: {  	_ = 	snop  }
0x172: {  	[tilespmem:s11], [sflag:$0x2] =	stream.indirect_vreg.gather [hbm4b:s3+s28], $0x80, v3, vm0, $0xb8;
	[tilespmem:$0x10100] =	vst v63  }
0x173: {  	_ = 	snop  }
0x174: {  	[tilespmem:s23], [sflag:$0x2] =	stream.indirect_vreg.gather [hbm4b:s6+s28], $0x80, v3, vm0, $0xb8;
	[tilespmem:$0x10100] =	vst v63  }
0x175: {  	_ = 	snop  }
0x176: {  	[tilespmem:s24], [sflag:$0x2] =	stream.indirect_vreg.gather [hbm4b:s7+s28], $0x80, v3, vm0, $0xb8;
	[tilespmem:$0x10100] =	vst v63  }
0x177: {  	_ = 	snop  }
0x178: {  	[tilespmem:s12], [sflag:$0x2] =	stream.indirect_vreg.gather [hbm4b:s8+s28], $0x80, v3, vm0, $0xb8;
	[tilespmem:$0x10100] =	vst v63  }
0x179: {  	_ =	swait.ge [sflag:s25], $0x8000  }
0x17a: {  	[sflag:s25] =	ssyncset.done $0x0  }
0x17b: {  	[sflag:s25] =	ssyncadd.s32 $0xFFFF8000  }
0x17c: {  	_ =	swait.ge [sflag:s13], $0x8000  }
0x17d: {  	s29 =	simm.s32 $0xFFFF8000;
	[sflag:s13] =	ssyncset.done $0x0  }
0x17e: {  	s30 =	simm.s32 $0x0;
	s31 =	simm.s32 $0x0;
	[sflag:s13] =	ssyncadd.s32 $0xFFFF8000  }
.LBB2_4:
0x17f: {  	s0 =	sadd.s32 $0x8000, s29  }
0x180: {  	s1 =	sand.u32 $0x380, s31;
	s0 =	sand.u32 $0x6000, s0  }
0x181: {  	s0 =	sor.u32 s1, s0  }
0x182: {  	v3 =	vld [tilespmem:s0+$0x0]  }
0x183: {  	v4 =	vld [tilespmem:s0+$0x8000]  }
0x184: {  	v5 =	vld [tilespmem:s0+$0x10]  }
0x185: {  	v6 =	vld [tilespmem:s0+$0x8010]  }
0x186: {  	v7 =	vld [tilespmem:s0+$0x20]  }
0x187: {  	v8 =	vld [tilespmem:s0+$0x8020]  }
0x188: {  	v9 =	vld [tilespmem:s0+$0x30]  }
0x189: {  	v10 =	vld [tilespmem:s0+$0x8030]  }
0x18a: {  	v11 =	vld [tilespmem:s0+$0x40]  }
0x18b: {  	v12 =	vld [tilespmem:s0+$0x8040]  }
0x18c: {  	v13 =	vld [tilespmem:s0+$0x50]  }
0x18d: {  	v14 =	vld [tilespmem:s0+$0x8050]  }
0x18e: {  	v15 =	vld [tilespmem:s0+$0x60]  }
0x18f: {  	v16 =	vld [tilespmem:s0+$0x8060]  }
0x190: {  	v17 =	vld [tilespmem:s0+$0x70]  }
0x191: {  	v18 =	vld [tilespmem:s0+$0x8070]  }
0x192: {  	v19 =	vld [tilespmem:s0+$0x400]  }
0x193: {  	v20 =	vld [tilespmem:s0+$0x8400]  }
0x194: {  	v21 =	vld [tilespmem:s0+$0x410]  }
0x195: {  	v22 =	vld [tilespmem:s0+$0x8410]  }
0x196: {  	v23 =	vld [tilespmem:s0+$0x420]  }
0x197: {  	v24 =	vld [tilespmem:s0+$0x8420]  }
0x198: {  	v25 =	vld [tilespmem:s0+$0x430]  }
0x199: {  	v26 =	vld [tilespmem:s0+$0x8430]  }
0x19a: {  	v27 =	vld [tilespmem:s0+$0x440]  }
0x19b: {  	v28 =	vld [tilespmem:s0+$0x8440]  }
0x19c: {  	v29 =	vld [tilespmem:s0+$0x450]  }
0x19d: {  	v30 =	vld [tilespmem:s0+$0x8450]  }
0x19e: {  	v31 =	vld [tilespmem:s0+$0x460]  }
0x19f: {  	v32 =	vld [tilespmem:s0+$0x8460]  }
0x1a0: {  	v33 =	vld [tilespmem:s0+$0x470]  }
0x1a1: {  	v34 =	vld [tilespmem:s0+$0x8470]  }
0x1a2: {  	v35 =	vld [tilespmem:s0+$0x800]  }
0x1a3: {  	v36 =	vld [tilespmem:s0+$0x8800]  }
0x1a4: {  	v37 =	vld [tilespmem:s0+$0x810]  }
0x1a5: {  	v38 =	vld [tilespmem:s0+$0x8810]  }
0x1a6: {  	v39 =	vld [tilespmem:s0+$0x820]  }
0x1a7: {  	v40 =	vld [tilespmem:s0+$0x8820]  }
0x1a8: {  	v41 =	vld [tilespmem:s0+$0x830]  }
0x1a9: {  	v42 =	vld [tilespmem:s0+$0x8830]  }
0x1aa: {  	v43 =	vld [tilespmem:s0+$0x840]  }
0x1ab: {  	v44 =	vld [tilespmem:s0+$0x8840]  }
0x1ac: {  	v45 =	vld [tilespmem:s0+$0x850]  }
0x1ad: {  	v46 =	vld [tilespmem:s0+$0x8850]  }
0x1ae: {  	v47 =	vld [tilespmem:s0+$0x860]  }
0x1af: {  	v48 =	vld [tilespmem:s0+$0x8860]  }
0x1b0: {  	v49 =	vld [tilespmem:s0+$0x870]  }
0x1b1: {  	v50 =	vld [tilespmem:s0+$0x8870]  }
0x1b2: {  	v51 =	vld [tilespmem:s0+$0xC00]  }
0x1b3: {  	v52 =	vld [tilespmem:s0+$0x8C00]  }
0x1b4: {  	v53 =	vld [tilespmem:s0+$0xC10]  }
0x1b5: {  	v54 =	vld [tilespmem:s0+$0x8C10]  }
0x1b6: {  	v55 =	vld [tilespmem:s0+$0xC20]  }
0x1b7: {  	v56 =	vld [tilespmem:s0+$0x8C20]  }
0x1b8: {  	v57 =	vld [tilespmem:s0+$0xC30]  }
0x1b9: {  	v58 =	vld [tilespmem:s0+$0x8C30]  }
0x1ba: {  	v59 =	vld [tilespmem:s0+$0xC40]  }
0x1bb: {  	v60 =	vld [tilespmem:s0+$0x8C40]  }
0x1bc: {  	v61 =	vld [tilespmem:s0+$0xC50]  }
0x1bd: {  	v62 =	vld [tilespmem:s0+$0x8C50]  }
0x1be: {  	v63 =	vld [tilespmem:s0+$0xC60]  }
0x1bf: {  	v3 =	vadd.f32 v4, v3;
	v4 =	vld [tilespmem:s0+$0x8C60]  }
0x1c0: {  	v5 =	vadd.f32 v6, v5;
	v6 =	vld [tilespmem:s0+$0xC70]  }
0x1c1: {  	v14 =	vadd.f32 v14, v13;
	v13 =	vld [tilespmem:s0+$0x9020];
	[tilespmem:s0+$0x0] =	vst v3;
	v3 =	vadd.f32 v8, v7  }
0x1c2: {  	v18 =	vadd.f32 v18, v17;
	v17 =	vld [tilespmem:s0+$0x9040];
	[tilespmem:s0+$0x10] =	vst v5  }
0x1c3: {  	v22 =	vadd.f32 v22, v21;
	v21 =	vld [tilespmem:s0+$0x9060];
	[tilespmem:s0+$0x20] =	vst v3;
	v3 =	vadd.f32 v12, v11  }
0x1c4: {  	v7 =	vld [tilespmem:s0+$0x8C70];
	[tilespmem:s0+$0x50] =	vst v14  }
0x1c5: {  	v8 =	vld [tilespmem:s0+$0x1000];
	[tilespmem:s0+$0x40] =	vst v3;
	v3 =	vadd.f32 v16, v15  }
0x1c6: {  	v5 =	vadd.f32 v10, v9;
	v9 =	vld [tilespmem:s0+$0x9000];
	[tilespmem:s0+$0x70] =	vst v18  }
0x1c7: {  	v10 =	vld [tilespmem:s0+$0x1010];
	[tilespmem:s0+$0x60] =	vst v3;
	v3 =	vadd.f32 v20, v19  }
0x1c8: {  	v26 =	vadd.f32 v26, v25;
	v14 =	vld [tilespmem:s0+$0x1030];
	[tilespmem:s0+$0x410] =	vst v22  }
0x1c9: {  	v18 =	vld [tilespmem:s0+$0x1050];
	[tilespmem:s0+$0x400] =	vst v3;
	v3 =	vadd.f32 v24, v23  }
0x1ca: {  	v30 =	vadd.f32 v30, v29;
	[tilespmem:s0+$0x430] =	vst v26;
	v22 =	vld [tilespmem:s0+$0x1070]  }
0x1cb: {  	v19 =	vld [tilespmem:s0+$0x9050];
	[tilespmem:s0+$0x420] =	vst v3;
	v3 =	vadd.f32 v28, v27  }
0x1cc: {  	v34 =	vadd.f32 v34, v33;
	[tilespmem:s0+$0x450] =	vst v30;
	v11 =	vld [tilespmem:s0+$0x9010]  }
0x1cd: {  	v12 =	vld [tilespmem:s0+$0x1020];
	[tilespmem:s0+$0x440] =	vst v3;
	v3 =	vadd.f32 v32, v31  }
0x1ce: {  	[tilespmem:s0+$0x470] =	vst v34;
	v15 =	vld [tilespmem:s0+$0x9030]  }
0x1cf: {  	v16 =	vld [tilespmem:s0+$0x1040];
	[tilespmem:s0+$0x460] =	vst v3;
	v3 =	vadd.f32 v36, v35  }
0x1d0: {  	[tilespmem:s0+$0x30] =	vst v5;
	v20 =	vld [tilespmem:s0+$0x1060];
	v19 =	vadd.f32 v19, v18  }
0x1d1: {  	v24 =	vld [tilespmem:s0+$0x1400];
	[tilespmem:s0+$0x800] =	vst v3;
	v3 =	vadd.f32 v40, v39  }
0x1d2: {  	[tilespmem:s0+$0x1050] =	vst v19;
	v36 =	vadd.f32 v38, v37;
	v37 =	vld [tilespmem:s0+$0x9070]  }
0x1d3: {  	v38 =	vadd.f32 v42, v41;
	v41 =	vld [tilespmem:s0+$0x1410];
	[tilespmem:s0+$0x820] =	vst v3;
	v3 =	vadd.f32 v44, v43  }
0x1d4: {  	v42 =	vld [tilespmem:s0+$0x9410];
	[tilespmem:s0+$0x810] =	vst v36  }
0x1d5: {  	v35 =	vld [tilespmem:s0+$0x1810];
	[tilespmem:s0+$0x840] =	vst v3;
	v3 =	vadd.f32 v48, v47  }
0x1d6: {  	v39 =	vld [tilespmem:s0+$0x9400];
	[tilespmem:s0+$0x830] =	vst v38;
	v40 =	vadd.f32 v46, v45  }
0x1d7: {  	v45 =	vld [tilespmem:s0+$0x9420];
	[tilespmem:s0+$0x860] =	vst v3;
	v3 =	vadd.f32 v52, v51  }
0x1d8: {  	v46 =	vadd.f32 v54, v53;
	v53 =	vld [tilespmem:s0+$0x1450];
	[tilespmem:s0+$0x850] =	vst v40  }
0x1d9: {  	v54 =	vld [tilespmem:s0+$0x9450];
	[tilespmem:s0+$0xC00] =	vst v3;
	v3 =	vadd.f32 v56, v55  }
0x1da: {  	v36 =	vld [tilespmem:s0+$0x9810];
	v43 =	vadd.f32 v50, v49;
	[tilespmem:s0+$0xC10] =	vst v46  }
0x1db: {  	v38 =	vld [tilespmem:s0+$0x1820];
	[tilespmem:s0+$0xC20] =	vst v3;
	v3 =	vadd.f32 v60, v59  }
0x1dc: {  	v44 =	vld [tilespmem:s0+$0x1420];
	v49 =	vadd.f32 v58, v57;
	[tilespmem:s0+$0x870] =	vst v43  }
0x1dd: {  	v50 =	vld [tilespmem:s0+$0x1440];
	[tilespmem:s0+$0xC40] =	vst v3;
	v3 =	vadd.f32 v4, v63  }
0x1de: {  	v57 =	vld [tilespmem:s0+$0x9460];
	v58 =	vadd.f32 v11, v10;
	[tilespmem:s0+$0xC30] =	vst v49  }
0x1df: {  	v46 =	vld [tilespmem:s0+$0x9850];
	[tilespmem:s0+$0xC60] =	vst v3;
	v3 =	vadd.f32 v9, v8  }
0x1e0: {  	v37 =	vadd.f32 v37, v22;
	v40 =	vadd.f32 v42, v41;
	v41 =	vld [tilespmem:s0+$0x1830];
	[tilespmem:s0+$0x1010] =	vst v58  }
0x1e1: {  	v42 =	vld [tilespmem:s0+$0x9830];
	[tilespmem:s0+$0x1000] =	vst v3;
	v3 =	vadd.f32 v13, v12  }
0x1e2: {  	v47 =	vld [tilespmem:s0+$0x1430];
	[tilespmem:s0+$0x1070] =	vst v37  }
0x1e3: {  	v48 =	vld [tilespmem:s0+$0x9430];
	[tilespmem:s0+$0x1020] =	vst v3;
	v3 =	vadd.f32 v17, v16  }
0x1e4: {  	v49 =	vld [tilespmem:s0+$0x9860];
	[tilespmem:s0+$0x1410] =	vst v40;
	v52 =	vadd.f32 v62, v61  }
0x1e5: {  	v51 =	vld [tilespmem:s0+$0x9440];
	[tilespmem:s0+$0x1040] =	vst v3;
	v3 =	vadd.f32 v21, v20  }
0x1e6: {  	v61 =	vadd.f32 v15, v14;
	v62 =	vld [tilespmem:s0+$0x1800];
	[tilespmem:s0+$0xC50] =	vst v52  }
0x1e7: {  	v56 =	vld [tilespmem:s0+$0x1460];
	[tilespmem:s0+$0x1060] =	vst v3;
	v3 =	vadd.f32 v39, v24  }
0x1e8: {  	v55 =	vadd.f32 v7, v6;
	[tilespmem:s0+$0x1030] =	vst v61;
	v52 =	vld [tilespmem:s0+$0x9870]  }
0x1e9: {  	v43 =	vadd.f32 v48, v47;
	v47 =	vld [tilespmem:s0+$0x1860];
	[tilespmem:s0+$0x1400] =	vst v3;
	v3 =	vadd.f32 v45, v44  }
0x1ea: {  	[tilespmem:s0+$0xC70] =	vst v55;
	v63 =	vld [tilespmem:s0+$0x9800]  }
0x1eb: {  	v59 =	vld [tilespmem:s0+$0x1470];
	[tilespmem:s0+$0x1420] =	vst v3;
	v3 =	vadd.f32 v51, v50  }
0x1ec: {  	[tilespmem:s0+$0x1430] =	vst v43;
	v4 =	vadd.f32 v54, v53;
	v39 =	vld [tilespmem:s0+$0x9820]  }
0x1ed: {  	v60 =	vld [tilespmem:s0+$0x9470];
	[tilespmem:s0+$0x1440] =	vst v3;
	v3 =	vadd.f32 v57, v56  }
0x1ee: {  	v54 =	vadd.f32 v42, v41;
	[tilespmem:s0+$0x1450] =	vst v4;
	v45 =	vld [tilespmem:s0+$0x1850]  }
0x1ef: {  	v53 =	vld [tilespmem:s0+$0x9840];
	[tilespmem:s0+$0x1460] =	vst v3;
	v3 =	vadd.f32 v63, v62  }
0x1f0: {  	[tilespmem:s0+$0x1830] =	vst v54;
	v55 =	vadd.f32 v49, v47;
	v50 =	vld [tilespmem:s0+$0x1870]  }
0x1f1: {  	v44 =	vld [tilespmem:s0+$0x1840];
	[tilespmem:s0+$0x1800] =	vst v3;
	v3 =	vadd.f32 v39, v38  }
0x1f2: {  	v48 =	vadd.f32 v60, v59;
	[tilespmem:s0+$0x1860] =	vst v55  }
0x1f3: {  	[tilespmem:s0+$0x1820] =	vst v3;
	v3 =	vadd.f32 v46, v45  }
0x1f4: {  	s5 =	sand.u32 $0x7, s28;
	[tilespmem:s0+$0x1470] =	vst v48;
	v51 =	vadd.f32 v36, v35  }
0x1f5: {  	s1 =	sshll.u32 s5, $0x7;
	[tilespmem:s0+$0x1850] =	vst v3;
	v3 =	vadd.f32 v52, v50  }
0x1f6: {  	s1 =	sadd.s32 s1, s30;
	[tilespmem:s0+$0x1810] =	vst v51;
	v56 =	vadd.f32 v53, v44  }
0x1f7: {  	s5 =	sor.u32 $0x1C00, s1;
	[tilespmem:s0+$0x1870] =	vst v3  }
0x1f8: {  	[tilespmem:s0+$0x1840] =	vst v56;
	v3 =	vld [tilespmem:s5+$0x0]  }
0x1f9: {  	v4 =	vld [tilespmem:s5+$0x8000];
	_ =	sdelay $0x4  }
0x1fa: {  	v3 =	vadd.f32 v4, v3;
	_ =	sdelay $0x1  }
0x1fb: {  	[tilespmem:s5+$0x0] =	vst v3;
	s5 =	sor.u32 $0x1C10, s1  }
0x1fc: {  	v3 =	vld [tilespmem:s5+$0x0]  }
0x1fd: {  	v57 =	vld [tilespmem:s5+$0x8000];
	_ =	sdelay $0x4  }
0x1fe: {  	v3 =	vadd.f32 v57, v3;
	_ =	sdelay $0x1  }
0x1ff: {  	[tilespmem:s5+$0x0] =	vst v3;
	s5 =	sor.u32 $0x1C20, s1  }
0x200: {  	v3 =	vld [tilespmem:s5+$0x0]  }
0x201: {  	v58 =	vld [tilespmem:s5+$0x8000];
	_ =	sdelay $0x4  }
0x202: {  	v3 =	vadd.f32 v58, v3;
	_ =	sdelay $0x1  }
0x203: {  	[tilespmem:s5+$0x0] =	vst v3;
	s5 =	sor.u32 $0x1C30, s1  }
0x204: {  	v3 =	vld [tilespmem:s5+$0x0]  }
0x205: {  	v59 =	vld [tilespmem:s5+$0x8000];
	_ =	sdelay $0x4  }
0x206: {  	v3 =	vadd.f32 v59, v3;
	_ =	sdelay $0x1  }
0x207: {  	[tilespmem:s5+$0x0] =	vst v3;
	s5 =	sor.u32 $0x1C40, s1  }
0x208: {  	v3 =	vld [tilespmem:s5+$0x0]  }
0x209: {  	v60 =	vld [tilespmem:s5+$0x8000];
	_ =	sdelay $0x4  }
0x20a: {  	v3 =	vadd.f32 v60, v3;
	_ =	sdelay $0x1  }
0x20b: {  	[tilespmem:s5+$0x0] =	vst v3;
	s5 =	sor.u32 $0x1C50, s1  }
0x20c: {  	v3 =	vld [tilespmem:s5+$0x0]  }
0x20d: {  	v61 =	vld [tilespmem:s5+$0x8000];
	_ =	sdelay $0x4  }
0x20e: {  	v3 =	vadd.f32 v61, v3;
	_ =	sdelay $0x1  }
0x20f: {  	[tilespmem:s5+$0x0] =	vst v3;
	s5 =	sor.u32 $0x1C60, s1  }
0x210: {  	v3 =	vld [tilespmem:s5+$0x0]  }
0x211: {  	v62 =	vld [tilespmem:s5+$0x8000];
	_ =	sdelay $0x4  }
0x212: {  	v3 =	vadd.f32 v62, v3;
	_ =	sdelay $0x1  }
0x213: {  	[tilespmem:s5+$0x0] =	vst v3;
	s5 =	sor.u32 $0x1C70, s1  }
0x214: {  	v3 =	vld [tilespmem:s5+$0x0]  }
0x215: {  	v63 =	vld [tilespmem:s5+$0x8000];
	_ =	sdelay $0x1  }
0x216: {  	p0 =	sne.s32 s31, $0xF80  }
.Ltmp1:
0x217: {  	_ = 	snop;
	(pc) =	sbr.rel @p0 .LBB2_4-.Ltmp1, $4  }
0x218: {  	_ = 	snop  }
0x219: {  	v3 =	vadd.f32 v63, v3  }
0x21a: {  	s28 =	sadd.s32 $0x1, s28  }
0x21b: {  	s29 =	sadd.s32 $0x400, s29;
	s31 =	sadd.s32 $0x80, s31;
	s30 =	sadd.s32 $0x400, s30;
	[tilespmem:s5+$0x0] =	vst v3  }
0x21c: {  	s0 =	rddreg [dreg:$0x7]  }
0x21d: {  	[hbm4b:s0+s2] =	stream.linear.scatter [tilespmem:s2], [sflag:$0x3], $0x8000, $0x38;
	[tilespmem:$0x10100] =	vst v63  }
0x21e: {  	_ =	swait.ge [sflag:s15], $0x8000  }
0x21f: {  	s26 =	sadd.s32 $0x1, s26;
	s31 =	rddreg [dreg:$0x8]  }
0x220: {  	p0 =	sne.s32 s26, s31  }
.Ltmp2:
0x221: {  	_ = 	snop;
	(pc) =	sbr.rel @p0 .LBB2_1-.Ltmp2, $3  }
0x222: {  	_ =	sdelay $0x1  }
0x223: {  	[sflag:s15] =	ssyncset.done $0x0  }
0x224: {  	[sflag:s15] =	ssyncadd.s32 $0xFFFF8000  }
0x225: {  	_ =	sfence.sel $0x180000  }
0x226: {  	[bflag:$0x0] =	sbarrier.arrive $0xFFFF  }
0x227: {  	_ =	strace $0x9000004A  }
0x228: {  	s0 =	stileid.u32;
	[bflag:$0x2] =	sbarrier.arrive $0xFFFF  }
0x229: {  	p0 =	sne.s32 s0, $0x0;
	s0 =	rddreg [dreg:$0x2]  }
0x22a: {  	s0 =	sadd.s32 @!p0 $0x100000, s0  }
0x22b: {  	[sflag:s0] =	ssyncadd.tile.s32 @!p0 $0x1;
	_ =	shalt  }
.Lfunc_end2:
_tile_overlayer_lowered:
.L_overlay_start_2:
0x22c: {  	(tag) =	ssettag $0x2  }
0x22d: {  	s0 =	rddreg [dreg:$0x0];
	s2 =	stileid.u32  }
0x22e: {  	s1 =	rddreg [dreg:$0x1];
	p0 =	sne.s32 s2, $0x0  }
0x22f: {  	s3 =	rddreg [dreg:$0x2];
	[bflag:$0x3] =	sbarrier.arrive $0xFFFF;
	s2 =	simm.s32 @!p0 $0x1C03  }
0x230: {  	[timem:s3], [sflag:s2] =	dma.local @!p0 [hbm:s0], s1  }
0x231: {  	s0 =	simm.s32 @!p0 $0x3  }
0x232: {  	_ =	swait.ge @!p0 [sflag:s0], s1  }
0x233: {  	s1 =	ssub.s32 @!p0 $0x0, s1;
	[sflag:s0] =	ssyncset.done @!p0 $0x0  }
0x234: {  	[sflag:s0] =	ssyncadd.s32 @!p0 s1  }
0x235: {  	[bflag:$0x3] =	sbarrier.arrive $0xFFFF  }
0x236: {  	_ =	shalt  }

// kernel: kernel.7.cloned.1.call-start
scs
__scs_entry_jumppad:
0x0: {  	(pc) =	sbr.rel $0x88, $3  }
0x1: {  	(tag) =	ssettag $0x0;
	lr =	simm.s32 $0x1  }
0x2: {  	[smem:$0x3F9A] =	sst lr;
	_ =	strace $0xD0000000  }
0x3: {  	_ = 	snop  }
0x4: {  	_ = 	snop  }
0x5: {  	_ = 	snop  }
0x6: {  	_ = 	snop  }
0x7: {  	_ = 	snop  }
__scs_overlays_trampoline_lowered:
0x8: {  	[smem:$0x3FA9] =	sst s0  }
0x9: {  	[smem:$0x3FAA] =	sst s1  }
0xa: {  	[smem:$0x3FAB] =	sst s2  }
0xb: {  	[smem:$0x3FAC] =	sst s3  }
0xc: {  	[smem:$0x3FAD] =	sst s4  }
0xd: {  	[smem:$0x3FAE] =	sst s5  }
0xe: {  	[smem:$0x3FAF] =	sst s6  }
0xf: {  	[smem:$0x3FB0] =	sst s7  }
0x10: {  	[smem:$0x3FB1] =	sst s8  }
0x11: {  	[smem:$0x3FB2] =	sst s9;
	s0 =	simm.s32 @!p0 $0x0  }
0x12: {  	s1 =	sld [smem:$0x3F98];
	s0 =	simm.s32 @p0 $0x1  }
0x13: {  	[smem:$0x3FB3] =	sst s0;
	s0 =	simm.s32 @!p1 $0x0  }
0x14: {  	s2 =	sld [smem:$0x3F97];
	s0 =	simm.s32 @p1 $0x1  }
0x15: {  	[smem:$0x3FB4] =	sst s0;
	s0 =	simm.s32 @!p2 $0x0  }
0x16: {  	s3 =	sld [smem:$0x3FDB];
	s0 =	simm.s32 @p2 $0x1  }
0x17: {  	s4 =	simm.s32 $0x1BF5;
	[smem:$0x3FB6] =	sst s0  }
0x18: {  	s0 =	sld [smem:$0x3F99];
	_ =	swait.ge [sflag:s4], $0x0  }
0x19: {  	s7 =	sld [smem:$0x3F9A]  }
0x1a: {  	s8 =	sadd.s32 $0xFFFFE003, lr  }
0x1b: {  	s9 =	sadd.s32 $0xFFFFFEF7, lr;
	s5 =	simm.s32 $0xFFFFFFFF;
	p2 =	slt.u32 s8, $0xFFFFF086  }
0x1c: {  	p1 =	slt.u32 s9, $0xF7A;
	s5 =	simm.s32 @!p2 $0x0  }
0x1d: {  	s5 =	simm.s32 @p1 $0x1;
	p0 =	seq.s32 s7, s2  }
0x1e: {  	s7 =	smul.u32 @!p0 $0xF7A, s2;
	p2 =	seq.s32 @!p0 s5, $0x0  }
0x1f: {  	s9 =	smul.u32 $0xF7A, s1;
	s8 =	simm.s32 @!p0 $0x1BF5;
	p2 =	por !p2, p0  }
0x20: {  	[sflag:s8] =	ssyncset.s32 @!p0 $0xFFFFF086;
	s6 =	sadd.s32 @!p0 s3, s7;
	s7 =	simm.s32 @!p0 $0x108  }
0x21: {  	s3 =	sadd.s32 s3, s9;
	s6 =	sadd.s32 @!p0 $0x88, s6;
	s7 =	simm.s32 @p2 $0x1082  }
0x22: {  	[simem:s7], [sflag:s8] =	dma.local @!p0 [hbm:s6], $0xF7A  }
0x23: {  	s9 =	sor.u32 $0xD0000000, s2;
	s6 =	simm.s32 $0x108;
	_ =	swait.ge @!p0 [sflag:s8], $0x0  }
0x24: {  	s3 =	sadd.s32 $0x88, s3;
	s6 =	simm.s32 @!p1 $0x1082;
	[sflag:s4] =	ssyncset.s32 $0xFFFFF086  }
0x25: {  	[simem:s6], [sflag:s4] =	dma.local [hbm:s3], $0xF7A  }
0x26: {  	[smem:$0x3F9A] =	sst s1;
	(tag) =	ssettag s2;
	_ =	strace s9  }
0x27: {  	s1 =	sld [smem:$0x3FAA]  }
0x28: {  	s2 =	sld [smem:$0x3FAB]  }
0x29: {  	s4 =	sld [smem:$0x3FAD]  }
0x2a: {  	p0 =	seq.s32 s5, $0x0;
	s5 =	sld [smem:$0x3FAE]  }
0x2b: {  	s6 =	sld [smem:$0x3FAF]  }
0x2c: {  	s7 =	sld [smem:$0x3FB0]  }
0x2d: {  	s3 =	simm.s32 $0x108;
	s8 =	sld [smem:$0x3FB1]  }
0x2e: {  	s3 =	simm.s32 @!p0 $0x1082;
	s9 =	sld [smem:$0x3FB2]  }
0x2f: {  	lr =	sadd.s32 s0, s3;
	s0 =	sld [smem:$0x3FA9]  }
0x30: {  	s3 =	sld [smem:$0x3FAC]  }
0x31: {  	[smem:$0x3FB5] =	sst s10  }
0x32: {  	s10 =	sld [smem:$0x3FB3];
	_ =	sdelay $0x3  }
0x33: {  	p0 =	seq.s32 s10, $0x1;
	s10 =	sld [smem:$0x3FB5];
	_ =	sdelay $0x3  }
0x34: {  	[smem:$0x3FB5] =	sst s10  }
0x35: {  	s10 =	sld [smem:$0x3FB4];
	_ =	sdelay $0x3  }
0x36: {  	p1 =	seq.s32 s10, $0x1;
	s10 =	sld [smem:$0x3FB5];
	_ =	sdelay $0x3  }
0x37: {  	[smem:$0x3FB5] =	sst s10  }
0x38: {  	s10 =	sld [smem:$0x3FB6]  }
0x39: {  	_ = 	snop;
	(pc) =	sbr.ind lr, $3  }
0x3a: {  	_ = 	snop  }
0x3b: {  	_ = 	snop  }
0x3c: {  	p2 =	seq.s32 s10, $0x1;
	s10 =	sld [smem:$0x3FB5]  }
0x3d: {  	_ =	shalt  }
0x3e: {  	_ =	shalt  }
0x3f: {  	_ =	shalt  }
0x40: {  	_ =	shalt  }
0x41: {  	_ =	shalt  }
0x42: {  	_ =	shalt  }
0x43: {  	_ =	shalt  }
0x44: {  	_ =	shalt  }
0x45: {  	_ =	shalt  }
0x46: {  	_ =	shalt  }
0x47: {  	_ =	shalt  }
0x48: {  	_ =	shalt  }
0x49: {  	_ =	shalt  }
0x4a: {  	_ =	shalt  }
0x4b: {  	_ =	shalt  }
0x4c: {  	_ =	shalt  }
0x4d: {  	_ =	shalt  }
0x4e: {  	_ =	shalt  }
0x4f: {  	_ =	shalt  }
0x50: {  	_ =	shalt  }
0x51: {  	_ =	shalt  }
0x52: {  	_ =	shalt  }
0x53: {  	_ =	shalt  }
0x54: {  	_ =	shalt  }
0x55: {  	_ =	shalt  }
0x56: {  	_ =	shalt  }
0x57: {  	_ =	shalt  }
0x58: {  	_ =	shalt  }
0x59: {  	_ =	shalt  }
0x5a: {  	_ =	shalt  }
0x5b: {  	_ =	shalt  }
0x5c: {  	_ =	shalt  }
0x5d: {  	_ =	shalt  }
0x5e: {  	_ =	shalt  }
0x5f: {  	_ =	shalt  }
0x60: {  	_ =	shalt  }
0x61: {  	_ =	shalt  }
0x62: {  	_ =	shalt  }
0x63: {  	_ =	shalt  }
0x64: {  	_ =	shalt  }
0x65: {  	_ =	shalt  }
0x66: {  	_ =	shalt  }
0x67: {  	_ =	shalt  }
0x68: {  	_ =	shalt  }
0x69: {  	_ =	shalt  }
0x6a: {  	_ =	shalt  }
0x6b: {  	_ =	shalt  }
0x6c: {  	_ =	shalt  }
0x6d: {  	_ =	shalt  }
0x6e: {  	_ =	shalt  }
0x6f: {  	_ =	shalt  }
0x70: {  	_ =	shalt  }
0x71: {  	_ =	shalt  }
0x72: {  	_ =	shalt  }
0x73: {  	_ =	shalt  }
0x74: {  	_ =	shalt  }
0x75: {  	_ =	shalt  }
0x76: {  	_ =	shalt  }
0x77: {  	_ =	shalt  }
0x78: {  	_ =	shalt  }
0x79: {  	_ =	shalt  }
0x7a: {  	_ =	shalt  }
0x7b: {  	_ =	shalt  }
0x7c: {  	_ =	shalt  }
0x7d: {  	_ =	shalt  }
0x7e: {  	_ =	shalt  }
0x7f: {  	_ =	shalt  }
0x80: {  	_ =	shalt  }
0x81: {  	_ =	shalt  }
0x82: {  	_ =	shalt  }
0x83: {  	_ =	shalt  }
0x84: {  	_ =	shalt  }
0x85: {  	_ =	shalt  }
0x86: {  	_ =	shalt  }
0x87: {  	_ =	shalt  }
.Lfunc_end0:
.L_simem_size_0:
called_computation_lowered:
.L_overlay_start_0:
0x88: {  	s2 =	sld [smem:$0x3FD9]  }
0x89: {  	s3 =	sld [smem:$0x3FFE];
	_ =	sdelay $0x1  }
0x8a: {  	s1 =	srdreg.scid  }
0x8b: {  	s0 =	sand.u32 $0x1, s1  }
0x8c: {  	s14 =	sshll.u32 s0, $0xA;
	s2 =	sadd.s32 s3, s2  }
0x8d: {  	s2 =	sadd.s32 s2, s14  }
0x8e: {  	[smem:$0x3FC1] =	sst s2  }
0x8f: {  	_ = 	snop  }
0x90: {  	s2 =	sld [smem:$0x3FD0];
	_ =	sdelay $0x2  }
0x91: {  	s4 =	simm.s32 $0xA;
	s5 =	simm.s32 $0x10;
	s15 =	sld [smem:$0x3FC9]  }
0x92: {  	[smem:s5], [sflag:s4] =	dma.local [hbm:s2], $0x1  }
0x93: {  	_ =	swait.eq [sflag:s4], $0x1  }
0x94: {  	[sflag:s4] =	ssyncset.done $0x0  }
0x95: {  	[sflag:s4] =	ssyncadd.s32 $0xFFFFFFFF  }
0x96: {  	s16 =	sld [smem:$0x10];
	(tm) =	ssettm $0x1  }
0x97: {  	s17 =	sld [smem:$0x3FFB];
	_ =	sdelay $0x3  }
0x98: {  	_ =	strace s17  }
0x99: {  	s4 =	sld [smem:$0x3FFC];
	_ =	sdelay $0x3  }
0x9a: {  	_ =	strace s4  }
0x9b: {  	s4 =	sld [smem:$0x3FFD];
	_ =	sdelay $0x3  }
0x9c: {  	_ =	strace s4  }
0x9d: {  	_ =	strace $0x8FFFFFFF  }
0x9e: {  	s18 =	sld [smem:$0x3FDB];
	_ =	sdelay $0x1  }
0x9f: {  	s19 =	simm.s32 $_scs_section_size  }
0xa0: {  	s6 =	simm.s32 $_size__tile_overlayer_lowered;
	s7 =	simm.s32 $_tile_overlayer_lowered  }
0xa1: {  	s22 =	simm.s32 $0x1BFF;
	s21 =	sshll.u32 s7, $0x1;
	s4 =	sadd.s32 s19, s18  }
0xa2: {  	s8 =	simm.s32 $0x0;
	s20 =	sshll.u32 s6, $0x1;
	s6 =	sadd.s32 s21, s4  }
0xa3: {  	[timem:s8], [sflag:s22] =	dma.local [hbm:s6], s20  }
0xa4: {  	_ =	swait.ge [sflag:s22], s20  }
0xa5: {  	s5 =	ssub.s32 $0x0, s20;
	[sflag:s22] =	ssyncset.done $0x0  }
0xa6: {  	[sflag:s22] =	ssyncadd.s32 s5;
	_ =	sdelay $0x1  }
0xa7: {  	s23 =	simm.s32 $0x1B8B  }
0xa8: {  	_ =	swait.ge [sflag:s23], $0x1  }
0xa9: {  	[sflag:s23] =	ssyncset.done $0x0  }
0xaa: {  	s25 =	simm.s32 $0x1B8E;
	s24 =	sld [smem:$0x3FFE];
	[sflag:s23] =	ssyncadd.s32 $0xFFFFFFFF  }
0xab: {  	s26 =	simm.s32 $execute0_lowered;
	[smem:$0x3FD2] =	sst s25  }
0xac: {  	s6 =	sshll.u32 s26, $0x1;
	_ =	strace $0x80000046;
	[dreg:$0x1] =	wrdreg $0xFFFFFFFF  }
0xad: {  	s28 =	simm.s32 $_size_execute0_lowered;
	s4 =	sadd.s32 s4, s6;
	[dreg:$0x0] =	wrdreg $0x0  }
0xae: {  	s6 =	sshll.u32 s28, $0x1;
	[dreg:$0x2] =	wrdreg s4  }
0xaf: {  	[dreg:$0x3] =	wrdreg s6  }
0xb0: {  	[dreg:$0x4] =	wrdreg $0xC0  }
0xb1: {  	_ =	task [dreg:s8], $0x5FFFF  }
0xb2: {  	[dreg:$0x1] =	wrdreg $0xFFFFFFFF  }
0xb3: {  	[dreg:$0x0] =	wrdreg $0x60  }
0xb4: {  	[dreg:$0x2] =	wrdreg s15  }
0xb5: {  	[dreg:$0x3] =	wrdreg s24  }
0xb6: {  	[dreg:$0x4] =	wrdreg s16  }
0xb7: {  	[dreg:$0x5] =	wrdreg $0x9  }
0xb8: {  	_ =	task.clear_ibuf [dreg:s8], $0x6FFFF;
	_ =	strace $0x90000046  }
0xb9: {  	s29 =	simm.s32 $0x9;
	_ =	strace $0x80000048  }
0xba: {  	_ =	swait.ge [sflag:s29], $0x1  }
0xbb: {  	[sflag:s29] =	ssyncadd.s32 $0xFFFFFFFF  }
0xbc: {  	_ =	strace $0x90000048  }
0xbd: {  	_ =	sfence  }
0xbe: {  	s30 =	sld [smem:$0x0];
	_ =	sdelay $0x2  }
0xbf: {  	s31 =	sshll.u32 s1, $0xD;
	s1 =	sshrl.u32 s1, $0x2  }
0xc0: {  	s3 =	sand.u32 $0x4000, s31;
	s1 =	sadd.s32 s1, s30  }
0xc1: {  	s0 =	sor.u32 s3, s0;
	s1 =	sshll.u32 s1, $0x11  }
0xc2: {  	s0 =	sor.u32 s1, s0  }
0xc3: {  	s0 =	sadd.s32 $0x8F2B, s0  }
0xc4: {  	[sflag:s0] =	ssyncadd.remote.s32 $0x1  }
0xc5: {  	_ =	sfence.sel $0xFFFF  }
0xc6: {  	[dreg:$0x0] =	wrdreg $0xFFFFFFFF;
	(pc) =	sbr.abs _section_cstart, $3  }
0xc7: {  	[dreg:$0x1] =	wrdreg $0xFFFFFFFF  }
0xc8: {  	_ =	task.clear_ibuf [dreg:s8], $0x2FFFF;
	_ =	strace $0x9FFFFFFF  }
0xc9: {  	(tm) =	ssettm $0x7FFFFFFF  }
tec
execute0_lowered:
.L_overlay_start_1:
0x0: {  	(tag) =	ssettag $0x1  }
0x1: {  	s1 =	rddreg [dreg:$0x0]  }
0x2: {  	s0 =	rddreg [dreg:$0x1]  }
0x3: {  	s7 =	stileid.u32;
	s3 =	srdreg.scid  }
0x4: {  	s28 =	simm.s32 $0x10000;
	s29 =	simm.s32 $0x7000;
	s30 =	simm.s32 $0x7800  }
0x5: {  	s31 =	simm.s32 $0x20;
	s4 =	sshll.u32 s7, $0x1;
	s5 =	sand.u32 $0x1, s3  }
0x6: {  	s3 =	simm.s32 $0x0;
	s24 =	sshll.u32 s7, $0x8;
	s10 =	sadd.s32 $0x1A00, s0  }
0x7: {  	s11 =	sadd.s32 $0x1C00, s0;
	s4 =	sand.u32 $0xE, s4;
	[smem:$0x7FF] =	sst s3  }
0x8: {  	s8 =	sand.u32 $0x800, s24;
	s6 =	sor.u32 s5, s4;
	_ =	strace $0x80000047  }
0x9: {  	s4 =	sadd.s32 $0x11C00, s0;
	s5 =	ssub.s32 $0x2, s5;
	s25 =	sshll.u32 s6, $0x7  }
0xa: {  	s6 =	sshll.u32 s6, $0xE;
	s14 =	sshrl.u32 s5, $0x1;
	s9 =	sor.u32 s8, s25  }
0xb: {  	s26 =	sor.u32 $0x20, s25;
	s6 =	sadd.s32 s1, s6;
	s15 =	sor.u32 $0x40, s25  }
0xc: {  	s14 =	ssub.s32 s5, s14;
	s21 =	sor.u32 $0x60, s25;
	s12 =	sshrl.u32 s9, $0x3  }
0xd: {  	s9 =	sshll.u32 s9, $0x4;
	s13 =	sor.u32 s8, s26;
	[dreg:$0x6] =	wrdreg s6  }
0xe: {  	s16 =	sor.u32 s8, s15;
	s22 =	sshll.u32 s15, $0x7;
	s8 =	sor.u32 s8, s21  }
0xf: {  	s15 =	simm.s32 $0x1800;
	s12 =	sadd.s32 s10, s12;
	s9 =	sadd.s32 s11, s9  }
0x10: {  	s2 =	sshrl.u32 s13, $0x3;
	s13 =	sshll.u32 s13, $0x4;
	s18 =	sshrl.u32 s16, $0x3  }
0x11: {  	s20 =	sshll.u32 s16, $0x4;
	s23 =	sadd.s32 s1, s22;
	s24 =	sshrl.u32 s8, $0x3  }
0x12: {  	s16 =	simm.s32 $0x2000;
	s22 =	simm.s32 $0x5000;
	[dreg:$0x4] =	wrdreg s12  }
0x13: {  	[dreg:$0x5] =	wrdreg s9;
	s9 =	sadd.s32 s10, s2;
	s6 =	sadd.s32 s11, s13  }
0x14: {  	s12 =	sshll.u32 s26, $0x7;
	s19 =	sadd.s32 s10, s18;
	s5 =	sadd.s32 s11, s20  }
0x15: {  	[dreg:$0xc] =	wrdreg s23;
	s25 =	sadd.s32 s10, s24;
	s26 =	sshll.u32 s8, $0x4  }
0x16: {  	s8 =	smax.u32 s14, $0x1;
	s10 =	simm.s32 $0x5;
	[dreg:$0x7] =	wrdreg s9  }
0x17: {  	s14 =	simm.s32 $0x1;
	s18 =	simm.s32 $0x3000;
	[dreg:$0x8] =	wrdreg s6  }
0x18: {  	s20 =	simm.s32 $0x4000;
	s23 =	simm.s32 $0x5800;
	[dreg:$0xa] =	wrdreg s19  }
0x19: {  	s24 =	simm.s32 $0x6000;
	s13 =	simm.s32 $0x8000;
	[dreg:$0xb] =	wrdreg s5  }
0x1a: {  	s17 =	sadd.s32 s1, s12;
	[dreg:$0xd] =	wrdreg s25;
	s7 =	sadd.s32 s11, s26  }
0x1b: {  	s6 =	sshll.u32 s21, $0x7;
	s5 =	sadd.s32 $0x11D00, s0;
	s26 =	simm.s32 $0x3  }
0x1c: {  	s19 =	simm.s32 $0x3800;
	s21 =	simm.s32 $0x4800;
	[dreg:$0x9] =	wrdreg s17  }
0x1d: {  	v2 =	vlaneseq.u32;
	s25 =	simm.s32 $0x12080;
	[dreg:$0xe] =	wrdreg s7;
	s1 =	sadd.s32 s1, s6  }
0x1e: {  	vm0 =	vmmov $0xffff;
	v1 =	vshrl.u32 v2, $0x3;
	s6 =	sadd.s32 $0x11E00, s0;
	s7 =	sadd.s32 $0x11F00, s0;
	s0 =	simm.s32 $0x4  }
0x1f: {  	v0 =	vand.u32 $0x7, v2;
	v2 =	vor.u32 $0x8, v2;
	v1 =	vmul.u32 $0x8, v1;
	s17 =	simm.s32 $0x2800;
	[dreg:$0xf] =	wrdreg s1;
	s1 =	simm.s32 $0x2  }
.LBB2_1:
0x20: {  	s12 =	rddreg [dreg:$0x4];
	s11 =	simm.s32 $0x12000  }
0x21: {  	[tilespmem:s11], [sflag:$0x5] =	stream.linear.gather [hbm4b:s12+s3], $0x20, $0x38;
	[tilespmem:$0x12100] =	vst v63  }
0x22: {  	_ =	swait.ge [sflag:s10], $0x20  }
0x23: {  	[sflag:s10] =	ssyncset.done $0x0  }
0x24: {  	s9 =	rddreg [dreg:$0x5];
	[sflag:s10] =	ssyncadd.s32 $0xFFFFFFE0  }
0x25: {  	[tilespmem:s28], [sflag:$0x5] =	stream.linear.gather [hbm4b:s9+s3], $0x1000, $0x38;
	[tilespmem:$0x12100] =	vst v63  }
0x26: {  	_ =	swait.ge [sflag:s10], $0x1000  }
0x27: {  	[sflag:s10] =	ssyncset.done $0x0  }
0x28: {  	s2 =	rddreg [dreg:$0x6];
	[sflag:s10] =	ssyncadd.s32 $0xFFFFF000  }
0x29: {  	[tilespmem:s3], [sflag:$0x5] =	stream.linear.gather [hbm4b:s2+s3], $0x8000, $0x38;
	[tilespmem:$0x12100] =	vst v63  }
0x2a: {  	_ =	swait.ge [sflag:s10], $0x8000  }
0x2b: {  	[sflag:s10] =	ssyncset.done $0x0  }
0x2c: {  	[sflag:s10] =	ssyncadd.s32 $0xFFFF8000  }
0x2d: {  	v3 =	vld [tilespmem:$0x12000];
	_ =	sdelay $0x4  }
0x2e: {  	v4 =	vshll.u32 v3, $0x3  }
0x2f: {  	v3 =	vand.u32 $0x7, v3;
	v4 =	vand.u32 $0xFFFFFFC0, v4  }
0x30: {  	v3 =	vor.u32 v3, v4  }
0x31: {  	v4 =	vperm.xlane v3, v0;
	_ =	sdelay $0x1  }
0x32: {  	v4 =	vadd.s32 v1, v4;
	_ =	sdelay $0x4  }
0x33: {  	[hbm4b:s4+s3] =	stream.indirect_vreg.scatter [tilespmem:s3], [sflag:$0x1], $0x80, v4, vm0, $0xb8;
	[tilespmem:$0x12100] =	vst v63  }
0x34: {  	s2 =	simm.s32 $0x800;
	v3 =	vperm.xlane v3, v2  }
0x35: {  	[hbm4b:s5+s3] =	stream.indirect_vreg.scatter [tilespmem:s2], [sflag:$0x1], $0x80, v4, vm0, $0xb8;
	[tilespmem:$0x12100] =	vst v63  }
0x36: {  	s9 =	simm.s32 $0x1000;
	v3 =	vadd.s32 v1, v3  }
0x37: {  	[hbm4b:s6+s3] =	stream.indirect_vreg.scatter [tilespmem:s9], [sflag:$0x1], $0x80, v4, vm0, $0xb8;
	[tilespmem:$0x12100] =	vst v63  }
0x38: {  	_ = 	snop  }
0x39: {  	[hbm4b:s7+s3] =	stream.indirect_vreg.scatter [tilespmem:s15], [sflag:$0x1], $0x80, v4, vm0, $0xb8;
	[tilespmem:$0x12100] =	vst v63  }
0x3a: {  	_ = 	snop  }
0x3b: {  	[hbm4b:s4+s3] =	stream.indirect_vreg.scatter [tilespmem:s16], [sflag:$0x1], $0x80, v3, vm0, $0xb8;
	[tilespmem:$0x12100] =	vst v63  }
0x3c: {  	_ = 	snop  }
0x3d: {  	[hbm4b:s5+s3] =	stream.indirect_vreg.scatter [tilespmem:s17], [sflag:$0x1], $0x80, v3, vm0, $0xb8;
	[tilespmem:$0x12100] =	vst v63  }
0x3e: {  	_ = 	snop  }
0x3f: {  	[hbm4b:s6+s3] =	stream.indirect_vreg.scatter [tilespmem:s18], [sflag:$0x1], $0x80, v3, vm0, $0xb8;
	[tilespmem:$0x12100] =	vst v63  }
0x40: {  	_ = 	snop  }
0x41: {  	[hbm4b:s7+s3] =	stream.indirect_vreg.scatter [tilespmem:s19], [sflag:$0x1], $0x80, v3, vm0, $0xb8;
	[tilespmem:$0x12100] =	vst v63  }
0x42: {  	v3 =	vld [tilespmem:$0x12010];
	_ =	sdelay $0x4  }
0x43: {  	v57 =	vshll.u32 v3, $0x3  }
0x44: {  	v3 =	vand.u32 $0x7, v3;
	v4 =	vand.u32 $0xFFFFFFC0, v57  }
0x45: {  	v3 =	vor.u32 v3, v4  }
0x46: {  	v4 =	vperm.xlane v3, v0;
	_ =	sdelay $0x1  }
0x47: {  	v4 =	vadd.s32 v1, v4;
	_ =	sdelay $0x4  }
0x48: {  	[hbm4b:s4+s3] =	stream.indirect_vreg.scatter [tilespmem:s20], [sflag:$0x1], $0x80, v4, vm0, $0xb8;
	[tilespmem:$0x12100] =	vst v63  }
0x49: {  	v3 =	vperm.xlane v3, v2  }
0x4a: {  	[hbm4b:s5+s3] =	stream.indirect_vreg.scatter [tilespmem:s21], [sflag:$0x1], $0x80, v4, vm0, $0xb8;
	[tilespmem:$0x12100] =	vst v63  }
0x4b: {  	v3 =	vadd.s32 v1, v3  }
0x4c: {  	[hbm4b:s6+s3] =	stream.indirect_vreg.scatter [tilespmem:s22], [sflag:$0x1], $0x80, v4, vm0, $0xb8;
	[tilespmem:$0x12100] =	vst v63  }
0x4d: {  	_ = 	snop  }
0x4e: {  	[hbm4b:s7+s3] =	stream.indirect_vreg.scatter [tilespmem:s23], [sflag:$0x1], $0x80, v4, vm0, $0xb8;
	[tilespmem:$0x12100] =	vst v63  }
0x4f: {  	_ = 	snop  }
0x50: {  	[hbm4b:s4+s3] =	stream.indirect_vreg.scatter [tilespmem:s24], [sflag:$0x1], $0x80, v3, vm0, $0xb8;
	[tilespmem:$0x12100] =	vst v63  }
0x51: {  	s12 =	simm.s32 $0x6800  }
0x52: {  	[hbm4b:s5+s3] =	stream.indirect_vreg.scatter [tilespmem:s12], [sflag:$0x1], $0x80, v3, vm0, $0xb8;
	[tilespmem:$0x12100] =	vst v63  }
0x53: {  	_ = 	snop  }
0x54: {  	[hbm4b:s6+s3] =	stream.indirect_vreg.scatter [tilespmem:s29], [sflag:$0x1], $0x80, v3, vm0, $0xb8;
	[tilespmem:$0x12100] =	vst v63  }
0x55: {  	_ = 	snop  }
0x56: {  	[hbm4b:s7+s3] =	stream.indirect_vreg.scatter [tilespmem:s30], [sflag:$0x1], $0x80, v3, vm0, $0xb8;
	[tilespmem:$0x12100] =	vst v63  }
0x57: {  	s9 =	rddreg [dreg:$0x2]  }
0x58: {  	[hbm4b:s9+s31] =	stream.indirect.scatter [tilespmem:s28], [sflag:$0x3], $0x80, s11, s31, $0xb8;
	[tilespmem:$0x12100] =	vst v63  }
0x59: {  	s2 =	rddreg [dreg:$0x7]  }
0x5a: {  	[tilespmem:s25], [sflag:$0x5] =	stream.linear.gather [hbm4b:s2+s3], $0x20, $0x38;
	[tilespmem:$0x12100] =	vst v63  }
0x5b: {  	_ =	swait.ge [sflag:s10], $0x20  }
0x5c: {  	[sflag:s10] =	ssyncset.done $0x0  }
0x5d: {  	s2 =	simm.s32 $0x11000;
	s12 =	rddreg [dreg:$0x8];
	[sflag:s10] =	ssyncadd.s32 $0xFFFFFFE0  }
0x5e: {  	[tilespmem:s2], [sflag:$0x5] =	stream.linear.gather [hbm4b:s12+s3], $0x1000, $0x38;
	[tilespmem:$0x12100] =	vst v63  }
0x5f: {  	_ =	swait.ge [sflag:s10], $0x1000  }
0x60: {  	[sflag:s10] =	ssyncset.done $0x0  }
0x61: {  	s12 =	rddreg [dreg:$0x9];
	[sflag:s10] =	ssyncadd.s32 $0xFFFFF000  }
0x62: {  	[tilespmem:s13], [sflag:$0x5] =	stream.linear.gather [hbm4b:s12+s3], $0x8000, $0x38;
	[tilespmem:$0x12100] =	vst v63  }
0x63: {  	_ =	swait.ge [sflag:s10], $0x8000  }
0x64: {  	[sflag:s10] =	ssyncset.done $0x0  }
0x65: {  	[sflag:s10] =	ssyncadd.s32 $0xFFFF8000  }
0x66: {  	v3 =	vld [tilespmem:$0x12080];
	_ =	sdelay $0x4  }
0x67: {  	v58 =	vshll.u32 v3, $0x3  }
0x68: {  	v3 =	vand.u32 $0x7, v3;
	v4 =	vand.u32 $0xFFFFFFC0, v58  }
0x69: {  	v3 =	vor.u32 v3, v4  }
0x6a: {  	v4 =	vperm.xlane v3, v0;
	_ =	sdelay $0x1  }
0x6b: {  	v4 =	vadd.s32 v1, v4;
	_ =	sdelay $0x4  }
0x6c: {  	[hbm4b:s4+s3] =	stream.indirect_vreg.scatter [tilespmem:s13], [sflag:$0x2], $0x80, v4, vm0, $0xb8;
	[tilespmem:$0x12100] =	vst v63  }
0x6d: {  	s12 =	simm.s32 $0x8800;
	v3 =	vperm.xlane v3, v2  }
0x6e: {  	[hbm4b:s5+s3] =	stream.indirect_vreg.scatter [tilespmem:s12], [sflag:$0x2], $0x80, v4, vm0, $0xb8;
	[tilespmem:$0x12100] =	vst v63  }
0x6f: {  	v3 =	vadd.s32 v1, v3;
	s12 =	simm.s32 $0x9000  }
0x70: {  	[hbm4b:s6+s3] =	stream.indirect_vreg.scatter [tilespmem:s12], [sflag:$0x2], $0x80, v4, vm0, $0xb8;
	[tilespmem:$0x12100] =	vst v63  }
0x71: {  	s12 =	simm.s32 $0x9800  }
0x72: {  	[hbm4b:s7+s3] =	stream.indirect_vreg.scatter [tilespmem:s12], [sflag:$0x2], $0x80, v4, vm0, $0xb8;
	[tilespmem:$0x12100] =	vst v63  }
0x73: {  	s12 =	simm.s32 $0xA000  }
0x74: {  	[hbm4b:s4+s3] =	stream.indirect_vreg.scatter [tilespmem:s12], [sflag:$0x2], $0x80, v3, vm0, $0xb8;
	[tilespmem:$0x12100] =	vst v63  }
0x75: {  	s12 =	simm.s32 $0xA800  }
0x76: {  	[hbm4b:s5+s3] =	stream.indirect_vreg.scatter [tilespmem:s12], [sflag:$0x2], $0x80, v3, vm0, $0xb8;
	[tilespmem:$0x12100] =	vst v63  }
0x77: {  	s12 =	simm.s32 $0xB000  }
0x78: {  	[hbm4b:s6+s3] =	stream.indirect_vreg.scatter [tilespmem:s12], [sflag:$0x2], $0x80, v3, vm0, $0xb8;
	[tilespmem:$0x12100] =	vst v63  }
0x79: {  	s12 =	simm.s32 $0xB800  }
0x7a: {  	[hbm4b:s7+s3] =	stream.indirect_vreg.scatter [tilespmem:s12], [sflag:$0x2], $0x80, v3, vm0, $0xb8;
	[tilespmem:$0x12100] =	vst v63  }
0x7b: {  	v3 =	vld [tilespmem:$0x12090];
	_ =	sdelay $0x4  }
0x7c: {  	v59 =	vshll.u32 v3, $0x3  }
0x7d: {  	v3 =	vand.u32 $0x7, v3;
	v4 =	vand.u32 $0xFFFFFFC0, v59  }
0x7e: {  	v3 =	vor.u32 v3, v4  }
0x7f: {  	v4 =	vperm.xlane v3, v0;
	_ =	sdelay $0x1  }
0x80: {  	v4 =	vadd.s32 v1, v4;
	_ =	sdelay $0x3  }
0x81: {  	s12 =	simm.s32 $0xC000  }
0x82: {  	[hbm4b:s4+s3] =	stream.indirect_vreg.scatter [tilespmem:s12], [sflag:$0x2], $0x80, v4, vm0, $0xb8;
	[tilespmem:$0x12100] =	vst v63  }
0x83: {  	v3 =	vperm.xlane v3, v2;
	s12 =	simm.s32 $0xC800  }
0x84: {  	[hbm4b:s5+s3] =	stream.indirect_vreg.scatter [tilespmem:s12], [sflag:$0x2], $0x80, v4, vm0, $0xb8;
	[tilespmem:$0x12100] =	vst v63  }
0x85: {  	v3 =	vadd.s32 v1, v3;
	s12 =	simm.s32 $0xD000  }
0x86: {  	[hbm4b:s6+s3] =	stream.indirect_vreg.scatter [tilespmem:s12], [sflag:$0x2], $0x80, v4, vm0, $0xb8;
	[tilespmem:$0x12100] =	vst v63  }
0x87: {  	s12 =	simm.s32 $0xD800  }
0x88: {  	[hbm4b:s7+s3] =	stream.indirect_vreg.scatter [tilespmem:s12], [sflag:$0x2], $0x80, v4, vm0, $0xb8;
	[tilespmem:$0x12100] =	vst v63  }
0x89: {  	s12 =	simm.s32 $0xE000  }
0x8a: {  	[hbm4b:s4+s3] =	stream.indirect_vreg.scatter [tilespmem:s12], [sflag:$0x2], $0x80, v3, vm0, $0xb8;
	[tilespmem:$0x12100] =	vst v63  }
0x8b: {  	s12 =	simm.s32 $0xE800  }
0x8c: {  	[hbm4b:s5+s3] =	stream.indirect_vreg.scatter [tilespmem:s12], [sflag:$0x2], $0x80, v3, vm0, $0xb8;
	[tilespmem:$0x12100] =	vst v63  }
0x8d: {  	s12 =	simm.s32 $0xF000  }
0x8e: {  	[hbm4b:s6+s3] =	stream.indirect_vreg.scatter [tilespmem:s12], [sflag:$0x2], $0x80, v3, vm0, $0xb8;
	[tilespmem:$0x12100] =	vst v63  }
0x8f: {  	s12 =	simm.s32 $0xF800  }
0x90: {  	[hbm4b:s7+s3] =	stream.indirect_vreg.scatter [tilespmem:s12], [sflag:$0x2], $0x80, v3, vm0, $0xb8;
	[tilespmem:$0x12100] =	vst v63  }
0x91: {  	_ = 	snop  }
0x92: {  	[hbm4b:s9+s31] =	stream.indirect.scatter [tilespmem:s2], [sflag:$0x4], $0x80, s25, s31, $0xb8;
	[tilespmem:$0x12100] =	vst v63  }
0x93: {  	_ =	swait.ge [sflag:s14], $0x8000  }
0x94: {  	[sflag:s14] =	ssyncset.done $0x0  }
0x95: {  	[sflag:s14] =	ssyncadd.s32 $0xFFFF8000  }
0x96: {  	_ =	swait.ge [sflag:s26], $0x1000  }
0x97: {  	[sflag:s26] =	ssyncset.done $0x0  }
0x98: {  	s12 =	rddreg [dreg:$0xa];
	[sflag:s26] =	ssyncadd.s32 $0xFFFFF000  }
0x99: {  	[tilespmem:s11], [sflag:$0x5] =	stream.linear.gather [hbm4b:s12+s3], $0x20, $0x38;
	[tilespmem:$0x12100] =	vst v63  }
0x9a: {  	_ =	swait.ge [sflag:s10], $0x20  }
0x9b: {  	[sflag:s10] =	ssyncset.done $0x0  }
0x9c: {  	s12 =	rddreg [dreg:$0xb];
	[sflag:s10] =	ssyncadd.s32 $0xFFFFFFE0  }
0x9d: {  	[tilespmem:s28], [sflag:$0x5] =	stream.linear.gather [hbm4b:s12+s3], $0x1000, $0x38;
	[tilespmem:$0x12100] =	vst v63  }
0x9e: {  	_ =	swait.ge [sflag:s10], $0x1000  }
0x9f: {  	[sflag:s10] =	ssyncset.done $0x0  }
0xa0: {  	s12 =	rddreg [dreg:$0xc];
	[sflag:s10] =	ssyncadd.s32 $0xFFFFF000  }
0xa1: {  	[tilespmem:s3], [sflag:$0x5] =	stream.linear.gather [hbm4b:s12+s3], $0x8000, $0x38;
	[tilespmem:$0x12100] =	vst v63  }
0xa2: {  	_ =	swait.ge [sflag:s10], $0x8000  }
0xa3: {  	[sflag:s10] =	ssyncset.done $0x0  }
0xa4: {  	[sflag:s10] =	ssyncadd.s32 $0xFFFF8000  }
0xa5: {  	v3 =	vld [tilespmem:$0x12000];
	_ =	sdelay $0x4  }
0xa6: {  	v60 =	vshll.u32 v3, $0x3  }
0xa7: {  	v3 =	vand.u32 $0x7, v3;
	v4 =	vand.u32 $0xFFFFFFC0, v60  }
0xa8: {  	v3 =	vor.u32 v3, v4  }
0xa9: {  	v4 =	vperm.xlane v3, v0;
	_ =	sdelay $0x1  }
0xaa: {  	v4 =	vadd.s32 v1, v4;
	_ =	sdelay $0x4  }
0xab: {  	[hbm4b:s4+s3] =	stream.indirect_vreg.scatter [tilespmem:s3], [sflag:$0x1], $0x80, v4, vm0, $0xb8;
	[tilespmem:$0x12100] =	vst v63  }
0xac: {  	s12 =	simm.s32 $0x800;
	v3 =	vperm.xlane v3, v2  }
0xad: {  	[hbm4b:s5+s3] =	stream.indirect_vreg.scatter [tilespmem:s12], [sflag:$0x1], $0x80, v4, vm0, $0xb8;
	[tilespmem:$0x12100] =	vst v63  }
0xae: {  	v3 =	vadd.s32 v1, v3;
	s12 =	simm.s32 $0x1000  }
0xaf: {  	[hbm4b:s6+s3] =	stream.indirect_vreg.scatter [tilespmem:s12], [sflag:$0x1], $0x80, v4, vm0, $0xb8;
	[tilespmem:$0x12100] =	vst v63  }
0xb0: {  	_ = 	snop  }
0xb1: {  	[hbm4b:s7+s3] =	stream.indirect_vreg.scatter [tilespmem:s15], [sflag:$0x1], $0x80, v4, vm0, $0xb8;
	[tilespmem:$0x12100] =	vst v63  }
0xb2: {  	_ = 	snop  }
0xb3: {  	[hbm4b:s4+s3] =	stream.indirect_vreg.scatter [tilespmem:s16], [sflag:$0x1], $0x80, v3, vm0, $0xb8;
	[tilespmem:$0x12100] =	vst v63  }
0xb4: {  	_ = 	snop  }
0xb5: {  	[hbm4b:s5+s3] =	stream.indirect_vreg.scatter [tilespmem:s17], [sflag:$0x1], $0x80, v3, vm0, $0xb8;
	[tilespmem:$0x12100] =	vst v63  }
0xb6: {  	_ = 	snop  }
0xb7: {  	[hbm4b:s6+s3] =	stream.indirect_vreg.scatter [tilespmem:s18], [sflag:$0x1], $0x80, v3, vm0, $0xb8;
	[tilespmem:$0x12100] =	vst v63  }
0xb8: {  	_ = 	snop  }
0xb9: {  	[hbm4b:s7+s3] =	stream.indirect_vreg.scatter [tilespmem:s19], [sflag:$0x1], $0x80, v3, vm0, $0xb8;
	[tilespmem:$0x12100] =	vst v63  }
0xba: {  	v3 =	vld [tilespmem:$0x12010];
	_ =	sdelay $0x4  }
0xbb: {  	v61 =	vshll.u32 v3, $0x3  }
0xbc: {  	v3 =	vand.u32 $0x7, v3;
	v4 =	vand.u32 $0xFFFFFFC0, v61  }
0xbd: {  	v3 =	vor.u32 v3, v4  }
0xbe: {  	v4 =	vperm.xlane v3, v0;
	_ =	sdelay $0x1  }
0xbf: {  	v4 =	vadd.s32 v1, v4;
	_ =	sdelay $0x4  }
0xc0: {  	[hbm4b:s4+s3] =	stream.indirect_vreg.scatter [tilespmem:s20], [sflag:$0x1], $0x80, v4, vm0, $0xb8;
	[tilespmem:$0x12100] =	vst v63  }
0xc1: {  	v3 =	vperm.xlane v3, v2  }
0xc2: {  	[hbm4b:s5+s3] =	stream.indirect_vreg.scatter [tilespmem:s21], [sflag:$0x1], $0x80, v4, vm0, $0xb8;
	[tilespmem:$0x12100] =	vst v63  }
0xc3: {  	v3 =	vadd.s32 v1, v3  }
0xc4: {  	[hbm4b:s6+s3] =	stream.indirect_vreg.scatter [tilespmem:s22], [sflag:$0x1], $0x80, v4, vm0, $0xb8;
	[tilespmem:$0x12100] =	vst v63  }
0xc5: {  	_ = 	snop  }
0xc6: {  	[hbm4b:s7+s3] =	stream.indirect_vreg.scatter [tilespmem:s23], [sflag:$0x1], $0x80, v4, vm0, $0xb8;
	[tilespmem:$0x12100] =	vst v63  }
0xc7: {  	_ = 	snop  }
0xc8: {  	[hbm4b:s4+s3] =	stream.indirect_vreg.scatter [tilespmem:s24], [sflag:$0x1], $0x80, v3, vm0, $0xb8;
	[tilespmem:$0x12100] =	vst v63  }
0xc9: {  	s12 =	simm.s32 $0x6800  }
0xca: {  	[hbm4b:s5+s3] =	stream.indirect_vreg.scatter [tilespmem:s12], [sflag:$0x1], $0x80, v3, vm0, $0xb8;
	[tilespmem:$0x12100] =	vst v63  }
0xcb: {  	_ = 	snop  }
0xcc: {  	[hbm4b:s6+s3] =	stream.indirect_vreg.scatter [tilespmem:s29], [sflag:$0x1], $0x80, v3, vm0, $0xb8;
	[tilespmem:$0x12100] =	vst v63  }
0xcd: {  	_ = 	snop  }
0xce: {  	[hbm4b:s7+s3] =	stream.indirect_vreg.scatter [tilespmem:s30], [sflag:$0x1], $0x80, v3, vm0, $0xb8;
	[tilespmem:$0x12100] =	vst v63  }
0xcf: {  	_ = 	snop  }
0xd0: {  	[hbm4b:s9+s31] =	stream.indirect.scatter [tilespmem:s28], [sflag:$0x3], $0x80, s11, s31, $0xb8;
	[tilespmem:$0x12100] =	vst v63  }
0xd1: {  	_ =	swait.ge [sflag:s1], $0x8000  }
0xd2: {  	[sflag:s1] =	ssyncset.done $0x0  }
0xd3: {  	[sflag:s1] =	ssyncadd.s32 $0xFFFF8000  }
0xd4: {  	_ =	swait.ge [sflag:s0], $0x1000  }
0xd5: {  	[sflag:s0] =	ssyncset.done $0x0  }
0xd6: {  	s11 =	rddreg [dreg:$0xd];
	[sflag:s0] =	ssyncadd.s32 $0xFFFFF000  }
0xd7: {  	[tilespmem:s25], [sflag:$0x5] =	stream.linear.gather [hbm4b:s11+s3], $0x20, $0x38;
	[tilespmem:$0x12100] =	vst v63  }
0xd8: {  	_ =	swait.ge [sflag:s10], $0x20  }
0xd9: {  	[sflag:s10] =	ssyncset.done $0x0  }
0xda: {  	s11 =	rddreg [dreg:$0xe];
	[sflag:s10] =	ssyncadd.s32 $0xFFFFFFE0  }
0xdb: {  	[tilespmem:s2], [sflag:$0x5] =	stream.linear.gather [hbm4b:s11+s3], $0x1000, $0x38;
	[tilespmem:$0x12100] =	vst v63  }
0xdc: {  	_ =	swait.ge [sflag:s10], $0x1000  }
0xdd: {  	[sflag:s10] =	ssyncset.done $0x0  }
0xde: {  	s11 =	rddreg [dreg:$0xf];
	[sflag:s10] =	ssyncadd.s32 $0xFFFFF000  }
0xdf: {  	[tilespmem:s13], [sflag:$0x5] =	stream.linear.gather [hbm4b:s11+s3], $0x8000, $0x38;
	[tilespmem:$0x12100] =	vst v63  }
0xe0: {  	_ =	swait.ge [sflag:s10], $0x8000  }
0xe1: {  	[sflag:s10] =	ssyncset.done $0x0  }
0xe2: {  	[sflag:s10] =	ssyncadd.s32 $0xFFFF8000  }
0xe3: {  	v3 =	vld [tilespmem:$0x12080];
	_ =	sdelay $0x4  }
0xe4: {  	v62 =	vshll.u32 v3, $0x3  }
0xe5: {  	v3 =	vand.u32 $0x7, v3;
	v4 =	vand.u32 $0xFFFFFFC0, v62  }
0xe6: {  	v3 =	vor.u32 v3, v4  }
0xe7: {  	v4 =	vperm.xlane v3, v0;
	_ =	sdelay $0x1  }
0xe8: {  	v4 =	vadd.s32 v1, v4;
	_ =	sdelay $0x4  }
0xe9: {  	[hbm4b:s4+s3] =	stream.indirect_vreg.scatter [tilespmem:s13], [sflag:$0x2], $0x80, v4, vm0, $0xb8;
	[tilespmem:$0x12100] =	vst v63  }
0xea: {  	s12 =	simm.s32 $0x8800;
	v3 =	vperm.xlane v3, v2  }
0xeb: {  	[hbm4b:s5+s3] =	stream.indirect_vreg.scatter [tilespmem:s12], [sflag:$0x2], $0x80, v4, vm0, $0xb8;
	[tilespmem:$0x12100] =	vst v63  }
0xec: {  	v3 =	vadd.s32 v1, v3;
	s12 =	simm.s32 $0x9000  }
0xed: {  	[hbm4b:s6+s3] =	stream.indirect_vreg.scatter [tilespmem:s12], [sflag:$0x2], $0x80, v4, vm0, $0xb8;
	[tilespmem:$0x12100] =	vst v63  }
0xee: {  	s12 =	simm.s32 $0x9800  }
0xef: {  	[hbm4b:s7+s3] =	stream.indirect_vreg.scatter [tilespmem:s12], [sflag:$0x2], $0x80, v4, vm0, $0xb8;
	[tilespmem:$0x12100] =	vst v63  }
0xf0: {  	s12 =	simm.s32 $0xA000  }
0xf1: {  	[hbm4b:s4+s3] =	stream.indirect_vreg.scatter [tilespmem:s12], [sflag:$0x2], $0x80, v3, vm0, $0xb8;
	[tilespmem:$0x12100] =	vst v63  }
0xf2: {  	s12 =	simm.s32 $0xA800  }
0xf3: {  	[hbm4b:s5+s3] =	stream.indirect_vreg.scatter [tilespmem:s12], [sflag:$0x2], $0x80, v3, vm0, $0xb8;
	[tilespmem:$0x12100] =	vst v63  }
0xf4: {  	s12 =	simm.s32 $0xB000  }
0xf5: {  	[hbm4b:s6+s3] =	stream.indirect_vreg.scatter [tilespmem:s12], [sflag:$0x2], $0x80, v3, vm0, $0xb8;
	[tilespmem:$0x12100] =	vst v63  }
0xf6: {  	s12 =	simm.s32 $0xB800  }
0xf7: {  	[hbm4b:s7+s3] =	stream.indirect_vreg.scatter [tilespmem:s12], [sflag:$0x2], $0x80, v3, vm0, $0xb8;
	[tilespmem:$0x12100] =	vst v63  }
0xf8: {  	v3 =	vld [tilespmem:$0x12090];
	_ =	sdelay $0x4  }
0xf9: {  	v63 =	vshll.u32 v3, $0x3  }
0xfa: {  	v3 =	vand.u32 $0x7, v3;
	v4 =	vand.u32 $0xFFFFFFC0, v63  }
0xfb: {  	v3 =	vor.u32 v3, v4  }
0xfc: {  	v4 =	vperm.xlane v3, v0;
	_ =	sdelay $0x1  }
0xfd: {  	v4 =	vadd.s32 v1, v4;
	_ =	sdelay $0x3  }
0xfe: {  	s12 =	simm.s32 $0xC000  }
0xff: {  	[hbm4b:s4+s3] =	stream.indirect_vreg.scatter [tilespmem:s12], [sflag:$0x2], $0x80, v4, vm0, $0xb8;
	[tilespmem:$0x12100] =	vst v63  }
0x100: {  	v3 =	vperm.xlane v3, v2;
	s12 =	simm.s32 $0xC800  }
0x101: {  	[hbm4b:s5+s3] =	stream.indirect_vreg.scatter [tilespmem:s12], [sflag:$0x2], $0x80, v4, vm0, $0xb8;
	[tilespmem:$0x12100] =	vst v63  }
0x102: {  	v3 =	vadd.s32 v1, v3;
	s12 =	simm.s32 $0xD000  }
0x103: {  	[hbm4b:s6+s3] =	stream.indirect_vreg.scatter [tilespmem:s12], [sflag:$0x2], $0x80, v4, vm0, $0xb8;
	[tilespmem:$0x12100] =	vst v63  }
0x104: {  	s12 =	simm.s32 $0xD800  }
0x105: {  	[hbm4b:s7+s3] =	stream.indirect_vreg.scatter [tilespmem:s12], [sflag:$0x2], $0x80, v4, vm0, $0xb8;
	[tilespmem:$0x12100] =	vst v63  }
0x106: {  	s12 =	simm.s32 $0xE000  }
0x107: {  	[hbm4b:s4+s3] =	stream.indirect_vreg.scatter [tilespmem:s12], [sflag:$0x2], $0x80, v3, vm0, $0xb8;
	[tilespmem:$0x12100] =	vst v63  }
0x108: {  	s12 =	simm.s32 $0xE800  }
0x109: {  	[hbm4b:s5+s3] =	stream.indirect_vreg.scatter [tilespmem:s12], [sflag:$0x2], $0x80, v3, vm0, $0xb8;
	[tilespmem:$0x12100] =	vst v63  }
0x10a: {  	s12 =	simm.s32 $0xF000  }
0x10b: {  	[hbm4b:s6+s3] =	stream.indirect_vreg.scatter [tilespmem:s12], [sflag:$0x2], $0x80, v3, vm0, $0xb8;
	[tilespmem:$0x12100] =	vst v63  }
0x10c: {  	s12 =	simm.s32 $0xF800  }
0x10d: {  	[hbm4b:s7+s3] =	stream.indirect_vreg.scatter [tilespmem:s12], [sflag:$0x2], $0x80, v3, vm0, $0xb8;
	[tilespmem:$0x12100] =	vst v63  }
0x10e: {  	_ = 	snop  }
0x10f: {  	[hbm4b:s9+s31] =	stream.indirect.scatter [tilespmem:s2], [sflag:$0x4], $0x80, s25, s31, $0xb8;
	[tilespmem:$0x12100] =	vst v63  }
0x110: {  	_ =	swait.ge [sflag:s14], $0x8000  }
0x111: {  	[sflag:s14] =	ssyncset.done $0x0  }
0x112: {  	[sflag:s14] =	ssyncadd.s32 $0xFFFF8000  }
0x113: {  	_ =	swait.ge [sflag:s26], $0x1000  }
0x114: {  	[sflag:s26] =	ssyncset.done $0x0  }
0x115: {  	[sflag:s26] =	ssyncadd.s32 $0xFFFFF000  }
0x116: {  	p0 =	sne.s32 s8, $0x1;
	_ =	swait.ge [sflag:s1], $0x8000  }
.Ltmp0:
0x117: {  	[sflag:s1] =	ssyncset.done $0x0;
	(pc) =	sbr.rel @p0 .LBB2_1-.Ltmp0, $4  }
0x118: {  	[sflag:s1] =	ssyncadd.s32 $0xFFFF8000  }
0x119: {  	_ =	swait.ge [sflag:s0], $0x1000  }
0x11a: {  	[sflag:s0] =	ssyncset.done $0x0  }
0x11b: {  	s8 =	sadd.s32 $0xFFFFFFFF, s8;
	[sflag:s0] =	ssyncadd.s32 $0xFFFFF000  }
0x11c: {  	_ =	sfence.sel $0x180000  }
0x11d: {  	[bflag:$0x0] =	sbarrier.arrive $0xFFFF  }
0x11e: {  	_ =	strace $0x90000047  }
0x11f: {  	s0 =	stileid.u32;
	[bflag:$0x2] =	sbarrier.arrive $0xFFFF  }
0x120: {  	p0 =	sne.s32 s0, $0x0;
	s0 =	rddreg [dreg:$0x3]  }
0x121: {  	s0 =	sadd.s32 @!p0 $0x100000, s0  }
0x122: {  	[sflag:s0] =	ssyncadd.tile.s32 @!p0 $0x1;
	_ =	shalt  }
.Lfunc_end2:
_tile_overlayer_lowered:
.L_overlay_start_2:
0x123: {  	(tag) =	ssettag $0x2  }
0x124: {  	s0 =	rddreg [dreg:$0x0];
	s2 =	stileid.u32  }
0x125: {  	s1 =	rddreg [dreg:$0x1];
	p0 =	sne.s32 s2, $0x0  }
0x126: {  	s3 =	rddreg [dreg:$0x2];
	[bflag:$0x3] =	sbarrier.arrive $0xFFFF;
	s2 =	simm.s32 @!p0 $0x1C05  }
0x127: {  	[timem:s3], [sflag:s2] =	dma.local @!p0 [hbm:s0], s1  }
0x128: {  	s0 =	simm.s32 @!p0 $0x5  }
0x129: {  	_ =	swait.ge @!p0 [sflag:s0], s1  }
0x12a: {  	s1 =	ssub.s32 @!p0 $0x0, s1;
	[sflag:s0] =	ssyncset.done @!p0 $0x0  }
0x12b: {  	[sflag:s0] =	ssyncadd.s32 @!p0 s1  }
0x12c: {  	[bflag:$0x3] =	sbarrier.arrive $0xFFFF  }
0x12d: {  	_ =	shalt  }

</sc_bundles>
